<compile_context>
chip_gen: v7x
topology: tpu7x:2x2x1
jax: 0.10.2.dev20260603
libtpu: 0.0.44.dev20260713+nightly
codegen_flags: <defaults>
</compile_context>

<pallas_src>
import functools

import jax
import jax.numpy as jnp
from jax import lax
from jax.experimental import pallas as pl
from jax.experimental.pallas import tpu as pltpu
from jax.experimental.pallas import tpu_sc as plsc

N = 10000
NP = 10240
E = 320000
NC = 2
NS = 16
NW = NC * NS
EPT = E // NW
CH = (EPT + 127) // 128
EPTP = CH * 128
PT = NP // NS

def _wid():
    return lax.axis_index("s") * NC + lax.axis_index("c")


def _hist_body(eir_hbm, eic_hbm, z_hbm, out_hbm, idxr, idxc, ones_v, acc_c, acc_r):
    cid = lax.axis_index("c")
    sid = lax.axis_index("s")
    wid = _wid()
    pltpu.sync_copy(z_hbm.at[pl.ds(sid * PT, PT)], acc_c.at[pl.ds(sid * PT, PT)])
    pltpu.sync_copy(z_hbm.at[pl.ds(sid * PT, PT)], acc_r.at[pl.ds(sid * PT, PT)])
    for i in range(8):
        ones_v[pl.ds(i * 16, 16)] = jnp.full((16,), 1.0, jnp.float32)
    pltpu.sync_copy(eir_hbm.at[wid], idxr)
    pltpu.sync_copy(eic_hbm.at[wid], idxc)
    plsc.subcore_barrier()

    def body(j, carry):
        pltpu.sync_copy(ones_v, acc_c.at[idxc.at[j]], add=True)
        pltpu.sync_copy(ones_v, acc_r.at[idxr.at[j]], add=True)
        return carry

    lax.fori_loop(0, CH, body, 0)
    plsc.subcore_barrier()
    pl.delay(16384)
    pltpu.sync_copy(acc_c.at[pl.ds(sid * PT, PT)], out_hbm.at[cid, 0, pl.ds(sid * PT, PT)])
    pltpu.sync_copy(acc_r.at[pl.ds(sid * PT, PT)], out_hbm.at[cid, 1, pl.ds(sid * PT, PT)])


def _segsum_body(hd_hbm, eir_hbm, eic_hbm, z2_hbm, out_hbm, idxr, idxc, rows0,
                 rows1, s_sh, sem0, sem1):
    cid = lax.axis_index("c")
    sid = lax.axis_index("s")
    wid = _wid()
    pltpu.sync_copy(z2_hbm.at[pl.ds(sid * PT, PT)], s_sh.at[pl.ds(sid * PT, PT)])
    plsc.subcore_barrier()

    half_ch = (CH + 1) // 2
    for phase, nch in ((0, half_ch), (1, CH - half_ch)):
        cb = phase * half_ch
        pltpu.sync_copy(eir_hbm.at[wid, pl.ds(cb, nch)], idxr.at[pl.ds(0, nch)])
        pltpu.sync_copy(eic_hbm.at[wid, pl.ds(cb, nch)], idxc.at[pl.ds(0, nch)])
        pltpu.async_copy(hd_hbm.at[idxr.at[0]], rows0, sem0)
        pltpu.async_copy(hd_hbm.at[idxr.at[1]], rows1, sem1)

        def body(i, carry):
            j0 = 2 * i
            j1 = 2 * i + 1
            pltpu.make_async_copy(hd_hbm.at[idxr.at[j0]], rows0, sem0).wait()
            pltpu.sync_copy(rows0, s_sh.at[idxc.at[j0]], add=True)

            @pl.when(j0 + 2 < nch)
            def _():
                pltpu.async_copy(hd_hbm.at[idxr.at[j0 + 2]], rows0, sem0)

            @pl.when(j1 < nch)
            def _():
                pltpu.make_async_copy(hd_hbm.at[idxr.at[j1]], rows1, sem1).wait()
                pltpu.sync_copy(rows1, s_sh.at[idxc.at[j1]], add=True)

                @pl.when(j1 + 2 < nch)
                def _():
                    pltpu.async_copy(hd_hbm.at[idxr.at[j1 + 2]], rows1, sem1)

            return carry

        lax.fori_loop(0, (nch + 1) // 2, body, 0)
    plsc.subcore_barrier()
    pl.delay(16384)
    pltpu.sync_copy(s_sh.at[pl.ds(sid * PT, PT)], out_hbm.at[cid, pl.ds(sid * PT, PT)])


def _egather_body(g_hbm, eir_hbm, out_hbm, idxr, rows, r64, gs0, gs1, gs2,
                  ws0, ws1, ws2):
    gs = [gs0, gs1, gs2]
    ws = [ws0, ws1, ws2]
    wid = _wid()
    base = wid * EPT
    pltpu.sync_copy(eir_hbm.at[wid], idxr)

    def issue_gather(j, b):
        pltpu.async_copy(g_hbm.at[idxr.at[j]], rows.at[b], gs[b])

    def wait_gather(j, b):
        pltpu.make_async_copy(g_hbm.at[idxr.at[j]], rows.at[b], gs[b]).wait()

    def wait_write(b):
        pltpu.make_async_copy(r64.at[b], out_hbm.at[pl.ds(base, 128)], ws[b]).wait()

    def compact(b, nrows):
        def crow(i8, carry):
            for r8 in range(8):
                for kk in range(4):
                    r64[b, i8 * 8 + r8, pl.ds(kk * 16, 16)] = (
                        rows[b, i8 * 8 + r8, pl.ds(kk * 16, 16)])
            return carry
        lax.fori_loop(0, nrows // 8, crow, 0)

    def step(j, b, guard_i=None):
        wait_gather(j, b)
        if guard_i is None:
            wait_write(b)
        else:
            @pl.when(guard_i >= 1)
            def _():
                wait_write(b)
        compact(b, 128)
        pltpu.async_copy(r64.at[b], out_hbm.at[pl.ds(base + j * 128, 128)], ws[b])

    for b in range(3):
        issue_gather(b, b)

    def body(i, carry):
        for t in range(3):
            j = 3 * i + t
            step(j, t, guard_i=i)

            @pl.when(j + 3 < CH)
            def _():
                issue_gather(j + 3, t)

        return carry

    lax.fori_loop(0, (CH - 1) // 3, body, 0)
    tail = EPT - (CH - 1) * 128
    wait_gather(78, 0)
    wait_write(0)
    compact(0, tail)
    pltpu.async_copy(r64.at[0, pl.ds(0, tail)],
                     out_hbm.at[pl.ds(base + (CH - 1) * 128, tail)], ws0)
    wait_write(1)
    wait_write(2)
    pltpu.make_async_copy(r64.at[0, pl.ds(0, tail)],
                          out_hbm.at[pl.ds(base, tail)], ws0).wait()


def _sems(n):
    return [pltpu.SemaphoreType.DMA] * n


@functools.lru_cache(maxsize=None)
def _sc_kernels():
    mesh = plsc.VectorSubcoreMesh(core_axis_name="c", subcore_axis_name="s",
                                  num_cores=NC, num_subcores=NS)
    hist = pl.kernel(
        _hist_body,
        out_type=jax.ShapeDtypeStruct((NC, 2, NP), jnp.float32),
        mesh=mesh,
        scratch_types=[
            pltpu.VMEM((CH, 128), jnp.int32),
            pltpu.VMEM((CH, 128), jnp.int32),
            pltpu.VMEM((128,), jnp.float32),
            pltpu.VMEM_SHARED((NP,), jnp.float32),
            pltpu.VMEM_SHARED((NP,), jnp.float32),
        ],
    )
    segsum = pl.kernel(
        _segsum_body,
        out_type=jax.ShapeDtypeStruct((NC, NP, 128), jnp.float32),
        mesh=mesh,
        scratch_types=[
            pltpu.VMEM(((CH + 1) // 2, 128), jnp.int32),
            pltpu.VMEM(((CH + 1) // 2, 128), jnp.int32),
            pltpu.VMEM((128, 128), jnp.float32),
            pltpu.VMEM((128, 128), jnp.float32),
            pltpu.VMEM_SHARED((NP, 128), jnp.float32),
            pltpu.SemaphoreType.DMA,
            pltpu.SemaphoreType.DMA,
        ],
    )
    egather = pl.kernel(
        _egather_body,
        out_type=jax.ShapeDtypeStruct((E, 64), jnp.float32),
        mesh=mesh,
        scratch_types=[
            pltpu.VMEM((CH, 128), jnp.int32),
            pltpu.VMEM((3, 128, 128), jnp.float32),
            pltpu.VMEM((3, 128, 64), jnp.float32),
        ] + _sems(6),
    )
    return hist, segsum, egather


def _dense1_body(x_ref, w_ref, hist_ref, hd_ref, hod_ref):
    h = lax.dot_general(x_ref[...], w_ref[...], (((1,), (1,)), ((), ())),
                        preferred_element_type=jnp.float32)
    cnt = hist_ref[0, 0, :] + hist_ref[1, 0, :]
    dis = lax.rsqrt(cnt + 1.0).reshape(NP, 1)
    hd_ref[...] = h * dis
    hod_ref[...] = h * (dis * dis)


def _dense1(xp, W_mp, hist):
    return pl.pallas_call(
        _dense1_body,
        out_shape=[jax.ShapeDtypeStruct((NP, 128), jnp.float32),
                   jax.ShapeDtypeStruct((NP, 128), jnp.float32)],
    )(xp, W_mp, hist)


def _dense2_body(s_ref, hod_ref, hist_ref, b_ref, wne_ref, we_ref, wen_ref,
                 wrec_ref, g_ref, xr_ref):
    cnt = hist_ref[0, 0, :] + hist_ref[1, 0, :]
    dis = lax.rsqrt(cnt + 1.0).reshape(NP, 1)
    odeg = (hist_ref[0, 1, :] + hist_ref[1, 1, :]).reshape(NP, 1)
    s = s_ref[0] + s_ref[1]
    h_agg = s * dis + hod_ref[...] + b_ref[...]
    w1 = lax.dot_general(we_ref[...], wne_ref[...], (((1,), (0,)), ((), ())),
                         preferred_element_type=jnp.float32)
    g = lax.dot_general(h_agg, w1, (((1,), (1,)), ((), ())),
                        preferred_element_type=jnp.float32)
    g_ref[...] = jnp.concatenate([g, jnp.zeros_like(g)], axis=1)
    wc2 = lax.dot_general(wen_ref[...], w1, (((1,), (0,)), ((), ())),
                          preferred_element_type=jnp.float32)
    w3 = lax.dot_general(wrec_ref[...], wc2, (((1,), (0,)), ((), ())),
                         preferred_element_type=jnp.float32)
    xr_ref[...] = lax.dot_general(h_agg, w3, (((1,), (1,)), ((), ())),
                                  preferred_element_type=jnp.float32) * odeg


def _dense2(s_part, hod, hist, b2, W_ne, W_e, W_en, W_recon):
    return pl.pallas_call(
        _dense2_body,
        out_shape=[jax.ShapeDtypeStruct((NP, 128), jnp.float32),
                   jax.ShapeDtypeStruct((NP, 128), jnp.float32)],
    )(s_part, hod, hist, b2, W_ne, W_e, W_en, W_recon)


def kernel(x, edge_index, W_mp, b_mp, W_ne, W_e, W_en, W_recon):
    n = x.shape[0]
    xp = jnp.pad(x, ((0, NP - n), (0, 0)))
    ei = jnp.pad(edge_index.reshape(2, NW, EPT), ((0, 0), (0, 0), (0, EPTP - EPT)),
                 constant_values=N)
    dump = jnp.broadcast_to((N + jnp.arange(NW, dtype=edge_index.dtype))[:, None],
                            (NW, EPTP - EPT))
    eir3 = ei[0].at[:, EPT:].set(dump).reshape(NW, CH, 128)
    eic3 = ei[1].at[:, EPT:].set(dump).reshape(NW, CH, 128)
    z1 = jnp.zeros((NP,), jnp.float32)
    z2 = jnp.zeros((NP, 128), jnp.float32)

    hist_k, segsum_k, egather_k = _sc_kernels()
    hist = hist_k(eir3, eic3, z1)
    hd, hod = _dense1(xp, W_mp, hist)
    s_part = segsum_k(hd, eir3, eic3, z2)
    g, xr = _dense2(s_part, hod, hist, b_mp.reshape(1, -1), W_ne, W_e, W_en,
                    W_recon)
    ef = egather_k(g, eir3)
    return (xr[:n], ef)

# --- scband reference (transcript-rebuilt; emitter-appended) ---
"""Pipeline reference for scband-gnnautoencoder-59184649339044 (READ-ONLY COPY).

The authoritative reference and input builder live on the scoring server;
editing this copy changes nothing except your own understanding.
"""

import jax, jax.numpy as jnp
import numpy as np

N = 10000
E = 320000
IN = 128
HID = 128
EIN = 64
OUT = 64


def setup_inputs(seed: int = 0):
    key = jax.random.key(seed)
    ks = jax.random.split(key, 8)
    x = jax.random.normal(ks[0], (N, IN), dtype=jnp.float32)
    edge_index = jax.random.randint(ks[1], (2, E), 0, N, dtype=jnp.int32)
    W_mp = jax.random.normal(ks[2], (HID, IN), dtype=jnp.float32) / np.sqrt(IN)
    b_mp = jnp.zeros((HID,), dtype=jnp.float32)
    W_ne = jax.random.normal(ks[3], (EIN, HID), dtype=jnp.float32) / np.sqrt(HID)
    W_e = jax.random.normal(ks[4], (OUT, EIN), dtype=jnp.float32) / np.sqrt(EIN)
    W_en = jax.random.normal(ks[5], (HID, OUT), dtype=jnp.float32) / np.sqrt(OUT)
    W_recon = jax.random.normal(ks[6], (IN, HID), dtype=jnp.float32) / np.sqrt(HID)
    return {"x": x, "edge_index": edge_index, "W_mp": W_mp, "b_mp": b_mp,
            "W_ne": W_ne, "W_e": W_e, "W_en": W_en, "W_recon": W_recon}


def reference(x, edge_index, W_mp, b_mp, W_ne, W_e, W_en, W_recon):
    n = x.shape[0]
    # Message_Passing_Class: add self loops, linear, sym-normalized sum aggregation
    loops = jnp.arange(n, dtype=edge_index.dtype)
    ei = jnp.concatenate([edge_index, jnp.stack([loops, loops])], axis=1)
    h = x @ W_mp.T
    row, col = ei[0], ei[1]
    deg = jnp.zeros((n,), dtype=h.dtype).at[col].add(1.0)
    safe_deg = jnp.where(deg > 0, deg, 1.0)
    dis = jnp.where(deg > 0, 1.0 / jnp.sqrt(safe_deg), 0.0)
    norm = dis[row] * dis[col]
    msgs = norm[:, None] * jnp.take(h, row, axis=0)
    h = jnp.zeros((n, h.shape[1]), dtype=h.dtype).at[col].add(msgs) + b_mp
    # EdgeAggregationLayer (uses original edge_index, no self loops)
    r = edge_index[0]
    ef = (jnp.take(h, r, axis=0) @ W_ne.T) @ W_e.T
    # EdgeToNodeAggregationLayer: linear then index_add over source nodes
    ef2 = ef @ W_en.T
    node = jnp.zeros((n, ef2.shape[1]), dtype=ef2.dtype).at[r].add(ef2)
    x_recon = node @ W_recon.T
    return (x_recon, ef)

if __name__ == "__main__":
    import jax
    _d = setup_inputs()
    print(jax.jit(kernel)(*tuple(_d.values())))

</pallas_src>

<mosaic_0001>
#map = affine_map<(d0, d1) -> (0, 0)>
#map1 = affine_map<(d0, d1) -> (0, 0, 0)>
module attributes {stable_mosaic.version = 14 : i64} {
  func.func @_segsum_body(%arg0: i32, %arg1: i32, %arg2: memref<10240x128xf32, #tpu.memory_space<hbm>>, %arg3: memref<32x79x128xi32, #tpu.memory_space<hbm>>, %arg4: memref<32x79x128xi32, #tpu.memory_space<hbm>>, %arg5: memref<10240x128xf32, #tpu.memory_space<hbm>>, %arg6: memref<2x10240x128xf32, #tpu.memory_space<hbm>>, %arg7: memref<40x128xi32, #tpu.memory_space<vmem>>, %arg8: memref<40x128xi32, #tpu.memory_space<vmem>>, %arg9: memref<128x128xf32, #tpu.memory_space<vmem>>, %arg10: memref<128x128xf32, #tpu.memory_space<vmem>>, %arg11: memref<10240x128xf32, #tpu.memory_space<vmem_shared>>, %arg12: memref<!tpu.dma_semaphore, #tpu.memory_space<semaphore_mem>>, %arg13: memref<!tpu.dma_semaphore, #tpu.memory_space<semaphore_mem>>) attributes {dimension_semantics = [#tpu.dimension_semantics<core_parallel>, #tpu.dimension_semantics<subcore_parallel>], iteration_bounds = array<i64: 2, 16>, scalar_prefetch = 0 : i64, scratch_operands = 7 : i64, tpu.core_type = #tpu.core_type<sc_vector_subcore>, window_params = [{transform_indices = #map}, {transform_indices = #map1}, {transform_indices = #map1}, {transform_indices = #map}, {transform_indices = #map1}]} {
    %mul3A = arith.constant 2 : i32
    %mul3A_0 = arith.muli %arg1, %mul3A : i32
    %add3A = arith.addi %mul3A_0, %arg0 : i32
    %mul3A_1 = arith.constant 640 : i32
    %mul3A_2 = arith.muli %arg1, %mul3A_1 : i32
    %mul3A_3 = arith.constant 640 : i32
    %mul3A_4 = arith.muli %arg1, %mul3A_3 : i32
    "tpu.region"() ({
      %run_scoped3A = tpu.sem_alloc : memref<!tpu.dma_semaphore, #tpu.memory_space<semaphore_mem>>
      %dma_start3A_48 = arith.constant 0 : i32
      %dma_start3A_49 = tpu.memref_slice %arg11[%mul3A_4, %dma_start3A_48] : memref<10240x128xf32, #tpu.memory_space<vmem_shared>> -> memref<640x128xf32, #tpu.memory_space<vmem_shared>>
      %dma_start3A_50 = arith.constant 0 : i32
      %dma_start3A_51 = tpu.memref_slice %arg5[%mul3A_2, %dma_start3A_50] : memref<10240x128xf32, #tpu.memory_space<hbm>> -> memref<640x128xf32, #tpu.memory_space<hbm>>
      tpu.enqueue_dma source(%dma_start3A_51 : memref<640x128xf32, #tpu.memory_space<hbm>>) target(%dma_start3A_49 : memref<640x128xf32, #tpu.memory_space<vmem_shared>>) target_semaphore(%run_scoped3A : memref<!tpu.dma_semaphore, #tpu.memory_space<semaphore_mem>>)
      %dma_wait3A = arith.constant 0 : i32
      %dma_wait3A_52 = tpu.memref_slice %arg11[%mul3A_4, %dma_wait3A] : memref<10240x128xf32, #tpu.memory_space<vmem_shared>> -> memref<640x128xf32, #tpu.memory_space<vmem_shared>>
      %dma_wait3A_53 = arith.constant 0 : i32
      %dma_wait3A_54 = tpu.memref_slice %arg5[%mul3A_2, %dma_wait3A_53] : memref<10240x128xf32, #tpu.memory_space<hbm>> -> memref<640x128xf32, #tpu.memory_space<hbm>>
      tpu.wait_dma2 semaphore(%run_scoped3A : memref<!tpu.dma_semaphore, #tpu.memory_space<semaphore_mem>>) src(%dma_wait3A_54 : memref<640x128xf32, #tpu.memory_space<hbm>>) dst(%dma_wait3A_52 : memref<640x128xf32, #tpu.memory_space<vmem_shared>>)
      tpu.yield
    }) : () -> ()
    %barrier3A = arith.constant 0 : index
    tpu.barrier barrier_id(%barrier3A)
    "tpu.region"() ({
      %run_scoped3A = tpu.sem_alloc : memref<!tpu.dma_semaphore, #tpu.memory_space<semaphore_mem>>
      %dma_start3A_48 = arith.constant 0 : i32
      %dma_start3A_49 = arith.constant 0 : i32
      %dma_start3A_50 = tpu.memref_slice %arg7[%dma_start3A_48, %dma_start3A_49] : memref<40x128xi32, #tpu.memory_space<vmem>> -> memref<40x128xi32, #tpu.memory_space<vmem>>
      %dma_start3A_51 = arith.constant 0 : i32
      %dma_start3A_52 = arith.constant 0 : i32
      %dma_start3A_53 = tpu.memref_slice %arg3[%add3A, %dma_start3A_51, %dma_start3A_52] : memref<32x79x128xi32, #tpu.memory_space<hbm>> -> memref<1x40x128xi32, #tpu.memory_space<hbm>>
      %dma_start3A_54 = tpu.memref_squeeze %dma_start3A_53 : memref<1x40x128xi32, #tpu.memory_space<hbm>> -> memref<40x128xi32, #tpu.memory_space<hbm>>
      %dma_start3A_55 = arith.constant 0 : i32
      %dma_start3A_56 = arith.constant 0 : i32
      %dma_start3A_57 = tpu.memref_slice %arg7[%dma_start3A_55, %dma_start3A_56] : memref<40x128xi32, #tpu.memory_space<vmem>> -> memref<40x128xi32, #tpu.memory_space<vmem>>
      %dma_start3A_58 = arith.constant 0 : i32
      %dma_start3A_59 = arith.constant 0 : i32
      %dma_start3A_60 = tpu.memref_slice %arg3[%add3A, %dma_start3A_58, %dma_start3A_59] : memref<32x79x128xi32, #tpu.memory_space<hbm>> -> memref<1x40x128xi32, #tpu.memory_space<hbm>>
      %dma_start3A_61 = tpu.memref_squeeze %dma_start3A_60 : memref<1x40x128xi32, #tpu.memory_space<hbm>> -> memref<40x128xi32, #tpu.memory_space<hbm>>
      tpu.enqueue_dma source(%dma_start3A_61 : memref<40x128xi32, #tpu.memory_space<hbm>>) target(%dma_start3A_57 : memref<40x128xi32, #tpu.memory_space<vmem>>) target_semaphore(%run_scoped3A : memref<!tpu.dma_semaphore, #tpu.memory_space<semaphore_mem>>)
      %dma_wait3A = arith.constant 0 : i32
      %dma_wait3A_62 = arith.constant 0 : i32
      %dma_wait3A_63 = tpu.memref_slice %arg7[%dma_wait3A, %dma_wait3A_62] : memref<40x128xi32, #tpu.memory_space<vmem>> -> memref<40x128xi32, #tpu.memory_space<vmem>>
      %dma_wait3A_64 = arith.constant 0 : i32
      %dma_wait3A_65 = arith.constant 0 : i32
      %dma_wait3A_66 = tpu.memref_slice %arg3[%add3A, %dma_wait3A_64, %dma_wait3A_65] : memref<32x79x128xi32, #tpu.memory_space<hbm>> -> memref<1x40x128xi32, #tpu.memory_space<hbm>>
      %dma_wait3A_67 = tpu.memref_squeeze %dma_wait3A_66 : memref<1x40x128xi32, #tpu.memory_space<hbm>> -> memref<40x128xi32, #tpu.memory_space<hbm>>
      %dma_wait3A_68 = arith.constant 0 : i32
      %dma_wait3A_69 = arith.constant 0 : i32
      %dma_wait3A_70 = tpu.memref_slice %arg7[%dma_wait3A_68, %dma_wait3A_69] : memref<40x128xi32, #tpu.memory_space<vmem>> -> memref<40x128xi32, #tpu.memory_space<vmem>>
      %dma_wait3A_71 = arith.constant 0 : i32
      %dma_wait3A_72 = arith.constant 0 : i32
      %dma_wait3A_73 = tpu.memref_slice %arg3[%add3A, %dma_wait3A_71, %dma_wait3A_72] : memref<32x79x128xi32, #tpu.memory_space<hbm>> -> memref<1x40x128xi32, #tpu.memory_space<hbm>>
      %dma_wait3A_74 = tpu.memref_squeeze %dma_wait3A_73 : memref<1x40x128xi32, #tpu.memory_space<hbm>> -> memref<40x128xi32, #tpu.memory_space<hbm>>
      tpu.wait_dma2 semaphore(%run_scoped3A : memref<!tpu.dma_semaphore, #tpu.memory_space<semaphore_mem>>) src(%dma_wait3A_74 : memref<40x128xi32, #tpu.memory_space<hbm>>) dst(%dma_wait3A_70 : memref<40x128xi32, #tpu.memory_space<vmem>>)
      tpu.yield
    }) : () -> ()
    "tpu.region"() ({
      %run_scoped3A = tpu.sem_alloc : memref<!tpu.dma_semaphore, #tpu.memory_space<semaphore_mem>>
      %dma_start3A_48 = arith.constant 0 : i32
      %dma_start3A_49 = arith.constant 0 : i32
      %dma_start3A_50 = tpu.memref_slice %arg8[%dma_start3A_48, %dma_start3A_49] : memref<40x128xi32, #tpu.memory_space<vmem>> -> memref<40x128xi32, #tpu.memory_space<vmem>>
      %dma_start3A_51 = arith.constant 0 : i32
      %dma_start3A_52 = arith.constant 0 : i32
      %dma_start3A_53 = tpu.memref_slice %arg4[%add3A, %dma_start3A_51, %dma_start3A_52] : memref<32x79x128xi32, #tpu.memory_space<hbm>> -> memref<1x40x128xi32, #tpu.memory_space<hbm>>
      %dma_start3A_54 = tpu.memref_squeeze %dma_start3A_53 : memref<1x40x128xi32, #tpu.memory_space<hbm>> -> memref<40x128xi32, #tpu.memory_space<hbm>>
      %dma_start3A_55 = arith.constant 0 : i32
      %dma_start3A_56 = arith.constant 0 : i32
      %dma_start3A_57 = tpu.memref_slice %arg8[%dma_start3A_55, %dma_start3A_56] : memref<40x128xi32, #tpu.memory_space<vmem>> -> memref<40x128xi32, #tpu.memory_space<vmem>>
      %dma_start3A_58 = arith.constant 0 : i32
      %dma_start3A_59 = arith.constant 0 : i32
      %dma_start3A_60 = tpu.memref_slice %arg4[%add3A, %dma_start3A_58, %dma_start3A_59] : memref<32x79x128xi32, #tpu.memory_space<hbm>> -> memref<1x40x128xi32, #tpu.memory_space<hbm>>
      %dma_start3A_61 = tpu.memref_squeeze %dma_start3A_60 : memref<1x40x128xi32, #tpu.memory_space<hbm>> -> memref<40x128xi32, #tpu.memory_space<hbm>>
      tpu.enqueue_dma source(%dma_start3A_61 : memref<40x128xi32, #tpu.memory_space<hbm>>) target(%dma_start3A_57 : memref<40x128xi32, #tpu.memory_space<vmem>>) target_semaphore(%run_scoped3A : memref<!tpu.dma_semaphore, #tpu.memory_space<semaphore_mem>>)
      %dma_wait3A = arith.constant 0 : i32
      %dma_wait3A_62 = arith.constant 0 : i32
      %dma_wait3A_63 = tpu.memref_slice %arg8[%dma_wait3A, %dma_wait3A_62] : memref<40x128xi32, #tpu.memory_space<vmem>> -> memref<40x128xi32, #tpu.memory_space<vmem>>
      %dma_wait3A_64 = arith.constant 0 : i32
      %dma_wait3A_65 = arith.constant 0 : i32
      %dma_wait3A_66 = tpu.memref_slice %arg4[%add3A, %dma_wait3A_64, %dma_wait3A_65] : memref<32x79x128xi32, #tpu.memory_space<hbm>> -> memref<1x40x128xi32, #tpu.memory_space<hbm>>
      %dma_wait3A_67 = tpu.memref_squeeze %dma_wait3A_66 : memref<1x40x128xi32, #tpu.memory_space<hbm>> -> memref<40x128xi32, #tpu.memory_space<hbm>>
      %dma_wait3A_68 = arith.constant 0 : i32
      %dma_wait3A_69 = arith.constant 0 : i32
      %dma_wait3A_70 = tpu.memref_slice %arg8[%dma_wait3A_68, %dma_wait3A_69] : memref<40x128xi32, #tpu.memory_space<vmem>> -> memref<40x128xi32, #tpu.memory_space<vmem>>
      %dma_wait3A_71 = arith.constant 0 : i32
      %dma_wait3A_72 = arith.constant 0 : i32
      %dma_wait3A_73 = tpu.memref_slice %arg4[%add3A, %dma_wait3A_71, %dma_wait3A_72] : memref<32x79x128xi32, #tpu.memory_space<hbm>> -> memref<1x40x128xi32, #tpu.memory_space<hbm>>
      %dma_wait3A_74 = tpu.memref_squeeze %dma_wait3A_73 : memref<1x40x128xi32, #tpu.memory_space<hbm>> -> memref<40x128xi32, #tpu.memory_space<hbm>>
      tpu.wait_dma2 semaphore(%run_scoped3A : memref<!tpu.dma_semaphore, #tpu.memory_space<semaphore_mem>>) src(%dma_wait3A_74 : memref<40x128xi32, #tpu.memory_space<hbm>>) dst(%dma_wait3A_70 : memref<40x128xi32, #tpu.memory_space<vmem>>)
      tpu.yield
    }) : () -> ()
    %dma_start3A = arith.constant 0 : i32
    %dma_start3A_5 = arith.constant 0 : i32
    %dma_start3A_6 = tpu.memref_slice %arg7[%dma_start3A, %dma_start3A_5] : memref<40x128xi32, #tpu.memory_space<vmem>> -> memref<1x128xi32, #tpu.memory_space<vmem>>
    %dma_start3A_7 = tpu.memref_squeeze %dma_start3A_6 : memref<1x128xi32, #tpu.memory_space<vmem>> -> memref<128xi32, #tpu.memory_space<vmem>>
    %dma_start3A_8 = arith.constant 0 : i32
    %dma_start3A_9 = arith.constant 0 : i32
    %dma_start3A_10 = tpu.memref_slice %arg2[%dma_start3A_8, %dma_start3A_9] : memref<10240x128xf32, #tpu.memory_space<hbm>> -> memref<10240x128xf32, #tpu.memory_space<hbm>>
    tpu.enqueue_indirect_dma source(%dma_start3A_10 : memref<10240x128xf32, #tpu.memory_space<hbm>>) target(%arg9 : memref<128x128xf32, #tpu.memory_space<vmem>>) offsets(%dma_start3A_7 : memref<128xi32, #tpu.memory_space<vmem>>) semaphore(%arg12 : memref<!tpu.dma_semaphore, #tpu.memory_space<semaphore_mem>>)
    %dma_start3A_11 = arith.constant 1 : i32
    %dma_start3A_12 = arith.constant 0 : i32
    %dma_start3A_13 = tpu.memref_slice %arg7[%dma_start3A_11, %dma_start3A_12] : memref<40x128xi32, #tpu.memory_space<vmem>> -> memref<1x128xi32, #tpu.memory_space<vmem>>
    %dma_start3A_14 = tpu.memref_squeeze %dma_start3A_13 : memref<1x128xi32, #tpu.memory_space<vmem>> -> memref<128xi32, #tpu.memory_space<vmem>>
    %dma_start3A_15 = arith.constant 0 : i32
    %dma_start3A_16 = arith.constant 0 : i32
    %dma_start3A_17 = tpu.memref_slice %arg2[%dma_start3A_15, %dma_start3A_16] : memref<10240x128xf32, #tpu.memory_space<hbm>> -> memref<10240x128xf32, #tpu.memory_space<hbm>>
    tpu.enqueue_indirect_dma source(%dma_start3A_17 : memref<10240x128xf32, #tpu.memory_space<hbm>>) target(%arg10 : memref<128x128xf32, #tpu.memory_space<vmem>>) offsets(%dma_start3A_14 : memref<128xi32, #tpu.memory_space<vmem>>) semaphore(%arg13 : memref<!tpu.dma_semaphore, #tpu.memory_space<semaphore_mem>>)
    %scan3A = arith.constant 0 : i32
    %scan3A_18 = arith.constant 0 : i32
    %scan3A_19 = arith.constant 20 : i32
    %scan3A_20 = arith.addi %scan3A_18, %scan3A_19 : i32
    %scan3A_21 = arith.constant 1 : i32
    scf.for %scan3A_48 = %scan3A_18 to %scan3A_20 step %scan3A_21  : i32 {
      %mul3A_49 = arith.constant 2 : i32
      %mul3A_50 = arith.muli %mul3A_49, %scan3A_48 : i32
      %mul3A_51 = arith.constant 2 : i32
      %mul3A_52 = arith.muli %mul3A_51, %scan3A_48 : i32
      %add3A_53 = arith.constant 1 : i32
      %add3A_54 = arith.addi %mul3A_52, %add3A_53 : i32
      %dma_wait3A = arith.constant 0 : i32
      %dma_wait3A_55 = tpu.memref_slice %arg7[%mul3A_50, %dma_wait3A] : memref<40x128xi32, #tpu.memory_space<vmem>> -> memref<1x128xi32, #tpu.memory_space<vmem>>
      %dma_wait3A_56 = tpu.memref_squeeze %dma_wait3A_55 : memref<1x128xi32, #tpu.memory_space<vmem>> -> memref<128xi32, #tpu.memory_space<vmem>>
      %dma_wait3A_57 = arith.constant 0 : i32
      %dma_wait3A_58 = arith.constant 0 : i32
      %dma_wait3A_59 = tpu.memref_slice %arg2[%dma_wait3A_57, %dma_wait3A_58] : memref<10240x128xf32, #tpu.memory_space<hbm>> -> memref<10240x128xf32, #tpu.memory_space<hbm>>
      tpu.wait_indirect_dma semaphore(%arg12 : memref<!tpu.dma_semaphore, #tpu.memory_space<semaphore_mem>>) src(%dma_wait3A_59 : memref<10240x128xf32, #tpu.memory_space<hbm>>) dst(%arg9 : memref<128x128xf32, #tpu.memory_space<vmem>>)
      "tpu.region"() ({
        %run_scoped3A = tpu.sem_alloc : memref<!tpu.dma_semaphore, #tpu.memory_space<semaphore_mem>>
        %dma_start3A_69 = arith.constant 0 : i32
        %dma_start3A_70 = tpu.memref_slice %arg8[%mul3A_50, %dma_start3A_69] : memref<40x128xi32, #tpu.memory_space<vmem>> -> memref<1x128xi32, #tpu.memory_space<vmem>>
        %dma_start3A_71 = tpu.memref_squeeze %dma_start3A_70 : memref<1x128xi32, #tpu.memory_space<vmem>> -> memref<128xi32, #tpu.memory_space<vmem>>
        %dma_start3A_72 = arith.constant 0 : i32
        %dma_start3A_73 = arith.constant 0 : i32
        %dma_start3A_74 = tpu.memref_slice %arg11[%dma_start3A_72, %dma_start3A_73] : memref<10240x128xf32, #tpu.memory_space<vmem_shared>> -> memref<10240x128xf32, #tpu.memory_space<vmem_shared>>
        tpu.enqueue_indirect_dma source(%arg9 : memref<128x128xf32, #tpu.memory_space<vmem>>) target(%dma_start3A_74 : memref<10240x128xf32, #tpu.memory_space<vmem_shared>>) offsets(%dma_start3A_71 : memref<128xi32, #tpu.memory_space<vmem>>) semaphore(%run_scoped3A : memref<!tpu.dma_semaphore, #tpu.memory_space<semaphore_mem>>) {add = true}
        %dma_wait3A_75 = arith.constant 0 : i32
        %dma_wait3A_76 = tpu.memref_slice %arg8[%mul3A_50, %dma_wait3A_75] : memref<40x128xi32, #tpu.memory_space<vmem>> -> memref<1x128xi32, #tpu.memory_space<vmem>>
        %dma_wait3A_77 = tpu.memref_squeeze %dma_wait3A_76 : memref<1x128xi32, #tpu.memory_space<vmem>> -> memref<128xi32, #tpu.memory_space<vmem>>
        %dma_wait3A_78 = arith.constant 0 : i32
        %dma_wait3A_79 = arith.constant 0 : i32
        %dma_wait3A_80 = tpu.memref_slice %arg11[%dma_wait3A_78, %dma_wait3A_79] : memref<10240x128xf32, #tpu.memory_space<vmem_shared>> -> memref<10240x128xf32, #tpu.memory_space<vmem_shared>>
        tpu.wait_indirect_dma semaphore(%run_scoped3A : memref<!tpu.dma_semaphore, #tpu.memory_space<semaphore_mem>>) src(%arg9 : memref<128x128xf32, #tpu.memory_space<vmem>>) dst(%dma_wait3A_80 : memref<10240x128xf32, #tpu.memory_space<vmem_shared>>)
        tpu.yield
      }) : () -> ()
      %add3A_60 = arith.constant 2 : i32
      %add3A_61 = arith.addi %mul3A_50, %add3A_60 : i32
      %lt3A = arith.constant 40 : i32
      %lt3A_62 = arith.cmpi slt, %add3A_61, %lt3A : i32
      %convert_element_type3A = arith.extui %lt3A_62 : i1 to i32
      %cond3A = arith.constant 0 : i32
      %cond3A_63 = arith.cmpi ne, %convert_element_type3A, %cond3A : i32
      scf.if %cond3A_63 {
        %add3A_69 = arith.constant 2 : i32
        %add3A_70 = arith.addi %mul3A_50, %add3A_69 : i32
        %dma_start3A_71 = arith.constant 0 : i32
        %dma_start3A_72 = tpu.memref_slice %arg7[%add3A_70, %dma_start3A_71] : memref<40x128xi32, #tpu.memory_space<vmem>> -> memref<1x128xi32, #tpu.memory_space<vmem>>
        %dma_start3A_73 = tpu.memref_squeeze %dma_start3A_72 : memref<1x128xi32, #tpu.memory_space<vmem>> -> memref<128xi32, #tpu.memory_space<vmem>>
        %dma_start3A_74 = arith.constant 0 : i32
        %dma_start3A_75 = arith.constant 0 : i32
        %dma_start3A_76 = tpu.memref_slice %arg2[%dma_start3A_74, %dma_start3A_75] : memref<10240x128xf32, #tpu.memory_space<hbm>> -> memref<10240x128xf32, #tpu.memory_space<hbm>>
        tpu.enqueue_indirect_dma source(%dma_start3A_76 : memref<10240x128xf32, #tpu.memory_space<hbm>>) target(%arg9 : memref<128x128xf32, #tpu.memory_space<vmem>>) offsets(%dma_start3A_73 : memref<128xi32, #tpu.memory_space<vmem>>) semaphore(%arg12 : memref<!tpu.dma_semaphore, #tpu.memory_space<semaphore_mem>>)
      } else {
      }
      %lt3A_64 = arith.constant 40 : i32
      %lt3A_65 = arith.cmpi slt, %add3A_54, %lt3A_64 : i32
      %convert_element_type3A_66 = arith.extui %lt3A_65 : i1 to i32
      %cond3A_67 = arith.constant 0 : i32
      %cond3A_68 = arith.cmpi ne, %convert_element_type3A_66, %cond3A_67 : i32
      scf.if %cond3A_68 {
        %dma_wait3A_69 = arith.constant 0 : i32
        %dma_wait3A_70 = tpu.memref_slice %arg7[%add3A_54, %dma_wait3A_69] : memref<40x128xi32, #tpu.memory_space<vmem>> -> memref<1x128xi32, #tpu.memory_space<vmem>>
        %dma_wait3A_71 = tpu.memref_squeeze %dma_wait3A_70 : memref<1x128xi32, #tpu.memory_space<vmem>> -> memref<128xi32, #tpu.memory_space<vmem>>
        %dma_wait3A_72 = arith.constant 0 : i32
        %dma_wait3A_73 = arith.constant 0 : i32
        %dma_wait3A_74 = tpu.memref_slice %arg2[%dma_wait3A_72, %dma_wait3A_73] : memref<10240x128xf32, #tpu.memory_space<hbm>> -> memref<10240x128xf32, #tpu.memory_space<hbm>>
        tpu.wait_indirect_dma semaphore(%arg13 : memref<!tpu.dma_semaphore, #tpu.memory_space<semaphore_mem>>) src(%dma_wait3A_74 : memref<10240x128xf32, #tpu.memory_space<hbm>>) dst(%arg10 : memref<128x128xf32, #tpu.memory_space<vmem>>)
        "tpu.region"() ({
          %run_scoped3A = tpu.sem_alloc : memref<!tpu.dma_semaphore, #tpu.memory_space<semaphore_mem>>
          %dma_start3A_82 = arith.constant 0 : i32
          %dma_start3A_83 = tpu.memref_slice %arg8[%add3A_54, %dma_start3A_82] : memref<40x128xi32, #tpu.memory_space<vmem>> -> memref<1x128xi32, #tpu.memory_space<vmem>>
          %dma_start3A_84 = tpu.memref_squeeze %dma_start3A_83 : memref<1x128xi32, #tpu.memory_space<vmem>> -> memref<128xi32, #tpu.memory_space<vmem>>
          %dma_start3A_85 = arith.constant 0 : i32
          %dma_start3A_86 = arith.constant 0 : i32
          %dma_start3A_87 = tpu.memref_slice %arg11[%dma_start3A_85, %dma_start3A_86] : memref<10240x128xf32, #tpu.memory_space<vmem_shared>> -> memref<10240x128xf32, #tpu.memory_space<vmem_shared>>
          tpu.enqueue_indirect_dma source(%arg10 : memref<128x128xf32, #tpu.memory_space<vmem>>) target(%dma_start3A_87 : memref<10240x128xf32, #tpu.memory_space<vmem_shared>>) offsets(%dma_start3A_84 : memref<128xi32, #tpu.memory_space<vmem>>) semaphore(%run_scoped3A : memref<!tpu.dma_semaphore, #tpu.memory_space<semaphore_mem>>) {add = true}
          %dma_wait3A_88 = arith.constant 0 : i32
          %dma_wait3A_89 = tpu.memref_slice %arg8[%add3A_54, %dma_wait3A_88] : memref<40x128xi32, #tpu.memory_space<vmem>> -> memref<1x128xi32, #tpu.memory_space<vmem>>
          %dma_wait3A_90 = tpu.memref_squeeze %dma_wait3A_89 : memref<1x128xi32, #tpu.memory_space<vmem>> -> memref<128xi32, #tpu.memory_space<vmem>>
          %dma_wait3A_91 = arith.constant 0 : i32
          %dma_wait3A_92 = arith.constant 0 : i32
          %dma_wait3A_93 = tpu.memref_slice %arg11[%dma_wait3A_91, %dma_wait3A_92] : memref<10240x128xf32, #tpu.memory_space<vmem_shared>> -> memref<10240x128xf32, #tpu.memory_space<vmem_shared>>
          tpu.wait_indirect_dma semaphore(%run_scoped3A : memref<!tpu.dma_semaphore, #tpu.memory_space<semaphore_mem>>) src(%arg10 : memref<128x128xf32, #tpu.memory_space<vmem>>) dst(%dma_wait3A_93 : memref<10240x128xf32, #tpu.memory_space<vmem_shared>>)
          tpu.yield
        }) : () -> ()
        %add3A_75 = arith.constant 2 : i32
        %add3A_76 = arith.addi %add3A_54, %add3A_75 : i32
        %lt3A_77 = arith.constant 40 : i32
        %lt3A_78 = arith.cmpi slt, %add3A_76, %lt3A_77 : i32
        %convert_element_type3A_79 = arith.extui %lt3A_78 : i1 to i32
        %cond3A_80 = arith.constant 0 : i32
        %cond3A_81 = arith.cmpi ne, %convert_element_type3A_79, %cond3A_80 : i32
        scf.if %cond3A_81 {
          %add3A_82 = arith.constant 2 : i32
          %add3A_83 = arith.addi %add3A_54, %add3A_82 : i32
          %dma_start3A_84 = arith.constant 0 : i32
          %dma_start3A_85 = tpu.memref_slice %arg7[%add3A_83, %dma_start3A_84] : memref<40x128xi32, #tpu.memory_space<vmem>> -> memref<1x128xi32, #tpu.memory_space<vmem>>
          %dma_start3A_86 = tpu.memref_squeeze %dma_start3A_85 : memref<1x128xi32, #tpu.memory_space<vmem>> -> memref<128xi32, #tpu.memory_space<vmem>>
          %dma_start3A_87 = arith.constant 0 : i32
          %dma_start3A_88 = arith.constant 0 : i32
          %dma_start3A_89 = tpu.memref_slice %arg2[%dma_start3A_87, %dma_start3A_88] : memref<10240x128xf32, #tpu.memory_space<hbm>> -> memref<10240x128xf32, #tpu.memory_space<hbm>>
          tpu.enqueue_indirect_dma source(%dma_start3A_89 : memref<10240x128xf32, #tpu.memory_space<hbm>>) target(%arg10 : memref<128x128xf32, #tpu.memory_space<vmem>>) offsets(%dma_start3A_86 : memref<128xi32, #tpu.memory_space<vmem>>) semaphore(%arg13 : memref<!tpu.dma_semaphore, #tpu.memory_space<semaphore_mem>>)
        } else {
        }
      } else {
      }
    }
    %scan3A_22 = arith.constant 20 : i32
    "tpu.region"() ({
      %run_scoped3A = tpu.sem_alloc : memref<!tpu.dma_semaphore, #tpu.memory_space<semaphore_mem>>
      %dma_start3A_48 = arith.constant 0 : i32
      %dma_start3A_49 = arith.constant 0 : i32
      %dma_start3A_50 = tpu.memref_slice %arg7[%dma_start3A_48, %dma_start3A_49] : memref<40x128xi32, #tpu.memory_space<vmem>> -> memref<39x128xi32, #tpu.memory_space<vmem>>
      %dma_start3A_51 = arith.constant 40 : i32
      %dma_start3A_52 = arith.constant 0 : i32
      %dma_start3A_53 = tpu.memref_slice %arg3[%add3A, %dma_start3A_51, %dma_start3A_52] : memref<32x79x128xi32, #tpu.memory_space<hbm>> -> memref<1x39x128xi32, #tpu.memory_space<hbm>>
      %dma_start3A_54 = tpu.memref_squeeze %dma_start3A_53 : memref<1x39x128xi32, #tpu.memory_space<hbm>> -> memref<39x128xi32, #tpu.memory_space<hbm>>
      %dma_start3A_55 = arith.constant 0 : i32
      %dma_start3A_56 = arith.constant 0 : i32
      %dma_start3A_57 = tpu.memref_slice %arg7[%dma_start3A_55, %dma_start3A_56] : memref<40x128xi32, #tpu.memory_space<vmem>> -> memref<39x128xi32, #tpu.memory_space<vmem>>
      %dma_start3A_58 = arith.constant 40 : i32
      %dma_start3A_59 = arith.constant 0 : i32
      %dma_start3A_60 = tpu.memref_slice %arg3[%add3A, %dma_start3A_58, %dma_start3A_59] : memref<32x79x128xi32, #tpu.memory_space<hbm>> -> memref<1x39x128xi32, #tpu.memory_space<hbm>>
      %dma_start3A_61 = tpu.memref_squeeze %dma_start3A_60 : memref<1x39x128xi32, #tpu.memory_space<hbm>> -> memref<39x128xi32, #tpu.memory_space<hbm>>
      tpu.enqueue_dma source(%dma_start3A_61 : memref<39x128xi32, #tpu.memory_space<hbm>>) target(%dma_start3A_57 : memref<39x128xi32, #tpu.memory_space<vmem>>) target_semaphore(%run_scoped3A : memref<!tpu.dma_semaphore, #tpu.memory_space<semaphore_mem>>)
      %dma_wait3A = arith.constant 0 : i32
      %dma_wait3A_62 = arith.constant 0 : i32
      %dma_wait3A_63 = tpu.memref_slice %arg7[%dma_wait3A, %dma_wait3A_62] : memref<40x128xi32, #tpu.memory_space<vmem>> -> memref<39x128xi32, #tpu.memory_space<vmem>>
      %dma_wait3A_64 = arith.constant 40 : i32
      %dma_wait3A_65 = arith.constant 0 : i32
      %dma_wait3A_66 = tpu.memref_slice %arg3[%add3A, %dma_wait3A_64, %dma_wait3A_65] : memref<32x79x128xi32, #tpu.memory_space<hbm>> -> memref<1x39x128xi32, #tpu.memory_space<hbm>>
      %dma_wait3A_67 = tpu.memref_squeeze %dma_wait3A_66 : memref<1x39x128xi32, #tpu.memory_space<hbm>> -> memref<39x128xi32, #tpu.memory_space<hbm>>
      %dma_wait3A_68 = arith.constant 0 : i32
      %dma_wait3A_69 = arith.constant 0 : i32
      %dma_wait3A_70 = tpu.memref_slice %arg7[%dma_wait3A_68, %dma_wait3A_69] : memref<40x128xi32, #tpu.memory_space<vmem>> -> memref<39x128xi32, #tpu.memory_space<vmem>>
      %dma_wait3A_71 = arith.constant 40 : i32
      %dma_wait3A_72 = arith.constant 0 : i32
      %dma_wait3A_73 = tpu.memref_slice %arg3[%add3A, %dma_wait3A_71, %dma_wait3A_72] : memref<32x79x128xi32, #tpu.memory_space<hbm>> -> memref<1x39x128xi32, #tpu.memory_space<hbm>>
      %dma_wait3A_74 = tpu.memref_squeeze %dma_wait3A_73 : memref<1x39x128xi32, #tpu.memory_space<hbm>> -> memref<39x128xi32, #tpu.memory_space<hbm>>
      tpu.wait_dma2 semaphore(%run_scoped3A : memref<!tpu.dma_semaphore, #tpu.memory_space<semaphore_mem>>) src(%dma_wait3A_74 : memref<39x128xi32, #tpu.memory_space<hbm>>) dst(%dma_wait3A_70 : memref<39x128xi32, #tpu.memory_space<vmem>>)
      tpu.yield
    }) : () -> ()
    "tpu.region"() ({
      %run_scoped3A = tpu.sem_alloc : memref<!tpu.dma_semaphore, #tpu.memory_space<semaphore_mem>>
      %dma_start3A_48 = arith.constant 0 : i32
      %dma_start3A_49 = arith.constant 0 : i32
      %dma_start3A_50 = tpu.memref_slice %arg8[%dma_start3A_48, %dma_start3A_49] : memref<40x128xi32, #tpu.memory_space<vmem>> -> memref<39x128xi32, #tpu.memory_space<vmem>>
      %dma_start3A_51 = arith.constant 40 : i32
      %dma_start3A_52 = arith.constant 0 : i32
      %dma_start3A_53 = tpu.memref_slice %arg4[%add3A, %dma_start3A_51, %dma_start3A_52] : memref<32x79x128xi32, #tpu.memory_space<hbm>> -> memref<1x39x128xi32, #tpu.memory_space<hbm>>
      %dma_start3A_54 = tpu.memref_squeeze %dma_start3A_53 : memref<1x39x128xi32, #tpu.memory_space<hbm>> -> memref<39x128xi32, #tpu.memory_space<hbm>>
      %dma_start3A_55 = arith.constant 0 : i32
      %dma_start3A_56 = arith.constant 0 : i32
      %dma_start3A_57 = tpu.memref_slice %arg8[%dma_start3A_55, %dma_start3A_56] : memref<40x128xi32, #tpu.memory_space<vmem>> -> memref<39x128xi32, #tpu.memory_space<vmem>>
      %dma_start3A_58 = arith.constant 40 : i32
      %dma_start3A_59 = arith.constant 0 : i32
      %dma_start3A_60 = tpu.memref_slice %arg4[%add3A, %dma_start3A_58, %dma_start3A_59] : memref<32x79x128xi32, #tpu.memory_space<hbm>> -> memref<1x39x128xi32, #tpu.memory_space<hbm>>
      %dma_start3A_61 = tpu.memref_squeeze %dma_start3A_60 : memref<1x39x128xi32, #tpu.memory_space<hbm>> -> memref<39x128xi32, #tpu.memory_space<hbm>>
      tpu.enqueue_dma source(%dma_start3A_61 : memref<39x128xi32, #tpu.memory_space<hbm>>) target(%dma_start3A_57 : memref<39x128xi32, #tpu.memory_space<vmem>>) target_semaphore(%run_scoped3A : memref<!tpu.dma_semaphore, #tpu.memory_space<semaphore_mem>>)
      %dma_wait3A = arith.constant 0 : i32
      %dma_wait3A_62 = arith.constant 0 : i32
      %dma_wait3A_63 = tpu.memref_slice %arg8[%dma_wait3A, %dma_wait3A_62] : memref<40x128xi32, #tpu.memory_space<vmem>> -> memref<39x128xi32, #tpu.memory_space<vmem>>
      %dma_wait3A_64 = arith.constant 40 : i32
      %dma_wait3A_65 = arith.constant 0 : i32
      %dma_wait3A_66 = tpu.memref_slice %arg4[%add3A, %dma_wait3A_64, %dma_wait3A_65] : memref<32x79x128xi32, #tpu.memory_space<hbm>> -> memref<1x39x128xi32, #tpu.memory_space<hbm>>
      %dma_wait3A_67 = tpu.memref_squeeze %dma_wait3A_66 : memref<1x39x128xi32, #tpu.memory_space<hbm>> -> memref<39x128xi32, #tpu.memory_space<hbm>>
      %dma_wait3A_68 = arith.constant 0 : i32
      %dma_wait3A_69 = arith.constant 0 : i32
      %dma_wait3A_70 = tpu.memref_slice %arg8[%dma_wait3A_68, %dma_wait3A_69] : memref<40x128xi32, #tpu.memory_space<vmem>> -> memref<39x128xi32, #tpu.memory_space<vmem>>
      %dma_wait3A_71 = arith.constant 40 : i32
      %dma_wait3A_72 = arith.constant 0 : i32
      %dma_wait3A_73 = tpu.memref_slice %arg4[%add3A, %dma_wait3A_71, %dma_wait3A_72] : memref<32x79x128xi32, #tpu.memory_space<hbm>> -> memref<1x39x128xi32, #tpu.memory_space<hbm>>
      %dma_wait3A_74 = tpu.memref_squeeze %dma_wait3A_73 : memref<1x39x128xi32, #tpu.memory_space<hbm>> -> memref<39x128xi32, #tpu.memory_space<hbm>>
      tpu.wait_dma2 semaphore(%run_scoped3A : memref<!tpu.dma_semaphore, #tpu.memory_space<semaphore_mem>>) src(%dma_wait3A_74 : memref<39x128xi32, #tpu.memory_space<hbm>>) dst(%dma_wait3A_70 : memref<39x128xi32, #tpu.memory_space<vmem>>)
      tpu.yield
    }) : () -> ()
    %dma_start3A_23 = arith.constant 0 : i32
    %dma_start3A_24 = arith.constant 0 : i32
    %dma_start3A_25 = tpu.memref_slice %arg7[%dma_start3A_23, %dma_start3A_24] : memref<40x128xi32, #tpu.memory_space<vmem>> -> memref<1x128xi32, #tpu.memory_space<vmem>>
    %dma_start3A_26 = tpu.memref_squeeze %dma_start3A_25 : memref<1x128xi32, #tpu.memory_space<vmem>> -> memref<128xi32, #tpu.memory_space<vmem>>
    %dma_start3A_27 = arith.constant 0 : i32
    %dma_start3A_28 = arith.constant 0 : i32
    %dma_start3A_29 = tpu.memref_slice %arg2[%dma_start3A_27, %dma_start3A_28] : memref<10240x128xf32, #tpu.memory_space<hbm>> -> memref<10240x128xf32, #tpu.memory_space<hbm>>
    tpu.enqueue_indirect_dma source(%dma_start3A_29 : memref<10240x128xf32, #tpu.memory_space<hbm>>) target(%arg9 : memref<128x128xf32, #tpu.memory_space<vmem>>) offsets(%dma_start3A_26 : memref<128xi32, #tpu.memory_space<vmem>>) semaphore(%arg12 : memref<!tpu.dma_semaphore, #tpu.memory_space<semaphore_mem>>)
    %dma_start3A_30 = arith.constant 1 : i32
    %dma_start3A_31 = arith.constant 0 : i32
    %dma_start3A_32 = tpu.memref_slice %arg7[%dma_start3A_30, %dma_start3A_31] : memref<40x128xi32, #tpu.memory_space<vmem>> -> memref<1x128xi32, #tpu.memory_space<vmem>>
    %dma_start3A_33 = tpu.memref_squeeze %dma_start3A_32 : memref<1x128xi32, #tpu.memory_space<vmem>> -> memref<128xi32, #tpu.memory_space<vmem>>
    %dma_start3A_34 = arith.constant 0 : i32
    %dma_start3A_35 = arith.constant 0 : i32
    %dma_start3A_36 = tpu.memref_slice %arg2[%dma_start3A_34, %dma_start3A_35] : memref<10240x128xf32, #tpu.memory_space<hbm>> -> memref<10240x128xf32, #tpu.memory_space<hbm>>
    tpu.enqueue_indirect_dma source(%dma_start3A_36 : memref<10240x128xf32, #tpu.memory_space<hbm>>) target(%arg10 : memref<128x128xf32, #tpu.memory_space<vmem>>) offsets(%dma_start3A_33 : memref<128xi32, #tpu.memory_space<vmem>>) semaphore(%arg13 : memref<!tpu.dma_semaphore, #tpu.memory_space<semaphore_mem>>)
    %scan3A_37 = arith.constant 0 : i32
    %scan3A_38 = arith.constant 0 : i32
    %scan3A_39 = arith.constant 20 : i32
    %scan3A_40 = arith.addi %scan3A_38, %scan3A_39 : i32
    %scan3A_41 = arith.constant 1 : i32
    scf.for %scan3A_48 = %scan3A_38 to %scan3A_40 step %scan3A_41  : i32 {
      %mul3A_49 = arith.constant 2 : i32
      %mul3A_50 = arith.muli %mul3A_49, %scan3A_48 : i32
      %mul3A_51 = arith.constant 2 : i32
      %mul3A_52 = arith.muli %mul3A_51, %scan3A_48 : i32
      %add3A_53 = arith.constant 1 : i32
      %add3A_54 = arith.addi %mul3A_52, %add3A_53 : i32
      %dma_wait3A = arith.constant 0 : i32
      %dma_wait3A_55 = tpu.memref_slice %arg7[%mul3A_50, %dma_wait3A] : memref<40x128xi32, #tpu.memory_space<vmem>> -> memref<1x128xi32, #tpu.memory_space<vmem>>
      %dma_wait3A_56 = tpu.memref_squeeze %dma_wait3A_55 : memref<1x128xi32, #tpu.memory_space<vmem>> -> memref<128xi32, #tpu.memory_space<vmem>>
      %dma_wait3A_57 = arith.constant 0 : i32
      %dma_wait3A_58 = arith.constant 0 : i32
      %dma_wait3A_59 = tpu.memref_slice %arg2[%dma_wait3A_57, %dma_wait3A_58] : memref<10240x128xf32, #tpu.memory_space<hbm>> -> memref<10240x128xf32, #tpu.memory_space<hbm>>
      tpu.wait_indirect_dma semaphore(%arg12 : memref<!tpu.dma_semaphore, #tpu.memory_space<semaphore_mem>>) src(%dma_wait3A_59 : memref<10240x128xf32, #tpu.memory_space<hbm>>) dst(%arg9 : memref<128x128xf32, #tpu.memory_space<vmem>>)
      "tpu.region"() ({
        %run_scoped3A = tpu.sem_alloc : memref<!tpu.dma_semaphore, #tpu.memory_space<semaphore_mem>>
        %dma_start3A_69 = arith.constant 0 : i32
        %dma_start3A_70 = tpu.memref_slice %arg8[%mul3A_50, %dma_start3A_69] : memref<40x128xi32, #tpu.memory_space<vmem>> -> memref<1x128xi32, #tpu.memory_space<vmem>>
        %dma_start3A_71 = tpu.memref_squeeze %dma_start3A_70 : memref<1x128xi32, #tpu.memory_space<vmem>> -> memref<128xi32, #tpu.memory_space<vmem>>
        %dma_start3A_72 = arith.constant 0 : i32
        %dma_start3A_73 = arith.constant 0 : i32
        %dma_start3A_74 = tpu.memref_slice %arg11[%dma_start3A_72, %dma_start3A_73] : memref<10240x128xf32, #tpu.memory_space<vmem_shared>> -> memref<10240x128xf32, #tpu.memory_space<vmem_shared>>
        tpu.enqueue_indirect_dma source(%arg9 : memref<128x128xf32, #tpu.memory_space<vmem>>) target(%dma_start3A_74 : memref<10240x128xf32, #tpu.memory_space<vmem_shared>>) offsets(%dma_start3A_71 : memref<128xi32, #tpu.memory_space<vmem>>) semaphore(%run_scoped3A : memref<!tpu.dma_semaphore, #tpu.memory_space<semaphore_mem>>) {add = true}
        %dma_wait3A_75 = arith.constant 0 : i32
        %dma_wait3A_76 = tpu.memref_slice %arg8[%mul3A_50, %dma_wait3A_75] : memref<40x128xi32, #tpu.memory_space<vmem>> -> memref<1x128xi32, #tpu.memory_space<vmem>>
        %dma_wait3A_77 = tpu.memref_squeeze %dma_wait3A_76 : memref<1x128xi32, #tpu.memory_space<vmem>> -> memref<128xi32, #tpu.memory_space<vmem>>
        %dma_wait3A_78 = arith.constant 0 : i32
        %dma_wait3A_79 = arith.constant 0 : i32
        %dma_wait3A_80 = tpu.memref_slice %arg11[%dma_wait3A_78, %dma_wait3A_79] : memref<10240x128xf32, #tpu.memory_space<vmem_shared>> -> memref<10240x128xf32, #tpu.memory_space<vmem_shared>>
        tpu.wait_indirect_dma semaphore(%run_scoped3A : memref<!tpu.dma_semaphore, #tpu.memory_space<semaphore_mem>>) src(%arg9 : memref<128x128xf32, #tpu.memory_space<vmem>>) dst(%dma_wait3A_80 : memref<10240x128xf32, #tpu.memory_space<vmem_shared>>)
        tpu.yield
      }) : () -> ()
      %add3A_60 = arith.constant 2 : i32
      %add3A_61 = arith.addi %mul3A_50, %add3A_60 : i32
      %lt3A = arith.constant 39 : i32
      %lt3A_62 = arith.cmpi slt, %add3A_61, %lt3A : i32
      %convert_element_type3A = arith.extui %lt3A_62 : i1 to i32
      %cond3A = arith.constant 0 : i32
      %cond3A_63 = arith.cmpi ne, %convert_element_type3A, %cond3A : i32
      scf.if %cond3A_63 {
        %add3A_69 = arith.constant 2 : i32
        %add3A_70 = arith.addi %mul3A_50, %add3A_69 : i32
        %dma_start3A_71 = arith.constant 0 : i32
        %dma_start3A_72 = tpu.memref_slice %arg7[%add3A_70, %dma_start3A_71] : memref<40x128xi32, #tpu.memory_space<vmem>> -> memref<1x128xi32, #tpu.memory_space<vmem>>
        %dma_start3A_73 = tpu.memref_squeeze %dma_start3A_72 : memref<1x128xi32, #tpu.memory_space<vmem>> -> memref<128xi32, #tpu.memory_space<vmem>>
        %dma_start3A_74 = arith.constant 0 : i32
        %dma_start3A_75 = arith.constant 0 : i32
        %dma_start3A_76 = tpu.memref_slice %arg2[%dma_start3A_74, %dma_start3A_75] : memref<10240x128xf32, #tpu.memory_space<hbm>> -> memref<10240x128xf32, #tpu.memory_space<hbm>>
        tpu.enqueue_indirect_dma source(%dma_start3A_76 : memref<10240x128xf32, #tpu.memory_space<hbm>>) target(%arg9 : memref<128x128xf32, #tpu.memory_space<vmem>>) offsets(%dma_start3A_73 : memref<128xi32, #tpu.memory_space<vmem>>) semaphore(%arg12 : memref<!tpu.dma_semaphore, #tpu.memory_space<semaphore_mem>>)
      } else {
      }
      %lt3A_64 = arith.constant 39 : i32
      %lt3A_65 = arith.cmpi slt, %add3A_54, %lt3A_64 : i32
      %convert_element_type3A_66 = arith.extui %lt3A_65 : i1 to i32
      %cond3A_67 = arith.constant 0 : i32
      %cond3A_68 = arith.cmpi ne, %convert_element_type3A_66, %cond3A_67 : i32
      scf.if %cond3A_68 {
        %dma_wait3A_69 = arith.constant 0 : i32
        %dma_wait3A_70 = tpu.memref_slice %arg7[%add3A_54, %dma_wait3A_69] : memref<40x128xi32, #tpu.memory_space<vmem>> -> memref<1x128xi32, #tpu.memory_space<vmem>>
        %dma_wait3A_71 = tpu.memref_squeeze %dma_wait3A_70 : memref<1x128xi32, #tpu.memory_space<vmem>> -> memref<128xi32, #tpu.memory_space<vmem>>
        %dma_wait3A_72 = arith.constant 0 : i32
        %dma_wait3A_73 = arith.constant 0 : i32
        %dma_wait3A_74 = tpu.memref_slice %arg2[%dma_wait3A_72, %dma_wait3A_73] : memref<10240x128xf32, #tpu.memory_space<hbm>> -> memref<10240x128xf32, #tpu.memory_space<hbm>>
        tpu.wait_indirect_dma semaphore(%arg13 : memref<!tpu.dma_semaphore, #tpu.memory_space<semaphore_mem>>) src(%dma_wait3A_74 : memref<10240x128xf32, #tpu.memory_space<hbm>>) dst(%arg10 : memref<128x128xf32, #tpu.memory_space<vmem>>)
        "tpu.region"() ({
          %run_scoped3A = tpu.sem_alloc : memref<!tpu.dma_semaphore, #tpu.memory_space<semaphore_mem>>
          %dma_start3A_82 = arith.constant 0 : i32
          %dma_start3A_83 = tpu.memref_slice %arg8[%add3A_54, %dma_start3A_82] : memref<40x128xi32, #tpu.memory_space<vmem>> -> memref<1x128xi32, #tpu.memory_space<vmem>>
          %dma_start3A_84 = tpu.memref_squeeze %dma_start3A_83 : memref<1x128xi32, #tpu.memory_space<vmem>> -> memref<128xi32, #tpu.memory_space<vmem>>
          %dma_start3A_85 = arith.constant 0 : i32
          %dma_start3A_86 = arith.constant 0 : i32
          %dma_start3A_87 = tpu.memref_slice %arg11[%dma_start3A_85, %dma_start3A_86] : memref<10240x128xf32, #tpu.memory_space<vmem_shared>> -> memref<10240x128xf32, #tpu.memory_space<vmem_shared>>
          tpu.enqueue_indirect_dma source(%arg10 : memref<128x128xf32, #tpu.memory_space<vmem>>) target(%dma_start3A_87 : memref<10240x128xf32, #tpu.memory_space<vmem_shared>>) offsets(%dma_start3A_84 : memref<128xi32, #tpu.memory_space<vmem>>) semaphore(%run_scoped3A : memref<!tpu.dma_semaphore, #tpu.memory_space<semaphore_mem>>) {add = true}
          %dma_wait3A_88 = arith.constant 0 : i32
          %dma_wait3A_89 = tpu.memref_slice %arg8[%add3A_54, %dma_wait3A_88] : memref<40x128xi32, #tpu.memory_space<vmem>> -> memref<1x128xi32, #tpu.memory_space<vmem>>
          %dma_wait3A_90 = tpu.memref_squeeze %dma_wait3A_89 : memref<1x128xi32, #tpu.memory_space<vmem>> -> memref<128xi32, #tpu.memory_space<vmem>>
          %dma_wait3A_91 = arith.constant 0 : i32
          %dma_wait3A_92 = arith.constant 0 : i32
          %dma_wait3A_93 = tpu.memref_slice %arg11[%dma_wait3A_91, %dma_wait3A_92] : memref<10240x128xf32, #tpu.memory_space<vmem_shared>> -> memref<10240x128xf32, #tpu.memory_space<vmem_shared>>
          tpu.wait_indirect_dma semaphore(%run_scoped3A : memref<!tpu.dma_semaphore, #tpu.memory_space<semaphore_mem>>) src(%arg10 : memref<128x128xf32, #tpu.memory_space<vmem>>) dst(%dma_wait3A_93 : memref<10240x128xf32, #tpu.memory_space<vmem_shared>>)
          tpu.yield
        }) : () -> ()
        %add3A_75 = arith.constant 2 : i32
        %add3A_76 = arith.addi %add3A_54, %add3A_75 : i32
        %lt3A_77 = arith.constant 39 : i32
        %lt3A_78 = arith.cmpi slt, %add3A_76, %lt3A_77 : i32
        %convert_element_type3A_79 = arith.extui %lt3A_78 : i1 to i32
        %cond3A_80 = arith.constant 0 : i32
        %cond3A_81 = arith.cmpi ne, %convert_element_type3A_79, %cond3A_80 : i32
        scf.if %cond3A_81 {
          %add3A_82 = arith.constant 2 : i32
          %add3A_83 = arith.addi %add3A_54, %add3A_82 : i32
          %dma_start3A_84 = arith.constant 0 : i32
          %dma_start3A_85 = tpu.memref_slice %arg7[%add3A_83, %dma_start3A_84] : memref<40x128xi32, #tpu.memory_space<vmem>> -> memref<1x128xi32, #tpu.memory_space<vmem>>
          %dma_start3A_86 = tpu.memref_squeeze %dma_start3A_85 : memref<1x128xi32, #tpu.memory_space<vmem>> -> memref<128xi32, #tpu.memory_space<vmem>>
          %dma_start3A_87 = arith.constant 0 : i32
          %dma_start3A_88 = arith.constant 0 : i32
          %dma_start3A_89 = tpu.memref_slice %arg2[%dma_start3A_87, %dma_start3A_88] : memref<10240x128xf32, #tpu.memory_space<hbm>> -> memref<10240x128xf32, #tpu.memory_space<hbm>>
          tpu.enqueue_indirect_dma source(%dma_start3A_89 : memref<10240x128xf32, #tpu.memory_space<hbm>>) target(%arg10 : memref<128x128xf32, #tpu.memory_space<vmem>>) offsets(%dma_start3A_86 : memref<128xi32, #tpu.memory_space<vmem>>) semaphore(%arg13 : memref<!tpu.dma_semaphore, #tpu.memory_space<semaphore_mem>>)
        } else {
        }
      } else {
      }
    }
    %scan3A_42 = arith.constant 20 : i32
    %barrier3A_43 = arith.constant 0 : index
    tpu.barrier barrier_id(%barrier3A_43)
    %delay3A = arith.constant 16384 : i32
    tpu.delay %delay3A
    %mul3A_44 = arith.constant 640 : i32
    %mul3A_45 = arith.muli %arg1, %mul3A_44 : i32
    %mul3A_46 = arith.constant 640 : i32
    %mul3A_47 = arith.muli %arg1, %mul3A_46 : i32
    "tpu.region"() ({
      %run_scoped3A = tpu.sem_alloc : memref<!tpu.dma_semaphore, #tpu.memory_space<semaphore_mem>>
      %dma_start3A_48 = arith.constant 0 : i32
      %dma_start3A_49 = tpu.memref_slice %arg6[%arg0, %mul3A_47, %dma_start3A_48] : memref<2x10240x128xf32, #tpu.memory_space<hbm>> -> memref<1x640x128xf32, #tpu.memory_space<hbm>>
      %dma_start3A_50 = tpu.memref_squeeze %dma_start3A_49 : memref<1x640x128xf32, #tpu.memory_space<hbm>> -> memref<640x128xf32, #tpu.memory_space<hbm>>
      %dma_start3A_51 = arith.constant 0 : i32
      %dma_start3A_52 = tpu.memref_slice %arg11[%mul3A_45, %dma_start3A_51] : memref<10240x128xf32, #tpu.memory_space<vmem_shared>> -> memref<640x128xf32, #tpu.memory_space<vmem_shared>>
      tpu.enqueue_dma source(%dma_start3A_52 : memref<640x128xf32, #tpu.memory_space<vmem_shared>>) target(%dma_start3A_50 : memref<640x128xf32, #tpu.memory_space<hbm>>) target_semaphore(%run_scoped3A : memref<!tpu.dma_semaphore, #tpu.memory_space<semaphore_mem>>)
      %dma_wait3A = arith.constant 0 : i32
      %dma_wait3A_53 = tpu.memref_slice %arg6[%arg0, %mul3A_47, %dma_wait3A] : memref<2x10240x128xf32, #tpu.memory_space<hbm>> -> memref<1x640x128xf32, #tpu.memory_space<hbm>>
      %dma_wait3A_54 = tpu.memref_squeeze %dma_wait3A_53 : memref<1x640x128xf32, #tpu.memory_space<hbm>> -> memref<640x128xf32, #tpu.memory_space<hbm>>
      %dma_wait3A_55 = arith.constant 0 : i32
      %dma_wait3A_56 = tpu.memref_slice %arg11[%mul3A_45, %dma_wait3A_55] : memref<10240x128xf32, #tpu.memory_space<vmem_shared>> -> memref<640x128xf32, #tpu.memory_space<vmem_shared>>
      tpu.wait_dma2 semaphore(%run_scoped3A : memref<!tpu.dma_semaphore, #tpu.memory_space<semaphore_mem>>) src(%dma_wait3A_56 : memref<640x128xf32, #tpu.memory_space<vmem_shared>>) dst(%dma_wait3A_54 : memref<640x128xf32, #tpu.memory_space<hbm>>)
      tpu.yield
    }) : () -> ()
    return
  }
}

#map = affine_map<(d0, d1) -> (0, 0, 0)>
#map1 = affine_map<(d0, d1) -> (0)>
module attributes {stable_mosaic.version = 14 : i64} {
  func.func @_hist_body(%arg0: i32, %arg1: i32, %arg2: memref<32x79x128xi32, #tpu.memory_space<hbm>>, %arg3: memref<32x79x128xi32, #tpu.memory_space<hbm>>, %arg4: memref<10240xf32, #tpu.memory_space<hbm>>, %arg5: memref<2x2x10240xf32, #tpu.memory_space<hbm>>, %arg6: memref<79x128xi32, #tpu.memory_space<vmem>>, %arg7: memref<79x128xi32, #tpu.memory_space<vmem>>, %arg8: memref<128xf32, #tpu.memory_space<vmem>>, %arg9: memref<10240xf32, #tpu.memory_space<vmem_shared>>, %arg10: memref<10240xf32, #tpu.memory_space<vmem_shared>>) attributes {dimension_semantics = [#tpu.dimension_semantics<core_parallel>, #tpu.dimension_semantics<subcore_parallel>], iteration_bounds = array<i64: 2, 16>, scalar_prefetch = 0 : i64, scratch_operands = 5 : i64, tpu.core_type = #tpu.core_type<sc_vector_subcore>, window_params = [{transform_indices = #map}, {transform_indices = #map}, {transform_indices = #map1}, {transform_indices = #map}]} {
    %mul3A = arith.constant 2 : i32
    %mul3A_0 = arith.muli %arg1, %mul3A : i32
    %add3A = arith.addi %mul3A_0, %arg0 : i32
    %mul3A_1 = arith.constant 640 : i32
    %mul3A_2 = arith.muli %arg1, %mul3A_1 : i32
    %mul3A_3 = arith.constant 640 : i32
    %mul3A_4 = arith.muli %arg1, %mul3A_3 : i32
    "tpu.region"() ({
      %run_scoped3A_70 = tpu.sem_alloc : memref<!tpu.dma_semaphore, #tpu.memory_space<semaphore_mem>>
      %dma_start3A = tpu.memref_slice %arg9[%mul3A_4] : memref<10240xf32, #tpu.memory_space<vmem_shared>> -> memref<640xf32, #tpu.memory_space<vmem_shared>>
      %dma_start3A_71 = tpu.memref_slice %arg4[%mul3A_2] : memref<10240xf32, #tpu.memory_space<hbm>> -> memref<640xf32, #tpu.memory_space<hbm>>
      tpu.enqueue_dma source(%dma_start3A_71 : memref<640xf32, #tpu.memory_space<hbm>>) target(%dma_start3A : memref<640xf32, #tpu.memory_space<vmem_shared>>) target_semaphore(%run_scoped3A_70 : memref<!tpu.dma_semaphore, #tpu.memory_space<semaphore_mem>>)
      %dma_wait3A = tpu.memref_slice %arg9[%mul3A_4] : memref<10240xf32, #tpu.memory_space<vmem_shared>> -> memref<640xf32, #tpu.memory_space<vmem_shared>>
      %dma_wait3A_72 = tpu.memref_slice %arg4[%mul3A_2] : memref<10240xf32, #tpu.memory_space<hbm>> -> memref<640xf32, #tpu.memory_space<hbm>>
      tpu.wait_dma2 semaphore(%run_scoped3A_70 : memref<!tpu.dma_semaphore, #tpu.memory_space<semaphore_mem>>) src(%dma_wait3A_72 : memref<640xf32, #tpu.memory_space<hbm>>) dst(%dma_wait3A : memref<640xf32, #tpu.memory_space<vmem_shared>>)
      tpu.yield
    }) : () -> ()
    %mul3A_5 = arith.constant 640 : i32
    %mul3A_6 = arith.muli %arg1, %mul3A_5 : i32
    %mul3A_7 = arith.constant 640 : i32
    %mul3A_8 = arith.muli %arg1, %mul3A_7 : i32
    "tpu.region"() ({
      %run_scoped3A_70 = tpu.sem_alloc : memref<!tpu.dma_semaphore, #tpu.memory_space<semaphore_mem>>
      %dma_start3A = tpu.memref_slice %arg10[%mul3A_8] : memref<10240xf32, #tpu.memory_space<vmem_shared>> -> memref<640xf32, #tpu.memory_space<vmem_shared>>
      %dma_start3A_71 = tpu.memref_slice %arg4[%mul3A_6] : memref<10240xf32, #tpu.memory_space<hbm>> -> memref<640xf32, #tpu.memory_space<hbm>>
      tpu.enqueue_dma source(%dma_start3A_71 : memref<640xf32, #tpu.memory_space<hbm>>) target(%dma_start3A : memref<640xf32, #tpu.memory_space<vmem_shared>>) target_semaphore(%run_scoped3A_70 : memref<!tpu.dma_semaphore, #tpu.memory_space<semaphore_mem>>)
      %dma_wait3A = tpu.memref_slice %arg10[%mul3A_8] : memref<10240xf32, #tpu.memory_space<vmem_shared>> -> memref<640xf32, #tpu.memory_space<vmem_shared>>
      %dma_wait3A_72 = tpu.memref_slice %arg4[%mul3A_6] : memref<10240xf32, #tpu.memory_space<hbm>> -> memref<640xf32, #tpu.memory_space<hbm>>
      tpu.wait_dma2 semaphore(%run_scoped3A_70 : memref<!tpu.dma_semaphore, #tpu.memory_space<semaphore_mem>>) src(%dma_wait3A_72 : memref<640xf32, #tpu.memory_space<hbm>>) dst(%dma_wait3A : memref<640xf32, #tpu.memory_space<vmem_shared>>)
      tpu.yield
    }) : () -> ()
    %broadcast_in_dim3A = arith.constant 1.000000e+00 : f32
    %broadcast_in_dim3A_9 = vector.broadcast %broadcast_in_dim3A : f32 to vector<16xf32>
    %swap3A = arith.constant 0 : index
    %swap3A_10 = tpu.vector_load %arg8[%swap3A] {strides = array<i32>} : memref<128xf32, #tpu.memory_space<vmem>>, vector<16xf32>,
    %swap3A_11 = vector.shape_cast %swap3A_10 : vector<16xf32> to vector<16xf32>
    %swap3A_12 = vector.shape_cast %broadcast_in_dim3A_9 : vector<16xf32> to vector<16xf32>
    tpu.vector_store %arg8[%swap3A], %swap3A_12 {strides = array<i32>} : memref<128xf32, #tpu.memory_space<vmem>>, vector<16xf32>,
    %broadcast_in_dim3A_13 = arith.constant 1.000000e+00 : f32
    %broadcast_in_dim3A_14 = vector.broadcast %broadcast_in_dim3A_13 : f32 to vector<16xf32>
    %swap3A_15 = arith.constant 16 : index
    %swap3A_16 = tpu.vector_load %arg8[%swap3A_15] {strides = array<i32>} : memref<128xf32, #tpu.memory_space<vmem>>, vector<16xf32>,
    %swap3A_17 = vector.shape_cast %swap3A_16 : vector<16xf32> to vector<16xf32>
    %swap3A_18 = vector.shape_cast %broadcast_in_dim3A_14 : vector<16xf32> to vector<16xf32>
    tpu.vector_store %arg8[%swap3A_15], %swap3A_18 {strides = array<i32>} : memref<128xf32, #tpu.memory_space<vmem>>, vector<16xf32>,
    %broadcast_in_dim3A_19 = arith.constant 1.000000e+00 : f32
    %broadcast_in_dim3A_20 = vector.broadcast %broadcast_in_dim3A_19 : f32 to vector<16xf32>
    %swap3A_21 = arith.constant 32 : index
    %swap3A_22 = tpu.vector_load %arg8[%swap3A_21] {strides = array<i32>} : memref<128xf32, #tpu.memory_space<vmem>>, vector<16xf32>,
    %swap3A_23 = vector.shape_cast %swap3A_22 : vector<16xf32> to vector<16xf32>
    %swap3A_24 = vector.shape_cast %broadcast_in_dim3A_20 : vector<16xf32> to vector<16xf32>
    tpu.vector_store %arg8[%swap3A_21], %swap3A_24 {strides = array<i32>} : memref<128xf32, #tpu.memory_space<vmem>>, vector<16xf32>,
    %broadcast_in_dim3A_25 = arith.constant 1.000000e+00 : f32
    %broadcast_in_dim3A_26 = vector.broadcast %broadcast_in_dim3A_25 : f32 to vector<16xf32>
    %swap3A_27 = arith.constant 48 : index
    %swap3A_28 = tpu.vector_load %arg8[%swap3A_27] {strides = array<i32>} : memref<128xf32, #tpu.memory_space<vmem>>, vector<16xf32>,
    %swap3A_29 = vector.shape_cast %swap3A_28 : vector<16xf32> to vector<16xf32>
    %swap3A_30 = vector.shape_cast %broadcast_in_dim3A_26 : vector<16xf32> to vector<16xf32>
    tpu.vector_store %arg8[%swap3A_27], %swap3A_30 {strides = array<i32>} : memref<128xf32, #tpu.memory_space<vmem>>, vector<16xf32>,
    %broadcast_in_dim3A_31 = arith.constant 1.000000e+00 : f32
    %broadcast_in_dim3A_32 = vector.broadcast %broadcast_in_dim3A_31 : f32 to vector<16xf32>
    %swap3A_33 = arith.constant 64 : index
    %swap3A_34 = tpu.vector_load %arg8[%swap3A_33] {strides = array<i32>} : memref<128xf32, #tpu.memory_space<vmem>>, vector<16xf32>,
    %swap3A_35 = vector.shape_cast %swap3A_34 : vector<16xf32> to vector<16xf32>
    %swap3A_36 = vector.shape_cast %broadcast_in_dim3A_32 : vector<16xf32> to vector<16xf32>
    tpu.vector_store %arg8[%swap3A_33], %swap3A_36 {strides = array<i32>} : memref<128xf32, #tpu.memory_space<vmem>>, vector<16xf32>,
    %broadcast_in_dim3A_37 = arith.constant 1.000000e+00 : f32
    %broadcast_in_dim3A_38 = vector.broadcast %broadcast_in_dim3A_37 : f32 to vector<16xf32>
    %swap3A_39 = arith.constant 80 : index
    %swap3A_40 = tpu.vector_load %arg8[%swap3A_39] {strides = array<i32>} : memref<128xf32, #tpu.memory_space<vmem>>, vector<16xf32>,
    %swap3A_41 = vector.shape_cast %swap3A_40 : vector<16xf32> to vector<16xf32>
    %swap3A_42 = vector.shape_cast %broadcast_in_dim3A_38 : vector<16xf32> to vector<16xf32>
    tpu.vector_store %arg8[%swap3A_39], %swap3A_42 {strides = array<i32>} : memref<128xf32, #tpu.memory_space<vmem>>, vector<16xf32>,
    %broadcast_in_dim3A_43 = arith.constant 1.000000e+00 : f32
    %broadcast_in_dim3A_44 = vector.broadcast %broadcast_in_dim3A_43 : f32 to vector<16xf32>
    %swap3A_45 = arith.constant 96 : index
    %swap3A_46 = tpu.vector_load %arg8[%swap3A_45] {strides = array<i32>} : memref<128xf32, #tpu.memory_space<vmem>>, vector<16xf32>,
    %swap3A_47 = vector.shape_cast %swap3A_46 : vector<16xf32> to vector<16xf32>
    %swap3A_48 = vector.shape_cast %broadcast_in_dim3A_44 : vector<16xf32> to vector<16xf32>
    tpu.vector_store %arg8[%swap3A_45], %swap3A_48 {strides = array<i32>} : memref<128xf32, #tpu.memory_space<vmem>>, vector<16xf32>,
    %broadcast_in_dim3A_49 = arith.constant 1.000000e+00 : f32
    %broadcast_in_dim3A_50 = vector.broadcast %broadcast_in_dim3A_49 : f32 to vector<16xf32>
    %swap3A_51 = arith.constant 112 : index
    %swap3A_52 = tpu.vector_load %arg8[%swap3A_51] {strides = array<i32>} : memref<128xf32, #tpu.memory_space<vmem>>, vector<16xf32>,
    %swap3A_53 = vector.shape_cast %swap3A_52 : vector<16xf32> to vector<16xf32>
    %swap3A_54 = vector.shape_cast %broadcast_in_dim3A_50 : vector<16xf32> to vector<16xf32>
    tpu.vector_store %arg8[%swap3A_51], %swap3A_54 {strides = array<i32>} : memref<128xf32, #tpu.memory_space<vmem>>, vector<16xf32>,
    "tpu.region"() ({
      %run_scoped3A_70 = tpu.sem_alloc : memref<!tpu.dma_semaphore, #tpu.memory_space<semaphore_mem>>
      %dma_start3A = arith.constant 0 : i32
      %dma_start3A_71 = arith.constant 0 : i32
      %dma_start3A_72 = tpu.memref_slice %arg2[%add3A, %dma_start3A, %dma_start3A_71] : memref<32x79x128xi32, #tpu.memory_space<hbm>> -> memref<1x79x128xi32, #tpu.memory_space<hbm>>
      %dma_start3A_73 = tpu.memref_squeeze %dma_start3A_72 : memref<1x79x128xi32, #tpu.memory_space<hbm>> -> memref<79x128xi32, #tpu.memory_space<hbm>>
      %dma_start3A_74 = arith.constant 0 : i32
      %dma_start3A_75 = arith.constant 0 : i32
      %dma_start3A_76 = tpu.memref_slice %arg2[%add3A, %dma_start3A_74, %dma_start3A_75] : memref<32x79x128xi32, #tpu.memory_space<hbm>> -> memref<1x79x128xi32, #tpu.memory_space<hbm>>
      %dma_start3A_77 = tpu.memref_squeeze %dma_start3A_76 : memref<1x79x128xi32, #tpu.memory_space<hbm>> -> memref<79x128xi32, #tpu.memory_space<hbm>>
      tpu.enqueue_dma source(%dma_start3A_77 : memref<79x128xi32, #tpu.memory_space<hbm>>) target(%arg6 : memref<79x128xi32, #tpu.memory_space<vmem>>) target_semaphore(%run_scoped3A_70 : memref<!tpu.dma_semaphore, #tpu.memory_space<semaphore_mem>>)
      %dma_wait3A = arith.constant 0 : i32
      %dma_wait3A_78 = arith.constant 0 : i32
      %dma_wait3A_79 = tpu.memref_slice %arg2[%add3A, %dma_wait3A, %dma_wait3A_78] : memref<32x79x128xi32, #tpu.memory_space<hbm>> -> memref<1x79x128xi32, #tpu.memory_space<hbm>>
      %dma_wait3A_80 = tpu.memref_squeeze %dma_wait3A_79 : memref<1x79x128xi32, #tpu.memory_space<hbm>> -> memref<79x128xi32, #tpu.memory_space<hbm>>
      %dma_wait3A_81 = arith.constant 0 : i32
      %dma_wait3A_82 = arith.constant 0 : i32
      %dma_wait3A_83 = tpu.memref_slice %arg2[%add3A, %dma_wait3A_81, %dma_wait3A_82] : memref<32x79x128xi32, #tpu.memory_space<hbm>> -> memref<1x79x128xi32, #tpu.memory_space<hbm>>
      %dma_wait3A_84 = tpu.memref_squeeze %dma_wait3A_83 : memref<1x79x128xi32, #tpu.memory_space<hbm>> -> memref<79x128xi32, #tpu.memory_space<hbm>>
      tpu.wait_dma2 semaphore(%run_scoped3A_70 : memref<!tpu.dma_semaphore, #tpu.memory_space<semaphore_mem>>) src(%dma_wait3A_84 : memref<79x128xi32, #tpu.memory_space<hbm>>) dst(%arg6 : memref<79x128xi32, #tpu.memory_space<vmem>>)
      tpu.yield
    }) : () -> ()
    "tpu.region"() ({
      %run_scoped3A_70 = tpu.sem_alloc : memref<!tpu.dma_semaphore, #tpu.memory_space<semaphore_mem>>
      %dma_start3A = arith.constant 0 : i32
      %dma_start3A_71 = arith.constant 0 : i32
      %dma_start3A_72 = tpu.memref_slice %arg3[%add3A, %dma_start3A, %dma_start3A_71] : memref<32x79x128xi32, #tpu.memory_space<hbm>> -> memref<1x79x128xi32, #tpu.memory_space<hbm>>
      %dma_start3A_73 = tpu.memref_squeeze %dma_start3A_72 : memref<1x79x128xi32, #tpu.memory_space<hbm>> -> memref<79x128xi32, #tpu.memory_space<hbm>>
      %dma_start3A_74 = arith.constant 0 : i32
      %dma_start3A_75 = arith.constant 0 : i32
      %dma_start3A_76 = tpu.memref_slice %arg3[%add3A, %dma_start3A_74, %dma_start3A_75] : memref<32x79x128xi32, #tpu.memory_space<hbm>> -> memref<1x79x128xi32, #tpu.memory_space<hbm>>
      %dma_start3A_77 = tpu.memref_squeeze %dma_start3A_76 : memref<1x79x128xi32, #tpu.memory_space<hbm>> -> memref<79x128xi32, #tpu.memory_space<hbm>>
      tpu.enqueue_dma source(%dma_start3A_77 : memref<79x128xi32, #tpu.memory_space<hbm>>) target(%arg7 : memref<79x128xi32, #tpu.memory_space<vmem>>) target_semaphore(%run_scoped3A_70 : memref<!tpu.dma_semaphore, #tpu.memory_space<semaphore_mem>>)
      %dma_wait3A = arith.constant 0 : i32
      %dma_wait3A_78 = arith.constant 0 : i32
      %dma_wait3A_79 = tpu.memref_slice %arg3[%add3A, %dma_wait3A, %dma_wait3A_78] : memref<32x79x128xi32, #tpu.memory_space<hbm>> -> memref<1x79x128xi32, #tpu.memory_space<hbm>>
      %dma_wait3A_80 = tpu.memref_squeeze %dma_wait3A_79 : memref<1x79x128xi32, #tpu.memory_space<hbm>> -> memref<79x128xi32, #tpu.memory_space<hbm>>
      %dma_wait3A_81 = arith.constant 0 : i32
      %dma_wait3A_82 = arith.constant 0 : i32
      %dma_wait3A_83 = tpu.memref_slice %arg3[%add3A, %dma_wait3A_81, %dma_wait3A_82] : memref<32x79x128xi32, #tpu.memory_space<hbm>> -> memref<1x79x128xi32, #tpu.memory_space<hbm>>
      %dma_wait3A_84 = tpu.memref_squeeze %dma_wait3A_83 : memref<1x79x128xi32, #tpu.memory_space<hbm>> -> memref<79x128xi32, #tpu.memory_space<hbm>>
      tpu.wait_dma2 semaphore(%run_scoped3A_70 : memref<!tpu.dma_semaphore, #tpu.memory_space<semaphore_mem>>) src(%dma_wait3A_84 : memref<79x128xi32, #tpu.memory_space<hbm>>) dst(%arg7 : memref<79x128xi32, #tpu.memory_space<vmem>>)
      tpu.yield
    }) : () -> ()
    %barrier3A = arith.constant 0 : index
    tpu.barrier barrier_id(%barrier3A)
    %scan3A = arith.constant 0 : i32
    %scan3A_55 = arith.constant 0 : i32
    %scan3A_56 = arith.constant 79 : i32
    %scan3A_57 = arith.addi %scan3A_55, %scan3A_56 : i32
    %scan3A_58 = arith.constant 1 : i32
    scf.for %scan3A_70 = %scan3A_55 to %scan3A_57 step %scan3A_58  : i32 {
      "tpu.region"() ({
        %run_scoped3A_71 = tpu.sem_alloc : memref<!tpu.dma_semaphore, #tpu.memory_space<semaphore_mem>>
        %dma_start3A = arith.constant 0 : i32
        %dma_start3A_72 = tpu.memref_slice %arg7[%scan3A_70, %dma_start3A] : memref<79x128xi32, #tpu.memory_space<vmem>> -> memref<1x128xi32, #tpu.memory_space<vmem>>
        %dma_start3A_73 = tpu.memref_squeeze %dma_start3A_72 : memref<1x128xi32, #tpu.memory_space<vmem>> -> memref<128xi32, #tpu.memory_space<vmem>>
        %dma_start3A_74 = arith.constant 0 : i32
        %dma_start3A_75 = tpu.memref_slice %arg9[%dma_start3A_74] : memref<10240xf32, #tpu.memory_space<vmem_shared>> -> memref<10240xf32, #tpu.memory_space<vmem_shared>>
        tpu.enqueue_indirect_dma source(%arg8 : memref<128xf32, #tpu.memory_space<vmem>>) target(%dma_start3A_75 : memref<10240xf32, #tpu.memory_space<vmem_shared>>) offsets(%dma_start3A_73 : memref<128xi32, #tpu.memory_space<vmem>>) semaphore(%run_scoped3A_71 : memref<!tpu.dma_semaphore, #tpu.memory_space<semaphore_mem>>) {add = true}
        %dma_wait3A = arith.constant 0 : i32
        %dma_wait3A_76 = tpu.memref_slice %arg7[%scan3A_70, %dma_wait3A] : memref<79x128xi32, #tpu.memory_space<vmem>> -> memref<1x128xi32, #tpu.memory_space<vmem>>
        %dma_wait3A_77 = tpu.memref_squeeze %dma_wait3A_76 : memref<1x128xi32, #tpu.memory_space<vmem>> -> memref<128xi32, #tpu.memory_space<vmem>>
        %dma_wait3A_78 = arith.constant 0 : i32
        %dma_wait3A_79 = tpu.memref_slice %arg9[%dma_wait3A_78] : memref<10240xf32, #tpu.memory_space<vmem_shared>> -> memref<10240xf32, #tpu.memory_space<vmem_shared>>
        tpu.wait_indirect_dma semaphore(%run_scoped3A_71 : memref<!tpu.dma_semaphore, #tpu.memory_space<semaphore_mem>>) src(%arg8 : memref<128xf32, #tpu.memory_space<vmem>>) dst(%dma_wait3A_79 : memref<10240xf32, #tpu.memory_space<vmem_shared>>)
        tpu.yield
      }) : () -> ()
      "tpu.region"() ({
        %run_scoped3A_71 = tpu.sem_alloc : memref<!tpu.dma_semaphore, #tpu.memory_space<semaphore_mem>>
        %dma_start3A = arith.constant 0 : i32
        %dma_start3A_72 = tpu.memref_slice %arg6[%scan3A_70, %dma_start3A] : memref<79x128xi32, #tpu.memory_space<vmem>> -> memref<1x128xi32, #tpu.memory_space<vmem>>
        %dma_start3A_73 = tpu.memref_squeeze %dma_start3A_72 : memref<1x128xi32, #tpu.memory_space<vmem>> -> memref<128xi32, #tpu.memory_space<vmem>>
        %dma_start3A_74 = arith.constant 0 : i32
        %dma_start3A_75 = tpu.memref_slice %arg10[%dma_start3A_74] : memref<10240xf32, #tpu.memory_space<vmem_shared>> -> memref<10240xf32, #tpu.memory_space<vmem_shared>>
        tpu.enqueue_indirect_dma source(%arg8 : memref<128xf32, #tpu.memory_space<vmem>>) target(%dma_start3A_75 : memref<10240xf32, #tpu.memory_space<vmem_shared>>) offsets(%dma_start3A_73 : memref<128xi32, #tpu.memory_space<vmem>>) semaphore(%run_scoped3A_71 : memref<!tpu.dma_semaphore, #tpu.memory_space<semaphore_mem>>) {add = true}
        %dma_wait3A = arith.constant 0 : i32
        %dma_wait3A_76 = tpu.memref_slice %arg6[%scan3A_70, %dma_wait3A] : memref<79x128xi32, #tpu.memory_space<vmem>> -> memref<1x128xi32, #tpu.memory_space<vmem>>
        %dma_wait3A_77 = tpu.memref_squeeze %dma_wait3A_76 : memref<1x128xi32, #tpu.memory_space<vmem>> -> memref<128xi32, #tpu.memory_space<vmem>>
        %dma_wait3A_78 = arith.constant 0 : i32
        %dma_wait3A_79 = tpu.memref_slice %arg10[%dma_wait3A_78] : memref<10240xf32, #tpu.memory_space<vmem_shared>> -> memref<10240xf32, #tpu.memory_space<vmem_shared>>
        tpu.wait_indirect_dma semaphore(%run_scoped3A_71 : memref<!tpu.dma_semaphore, #tpu.memory_space<semaphore_mem>>) src(%arg8 : memref<128xf32, #tpu.memory_space<vmem>>) dst(%dma_wait3A_79 : memref<10240xf32, #tpu.memory_space<vmem_shared>>)
        tpu.yield
      }) : () -> ()
    }
    %scan3A_59 = arith.constant 79 : i32
    %barrier3A_60 = arith.constant 0 : index
    tpu.barrier barrier_id(%barrier3A_60)
    %delay3A = arith.constant 16384 : i32
    tpu.delay %delay3A
    %mul3A_61 = arith.constant 640 : i32
    %mul3A_62 = arith.muli %arg1, %mul3A_61 : i32
    %mul3A_63 = arith.constant 640 : i32
    %mul3A_64 = arith.muli %arg1, %mul3A_63 : i32
    %run_scoped3A = arith.constant 0 : i32
    "tpu.region"() ({
      %run_scoped3A_70 = tpu.sem_alloc : memref<!tpu.dma_semaphore, #tpu.memory_space<semaphore_mem>>
      %dma_start3A = tpu.memref_slice %arg5[%arg0, %run_scoped3A, %mul3A_64] : memref<2x2x10240xf32, #tpu.memory_space<hbm>> -> memref<1x1x640xf32, #tpu.memory_space<hbm>>
      %dma_start3A_71 = tpu.memref_squeeze %dma_start3A : memref<1x1x640xf32, #tpu.memory_space<hbm>> -> memref<640xf32, #tpu.memory_space<hbm>>
      %dma_start3A_72 = tpu.memref_slice %arg9[%mul3A_62] : memref<10240xf32, #tpu.memory_space<vmem_shared>> -> memref<640xf32, #tpu.memory_space<vmem_shared>>
      tpu.enqueue_dma source(%dma_start3A_72 : memref<640xf32, #tpu.memory_space<vmem_shared>>) target(%dma_start3A_71 : memref<640xf32, #tpu.memory_space<hbm>>) target_semaphore(%run_scoped3A_70 : memref<!tpu.dma_semaphore, #tpu.memory_space<semaphore_mem>>)
      %dma_wait3A = tpu.memref_slice %arg5[%arg0, %run_scoped3A, %mul3A_64] : memref<2x2x10240xf32, #tpu.memory_space<hbm>> -> memref<1x1x640xf32, #tpu.memory_space<hbm>>
      %dma_wait3A_73 = tpu.memref_squeeze %dma_wait3A : memref<1x1x640xf32, #tpu.memory_space<hbm>> -> memref<640xf32, #tpu.memory_space<hbm>>
      %dma_wait3A_74 = tpu.memref_slice %arg9[%mul3A_62] : memref<10240xf32, #tpu.memory_space<vmem_shared>> -> memref<640xf32, #tpu.memory_space<vmem_shared>>
      tpu.wait_dma2 semaphore(%run_scoped3A_70 : memref<!tpu.dma_semaphore, #tpu.memory_space<semaphore_mem>>) src(%dma_wait3A_74 : memref<640xf32, #tpu.memory_space<vmem_shared>>) dst(%dma_wait3A_73 : memref<640xf32, #tpu.memory_space<hbm>>)
      tpu.yield
    }) : () -> ()
    %mul3A_65 = arith.constant 640 : i32
    %mul3A_66 = arith.muli %arg1, %mul3A_65 : i32
    %mul3A_67 = arith.constant 640 : i32
    %mul3A_68 = arith.muli %arg1, %mul3A_67 : i32
    %run_scoped3A_69 = arith.constant 1 : i32
    "tpu.region"() ({
      %run_scoped3A_70 = tpu.sem_alloc : memref<!tpu.dma_semaphore, #tpu.memory_space<semaphore_mem>>
      %dma_start3A = tpu.memref_slice %arg5[%arg0, %run_scoped3A_69, %mul3A_68] : memref<2x2x10240xf32, #tpu.memory_space<hbm>> -> memref<1x1x640xf32, #tpu.memory_space<hbm>>
      %dma_start3A_71 = tpu.memref_squeeze %dma_start3A : memref<1x1x640xf32, #tpu.memory_space<hbm>> -> memref<640xf32, #tpu.memory_space<hbm>>
      %dma_start3A_72 = tpu.memref_slice %arg10[%mul3A_66] : memref<10240xf32, #tpu.memory_space<vmem_shared>> -> memref<640xf32, #tpu.memory_space<vmem_shared>>
      tpu.enqueue_dma source(%dma_start3A_72 : memref<640xf32, #tpu.memory_space<vmem_shared>>) target(%dma_start3A_71 : memref<640xf32, #tpu.memory_space<hbm>>) target_semaphore(%run_scoped3A_70 : memref<!tpu.dma_semaphore, #tpu.memory_space<semaphore_mem>>)
      %dma_wait3A = tpu.memref_slice %arg5[%arg0, %run_scoped3A_69, %mul3A_68] : memref<2x2x10240xf32, #tpu.memory_space<hbm>> -> memref<1x1x640xf32, #tpu.memory_space<hbm>>
      %dma_wait3A_73 = tpu.memref_squeeze %dma_wait3A : memref<1x1x640xf32, #tpu.memory_space<hbm>> -> memref<640xf32, #tpu.memory_space<hbm>>
      %dma_wait3A_74 = tpu.memref_slice %arg10[%mul3A_66] : memref<10240xf32, #tpu.memory_space<vmem_shared>> -> memref<640xf32, #tpu.memory_space<vmem_shared>>
      tpu.wait_dma2 semaphore(%run_scoped3A_70 : memref<!tpu.dma_semaphore, #tpu.memory_space<semaphore_mem>>) src(%dma_wait3A_74 : memref<640xf32, #tpu.memory_space<vmem_shared>>) dst(%dma_wait3A_73 : memref<640xf32, #tpu.memory_space<hbm>>)
      tpu.yield
    }) : () -> ()
    return
  }
}

#map = affine_map<(d0, d1) -> (0, 0)>
#map1 = affine_map<(d0, d1) -> (0, 0, 0)>
module attributes {stable_mosaic.version = 14 : i64} {
  func.func @_egather_body(%arg0: i32, %arg1: i32, %arg2: memref<10240x128xf32, #tpu.memory_space<hbm>>, %arg3: memref<32x79x128xi32, #tpu.memory_space<hbm>>, %arg4: memref<320000x64xf32, #tpu.memory_space<hbm>>, %arg5: memref<79x128xi32, #tpu.memory_space<vmem>>, %arg6: memref<3x128x128xf32, #tpu.memory_space<vmem>>, %arg7: memref<3x128x64xf32, #tpu.memory_space<vmem>>, %arg8: memref<!tpu.dma_semaphore, #tpu.memory_space<semaphore_mem>>, %arg9: memref<!tpu.dma_semaphore, #tpu.memory_space<semaphore_mem>>, %arg10: memref<!tpu.dma_semaphore, #tpu.memory_space<semaphore_mem>>, %arg11: memref<!tpu.dma_semaphore, #tpu.memory_space<semaphore_mem>>, %arg12: memref<!tpu.dma_semaphore, #tpu.memory_space<semaphore_mem>>, %arg13: memref<!tpu.dma_semaphore, #tpu.memory_space<semaphore_mem>>) attributes {dimension_semantics = [#tpu.dimension_semantics<core_parallel>, #tpu.dimension_semantics<subcore_parallel>], iteration_bounds = array<i64: 2, 16>, scalar_prefetch = 0 : i64, scratch_operands = 9 : i64, tpu.core_type = #tpu.core_type<sc_vector_subcore>, window_params = [{transform_indices = #map}, {transform_indices = #map1}, {transform_indices = #map}]} {
    %mul3A = arith.constant 2 : i32
    %mul3A_0 = arith.muli %arg1, %mul3A : i32
    %add3A = arith.addi %mul3A_0, %arg0 : i32
    %mul3A_1 = arith.constant 10000 : i32
    %mul3A_2 = arith.muli %add3A, %mul3A_1 : i32
    "tpu.region"() ({
      %run_scoped3A = tpu.sem_alloc : memref<!tpu.dma_semaphore, #tpu.memory_space<semaphore_mem>>
      %dma_start3A_127 = arith.constant 0 : i32
      %dma_start3A_128 = arith.constant 0 : i32
      %dma_start3A_129 = tpu.memref_slice %arg3[%add3A, %dma_start3A_127, %dma_start3A_128] : memref<32x79x128xi32, #tpu.memory_space<hbm>> -> memref<1x79x128xi32, #tpu.memory_space<hbm>>
      %dma_start3A_130 = tpu.memref_squeeze %dma_start3A_129 : memref<1x79x128xi32, #tpu.memory_space<hbm>> -> memref<79x128xi32, #tpu.memory_space<hbm>>
      %dma_start3A_131 = arith.constant 0 : i32
      %dma_start3A_132 = arith.constant 0 : i32
      %dma_start3A_133 = tpu.memref_slice %arg3[%add3A, %dma_start3A_131, %dma_start3A_132] : memref<32x79x128xi32, #tpu.memory_space<hbm>> -> memref<1x79x128xi32, #tpu.memory_space<hbm>>
      %dma_start3A_134 = tpu.memref_squeeze %dma_start3A_133 : memref<1x79x128xi32, #tpu.memory_space<hbm>> -> memref<79x128xi32, #tpu.memory_space<hbm>>
      tpu.enqueue_dma source(%dma_start3A_134 : memref<79x128xi32, #tpu.memory_space<hbm>>) target(%arg5 : memref<79x128xi32, #tpu.memory_space<vmem>>) target_semaphore(%run_scoped3A : memref<!tpu.dma_semaphore, #tpu.memory_space<semaphore_mem>>)
      %dma_wait3A_135 = arith.constant 0 : i32
      %dma_wait3A_136 = arith.constant 0 : i32
      %dma_wait3A_137 = tpu.memref_slice %arg3[%add3A, %dma_wait3A_135, %dma_wait3A_136] : memref<32x79x128xi32, #tpu.memory_space<hbm>> -> memref<1x79x128xi32, #tpu.memory_space<hbm>>
      %dma_wait3A_138 = tpu.memref_squeeze %dma_wait3A_137 : memref<1x79x128xi32, #tpu.memory_space<hbm>> -> memref<79x128xi32, #tpu.memory_space<hbm>>
      %dma_wait3A_139 = arith.constant 0 : i32
      %dma_wait3A_140 = arith.constant 0 : i32
      %dma_wait3A_141 = tpu.memref_slice %arg3[%add3A, %dma_wait3A_139, %dma_wait3A_140] : memref<32x79x128xi32, #tpu.memory_space<hbm>> -> memref<1x79x128xi32, #tpu.memory_space<hbm>>
      %dma_wait3A_142 = tpu.memref_squeeze %dma_wait3A_141 : memref<1x79x128xi32, #tpu.memory_space<hbm>> -> memref<79x128xi32, #tpu.memory_space<hbm>>
      tpu.wait_dma2 semaphore(%run_scoped3A : memref<!tpu.dma_semaphore, #tpu.memory_space<semaphore_mem>>) src(%dma_wait3A_142 : memref<79x128xi32, #tpu.memory_space<hbm>>) dst(%arg5 : memref<79x128xi32, #tpu.memory_space<vmem>>)
      tpu.yield
    }) : () -> ()
    %dma_start3A = arith.constant 0 : i32
    %dma_start3A_3 = arith.constant 0 : i32
    %dma_start3A_4 = arith.constant 0 : i32
    %dma_start3A_5 = arith.constant 0 : i32
    %dma_start3A_6 = tpu.memref_slice %arg6[%dma_start3A_3, %dma_start3A_4, %dma_start3A_5] : memref<3x128x128xf32, #tpu.memory_space<vmem>> -> memref<1x128x128xf32, #tpu.memory_space<vmem>>
    %dma_start3A_7 = tpu.memref_squeeze %dma_start3A_6 : memref<1x128x128xf32, #tpu.memory_space<vmem>> -> memref<128x128xf32, #tpu.memory_space<vmem>>
    %dma_start3A_8 = arith.constant 0 : i32
    %dma_start3A_9 = tpu.memref_slice %arg5[%dma_start3A, %dma_start3A_8] : memref<79x128xi32, #tpu.memory_space<vmem>> -> memref<1x128xi32, #tpu.memory_space<vmem>>
    %dma_start3A_10 = tpu.memref_squeeze %dma_start3A_9 : memref<1x128xi32, #tpu.memory_space<vmem>> -> memref<128xi32, #tpu.memory_space<vmem>>
    %dma_start3A_11 = arith.constant 0 : i32
    %dma_start3A_12 = arith.constant 0 : i32
    %dma_start3A_13 = tpu.memref_slice %arg2[%dma_start3A_11, %dma_start3A_12] : memref<10240x128xf32, #tpu.memory_space<hbm>> -> memref<10240x128xf32, #tpu.memory_space<hbm>>
    tpu.enqueue_indirect_dma source(%dma_start3A_13 : memref<10240x128xf32, #tpu.memory_space<hbm>>) target(%dma_start3A_7 : memref<128x128xf32, #tpu.memory_space<vmem>>) offsets(%dma_start3A_10 : memref<128xi32, #tpu.memory_space<vmem>>) semaphore(%arg8 : memref<!tpu.dma_semaphore, #tpu.memory_space<semaphore_mem>>)
    %dma_start3A_14 = arith.constant 1 : i32
    %dma_start3A_15 = arith.constant 1 : i32
    %dma_start3A_16 = arith.constant 0 : i32
    %dma_start3A_17 = arith.constant 0 : i32
    %dma_start3A_18 = tpu.memref_slice %arg6[%dma_start3A_15, %dma_start3A_16, %dma_start3A_17] : memref<3x128x128xf32, #tpu.memory_space<vmem>> -> memref<1x128x128xf32, #tpu.memory_space<vmem>>
    %dma_start3A_19 = tpu.memref_squeeze %dma_start3A_18 : memref<1x128x128xf32, #tpu.memory_space<vmem>> -> memref<128x128xf32, #tpu.memory_space<vmem>>
    %dma_start3A_20 = arith.constant 0 : i32
    %dma_start3A_21 = tpu.memref_slice %arg5[%dma_start3A_14, %dma_start3A_20] : memref<79x128xi32, #tpu.memory_space<vmem>> -> memref<1x128xi32, #tpu.memory_space<vmem>>
    %dma_start3A_22 = tpu.memref_squeeze %dma_start3A_21 : memref<1x128xi32, #tpu.memory_space<vmem>> -> memref<128xi32, #tpu.memory_space<vmem>>
    %dma_start3A_23 = arith.constant 0 : i32
    %dma_start3A_24 = arith.constant 0 : i32
    %dma_start3A_25 = tpu.memref_slice %arg2[%dma_start3A_23, %dma_start3A_24] : memref<10240x128xf32, #tpu.memory_space<hbm>> -> memref<10240x128xf32, #tpu.memory_space<hbm>>
    tpu.enqueue_indirect_dma source(%dma_start3A_25 : memref<10240x128xf32, #tpu.memory_space<hbm>>) target(%dma_start3A_19 : memref<128x128xf32, #tpu.memory_space<vmem>>) offsets(%dma_start3A_22 : memref<128xi32, #tpu.memory_space<vmem>>) semaphore(%arg9 : memref<!tpu.dma_semaphore, #tpu.memory_space<semaphore_mem>>)
    %dma_start3A_26 = arith.constant 2 : i32
    %dma_start3A_27 = arith.constant 2 : i32
    %dma_start3A_28 = arith.constant 0 : i32
    %dma_start3A_29 = arith.constant 0 : i32
    %dma_start3A_30 = tpu.memref_slice %arg6[%dma_start3A_27, %dma_start3A_28, %dma_start3A_29] : memref<3x128x128xf32, #tpu.memory_space<vmem>> -> memref<1x128x128xf32, #tpu.memory_space<vmem>>
    %dma_start3A_31 = tpu.memref_squeeze %dma_start3A_30 : memref<1x128x128xf32, #tpu.memory_space<vmem>> -> memref<128x128xf32, #tpu.memory_space<vmem>>
    %dma_start3A_32 = arith.constant 0 : i32
    %dma_start3A_33 = tpu.memref_slice %arg5[%dma_start3A_26, %dma_start3A_32] : memref<79x128xi32, #tpu.memory_space<vmem>> -> memref<1x128xi32, #tpu.memory_space<vmem>>
    %dma_start3A_34 = tpu.memref_squeeze %dma_start3A_33 : memref<1x128xi32, #tpu.memory_space<vmem>> -> memref<128xi32, #tpu.memory_space<vmem>>
    %dma_start3A_35 = arith.constant 0 : i32
    %dma_start3A_36 = arith.constant 0 : i32
    %dma_start3A_37 = tpu.memref_slice %arg2[%dma_start3A_35, %dma_start3A_36] : memref<10240x128xf32, #tpu.memory_space<hbm>> -> memref<10240x128xf32, #tpu.memory_space<hbm>>
    tpu.enqueue_indirect_dma source(%dma_start3A_37 : memref<10240x128xf32, #tpu.memory_space<hbm>>) target(%dma_start3A_31 : memref<128x128xf32, #tpu.memory_space<vmem>>) offsets(%dma_start3A_34 : memref<128xi32, #tpu.memory_space<vmem>>) semaphore(%arg10 : memref<!tpu.dma_semaphore, #tpu.memory_space<semaphore_mem>>)
    %scan3A = arith.constant 0 : i32
    %scan3A_38 = arith.constant 0 : i32
    %scan3A_39 = arith.constant 26 : i32
    %scan3A_40 = arith.addi %scan3A_38, %scan3A_39 : i32
    %scan3A_41 = arith.constant 1 : i32
    scf.for %scan3A_127 = %scan3A_38 to %scan3A_40 step %scan3A_41  : i32 {
      %mul3A_128 = arith.constant 3 : i32
      %mul3A_129 = arith.muli %mul3A_128, %scan3A_127 : i32
      %add3A_130 = arith.constant 0 : i32
      %add3A_131 = arith.addi %mul3A_129, %add3A_130 : i32
      %dma_wait3A_132 = arith.constant 0 : i32
      %dma_wait3A_133 = arith.constant 0 : i32
      %dma_wait3A_134 = arith.constant 0 : i32
      %dma_wait3A_135 = tpu.memref_slice %arg6[%dma_wait3A_132, %dma_wait3A_133, %dma_wait3A_134] : memref<3x128x128xf32, #tpu.memory_space<vmem>> -> memref<1x128x128xf32, #tpu.memory_space<vmem>>
      %dma_wait3A_136 = tpu.memref_squeeze %dma_wait3A_135 : memref<1x128x128xf32, #tpu.memory_space<vmem>> -> memref<128x128xf32, #tpu.memory_space<vmem>>
      %dma_wait3A_137 = arith.constant 0 : i32
      %dma_wait3A_138 = tpu.memref_slice %arg5[%add3A_131, %dma_wait3A_137] : memref<79x128xi32, #tpu.memory_space<vmem>> -> memref<1x128xi32, #tpu.memory_space<vmem>>
      %dma_wait3A_139 = tpu.memref_squeeze %dma_wait3A_138 : memref<1x128xi32, #tpu.memory_space<vmem>> -> memref<128xi32, #tpu.memory_space<vmem>>
      %dma_wait3A_140 = arith.constant 0 : i32
      %dma_wait3A_141 = arith.constant 0 : i32
      %dma_wait3A_142 = tpu.memref_slice %arg2[%dma_wait3A_140, %dma_wait3A_141] : memref<10240x128xf32, #tpu.memory_space<hbm>> -> memref<10240x128xf32, #tpu.memory_space<hbm>>
      tpu.wait_indirect_dma semaphore(%arg8 : memref<!tpu.dma_semaphore, #tpu.memory_space<semaphore_mem>>) src(%dma_wait3A_142 : memref<10240x128xf32, #tpu.memory_space<hbm>>) dst(%dma_wait3A_136 : memref<128x128xf32, #tpu.memory_space<vmem>>)
      %ge3A = arith.constant 1 : i32
      %ge3A_143 = arith.cmpi sge, %scan3A_127, %ge3A : i32
      %convert_element_type3A = arith.extui %ge3A_143 : i1 to i32
      %cond3A = arith.constant 0 : i32
      %cond3A_144 = arith.cmpi ne, %convert_element_type3A, %cond3A : i32
      scf.if %cond3A_144 {
        %dma_wait3A_271 = arith.constant 0 : i32
        %dma_wait3A_272 = arith.constant 0 : i32
        %dma_wait3A_273 = arith.constant 0 : i32
        %dma_wait3A_274 = tpu.memref_slice %arg7[%dma_wait3A_271, %dma_wait3A_272, %dma_wait3A_273] : memref<3x128x64xf32, #tpu.memory_space<vmem>> -> memref<1x128x64xf32, #tpu.memory_space<vmem>>
        %dma_wait3A_275 = tpu.memref_squeeze %dma_wait3A_274 : memref<1x128x64xf32, #tpu.memory_space<vmem>> -> memref<128x64xf32, #tpu.memory_space<vmem>>
        %dma_wait3A_276 = arith.constant 0 : i32
        %dma_wait3A_277 = tpu.memref_slice %arg4[%mul3A_2, %dma_wait3A_276] : memref<320000x64xf32, #tpu.memory_space<hbm>> -> memref<128x64xf32, #tpu.memory_space<hbm>>
        %dma_wait3A_278 = arith.constant 0 : i32
        %dma_wait3A_279 = tpu.memref_slice %arg4[%mul3A_2, %dma_wait3A_278] : memref<320000x64xf32, #tpu.memory_space<hbm>> -> memref<128x64xf32, #tpu.memory_space<hbm>>
        %dma_wait3A_280 = arith.constant 0 : i32
        %dma_wait3A_281 = arith.constant 0 : i32
        %dma_wait3A_282 = tpu.memref_slice %arg7[%dma_wait3A_271, %dma_wait3A_280, %dma_wait3A_281] : memref<3x128x64xf32, #tpu.memory_space<vmem>> -> memref<1x128x64xf32, #tpu.memory_space<vmem>>
        %dma_wait3A_283 = tpu.memref_squeeze %dma_wait3A_282 : memref<1x128x64xf32, #tpu.memory_space<vmem>> -> memref<128x64xf32, #tpu.memory_space<vmem>>
        tpu.wait_dma2 semaphore(%arg11 : memref<!tpu.dma_semaphore, #tpu.memory_space<semaphore_mem>>) src(%dma_wait3A_283 : memref<128x64xf32, #tpu.memory_space<vmem>>) dst(%dma_wait3A_279 : memref<128x64xf32, #tpu.memory_space<hbm>>)
      } else {
      }
      %scan3A_145 = arith.constant 0 : i32
      %scan3A_146 = arith.constant 0 : i32
      %scan3A_147 = arith.constant 16 : i32
      %scan3A_148 = arith.addi %scan3A_146, %scan3A_147 : i32
      %scan3A_149 = arith.constant 1 : i32
      scf.for %scan3A_271 = %scan3A_146 to %scan3A_148 step %scan3A_149  : i32 {
        %mul3A_272 = arith.constant 8 : i32
        %mul3A_273 = arith.muli %scan3A_271, %mul3A_272 : i32
        %add3A_274 = arith.constant 0 : i32
        %add3A_275 = arith.addi %mul3A_273, %add3A_274 : i32
        %get3A = arith.constant 0 : i32
        %get3A_276 = arith.index_cast %get3A : i32 to index
        %get3A_277 = arith.index_cast %add3A_275 : i32 to index
        %get3A_278 = arith.constant 0 : index
        %get3A_279 = tpu.vector_load %arg6[%get3A_276, %get3A_277, %get3A_278] {strides = array<i32>} : memref<3x128x128xf32, #tpu.memory_space<vmem>>, vector<1x1x16xf32>,
        %get3A_280 = vector.shape_cast %get3A_279 : vector<1x1x16xf32> to vector<16xf32>
        %mul3A_281 = arith.constant 8 : i32
        %mul3A_282 = arith.muli %scan3A_271, %mul3A_281 : i32
        %add3A_283 = arith.constant 0 : i32
        %add3A_284 = arith.addi %mul3A_282, %add3A_283 : i32
        %swap3A = arith.constant 0 : i32
        %swap3A_285 = arith.index_cast %swap3A : i32 to index
        %swap3A_286 = arith.index_cast %add3A_284 : i32 to index
        %swap3A_287 = arith.constant 0 : index
        %swap3A_288 = tpu.vector_load %arg7[%swap3A_285, %swap3A_286, %swap3A_287] {strides = array<i32>} : memref<3x128x64xf32, #tpu.memory_space<vmem>>, vector<1x1x16xf32>,
        %swap3A_289 = vector.shape_cast %swap3A_288 : vector<1x1x16xf32> to vector<16xf32>
        %swap3A_290 = vector.shape_cast %get3A_280 : vector<16xf32> to vector<1x1x16xf32>
        tpu.vector_store %arg7[%swap3A_285, %swap3A_286, %swap3A_287], %swap3A_290 {strides = array<i32>} : memref<3x128x64xf32, #tpu.memory_space<vmem>>, vector<1x1x16xf32>,
        %mul3A_291 = arith.constant 8 : i32
        %mul3A_292 = arith.muli %scan3A_271, %mul3A_291 : i32
        %add3A_293 = arith.constant 0 : i32
        %add3A_294 = arith.addi %mul3A_292, %add3A_293 : i32
        %get3A_295 = arith.constant 0 : i32
        %get3A_296 = arith.index_cast %get3A_295 : i32 to index
        %get3A_297 = arith.index_cast %add3A_294 : i32 to index
        %get3A_298 = arith.constant 16 : index
        %get3A_299 = tpu.vector_load %arg6[%get3A_296, %get3A_297, %get3A_298] {strides = array<i32>} : memref<3x128x128xf32, #tpu.memory_space<vmem>>, vector<1x1x16xf32>,
        %get3A_300 = vector.shape_cast %get3A_299 : vector<1x1x16xf32> to vector<16xf32>
        %mul3A_301 = arith.constant 8 : i32
        %mul3A_302 = arith.muli %scan3A_271, %mul3A_301 : i32
        %add3A_303 = arith.constant 0 : i32
        %add3A_304 = arith.addi %mul3A_302, %add3A_303 : i32
        %swap3A_305 = arith.constant 0 : i32
        %swap3A_306 = arith.index_cast %swap3A_305 : i32 to index
        %swap3A_307 = arith.index_cast %add3A_304 : i32 to index
        %swap3A_308 = arith.constant 16 : index
        %swap3A_309 = tpu.vector_load %arg7[%swap3A_306, %swap3A_307, %swap3A_308] {strides = array<i32>} : memref<3x128x64xf32, #tpu.memory_space<vmem>>, vector<1x1x16xf32>,
        %swap3A_310 = vector.shape_cast %swap3A_309 : vector<1x1x16xf32> to vector<16xf32>
        %swap3A_311 = vector.shape_cast %get3A_300 : vector<16xf32> to vector<1x1x16xf32>
        tpu.vector_store %arg7[%swap3A_306, %swap3A_307, %swap3A_308], %swap3A_311 {strides = array<i32>} : memref<3x128x64xf32, #tpu.memory_space<vmem>>, vector<1x1x16xf32>,
        %mul3A_312 = arith.constant 8 : i32
        %mul3A_313 = arith.muli %scan3A_271, %mul3A_312 : i32
        %add3A_314 = arith.constant 0 : i32
        %add3A_315 = arith.addi %mul3A_313, %add3A_314 : i32
        %get3A_316 = arith.constant 0 : i32
        %get3A_317 = arith.index_cast %get3A_316 : i32 to index
        %get3A_318 = arith.index_cast %add3A_315 : i32 to index
        %get3A_319 = arith.constant 32 : index
        %get3A_320 = tpu.vector_load %arg6[%get3A_317, %get3A_318, %get3A_319] {strides = array<i32>} : memref<3x128x128xf32, #tpu.memory_space<vmem>>, vector<1x1x16xf32>,
        %get3A_321 = vector.shape_cast %get3A_320 : vector<1x1x16xf32> to vector<16xf32>
        %mul3A_322 = arith.constant 8 : i32
        %mul3A_323 = arith.muli %scan3A_271, %mul3A_322 : i32
        %add3A_324 = arith.constant 0 : i32
        %add3A_325 = arith.addi %mul3A_323, %add3A_324 : i32
        %swap3A_326 = arith.constant 0 : i32
        %swap3A_327 = arith.index_cast %swap3A_326 : i32 to index
        %swap3A_328 = arith.index_cast %add3A_325 : i32 to index
        %swap3A_329 = arith.constant 32 : index
        %swap3A_330 = tpu.vector_load %arg7[%swap3A_327, %swap3A_328, %swap3A_329] {strides = array<i32>} : memref<3x128x64xf32, #tpu.memory_space<vmem>>, vector<1x1x16xf32>,
        %swap3A_331 = vector.shape_cast %swap3A_330 : vector<1x1x16xf32> to vector<16xf32>
        %swap3A_332 = vector.shape_cast %get3A_321 : vector<16xf32> to vector<1x1x16xf32>
        tpu.vector_store %arg7[%swap3A_327, %swap3A_328, %swap3A_329], %swap3A_332 {strides = array<i32>} : memref<3x128x64xf32, #tpu.memory_space<vmem>>, vector<1x1x16xf32>,
        %mul3A_333 = arith.constant 8 : i32
        %mul3A_334 = arith.muli %scan3A_271, %mul3A_333 : i32
        %add3A_335 = arith.constant 0 : i32
        %add3A_336 = arith.addi %mul3A_334, %add3A_335 : i32
        %get3A_337 = arith.constant 0 : i32
        %get3A_338 = arith.index_cast %get3A_337 : i32 to index
        %get3A_339 = arith.index_cast %add3A_336 : i32 to index
        %get3A_340 = arith.constant 48 : index
        %get3A_341 = tpu.vector_load %arg6[%get3A_338, %get3A_339, %get3A_340] {strides = array<i32>} : memref<3x128x128xf32, #tpu.memory_space<vmem>>, vector<1x1x16xf32>,
        %get3A_342 = vector.shape_cast %get3A_341 : vector<1x1x16xf32> to vector<16xf32>
        %mul3A_343 = arith.constant 8 : i32
        %mul3A_344 = arith.muli %scan3A_271, %mul3A_343 : i32
        %add3A_345 = arith.constant 0 : i32
        %add3A_346 = arith.addi %mul3A_344, %add3A_345 : i32
        %swap3A_347 = arith.constant 0 : i32
        %swap3A_348 = arith.index_cast %swap3A_347 : i32 to index
        %swap3A_349 = arith.index_cast %add3A_346 : i32 to index
        %swap3A_350 = arith.constant 48 : index
        %swap3A_351 = tpu.vector_load %arg7[%swap3A_348, %swap3A_349, %swap3A_350] {strides = array<i32>} : memref<3x128x64xf32, #tpu.memory_space<vmem>>, vector<1x1x16xf32>,
        %swap3A_352 = vector.shape_cast %swap3A_351 : vector<1x1x16xf32> to vector<16xf32>
        %swap3A_353 = vector.shape_cast %get3A_342 : vector<16xf32> to vector<1x1x16xf32>
        tpu.vector_store %arg7[%swap3A_348, %swap3A_349, %swap3A_350], %swap3A_353 {strides = array<i32>} : memref<3x128x64xf32, #tpu.memory_space<vmem>>, vector<1x1x16xf32>,
        %mul3A_354 = arith.constant 8 : i32
        %mul3A_355 = arith.muli %scan3A_271, %mul3A_354 : i32
        %add3A_356 = arith.constant 1 : i32
        %add3A_357 = arith.addi %mul3A_355, %add3A_356 : i32
        %get3A_358 = arith.constant 0 : i32
        %get3A_359 = arith.index_cast %get3A_358 : i32 to index
        %get3A_360 = arith.index_cast %add3A_357 : i32 to index
        %get3A_361 = arith.constant 0 : index
        %get3A_362 = tpu.vector_load %arg6[%get3A_359, %get3A_360, %get3A_361] {strides = array<i32>} : memref<3x128x128xf32, #tpu.memory_space<vmem>>, vector<1x1x16xf32>,
        %get3A_363 = vector.shape_cast %get3A_362 : vector<1x1x16xf32> to vector<16xf32>
        %mul3A_364 = arith.constant 8 : i32
        %mul3A_365 = arith.muli %scan3A_271, %mul3A_364 : i32
        %add3A_366 = arith.constant 1 : i32
        %add3A_367 = arith.addi %mul3A_365, %add3A_366 : i32
        %swap3A_368 = arith.constant 0 : i32
        %swap3A_369 = arith.index_cast %swap3A_368 : i32 to index
        %swap3A_370 = arith.index_cast %add3A_367 : i32 to index
        %swap3A_371 = arith.constant 0 : index
        %swap3A_372 = tpu.vector_load %arg7[%swap3A_369, %swap3A_370, %swap3A_371] {strides = array<i32>} : memref<3x128x64xf32, #tpu.memory_space<vmem>>, vector<1x1x16xf32>,
        %swap3A_373 = vector.shape_cast %swap3A_372 : vector<1x1x16xf32> to vector<16xf32>
        %swap3A_374 = vector.shape_cast %get3A_363 : vector<16xf32> to vector<1x1x16xf32>
        tpu.vector_store %arg7[%swap3A_369, %swap3A_370, %swap3A_371], %swap3A_374 {strides = array<i32>} : memref<3x128x64xf32, #tpu.memory_space<vmem>>, vector<1x1x16xf32>,
        %mul3A_375 = arith.constant 8 : i32
        %mul3A_376 = arith.muli %scan3A_271, %mul3A_375 : i32
        %add3A_377 = arith.constant 1 : i32
        %add3A_378 = arith.addi %mul3A_376, %add3A_377 : i32
        %get3A_379 = arith.constant 0 : i32
        %get3A_380 = arith.index_cast %get3A_379 : i32 to index
        %get3A_381 = arith.index_cast %add3A_378 : i32 to index
        %get3A_382 = arith.constant 16 : index
        %get3A_383 = tpu.vector_load %arg6[%get3A_380, %get3A_381, %get3A_382] {strides = array<i32>} : memref<3x128x128xf32, #tpu.memory_space<vmem>>, vector<1x1x16xf32>,
        %get3A_384 = vector.shape_cast %get3A_383 : vector<1x1x16xf32> to vector<16xf32>
        %mul3A_385 = arith.constant 8 : i32
        %mul3A_386 = arith.muli %scan3A_271, %mul3A_385 : i32
        %add3A_387 = arith.constant 1 : i32
        %add3A_388 = arith.addi %mul3A_386, %add3A_387 : i32
        %swap3A_389 = arith.constant 0 : i32
        %swap3A_390 = arith.index_cast %swap3A_389 : i32 to index
        %swap3A_391 = arith.index_cast %add3A_388 : i32 to index
        %swap3A_392 = arith.constant 16 : index
        %swap3A_393 = tpu.vector_load %arg7[%swap3A_390, %swap3A_391, %swap3A_392] {strides = array<i32>} : memref<3x128x64xf32, #tpu.memory_space<vmem>>, vector<1x1x16xf32>,
        %swap3A_394 = vector.shape_cast %swap3A_393 : vector<1x1x16xf32> to vector<16xf32>
        %swap3A_395 = vector.shape_cast %get3A_384 : vector<16xf32> to vector<1x1x16xf32>
        tpu.vector_store %arg7[%swap3A_390, %swap3A_391, %swap3A_392], %swap3A_395 {strides = array<i32>} : memref<3x128x64xf32, #tpu.memory_space<vmem>>, vector<1x1x16xf32>,
        %mul3A_396 = arith.constant 8 : i32
        %mul3A_397 = arith.muli %scan3A_271, %mul3A_396 : i32
        %add3A_398 = arith.constant 1 : i32
        %add3A_399 = arith.addi %mul3A_397, %add3A_398 : i32
        %get3A_400 = arith.constant 0 : i32
        %get3A_401 = arith.index_cast %get3A_400 : i32 to index
        %get3A_402 = arith.index_cast %add3A_399 : i32 to index
        %get3A_403 = arith.constant 32 : index
        %get3A_404 = tpu.vector_load %arg6[%get3A_401, %get3A_402, %get3A_403] {strides = array<i32>} : memref<3x128x128xf32, #tpu.memory_space<vmem>>, vector<1x1x16xf32>,
        %get3A_405 = vector.shape_cast %get3A_404 : vector<1x1x16xf32> to vector<16xf32>
        %mul3A_406 = arith.constant 8 : i32
        %mul3A_407 = arith.muli %scan3A_271, %mul3A_406 : i32
        %add3A_408 = arith.constant 1 : i32
        %add3A_409 = arith.addi %mul3A_407, %add3A_408 : i32
        %swap3A_410 = arith.constant 0 : i32
        %swap3A_411 = arith.index_cast %swap3A_410 : i32 to index
        %swap3A_412 = arith.index_cast %add3A_409 : i32 to index
        %swap3A_413 = arith.constant 32 : index
        %swap3A_414 = tpu.vector_load %arg7[%swap3A_411, %swap3A_412, %swap3A_413] {strides = array<i32>} : memref<3x128x64xf32, #tpu.memory_space<vmem>>, vector<1x1x16xf32>,
        %swap3A_415 = vector.shape_cast %swap3A_414 : vector<1x1x16xf32> to vector<16xf32>
        %swap3A_416 = vector.shape_cast %get3A_405 : vector<16xf32> to vector<1x1x16xf32>
        tpu.vector_store %arg7[%swap3A_411, %swap3A_412, %swap3A_413], %swap3A_416 {strides = array<i32>} : memref<3x128x64xf32, #tpu.memory_space<vmem>>, vector<1x1x16xf32>,
        %mul3A_417 = arith.constant 8 : i32
        %mul3A_418 = arith.muli %scan3A_271, %mul3A_417 : i32
        %add3A_419 = arith.constant 1 : i32
        %add3A_420 = arith.addi %mul3A_418, %add3A_419 : i32
        %get3A_421 = arith.constant 0 : i32
        %get3A_422 = arith.index_cast %get3A_421 : i32 to index
        %get3A_423 = arith.index_cast %add3A_420 : i32 to index
        %get3A_424 = arith.constant 48 : index
        %get3A_425 = tpu.vector_load %arg6[%get3A_422, %get3A_423, %get3A_424] {strides = array<i32>} : memref<3x128x128xf32, #tpu.memory_space<vmem>>, vector<1x1x16xf32>,
        %get3A_426 = vector.shape_cast %get3A_425 : vector<1x1x16xf32> to vector<16xf32>
        %mul3A_427 = arith.constant 8 : i32
        %mul3A_428 = arith.muli %scan3A_271, %mul3A_427 : i32
        %add3A_429 = arith.constant 1 : i32
        %add3A_430 = arith.addi %mul3A_428, %add3A_429 : i32
        %swap3A_431 = arith.constant 0 : i32
        %swap3A_432 = arith.index_cast %swap3A_431 : i32 to index
        %swap3A_433 = arith.index_cast %add3A_430 : i32 to index
        %swap3A_434 = arith.constant 48 : index
        %swap3A_435 = tpu.vector_load %arg7[%swap3A_432, %swap3A_433, %swap3A_434] {strides = array<i32>} : memref<3x128x64xf32, #tpu.memory_space<vmem>>, vector<1x1x16xf32>,
        %swap3A_436 = vector.shape_cast %swap3A_435 : vector<1x1x16xf32> to vector<16xf32>
        %swap3A_437 = vector.shape_cast %get3A_426 : vector<16xf32> to vector<1x1x16xf32>
        tpu.vector_store %arg7[%swap3A_432, %swap3A_433, %swap3A_434], %swap3A_437 {strides = array<i32>} : memref<3x128x64xf32, #tpu.memory_space<vmem>>, vector<1x1x16xf32>,
        %mul3A_438 = arith.constant 8 : i32
        %mul3A_439 = arith.muli %scan3A_271, %mul3A_438 : i32
        %add3A_440 = arith.constant 2 : i32
        %add3A_441 = arith.addi %mul3A_439, %add3A_440 : i32
        %get3A_442 = arith.constant 0 : i32
        %get3A_443 = arith.index_cast %get3A_442 : i32 to index
        %get3A_444 = arith.index_cast %add3A_441 : i32 to index
        %get3A_445 = arith.constant 0 : index
        %get3A_446 = tpu.vector_load %arg6[%get3A_443, %get3A_444, %get3A_445] {strides = array<i32>} : memref<3x128x128xf32, #tpu.memory_space<vmem>>, vector<1x1x16xf32>,
        %get3A_447 = vector.shape_cast %get3A_446 : vector<1x1x16xf32> to vector<16xf32>
        %mul3A_448 = arith.constant 8 : i32
        %mul3A_449 = arith.muli %scan3A_271, %mul3A_448 : i32
        %add3A_450 = arith.constant 2 : i32
        %add3A_451 = arith.addi %mul3A_449, %add3A_450 : i32
        %swap3A_452 = arith.constant 0 : i32
        %swap3A_453 = arith.index_cast %swap3A_452 : i32 to index
        %swap3A_454 = arith.index_cast %add3A_451 : i32 to index
        %swap3A_455 = arith.constant 0 : index
        %swap3A_456 = tpu.vector_load %arg7[%swap3A_453, %swap3A_454, %swap3A_455] {strides = array<i32>} : memref<3x128x64xf32, #tpu.memory_space<vmem>>, vector<1x1x16xf32>,
        %swap3A_457 = vector.shape_cast %swap3A_456 : vector<1x1x16xf32> to vector<16xf32>
        %swap3A_458 = vector.shape_cast %get3A_447 : vector<16xf32> to vector<1x1x16xf32>
        tpu.vector_store %arg7[%swap3A_453, %swap3A_454, %swap3A_455], %swap3A_458 {strides = array<i32>} : memref<3x128x64xf32, #tpu.memory_space<vmem>>, vector<1x1x16xf32>,
        %mul3A_459 = arith.constant 8 : i32
        %mul3A_460 = arith.muli %scan3A_271, %mul3A_459 : i32
        %add3A_461 = arith.constant 2 : i32
        %add3A_462 = arith.addi %mul3A_460, %add3A_461 : i32
        %get3A_463 = arith.constant 0 : i32
        %get3A_464 = arith.index_cast %get3A_463 : i32 to index
        %get3A_465 = arith.index_cast %add3A_462 : i32 to index
        %get3A_466 = arith.constant 16 : index
        %get3A_467 = tpu.vector_load %arg6[%get3A_464, %get3A_465, %get3A_466] {strides = array<i32>} : memref<3x128x128xf32, #tpu.memory_space<vmem>>, vector<1x1x16xf32>,
        %get3A_468 = vector.shape_cast %get3A_467 : vector<1x1x16xf32> to vector<16xf32>
        %mul3A_469 = arith.constant 8 : i32
        %mul3A_470 = arith.muli %scan3A_271, %mul3A_469 : i32
        %add3A_471 = arith.constant 2 : i32
        %add3A_472 = arith.addi %mul3A_470, %add3A_471 : i32
        %swap3A_473 = arith.constant 0 : i32
        %swap3A_474 = arith.index_cast %swap3A_473 : i32 to index
        %swap3A_475 = arith.index_cast %add3A_472 : i32 to index
        %swap3A_476 = arith.constant 16 : index
        %swap3A_477 = tpu.vector_load %arg7[%swap3A_474, %swap3A_475, %swap3A_476] {strides = array<i32>} : memref<3x128x64xf32, #tpu.memory_space<vmem>>, vector<1x1x16xf32>,
        %swap3A_478 = vector.shape_cast %swap3A_477 : vector<1x1x16xf32> to vector<16xf32>
        %swap3A_479 = vector.shape_cast %get3A_468 : vector<16xf32> to vector<1x1x16xf32>
        tpu.vector_store %arg7[%swap3A_474, %swap3A_475, %swap3A_476], %swap3A_479 {strides = array<i32>} : memref<3x128x64xf32, #tpu.memory_space<vmem>>, vector<1x1x16xf32>,
        %mul3A_480 = arith.constant 8 : i32
        %mul3A_481 = arith.muli %scan3A_271, %mul3A_480 : i32
        %add3A_482 = arith.constant 2 : i32
        %add3A_483 = arith.addi %mul3A_481, %add3A_482 : i32
        %get3A_484 = arith.constant 0 : i32
        %get3A_485 = arith.index_cast %get3A_484 : i32 to index
        %get3A_486 = arith.index_cast %add3A_483 : i32 to index
        %get3A_487 = arith.constant 32 : index
        %get3A_488 = tpu.vector_load %arg6[%get3A_485, %get3A_486, %get3A_487] {strides = array<i32>} : memref<3x128x128xf32, #tpu.memory_space<vmem>>, vector<1x1x16xf32>,
        %get3A_489 = vector.shape_cast %get3A_488 : vector<1x1x16xf32> to vector<16xf32>
        %mul3A_490 = arith.constant 8 : i32
        %mul3A_491 = arith.muli %scan3A_271, %mul3A_490 : i32
        %add3A_492 = arith.constant 2 : i32
        %add3A_493 = arith.addi %mul3A_491, %add3A_492 : i32
        %swap3A_494 = arith.constant 0 : i32
        %swap3A_495 = arith.index_cast %swap3A_494 : i32 to index
        %swap3A_496 = arith.index_cast %add3A_493 : i32 to index
        %swap3A_497 = arith.constant 32 : index
        %swap3A_498 = tpu.vector_load %arg7[%swap3A_495, %swap3A_496, %swap3A_497] {strides = array<i32>} : memref<3x128x64xf32, #tpu.memory_space<vmem>>, vector<1x1x16xf32>,
        %swap3A_499 = vector.shape_cast %swap3A_498 : vector<1x1x16xf32> to vector<16xf32>
        %swap3A_500 = vector.shape_cast %get3A_489 : vector<16xf32> to vector<1x1x16xf32>
        tpu.vector_store %arg7[%swap3A_495, %swap3A_496, %swap3A_497], %swap3A_500 {strides = array<i32>} : memref<3x128x64xf32, #tpu.memory_space<vmem>>, vector<1x1x16xf32>,
        %mul3A_501 = arith.constant 8 : i32
        %mul3A_502 = arith.muli %scan3A_271, %mul3A_501 : i32
        %add3A_503 = arith.constant 2 : i32
        %add3A_504 = arith.addi %mul3A_502, %add3A_503 : i32
        %get3A_505 = arith.constant 0 : i32
        %get3A_506 = arith.index_cast %get3A_505 : i32 to index
        %get3A_507 = arith.index_cast %add3A_504 : i32 to index
        %get3A_508 = arith.constant 48 : index
        %get3A_509 = tpu.vector_load %arg6[%get3A_506, %get3A_507, %get3A_508] {strides = array<i32>} : memref<3x128x128xf32, #tpu.memory_space<vmem>>, vector<1x1x16xf32>,
        %get3A_510 = vector.shape_cast %get3A_509 : vector<1x1x16xf32> to vector<16xf32>
        %mul3A_511 = arith.constant 8 : i32
        %mul3A_512 = arith.muli %scan3A_271, %mul3A_511 : i32
        %add3A_513 = arith.constant 2 : i32
        %add3A_514 = arith.addi %mul3A_512, %add3A_513 : i32
        %swap3A_515 = arith.constant 0 : i32
        %swap3A_516 = arith.index_cast %swap3A_515 : i32 to index
        %swap3A_517 = arith.index_cast %add3A_514 : i32 to index
        %swap3A_518 = arith.constant 48 : index
        %swap3A_519 = tpu.vector_load %arg7[%swap3A_516, %swap3A_517, %swap3A_518] {strides = array<i32>} : memref<3x128x64xf32, #tpu.memory_space<vmem>>, vector<1x1x16xf32>,
        %swap3A_520 = vector.shape_cast %swap3A_519 : vector<1x1x16xf32> to vector<16xf32>
        %swap3A_521 = vector.shape_cast %get3A_510 : vector<16xf32> to vector<1x1x16xf32>
        tpu.vector_store %arg7[%swap3A_516, %swap3A_517, %swap3A_518], %swap3A_521 {strides = array<i32>} : memref<3x128x64xf32, #tpu.memory_space<vmem>>, vector<1x1x16xf32>,
        %mul3A_522 = arith.constant 8 : i32
        %mul3A_523 = arith.muli %scan3A_271, %mul3A_522 : i32
        %add3A_524 = arith.constant 3 : i32
        %add3A_525 = arith.addi %mul3A_523, %add3A_524 : i32
        %get3A_526 = arith.constant 0 : i32
        %get3A_527 = arith.index_cast %get3A_526 : i32 to index
        %get3A_528 = arith.index_cast %add3A_525 : i32 to index
        %get3A_529 = arith.constant 0 : index
        %get3A_530 = tpu.vector_load %arg6[%get3A_527, %get3A_528, %get3A_529] {strides = array<i32>} : memref<3x128x128xf32, #tpu.memory_space<vmem>>, vector<1x1x16xf32>,
        %get3A_531 = vector.shape_cast %get3A_530 : vector<1x1x16xf32> to vector<16xf32>
        %mul3A_532 = arith.constant 8 : i32
        %mul3A_533 = arith.muli %scan3A_271, %mul3A_532 : i32
        %add3A_534 = arith.constant 3 : i32
        %add3A_535 = arith.addi %mul3A_533, %add3A_534 : i32
        %swap3A_536 = arith.constant 0 : i32
        %swap3A_537 = arith.index_cast %swap3A_536 : i32 to index
        %swap3A_538 = arith.index_cast %add3A_535 : i32 to index
        %swap3A_539 = arith.constant 0 : index
        %swap3A_540 = tpu.vector_load %arg7[%swap3A_537, %swap3A_538, %swap3A_539] {strides = array<i32>} : memref<3x128x64xf32, #tpu.memory_space<vmem>>, vector<1x1x16xf32>,
        %swap3A_541 = vector.shape_cast %swap3A_540 : vector<1x1x16xf32> to vector<16xf32>
        %swap3A_542 = vector.shape_cast %get3A_531 : vector<16xf32> to vector<1x1x16xf32>
        tpu.vector_store %arg7[%swap3A_537, %swap3A_538, %swap3A_539], %swap3A_542 {strides = array<i32>} : memref<3x128x64xf32, #tpu.memory_space<vmem>>, vector<1x1x16xf32>,
        %mul3A_543 = arith.constant 8 : i32
        %mul3A_544 = arith.muli %scan3A_271, %mul3A_543 : i32
        %add3A_545 = arith.constant 3 : i32
        %add3A_546 = arith.addi %mul3A_544, %add3A_545 : i32
        %get3A_547 = arith.constant 0 : i32
        %get3A_548 = arith.index_cast %get3A_547 : i32 to index
        %get3A_549 = arith.index_cast %add3A_546 : i32 to index
        %get3A_550 = arith.constant 16 : index
        %get3A_551 = tpu.vector_load %arg6[%get3A_548, %get3A_549, %get3A_550] {strides = array<i32>} : memref<3x128x128xf32, #tpu.memory_space<vmem>>, vector<1x1x16xf32>,
        %get3A_552 = vector.shape_cast %get3A_551 : vector<1x1x16xf32> to vector<16xf32>
        %mul3A_553 = arith.constant 8 : i32
        %mul3A_554 = arith.muli %scan3A_271, %mul3A_553 : i32
        %add3A_555 = arith.constant 3 : i32
        %add3A_556 = arith.addi %mul3A_554, %add3A_555 : i32
        %swap3A_557 = arith.constant 0 : i32
        %swap3A_558 = arith.index_cast %swap3A_557 : i32 to index
        %swap3A_559 = arith.index_cast %add3A_556 : i32 to index
        %swap3A_560 = arith.constant 16 : index
        %swap3A_561 = tpu.vector_load %arg7[%swap3A_558, %swap3A_559, %swap3A_560] {strides = array<i32>} : memref<3x128x64xf32, #tpu.memory_space<vmem>>, vector<1x1x16xf32>,
        %swap3A_562 = vector.shape_cast %swap3A_561 : vector<1x1x16xf32> to vector<16xf32>
        %swap3A_563 = vector.shape_cast %get3A_552 : vector<16xf32> to vector<1x1x16xf32>
        tpu.vector_store %arg7[%swap3A_558, %swap3A_559, %swap3A_560], %swap3A_563 {strides = array<i32>} : memref<3x128x64xf32, #tpu.memory_space<vmem>>, vector<1x1x16xf32>,
        %mul3A_564 = arith.constant 8 : i32
        %mul3A_565 = arith.muli %scan3A_271, %mul3A_564 : i32
        %add3A_566 = arith.constant 3 : i32
        %add3A_567 = arith.addi %mul3A_565, %add3A_566 : i32
        %get3A_568 = arith.constant 0 : i32
        %get3A_569 = arith.index_cast %get3A_568 : i32 to index
        %get3A_570 = arith.index_cast %add3A_567 : i32 to index
        %get3A_571 = arith.constant 32 : index
        %get3A_572 = tpu.vector_load %arg6[%get3A_569, %get3A_570, %get3A_571] {strides = array<i32>} : memref<3x128x128xf32, #tpu.memory_space<vmem>>, vector<1x1x16xf32>,
        %get3A_573 = vector.shape_cast %get3A_572 : vector<1x1x16xf32> to vector<16xf32>
        %mul3A_574 = arith.constant 8 : i32
        %mul3A_575 = arith.muli %scan3A_271, %mul3A_574 : i32
        %add3A_576 = arith.constant 3 : i32
        %add3A_577 = arith.addi %mul3A_575, %add3A_576 : i32
        %swap3A_578 = arith.constant 0 : i32
        %swap3A_579 = arith.index_cast %swap3A_578 : i32 to index
        %swap3A_580 = arith.index_cast %add3A_577 : i32 to index
        %swap3A_581 = arith.constant 32 : index
        %swap3A_582 = tpu.vector_load %arg7[%swap3A_579, %swap3A_580, %swap3A_581] {strides = array<i32>} : memref<3x128x64xf32, #tpu.memory_space<vmem>>, vector<1x1x16xf32>,
        %swap3A_583 = vector.shape_cast %swap3A_582 : vector<1x1x16xf32> to vector<16xf32>
        %swap3A_584 = vector.shape_cast %get3A_573 : vector<16xf32> to vector<1x1x16xf32>
        tpu.vector_store %arg7[%swap3A_579, %swap3A_580, %swap3A_581], %swap3A_584 {strides = array<i32>} : memref<3x128x64xf32, #tpu.memory_space<vmem>>, vector<1x1x16xf32>,
        %mul3A_585 = arith.constant 8 : i32
        %mul3A_586 = arith.muli %scan3A_271, %mul3A_585 : i32
        %add3A_587 = arith.constant 3 : i32
        %add3A_588 = arith.addi %mul3A_586, %add3A_587 : i32
        %get3A_589 = arith.constant 0 : i32
        %get3A_590 = arith.index_cast %get3A_589 : i32 to index
        %get3A_591 = arith.index_cast %add3A_588 : i32 to index
        %get3A_592 = arith.constant 48 : index
        %get3A_593 = tpu.vector_load %arg6[%get3A_590, %get3A_591, %get3A_592] {strides = array<i32>} : memref<3x128x128xf32, #tpu.memory_space<vmem>>, vector<1x1x16xf32>,
        %get3A_594 = vector.shape_cast %get3A_593 : vector<1x1x16xf32> to vector<16xf32>
        %mul3A_595 = arith.constant 8 : i32
        %mul3A_596 = arith.muli %scan3A_271, %mul3A_595 : i32
        %add3A_597 = arith.constant 3 : i32
        %add3A_598 = arith.addi %mul3A_596, %add3A_597 : i32
        %swap3A_599 = arith.constant 0 : i32
        %swap3A_600 = arith.index_cast %swap3A_599 : i32 to index
        %swap3A_601 = arith.index_cast %add3A_598 : i32 to index
        %swap3A_602 = arith.constant 48 : index
        %swap3A_603 = tpu.vector_load %arg7[%swap3A_600, %swap3A_601, %swap3A_602] {strides = array<i32>} : memref<3x128x64xf32, #tpu.memory_space<vmem>>, vector<1x1x16xf32>,
        %swap3A_604 = vector.shape_cast %swap3A_603 : vector<1x1x16xf32> to vector<16xf32>
        %swap3A_605 = vector.shape_cast %get3A_594 : vector<16xf32> to vector<1x1x16xf32>
        tpu.vector_store %arg7[%swap3A_600, %swap3A_601, %swap3A_602], %swap3A_605 {strides = array<i32>} : memref<3x128x64xf32, #tpu.memory_space<vmem>>, vector<1x1x16xf32>,
        %mul3A_606 = arith.constant 8 : i32
        %mul3A_607 = arith.muli %scan3A_271, %mul3A_606 : i32
        %add3A_608 = arith.constant 4 : i32
        %add3A_609 = arith.addi %mul3A_607, %add3A_608 : i32
        %get3A_610 = arith.constant 0 : i32
        %get3A_611 = arith.index_cast %get3A_610 : i32 to index
        %get3A_612 = arith.index_cast %add3A_609 : i32 to index
        %get3A_613 = arith.constant 0 : index
        %get3A_614 = tpu.vector_load %arg6[%get3A_611, %get3A_612, %get3A_613] {strides = array<i32>} : memref<3x128x128xf32, #tpu.memory_space<vmem>>, vector<1x1x16xf32>,
        %get3A_615 = vector.shape_cast %get3A_614 : vector<1x1x16xf32> to vector<16xf32>
        %mul3A_616 = arith.constant 8 : i32
        %mul3A_617 = arith.muli %scan3A_271, %mul3A_616 : i32
        %add3A_618 = arith.constant 4 : i32
        %add3A_619 = arith.addi %mul3A_617, %add3A_618 : i32
        %swap3A_620 = arith.constant 0 : i32
        %swap3A_621 = arith.index_cast %swap3A_620 : i32 to index
        %swap3A_622 = arith.index_cast %add3A_619 : i32 to index
        %swap3A_623 = arith.constant 0 : index
        %swap3A_624 = tpu.vector_load %arg7[%swap3A_621, %swap3A_622, %swap3A_623] {strides = array<i32>} : memref<3x128x64xf32, #tpu.memory_space<vmem>>, vector<1x1x16xf32>,
        %swap3A_625 = vector.shape_cast %swap3A_624 : vector<1x1x16xf32> to vector<16xf32>
        %swap3A_626 = vector.shape_cast %get3A_615 : vector<16xf32> to vector<1x1x16xf32>
        tpu.vector_store %arg7[%swap3A_621, %swap3A_622, %swap3A_623], %swap3A_626 {strides = array<i32>} : memref<3x128x64xf32, #tpu.memory_space<vmem>>, vector<1x1x16xf32>,
        %mul3A_627 = arith.constant 8 : i32
        %mul3A_628 = arith.muli %scan3A_271, %mul3A_627 : i32
        %add3A_629 = arith.constant 4 : i32
        %add3A_630 = arith.addi %mul3A_628, %add3A_629 : i32
        %get3A_631 = arith.constant 0 : i32
        %get3A_632 = arith.index_cast %get3A_631 : i32 to index
        %get3A_633 = arith.index_cast %add3A_630 : i32 to index
        %get3A_634 = arith.constant 16 : index
        %get3A_635 = tpu.vector_load %arg6[%get3A_632, %get3A_633, %get3A_634] {strides = array<i32>} : memref<3x128x128xf32, #tpu.memory_space<vmem>>, vector<1x1x16xf32>,
        %get3A_636 = vector.shape_cast %get3A_635 : vector<1x1x16xf32> to vector<16xf32>
        %mul3A_637 = arith.constant 8 : i32
        %mul3A_638 = arith.muli %scan3A_271, %mul3A_637 : i32
        %add3A_639 = arith.constant 4 : i32
        %add3A_640 = arith.addi %mul3A_638, %add3A_639 : i32
        %swap3A_641 = arith.constant 0 : i32
        %swap3A_642 = arith.index_cast %swap3A_641 : i32 to index
        %swap3A_643 = arith.index_cast %add3A_640 : i32 to index
        %swap3A_644 = arith.constant 16 : index
        %swap3A_645 = tpu.vector_load %arg7[%swap3A_642, %swap3A_643, %swap3A_644] {strides = array<i32>} : memref<3x128x64xf32, #tpu.memory_space<vmem>>, vector<1x1x16xf32>,
        %swap3A_646 = vector.shape_cast %swap3A_645 : vector<1x1x16xf32> to vector<16xf32>
        %swap3A_647 = vector.shape_cast %get3A_636 : vector<16xf32> to vector<1x1x16xf32>
        tpu.vector_store %arg7[%swap3A_642, %swap3A_643, %swap3A_644], %swap3A_647 {strides = array<i32>} : memref<3x128x64xf32, #tpu.memory_space<vmem>>, vector<1x1x16xf32>,
        %mul3A_648 = arith.constant 8 : i32
        %mul3A_649 = arith.muli %scan3A_271, %mul3A_648 : i32
        %add3A_650 = arith.constant 4 : i32
        %add3A_651 = arith.addi %mul3A_649, %add3A_650 : i32
        %get3A_652 = arith.constant 0 : i32
        %get3A_653 = arith.index_cast %get3A_652 : i32 to index
        %get3A_654 = arith.index_cast %add3A_651 : i32 to index
        %get3A_655 = arith.constant 32 : index
        %get3A_656 = tpu.vector_load %arg6[%get3A_653, %get3A_654, %get3A_655] {strides = array<i32>} : memref<3x128x128xf32, #tpu.memory_space<vmem>>, vector<1x1x16xf32>,
        %get3A_657 = vector.shape_cast %get3A_656 : vector<1x1x16xf32> to vector<16xf32>
        %mul3A_658 = arith.constant 8 : i32
        %mul3A_659 = arith.muli %scan3A_271, %mul3A_658 : i32
        %add3A_660 = arith.constant 4 : i32
        %add3A_661 = arith.addi %mul3A_659, %add3A_660 : i32
        %swap3A_662 = arith.constant 0 : i32
        %swap3A_663 = arith.index_cast %swap3A_662 : i32 to index
        %swap3A_664 = arith.index_cast %add3A_661 : i32 to index
        %swap3A_665 = arith.constant 32 : index
        %swap3A_666 = tpu.vector_load %arg7[%swap3A_663, %swap3A_664, %swap3A_665] {strides = array<i32>} : memref<3x128x64xf32, #tpu.memory_space<vmem>>, vector<1x1x16xf32>,
        %swap3A_667 = vector.shape_cast %swap3A_666 : vector<1x1x16xf32> to vector<16xf32>
        %swap3A_668 = vector.shape_cast %get3A_657 : vector<16xf32> to vector<1x1x16xf32>
        tpu.vector_store %arg7[%swap3A_663, %swap3A_664, %swap3A_665], %swap3A_668 {strides = array<i32>} : memref<3x128x64xf32, #tpu.memory_space<vmem>>, vector<1x1x16xf32>,
        %mul3A_669 = arith.constant 8 : i32
        %mul3A_670 = arith.muli %scan3A_271, %mul3A_669 : i32
        %add3A_671 = arith.constant 4 : i32
        %add3A_672 = arith.addi %mul3A_670, %add3A_671 : i32
        %get3A_673 = arith.constant 0 : i32
        %get3A_674 = arith.index_cast %get3A_673 : i32 to index
        %get3A_675 = arith.index_cast %add3A_672 : i32 to index
        %get3A_676 = arith.constant 48 : index
        %get3A_677 = tpu.vector_load %arg6[%get3A_674, %get3A_675, %get3A_676] {strides = array<i32>} : memref<3x128x128xf32, #tpu.memory_space<vmem>>, vector<1x1x16xf32>,
        %get3A_678 = vector.shape_cast %get3A_677 : vector<1x1x16xf32> to vector<16xf32>
        %mul3A_679 = arith.constant 8 : i32
        %mul3A_680 = arith.muli %scan3A_271, %mul3A_679 : i32
        %add3A_681 = arith.constant 4 : i32
        %add3A_682 = arith.addi %mul3A_680, %add3A_681 : i32
        %swap3A_683 = arith.constant 0 : i32
        %swap3A_684 = arith.index_cast %swap3A_683 : i32 to index
        %swap3A_685 = arith.index_cast %add3A_682 : i32 to index
        %swap3A_686 = arith.constant 48 : index
        %swap3A_687 = tpu.vector_load %arg7[%swap3A_684, %swap3A_685, %swap3A_686] {strides = array<i32>} : memref<3x128x64xf32, #tpu.memory_space<vmem>>, vector<1x1x16xf32>,
        %swap3A_688 = vector.shape_cast %swap3A_687 : vector<1x1x16xf32> to vector<16xf32>
        %swap3A_689 = vector.shape_cast %get3A_678 : vector<16xf32> to vector<1x1x16xf32>
        tpu.vector_store %arg7[%swap3A_684, %swap3A_685, %swap3A_686], %swap3A_689 {strides = array<i32>} : memref<3x128x64xf32, #tpu.memory_space<vmem>>, vector<1x1x16xf32>,
        %mul3A_690 = arith.constant 8 : i32
        %mul3A_691 = arith.muli %scan3A_271, %mul3A_690 : i32
        %add3A_692 = arith.constant 5 : i32
        %add3A_693 = arith.addi %mul3A_691, %add3A_692 : i32
        %get3A_694 = arith.constant 0 : i32
        %get3A_695 = arith.index_cast %get3A_694 : i32 to index
        %get3A_696 = arith.index_cast %add3A_693 : i32 to index
        %get3A_697 = arith.constant 0 : index
        %get3A_698 = tpu.vector_load %arg6[%get3A_695, %get3A_696, %get3A_697] {strides = array<i32>} : memref<3x128x128xf32, #tpu.memory_space<vmem>>, vector<1x1x16xf32>,
        %get3A_699 = vector.shape_cast %get3A_698 : vector<1x1x16xf32> to vector<16xf32>
        %mul3A_700 = arith.constant 8 : i32
        %mul3A_701 = arith.muli %scan3A_271, %mul3A_700 : i32
        %add3A_702 = arith.constant 5 : i32
        %add3A_703 = arith.addi %mul3A_701, %add3A_702 : i32
        %swap3A_704 = arith.constant 0 : i32
        %swap3A_705 = arith.index_cast %swap3A_704 : i32 to index
        %swap3A_706 = arith.index_cast %add3A_703 : i32 to index
        %swap3A_707 = arith.constant 0 : index
        %swap3A_708 = tpu.vector_load %arg7[%swap3A_705, %swap3A_706, %swap3A_707] {strides = array<i32>} : memref<3x128x64xf32, #tpu.memory_space<vmem>>, vector<1x1x16xf32>,
        %swap3A_709 = vector.shape_cast %swap3A_708 : vector<1x1x16xf32> to vector<16xf32>
        %swap3A_710 = vector.shape_cast %get3A_699 : vector<16xf32> to vector<1x1x16xf32>
        tpu.vector_store %arg7[%swap3A_705, %swap3A_706, %swap3A_707], %swap3A_710 {strides = array<i32>} : memref<3x128x64xf32, #tpu.memory_space<vmem>>, vector<1x1x16xf32>,
        %mul3A_711 = arith.constant 8 : i32
        %mul3A_712 = arith.muli %scan3A_271, %mul3A_711 : i32
        %add3A_713 = arith.constant 5 : i32
        %add3A_714 = arith.addi %mul3A_712, %add3A_713 : i32
        %get3A_715 = arith.constant 0 : i32
        %get3A_716 = arith.index_cast %get3A_715 : i32 to index
        %get3A_717 = arith.index_cast %add3A_714 : i32 to index
        %get3A_718 = arith.constant 16 : index
        %get3A_719 = tpu.vector_load %arg6[%get3A_716, %get3A_717, %get3A_718] {strides = array<i32>} : memref<3x128x128xf32, #tpu.memory_space<vmem>>, vector<1x1x16xf32>,
        %get3A_720 = vector.shape_cast %get3A_719 : vector<1x1x16xf32> to vector<16xf32>
        %mul3A_721 = arith.constant 8 : i32
        %mul3A_722 = arith.muli %scan3A_271, %mul3A_721 : i32
        %add3A_723 = arith.constant 5 : i32
        %add3A_724 = arith.addi %mul3A_722, %add3A_723 : i32
        %swap3A_725 = arith.constant 0 : i32
        %swap3A_726 = arith.index_cast %swap3A_725 : i32 to index
        %swap3A_727 = arith.index_cast %add3A_724 : i32 to index
        %swap3A_728 = arith.constant 16 : index
        %swap3A_729 = tpu.vector_load %arg7[%swap3A_726, %swap3A_727, %swap3A_728] {strides = array<i32>} : memref<3x128x64xf32, #tpu.memory_space<vmem>>, vector<1x1x16xf32>,
        %swap3A_730 = vector.shape_cast %swap3A_729 : vector<1x1x16xf32> to vector<16xf32>
        %swap3A_731 = vector.shape_cast %get3A_720 : vector<16xf32> to vector<1x1x16xf32>
        tpu.vector_store %arg7[%swap3A_726, %swap3A_727, %swap3A_728], %swap3A_731 {strides = array<i32>} : memref<3x128x64xf32, #tpu.memory_space<vmem>>, vector<1x1x16xf32>,
        %mul3A_732 = arith.constant 8 : i32
        %mul3A_733 = arith.muli %scan3A_271, %mul3A_732 : i32
        %add3A_734 = arith.constant 5 : i32
        %add3A_735 = arith.addi %mul3A_733, %add3A_734 : i32
        %get3A_736 = arith.constant 0 : i32
        %get3A_737 = arith.index_cast %get3A_736 : i32 to index
        %get3A_738 = arith.index_cast %add3A_735 : i32 to index
        %get3A_739 = arith.constant 32 : index
        %get3A_740 = tpu.vector_load %arg6[%get3A_737, %get3A_738, %get3A_739] {strides = array<i32>} : memref<3x128x128xf32, #tpu.memory_space<vmem>>, vector<1x1x16xf32>,
        %get3A_741 = vector.shape_cast %get3A_740 : vector<1x1x16xf32> to vector<16xf32>
        %mul3A_742 = arith.constant 8 : i32
        %mul3A_743 = arith.muli %scan3A_271, %mul3A_742 : i32
        %add3A_744 = arith.constant 5 : i32
        %add3A_745 = arith.addi %mul3A_743, %add3A_744 : i32
        %swap3A_746 = arith.constant 0 : i32
        %swap3A_747 = arith.index_cast %swap3A_746 : i32 to index
        %swap3A_748 = arith.index_cast %add3A_745 : i32 to index
        %swap3A_749 = arith.constant 32 : index
        %swap3A_750 = tpu.vector_load %arg7[%swap3A_747, %swap3A_748, %swap3A_749] {strides = array<i32>} : memref<3x128x64xf32, #tpu.memory_space<vmem>>, vector<1x1x16xf32>,
        %swap3A_751 = vector.shape_cast %swap3A_750 : vector<1x1x16xf32> to vector<16xf32>
        %swap3A_752 = vector.shape_cast %get3A_741 : vector<16xf32> to vector<1x1x16xf32>
        tpu.vector_store %arg7[%swap3A_747, %swap3A_748, %swap3A_749], %swap3A_752 {strides = array<i32>} : memref<3x128x64xf32, #tpu.memory_space<vmem>>, vector<1x1x16xf32>,
        %mul3A_753 = arith.constant 8 : i32
        %mul3A_754 = arith.muli %scan3A_271, %mul3A_753 : i32
        %add3A_755 = arith.constant 5 : i32
        %add3A_756 = arith.addi %mul3A_754, %add3A_755 : i32
        %get3A_757 = arith.constant 0 : i32
        %get3A_758 = arith.index_cast %get3A_757 : i32 to index
        %get3A_759 = arith.index_cast %add3A_756 : i32 to index
        %get3A_760 = arith.constant 48 : index
        %get3A_761 = tpu.vector_load %arg6[%get3A_758, %get3A_759, %get3A_760] {strides = array<i32>} : memref<3x128x128xf32, #tpu.memory_space<vmem>>, vector<1x1x16xf32>,
        %get3A_762 = vector.shape_cast %get3A_761 : vector<1x1x16xf32> to vector<16xf32>
        %mul3A_763 = arith.constant 8 : i32
        %mul3A_764 = arith.muli %scan3A_271, %mul3A_763 : i32
        %add3A_765 = arith.constant 5 : i32
        %add3A_766 = arith.addi %mul3A_764, %add3A_765 : i32
        %swap3A_767 = arith.constant 0 : i32
        %swap3A_768 = arith.index_cast %swap3A_767 : i32 to index
        %swap3A_769 = arith.index_cast %add3A_766 : i32 to index
        %swap3A_770 = arith.constant 48 : index
        %swap3A_771 = tpu.vector_load %arg7[%swap3A_768, %swap3A_769, %swap3A_770] {strides = array<i32>} : memref<3x128x64xf32, #tpu.memory_space<vmem>>, vector<1x1x16xf32>,
        %swap3A_772 = vector.shape_cast %swap3A_771 : vector<1x1x16xf32> to vector<16xf32>
        %swap3A_773 = vector.shape_cast %get3A_762 : vector<16xf32> to vector<1x1x16xf32>
        tpu.vector_store %arg7[%swap3A_768, %swap3A_769, %swap3A_770], %swap3A_773 {strides = array<i32>} : memref<3x128x64xf32, #tpu.memory_space<vmem>>, vector<1x1x16xf32>,
        %mul3A_774 = arith.constant 8 : i32
        %mul3A_775 = arith.muli %scan3A_271, %mul3A_774 : i32
        %add3A_776 = arith.constant 6 : i32
        %add3A_777 = arith.addi %mul3A_775, %add3A_776 : i32
        %get3A_778 = arith.constant 0 : i32
        %get3A_779 = arith.index_cast %get3A_778 : i32 to index
        %get3A_780 = arith.index_cast %add3A_777 : i32 to index
        %get3A_781 = arith.constant 0 : index
        %get3A_782 = tpu.vector_load %arg6[%get3A_779, %get3A_780, %get3A_781] {strides = array<i32>} : memref<3x128x128xf32, #tpu.memory_space<vmem>>, vector<1x1x16xf32>,
        %get3A_783 = vector.shape_cast %get3A_782 : vector<1x1x16xf32> to vector<16xf32>
        %mul3A_784 = arith.constant 8 : i32
        %mul3A_785 = arith.muli %scan3A_271, %mul3A_784 : i32
        %add3A_786 = arith.constant 6 : i32
        %add3A_787 = arith.addi %mul3A_785, %add3A_786 : i32
        %swap3A_788 = arith.constant 0 : i32
        %swap3A_789 = arith.index_cast %swap3A_788 : i32 to index
        %swap3A_790 = arith.index_cast %add3A_787 : i32 to index
        %swap3A_791 = arith.constant 0 : index
        %swap3A_792 = tpu.vector_load %arg7[%swap3A_789, %swap3A_790, %swap3A_791] {strides = array<i32>} : memref<3x128x64xf32, #tpu.memory_space<vmem>>, vector<1x1x16xf32>,
        %swap3A_793 = vector.shape_cast %swap3A_792 : vector<1x1x16xf32> to vector<16xf32>
        %swap3A_794 = vector.shape_cast %get3A_783 : vector<16xf32> to vector<1x1x16xf32>
        tpu.vector_store %arg7[%swap3A_789, %swap3A_790, %swap3A_791], %swap3A_794 {strides = array<i32>} : memref<3x128x64xf32, #tpu.memory_space<vmem>>, vector<1x1x16xf32>,
        %mul3A_795 = arith.constant 8 : i32
        %mul3A_796 = arith.muli %scan3A_271, %mul3A_795 : i32
        %add3A_797 = arith.constant 6 : i32
        %add3A_798 = arith.addi %mul3A_796, %add3A_797 : i32
        %get3A_799 = arith.constant 0 : i32
        %get3A_800 = arith.index_cast %get3A_799 : i32 to index
        %get3A_801 = arith.index_cast %add3A_798 : i32 to index
        %get3A_802 = arith.constant 16 : index
        %get3A_803 = tpu.vector_load %arg6[%get3A_800, %get3A_801, %get3A_802] {strides = array<i32>} : memref<3x128x128xf32, #tpu.memory_space<vmem>>, vector<1x1x16xf32>,
        %get3A_804 = vector.shape_cast %get3A_803 : vector<1x1x16xf32> to vector<16xf32>
        %mul3A_805 = arith.constant 8 : i32
        %mul3A_806 = arith.muli %scan3A_271, %mul3A_805 : i32
        %add3A_807 = arith.constant 6 : i32
        %add3A_808 = arith.addi %mul3A_806, %add3A_807 : i32
        %swap3A_809 = arith.constant 0 : i32
        %swap3A_810 = arith.index_cast %swap3A_809 : i32 to index
        %swap3A_811 = arith.index_cast %add3A_808 : i32 to index
        %swap3A_812 = arith.constant 16 : index
        %swap3A_813 = tpu.vector_load %arg7[%swap3A_810, %swap3A_811, %swap3A_812] {strides = array<i32>} : memref<3x128x64xf32, #tpu.memory_space<vmem>>, vector<1x1x16xf32>,
        %swap3A_814 = vector.shape_cast %swap3A_813 : vector<1x1x16xf32> to vector<16xf32>
        %swap3A_815 = vector.shape_cast %get3A_804 : vector<16xf32> to vector<1x1x16xf32>
        tpu.vector_store %arg7[%swap3A_810, %swap3A_811, %swap3A_812], %swap3A_815 {strides = array<i32>} : memref<3x128x64xf32, #tpu.memory_space<vmem>>, vector<1x1x16xf32>,
        %mul3A_816 = arith.constant 8 : i32
        %mul3A_817 = arith.muli %scan3A_271, %mul3A_816 : i32
        %add3A_818 = arith.constant 6 : i32
        %add3A_819 = arith.addi %mul3A_817, %add3A_818 : i32
        %get3A_820 = arith.constant 0 : i32
        %get3A_821 = arith.index_cast %get3A_820 : i32 to index
        %get3A_822 = arith.index_cast %add3A_819 : i32 to index
        %get3A_823 = arith.constant 32 : index
        %get3A_824 = tpu.vector_load %arg6[%get3A_821, %get3A_822, %get3A_823] {strides = array<i32>} : memref<3x128x128xf32, #tpu.memory_space<vmem>>, vector<1x1x16xf32>,
        %get3A_825 = vector.shape_cast %get3A_824 : vector<1x1x16xf32> to vector<16xf32>
        %mul3A_826 = arith.constant 8 : i32
        %mul3A_827 = arith.muli %scan3A_271, %mul3A_826 : i32
        %add3A_828 = arith.constant 6 : i32
        %add3A_829 = arith.addi %mul3A_827, %add3A_828 : i32
        %swap3A_830 = arith.constant 0 : i32
        %swap3A_831 = arith.index_cast %swap3A_830 : i32 to index
        %swap3A_832 = arith.index_cast %add3A_829 : i32 to index
        %swap3A_833 = arith.constant 32 : index
        %swap3A_834 = tpu.vector_load %arg7[%swap3A_831, %swap3A_832, %swap3A_833] {strides = array<i32>} : memref<3x128x64xf32, #tpu.memory_space<vmem>>, vector<1x1x16xf32>,
        %swap3A_835 = vector.shape_cast %swap3A_834 : vector<1x1x16xf32> to vector<16xf32>
        %swap3A_836 = vector.shape_cast %get3A_825 : vector<16xf32> to vector<1x1x16xf32>
        tpu.vector_store %arg7[%swap3A_831, %swap3A_832, %swap3A_833], %swap3A_836 {strides = array<i32>} : memref<3x128x64xf32, #tpu.memory_space<vmem>>, vector<1x1x16xf32>,
        %mul3A_837 = arith.constant 8 : i32
        %mul3A_838 = arith.muli %scan3A_271, %mul3A_837 : i32
        %add3A_839 = arith.constant 6 : i32
        %add3A_840 = arith.addi %mul3A_838, %add3A_839 : i32
        %get3A_841 = arith.constant 0 : i32
        %get3A_842 = arith.index_cast %get3A_841 : i32 to index
        %get3A_843 = arith.index_cast %add3A_840 : i32 to index
        %get3A_844 = arith.constant 48 : index
        %get3A_845 = tpu.vector_load %arg6[%get3A_842, %get3A_843, %get3A_844] {strides = array<i32>} : memref<3x128x128xf32, #tpu.memory_space<vmem>>, vector<1x1x16xf32>,
        %get3A_846 = vector.shape_cast %get3A_845 : vector<1x1x16xf32> to vector<16xf32>
        %mul3A_847 = arith.constant 8 : i32
        %mul3A_848 = arith.muli %scan3A_271, %mul3A_847 : i32
        %add3A_849 = arith.constant 6 : i32
        %add3A_850 = arith.addi %mul3A_848, %add3A_849 : i32
        %swap3A_851 = arith.constant 0 : i32
        %swap3A_852 = arith.index_cast %swap3A_851 : i32 to index
        %swap3A_853 = arith.index_cast %add3A_850 : i32 to index
        %swap3A_854 = arith.constant 48 : index
        %swap3A_855 = tpu.vector_load %arg7[%swap3A_852, %swap3A_853, %swap3A_854] {strides = array<i32>} : memref<3x128x64xf32, #tpu.memory_space<vmem>>, vector<1x1x16xf32>,
        %swap3A_856 = vector.shape_cast %swap3A_855 : vector<1x1x16xf32> to vector<16xf32>
        %swap3A_857 = vector.shape_cast %get3A_846 : vector<16xf32> to vector<1x1x16xf32>
        tpu.vector_store %arg7[%swap3A_852, %swap3A_853, %swap3A_854], %swap3A_857 {strides = array<i32>} : memref<3x128x64xf32, #tpu.memory_space<vmem>>, vector<1x1x16xf32>,
        %mul3A_858 = arith.constant 8 : i32
        %mul3A_859 = arith.muli %scan3A_271, %mul3A_858 : i32
        %add3A_860 = arith.constant 7 : i32
        %add3A_861 = arith.addi %mul3A_859, %add3A_860 : i32
        %get3A_862 = arith.constant 0 : i32
        %get3A_863 = arith.index_cast %get3A_862 : i32 to index
        %get3A_864 = arith.index_cast %add3A_861 : i32 to index
        %get3A_865 = arith.constant 0 : index
        %get3A_866 = tpu.vector_load %arg6[%get3A_863, %get3A_864, %get3A_865] {strides = array<i32>} : memref<3x128x128xf32, #tpu.memory_space<vmem>>, vector<1x1x16xf32>,
        %get3A_867 = vector.shape_cast %get3A_866 : vector<1x1x16xf32> to vector<16xf32>
        %mul3A_868 = arith.constant 8 : i32
        %mul3A_869 = arith.muli %scan3A_271, %mul3A_868 : i32
        %add3A_870 = arith.constant 7 : i32
        %add3A_871 = arith.addi %mul3A_869, %add3A_870 : i32
        %swap3A_872 = arith.constant 0 : i32
        %swap3A_873 = arith.index_cast %swap3A_872 : i32 to index
        %swap3A_874 = arith.index_cast %add3A_871 : i32 to index
        %swap3A_875 = arith.constant 0 : index
        %swap3A_876 = tpu.vector_load %arg7[%swap3A_873, %swap3A_874, %swap3A_875] {strides = array<i32>} : memref<3x128x64xf32, #tpu.memory_space<vmem>>, vector<1x1x16xf32>,
        %swap3A_877 = vector.shape_cast %swap3A_876 : vector<1x1x16xf32> to vector<16xf32>
        %swap3A_878 = vector.shape_cast %get3A_867 : vector<16xf32> to vector<1x1x16xf32>
        tpu.vector_store %arg7[%swap3A_873, %swap3A_874, %swap3A_875], %swap3A_878 {strides = array<i32>} : memref<3x128x64xf32, #tpu.memory_space<vmem>>, vector<1x1x16xf32>,
        %mul3A_879 = arith.constant 8 : i32
        %mul3A_880 = arith.muli %scan3A_271, %mul3A_879 : i32
        %add3A_881 = arith.constant 7 : i32
        %add3A_882 = arith.addi %mul3A_880, %add3A_881 : i32
        %get3A_883 = arith.constant 0 : i32
        %get3A_884 = arith.index_cast %get3A_883 : i32 to index
        %get3A_885 = arith.index_cast %add3A_882 : i32 to index
        %get3A_886 = arith.constant 16 : index
        %get3A_887 = tpu.vector_load %arg6[%get3A_884, %get3A_885, %get3A_886] {strides = array<i32>} : memref<3x128x128xf32, #tpu.memory_space<vmem>>, vector<1x1x16xf32>,
        %get3A_888 = vector.shape_cast %get3A_887 : vector<1x1x16xf32> to vector<16xf32>
        %mul3A_889 = arith.constant 8 : i32
        %mul3A_890 = arith.muli %scan3A_271, %mul3A_889 : i32
        %add3A_891 = arith.constant 7 : i32
        %add3A_892 = arith.addi %mul3A_890, %add3A_891 : i32
        %swap3A_893 = arith.constant 0 : i32
        %swap3A_894 = arith.index_cast %swap3A_893 : i32 to index
        %swap3A_895 = arith.index_cast %add3A_892 : i32 to index
        %swap3A_896 = arith.constant 16 : index
        %swap3A_897 = tpu.vector_load %arg7[%swap3A_894, %swap3A_895, %swap3A_896] {strides = array<i32>} : memref<3x128x64xf32, #tpu.memory_space<vmem>>, vector<1x1x16xf32>,
        %swap3A_898 = vector.shape_cast %swap3A_897 : vector<1x1x16xf32> to vector<16xf32>
        %swap3A_899 = vector.shape_cast %get3A_888 : vector<16xf32> to vector<1x1x16xf32>
        tpu.vector_store %arg7[%swap3A_894, %swap3A_895, %swap3A_896], %swap3A_899 {strides = array<i32>} : memref<3x128x64xf32, #tpu.memory_space<vmem>>, vector<1x1x16xf32>,
        %mul3A_900 = arith.constant 8 : i32
        %mul3A_901 = arith.muli %scan3A_271, %mul3A_900 : i32
        %add3A_902 = arith.constant 7 : i32
        %add3A_903 = arith.addi %mul3A_901, %add3A_902 : i32
        %get3A_904 = arith.constant 0 : i32
        %get3A_905 = arith.index_cast %get3A_904 : i32 to index
        %get3A_906 = arith.index_cast %add3A_903 : i32 to index
        %get3A_907 = arith.constant 32 : index
        %get3A_908 = tpu.vector_load %arg6[%get3A_905, %get3A_906, %get3A_907] {strides = array<i32>} : memref<3x128x128xf32, #tpu.memory_space<vmem>>, vector<1x1x16xf32>,
        %get3A_909 = vector.shape_cast %get3A_908 : vector<1x1x16xf32> to vector<16xf32>
        %mul3A_910 = arith.constant 8 : i32
        %mul3A_911 = arith.muli %scan3A_271, %mul3A_910 : i32
        %add3A_912 = arith.constant 7 : i32
        %add3A_913 = arith.addi %mul3A_911, %add3A_912 : i32
        %swap3A_914 = arith.constant 0 : i32
        %swap3A_915 = arith.index_cast %swap3A_914 : i32 to index
        %swap3A_916 = arith.index_cast %add3A_913 : i32 to index
        %swap3A_917 = arith.constant 32 : index
        %swap3A_918 = tpu.vector_load %arg7[%swap3A_915, %swap3A_916, %swap3A_917] {strides = array<i32>} : memref<3x128x64xf32, #tpu.memory_space<vmem>>, vector<1x1x16xf32>,
        %swap3A_919 = vector.shape_cast %swap3A_918 : vector<1x1x16xf32> to vector<16xf32>
        %swap3A_920 = vector.shape_cast %get3A_909 : vector<16xf32> to vector<1x1x16xf32>
        tpu.vector_store %arg7[%swap3A_915, %swap3A_916, %swap3A_917], %swap3A_920 {strides = array<i32>} : memref<3x128x64xf32, #tpu.memory_space<vmem>>, vector<1x1x16xf32>,
        %mul3A_921 = arith.constant 8 : i32
        %mul3A_922 = arith.muli %scan3A_271, %mul3A_921 : i32
        %add3A_923 = arith.constant 7 : i32
        %add3A_924 = arith.addi %mul3A_922, %add3A_923 : i32
        %get3A_925 = arith.constant 0 : i32
        %get3A_926 = arith.index_cast %get3A_925 : i32 to index
        %get3A_927 = arith.index_cast %add3A_924 : i32 to index
        %get3A_928 = arith.constant 48 : index
        %get3A_929 = tpu.vector_load %arg6[%get3A_926, %get3A_927, %get3A_928] {strides = array<i32>} : memref<3x128x128xf32, #tpu.memory_space<vmem>>, vector<1x1x16xf32>,
        %get3A_930 = vector.shape_cast %get3A_929 : vector<1x1x16xf32> to vector<16xf32>
        %mul3A_931 = arith.constant 8 : i32
        %mul3A_932 = arith.muli %scan3A_271, %mul3A_931 : i32
        %add3A_933 = arith.constant 7 : i32
        %add3A_934 = arith.addi %mul3A_932, %add3A_933 : i32
        %swap3A_935 = arith.constant 0 : i32
        %swap3A_936 = arith.index_cast %swap3A_935 : i32 to index
        %swap3A_937 = arith.index_cast %add3A_934 : i32 to index
        %swap3A_938 = arith.constant 48 : index
        %swap3A_939 = tpu.vector_load %arg7[%swap3A_936, %swap3A_937, %swap3A_938] {strides = array<i32>} : memref<3x128x64xf32, #tpu.memory_space<vmem>>, vector<1x1x16xf32>,
        %swap3A_940 = vector.shape_cast %swap3A_939 : vector<1x1x16xf32> to vector<16xf32>
        %swap3A_941 = vector.shape_cast %get3A_930 : vector<16xf32> to vector<1x1x16xf32>
        tpu.vector_store %arg7[%swap3A_936, %swap3A_937, %swap3A_938], %swap3A_941 {strides = array<i32>} : memref<3x128x64xf32, #tpu.memory_space<vmem>>, vector<1x1x16xf32>,
      }
      %scan3A_150 = arith.constant 16 : i32
      %mul3A_151 = arith.constant 128 : i32
      %mul3A_152 = arith.muli %add3A_131, %mul3A_151 : i32
      %add3A_153 = arith.addi %mul3A_2, %mul3A_152 : i32
      %dma_start3A_154 = arith.constant 0 : i32
      %dma_start3A_155 = arith.constant 0 : i32
      %dma_start3A_156 = arith.constant 0 : i32
      %dma_start3A_157 = tpu.memref_slice %arg7[%dma_start3A_154, %dma_start3A_155, %dma_start3A_156] : memref<3x128x64xf32, #tpu.memory_space<vmem>> -> memref<1x128x64xf32, #tpu.memory_space<vmem>>
      %dma_start3A_158 = tpu.memref_squeeze %dma_start3A_157 : memref<1x128x64xf32, #tpu.memory_space<vmem>> -> memref<128x64xf32, #tpu.memory_space<vmem>>
      %dma_start3A_159 = arith.constant 0 : i32
      %dma_start3A_160 = tpu.memref_slice %arg4[%add3A_153, %dma_start3A_159] : memref<320000x64xf32, #tpu.memory_space<hbm>> -> memref<128x64xf32, #tpu.memory_space<hbm>>
      %dma_start3A_161 = arith.constant 0 : i32
      %dma_start3A_162 = tpu.memref_slice %arg4[%add3A_153, %dma_start3A_161] : memref<320000x64xf32, #tpu.memory_space<hbm>> -> memref<128x64xf32, #tpu.memory_space<hbm>>
      %dma_start3A_163 = arith.constant 0 : i32
      %dma_start3A_164 = arith.constant 0 : i32
      %dma_start3A_165 = tpu.memref_slice %arg7[%dma_start3A_154, %dma_start3A_163, %dma_start3A_164] : memref<3x128x64xf32, #tpu.memory_space<vmem>> -> memref<1x128x64xf32, #tpu.memory_space<vmem>>
      %dma_start3A_166 = tpu.memref_squeeze %dma_start3A_165 : memref<1x128x64xf32, #tpu.memory_space<vmem>> -> memref<128x64xf32, #tpu.memory_space<vmem>>
      tpu.enqueue_dma source(%dma_start3A_166 : memref<128x64xf32, #tpu.memory_space<vmem>>) target(%dma_start3A_162 : memref<128x64xf32, #tpu.memory_space<hbm>>) target_semaphore(%arg11 : memref<!tpu.dma_semaphore, #tpu.memory_space<semaphore_mem>>)
      %add3A_167 = arith.constant 3 : i32
      %add3A_168 = arith.addi %add3A_131, %add3A_167 : i32
      %lt3A = arith.constant 79 : i32
      %lt3A_169 = arith.cmpi slt, %add3A_168, %lt3A : i32
      %convert_element_type3A_170 = arith.extui %lt3A_169 : i1 to i32
      %cond3A_171 = arith.constant 0 : i32
      %cond3A_172 = arith.cmpi ne, %convert_element_type3A_170, %cond3A_171 : i32
      scf.if %cond3A_172 {
        %add3A_271 = arith.constant 3 : i32
        %add3A_272 = arith.addi %add3A_131, %add3A_271 : i32
        %dma_start3A_273 = arith.constant 0 : i32
        %dma_start3A_274 = arith.constant 0 : i32
        %dma_start3A_275 = arith.constant 0 : i32
        %dma_start3A_276 = tpu.memref_slice %arg6[%dma_start3A_273, %dma_start3A_274, %dma_start3A_275] : memref<3x128x128xf32, #tpu.memory_space<vmem>> -> memref<1x128x128xf32, #tpu.memory_space<vmem>>
        %dma_start3A_277 = tpu.memref_squeeze %dma_start3A_276 : memref<1x128x128xf32, #tpu.memory_space<vmem>> -> memref<128x128xf32, #tpu.memory_space<vmem>>
        %dma_start3A_278 = arith.constant 0 : i32
        %dma_start3A_279 = tpu.memref_slice %arg5[%add3A_272, %dma_start3A_278] : memref<79x128xi32, #tpu.memory_space<vmem>> -> memref<1x128xi32, #tpu.memory_space<vmem>>
        %dma_start3A_280 = tpu.memref_squeeze %dma_start3A_279 : memref<1x128xi32, #tpu.memory_space<vmem>> -> memref<128xi32, #tpu.memory_space<vmem>>
        %dma_start3A_281 = arith.constant 0 : i32
        %dma_start3A_282 = arith.constant 0 : i32
        %dma_start3A_283 = tpu.memref_slice %arg2[%dma_start3A_281, %dma_start3A_282] : memref<10240x128xf32, #tpu.memory_space<hbm>> -> memref<10240x128xf32, #tpu.memory_space<hbm>>
        tpu.enqueue_indirect_dma source(%dma_start3A_283 : memref<10240x128xf32, #tpu.memory_space<hbm>>) target(%dma_start3A_277 : memref<128x128xf32, #tpu.memory_space<vmem>>) offsets(%dma_start3A_280 : memref<128xi32, #tpu.memory_space<vmem>>) semaphore(%arg8 : memref<!tpu.dma_semaphore, #tpu.memory_space<semaphore_mem>>)
      } else {
      }
      %mul3A_173 = arith.constant 3 : i32
      %mul3A_174 = arith.muli %mul3A_173, %scan3A_127 : i32
      %add3A_175 = arith.constant 1 : i32
      %add3A_176 = arith.addi %mul3A_174, %add3A_175 : i32
      %dma_wait3A_177 = arith.constant 1 : i32
      %dma_wait3A_178 = arith.constant 0 : i32
      %dma_wait3A_179 = arith.constant 0 : i32
      %dma_wait3A_180 = tpu.memref_slice %arg6[%dma_wait3A_177, %dma_wait3A_178, %dma_wait3A_179] : memref<3x128x128xf32, #tpu.memory_space<vmem>> -> memref<1x128x128xf32, #tpu.memory_space<vmem>>
      %dma_wait3A_181 = tpu.memref_squeeze %dma_wait3A_180 : memref<1x128x128xf32, #tpu.memory_space<vmem>> -> memref<128x128xf32, #tpu.memory_space<vmem>>
      %dma_wait3A_182 = arith.constant 0 : i32
      %dma_wait3A_183 = tpu.memref_slice %arg5[%add3A_176, %dma_wait3A_182] : memref<79x128xi32, #tpu.memory_space<vmem>> -> memref<1x128xi32, #tpu.memory_space<vmem>>
      %dma_wait3A_184 = tpu.memref_squeeze %dma_wait3A_183 : memref<1x128xi32, #tpu.memory_space<vmem>> -> memref<128xi32, #tpu.memory_space<vmem>>
      %dma_wait3A_185 = arith.constant 0 : i32
      %dma_wait3A_186 = arith.constant 0 : i32
      %dma_wait3A_187 = tpu.memref_slice %arg2[%dma_wait3A_185, %dma_wait3A_186] : memref<10240x128xf32, #tpu.memory_space<hbm>> -> memref<10240x128xf32, #tpu.memory_space<hbm>>
      tpu.wait_indirect_dma semaphore(%arg9 : memref<!tpu.dma_semaphore, #tpu.memory_space<semaphore_mem>>) src(%dma_wait3A_187 : memref<10240x128xf32, #tpu.memory_space<hbm>>) dst(%dma_wait3A_181 : memref<128x128xf32, #tpu.memory_space<vmem>>)
      %ge3A_188 = arith.constant 1 : i32
      %ge3A_189 = arith.cmpi sge, %scan3A_127, %ge3A_188 : i32
      %convert_element_type3A_190 = arith.extui %ge3A_189 : i1 to i32
      %cond3A_191 = arith.constant 0 : i32
      %cond3A_192 = arith.cmpi ne, %convert_element_type3A_190, %cond3A_191 : i32
      scf.if %cond3A_192 {
        %dma_wait3A_271 = arith.constant 1 : i32
        %dma_wait3A_272 = arith.constant 0 : i32
        %dma_wait3A_273 = arith.constant 0 : i32
        %dma_wait3A_274 = tpu.memref_slice %arg7[%dma_wait3A_271, %dma_wait3A_272, %dma_wait3A_273] : memref<3x128x64xf32, #tpu.memory_space<vmem>> -> memref<1x128x64xf32, #tpu.memory_space<vmem>>
        %dma_wait3A_275 = tpu.memref_squeeze %dma_wait3A_274 : memref<1x128x64xf32, #tpu.memory_space<vmem>> -> memref<128x64xf32, #tpu.memory_space<vmem>>
        %dma_wait3A_276 = arith.constant 0 : i32
        %dma_wait3A_277 = tpu.memref_slice %arg4[%mul3A_2, %dma_wait3A_276] : memref<320000x64xf32, #tpu.memory_space<hbm>> -> memref<128x64xf32, #tpu.memory_space<hbm>>
        %dma_wait3A_278 = arith.constant 0 : i32
        %dma_wait3A_279 = tpu.memref_slice %arg4[%mul3A_2, %dma_wait3A_278] : memref<320000x64xf32, #tpu.memory_space<hbm>> -> memref<128x64xf32, #tpu.memory_space<hbm>>
        %dma_wait3A_280 = arith.constant 0 : i32
        %dma_wait3A_281 = arith.constant 0 : i32
        %dma_wait3A_282 = tpu.memref_slice %arg7[%dma_wait3A_271, %dma_wait3A_280, %dma_wait3A_281] : memref<3x128x64xf32, #tpu.memory_space<vmem>> -> memref<1x128x64xf32, #tpu.memory_space<vmem>>
        %dma_wait3A_283 = tpu.memref_squeeze %dma_wait3A_282 : memref<1x128x64xf32, #tpu.memory_space<vmem>> -> memref<128x64xf32, #tpu.memory_space<vmem>>
        tpu.wait_dma2 semaphore(%arg12 : memref<!tpu.dma_semaphore, #tpu.memory_space<semaphore_mem>>) src(%dma_wait3A_283 : memref<128x64xf32, #tpu.memory_space<vmem>>) dst(%dma_wait3A_279 : memref<128x64xf32, #tpu.memory_space<hbm>>)
      } else {
      }
      %scan3A_193 = arith.constant 0 : i32
      %scan3A_194 = arith.constant 0 : i32
      %scan3A_195 = arith.constant 16 : i32
      %scan3A_196 = arith.addi %scan3A_194, %scan3A_195 : i32
      %scan3A_197 = arith.constant 1 : i32
      scf.for %scan3A_271 = %scan3A_194 to %scan3A_196 step %scan3A_197  : i32 {
        %mul3A_272 = arith.constant 8 : i32
        %mul3A_273 = arith.muli %scan3A_271, %mul3A_272 : i32
        %add3A_274 = arith.constant 0 : i32
        %add3A_275 = arith.addi %mul3A_273, %add3A_274 : i32
        %get3A = arith.constant 1 : i32
        %get3A_276 = arith.index_cast %get3A : i32 to index
        %get3A_277 = arith.index_cast %add3A_275 : i32 to index
        %get3A_278 = arith.constant 0 : index
        %get3A_279 = tpu.vector_load %arg6[%get3A_276, %get3A_277, %get3A_278] {strides = array<i32>} : memref<3x128x128xf32, #tpu.memory_space<vmem>>, vector<1x1x16xf32>,
        %get3A_280 = vector.shape_cast %get3A_279 : vector<1x1x16xf32> to vector<16xf32>
        %mul3A_281 = arith.constant 8 : i32
        %mul3A_282 = arith.muli %scan3A_271, %mul3A_281 : i32
        %add3A_283 = arith.constant 0 : i32
        %add3A_284 = arith.addi %mul3A_282, %add3A_283 : i32
        %swap3A = arith.constant 1 : i32
        %swap3A_285 = arith.index_cast %swap3A : i32 to index
        %swap3A_286 = arith.index_cast %add3A_284 : i32 to index
        %swap3A_287 = arith.constant 0 : index
        %swap3A_288 = tpu.vector_load %arg7[%swap3A_285, %swap3A_286, %swap3A_287] {strides = array<i32>} : memref<3x128x64xf32, #tpu.memory_space<vmem>>, vector<1x1x16xf32>,
        %swap3A_289 = vector.shape_cast %swap3A_288 : vector<1x1x16xf32> to vector<16xf32>
        %swap3A_290 = vector.shape_cast %get3A_280 : vector<16xf32> to vector<1x1x16xf32>
        tpu.vector_store %arg7[%swap3A_285, %swap3A_286, %swap3A_287], %swap3A_290 {strides = array<i32>} : memref<3x128x64xf32, #tpu.memory_space<vmem>>, vector<1x1x16xf32>,
        %mul3A_291 = arith.constant 8 : i32
        %mul3A_292 = arith.muli %scan3A_271, %mul3A_291 : i32
        %add3A_293 = arith.constant 0 : i32
        %add3A_294 = arith.addi %mul3A_292, %add3A_293 : i32
        %get3A_295 = arith.constant 1 : i32
        %get3A_296 = arith.index_cast %get3A_295 : i32 to index
        %get3A_297 = arith.index_cast %add3A_294 : i32 to index
        %get3A_298 = arith.constant 16 : index
        %get3A_299 = tpu.vector_load %arg6[%get3A_296, %get3A_297, %get3A_298] {strides = array<i32>} : memref<3x128x128xf32, #tpu.memory_space<vmem>>, vector<1x1x16xf32>,
        %get3A_300 = vector.shape_cast %get3A_299 : vector<1x1x16xf32> to vector<16xf32>
        %mul3A_301 = arith.constant 8 : i32
        %mul3A_302 = arith.muli %scan3A_271, %mul3A_301 : i32
        %add3A_303 = arith.constant 0 : i32
        %add3A_304 = arith.addi %mul3A_302, %add3A_303 : i32
        %swap3A_305 = arith.constant 1 : i32
        %swap3A_306 = arith.index_cast %swap3A_305 : i32 to index
        %swap3A_307 = arith.index_cast %add3A_304 : i32 to index
        %swap3A_308 = arith.constant 16 : index
        %swap3A_309 = tpu.vector_load %arg7[%swap3A_306, %swap3A_307, %swap3A_308] {strides = array<i32>} : memref<3x128x64xf32, #tpu.memory_space<vmem>>, vector<1x1x16xf32>,
        %swap3A_310 = vector.shape_cast %swap3A_309 : vector<1x1x16xf32> to vector<16xf32>
        %swap3A_311 = vector.shape_cast %get3A_300 : vector<16xf32> to vector<1x1x16xf32>
        tpu.vector_store %arg7[%swap3A_306, %swap3A_307, %swap3A_308], %swap3A_311 {strides = array<i32>} : memref<3x128x64xf32, #tpu.memory_space<vmem>>, vector<1x1x16xf32>,
        %mul3A_312 = arith.constant 8 : i32
        %mul3A_313 = arith.muli %scan3A_271, %mul3A_312 : i32
        %add3A_314 = arith.constant 0 : i32
        %add3A_315 = arith.addi %mul3A_313, %add3A_314 : i32
        %get3A_316 = arith.constant 1 : i32
        %get3A_317 = arith.index_cast %get3A_316 : i32 to index
        %get3A_318 = arith.index_cast %add3A_315 : i32 to index
        %get3A_319 = arith.constant 32 : index
        %get3A_320 = tpu.vector_load %arg6[%get3A_317, %get3A_318, %get3A_319] {strides = array<i32>} : memref<3x128x128xf32, #tpu.memory_space<vmem>>, vector<1x1x16xf32>,
        %get3A_321 = vector.shape_cast %get3A_320 : vector<1x1x16xf32> to vector<16xf32>
        %mul3A_322 = arith.constant 8 : i32
        %mul3A_323 = arith.muli %scan3A_271, %mul3A_322 : i32
        %add3A_324 = arith.constant 0 : i32
        %add3A_325 = arith.addi %mul3A_323, %add3A_324 : i32
        %swap3A_326 = arith.constant 1 : i32
        %swap3A_327 = arith.index_cast %swap3A_326 : i32 to index
        %swap3A_328 = arith.index_cast %add3A_325 : i32 to index
        %swap3A_329 = arith.constant 32 : index
        %swap3A_330 = tpu.vector_load %arg7[%swap3A_327, %swap3A_328, %swap3A_329] {strides = array<i32>} : memref<3x128x64xf32, #tpu.memory_space<vmem>>, vector<1x1x16xf32>,
        %swap3A_331 = vector.shape_cast %swap3A_330 : vector<1x1x16xf32> to vector<16xf32>
        %swap3A_332 = vector.shape_cast %get3A_321 : vector<16xf32> to vector<1x1x16xf32>
        tpu.vector_store %arg7[%swap3A_327, %swap3A_328, %swap3A_329], %swap3A_332 {strides = array<i32>} : memref<3x128x64xf32, #tpu.memory_space<vmem>>, vector<1x1x16xf32>,
        %mul3A_333 = arith.constant 8 : i32
        %mul3A_334 = arith.muli %scan3A_271, %mul3A_333 : i32
        %add3A_335 = arith.constant 0 : i32
        %add3A_336 = arith.addi %mul3A_334, %add3A_335 : i32
        %get3A_337 = arith.constant 1 : i32
        %get3A_338 = arith.index_cast %get3A_337 : i32 to index
        %get3A_339 = arith.index_cast %add3A_336 : i32 to index
        %get3A_340 = arith.constant 48 : index
        %get3A_341 = tpu.vector_load %arg6[%get3A_338, %get3A_339, %get3A_340] {strides = array<i32>} : memref<3x128x128xf32, #tpu.memory_space<vmem>>, vector<1x1x16xf32>,
        %get3A_342 = vector.shape_cast %get3A_341 : vector<1x1x16xf32> to vector<16xf32>
        %mul3A_343 = arith.constant 8 : i32
        %mul3A_344 = arith.muli %scan3A_271, %mul3A_343 : i32
        %add3A_345 = arith.constant 0 : i32
        %add3A_346 = arith.addi %mul3A_344, %add3A_345 : i32
        %swap3A_347 = arith.constant 1 : i32
        %swap3A_348 = arith.index_cast %swap3A_347 : i32 to index
        %swap3A_349 = arith.index_cast %add3A_346 : i32 to index
        %swap3A_350 = arith.constant 48 : index
        %swap3A_351 = tpu.vector_load %arg7[%swap3A_348, %swap3A_349, %swap3A_350] {strides = array<i32>} : memref<3x128x64xf32, #tpu.memory_space<vmem>>, vector<1x1x16xf32>,
        %swap3A_352 = vector.shape_cast %swap3A_351 : vector<1x1x16xf32> to vector<16xf32>
        %swap3A_353 = vector.shape_cast %get3A_342 : vector<16xf32> to vector<1x1x16xf32>
        tpu.vector_store %arg7[%swap3A_348, %swap3A_349, %swap3A_350], %swap3A_353 {strides = array<i32>} : memref<3x128x64xf32, #tpu.memory_space<vmem>>, vector<1x1x16xf32>,
        %mul3A_354 = arith.constant 8 : i32
        %mul3A_355 = arith.muli %scan3A_271, %mul3A_354 : i32
        %add3A_356 = arith.constant 1 : i32
        %add3A_357 = arith.addi %mul3A_355, %add3A_356 : i32
        %get3A_358 = arith.constant 1 : i32
        %get3A_359 = arith.index_cast %get3A_358 : i32 to index
        %get3A_360 = arith.index_cast %add3A_357 : i32 to index
        %get3A_361 = arith.constant 0 : index
        %get3A_362 = tpu.vector_load %arg6[%get3A_359, %get3A_360, %get3A_361] {strides = array<i32>} : memref<3x128x128xf32, #tpu.memory_space<vmem>>, vector<1x1x16xf32>,
        %get3A_363 = vector.shape_cast %get3A_362 : vector<1x1x16xf32> to vector<16xf32>
        %mul3A_364 = arith.constant 8 : i32
        %mul3A_365 = arith.muli %scan3A_271, %mul3A_364 : i32
        %add3A_366 = arith.constant 1 : i32
        %add3A_367 = arith.addi %mul3A_365, %add3A_366 : i32
        %swap3A_368 = arith.constant 1 : i32
        %swap3A_369 = arith.index_cast %swap3A_368 : i32 to index
        %swap3A_370 = arith.index_cast %add3A_367 : i32 to index
        %swap3A_371 = arith.constant 0 : index
        %swap3A_372 = tpu.vector_load %arg7[%swap3A_369, %swap3A_370, %swap3A_371] {strides = array<i32>} : memref<3x128x64xf32, #tpu.memory_space<vmem>>, vector<1x1x16xf32>,
        %swap3A_373 = vector.shape_cast %swap3A_372 : vector<1x1x16xf32> to vector<16xf32>
        %swap3A_374 = vector.shape_cast %get3A_363 : vector<16xf32> to vector<1x1x16xf32>
        tpu.vector_store %arg7[%swap3A_369, %swap3A_370, %swap3A_371], %swap3A_374 {strides = array<i32>} : memref<3x128x64xf32, #tpu.memory_space<vmem>>, vector<1x1x16xf32>,
        %mul3A_375 = arith.constant 8 : i32
        %mul3A_376 = arith.muli %scan3A_271, %mul3A_375 : i32
        %add3A_377 = arith.constant 1 : i32
        %add3A_378 = arith.addi %mul3A_376, %add3A_377 : i32
        %get3A_379 = arith.constant 1 : i32
        %get3A_380 = arith.index_cast %get3A_379 : i32 to index
        %get3A_381 = arith.index_cast %add3A_378 : i32 to index
        %get3A_382 = arith.constant 16 : index
        %get3A_383 = tpu.vector_load %arg6[%get3A_380, %get3A_381, %get3A_382] {strides = array<i32>} : memref<3x128x128xf32, #tpu.memory_space<vmem>>, vector<1x1x16xf32>,
        %get3A_384 = vector.shape_cast %get3A_383 : vector<1x1x16xf32> to vector<16xf32>
        %mul3A_385 = arith.constant 8 : i32
        %mul3A_386 = arith.muli %scan3A_271, %mul3A_385 : i32
        %add3A_387 = arith.constant 1 : i32
        %add3A_388 = arith.addi %mul3A_386, %add3A_387 : i32
        %swap3A_389 = arith.constant 1 : i32
        %swap3A_390 = arith.index_cast %swap3A_389 : i32 to index
        %swap3A_391 = arith.index_cast %add3A_388 : i32 to index
        %swap3A_392 = arith.constant 16 : index
        %swap3A_393 = tpu.vector_load %arg7[%swap3A_390, %swap3A_391, %swap3A_392] {strides = array<i32>} : memref<3x128x64xf32, #tpu.memory_space<vmem>>, vector<1x1x16xf32>,
        %swap3A_394 = vector.shape_cast %swap3A_393 : vector<1x1x16xf32> to vector<16xf32>
        %swap3A_395 = vector.shape_cast %get3A_384 : vector<16xf32> to vector<1x1x16xf32>
        tpu.vector_store %arg7[%swap3A_390, %swap3A_391, %swap3A_392], %swap3A_395 {strides = array<i32>} : memref<3x128x64xf32, #tpu.memory_space<vmem>>, vector<1x1x16xf32>,
        %mul3A_396 = arith.constant 8 : i32
        %mul3A_397 = arith.muli %scan3A_271, %mul3A_396 : i32
        %add3A_398 = arith.constant 1 : i32
        %add3A_399 = arith.addi %mul3A_397, %add3A_398 : i32
        %get3A_400 = arith.constant 1 : i32
        %get3A_401 = arith.index_cast %get3A_400 : i32 to index
        %get3A_402 = arith.index_cast %add3A_399 : i32 to index
        %get3A_403 = arith.constant 32 : index
        %get3A_404 = tpu.vector_load %arg6[%get3A_401, %get3A_402, %get3A_403] {strides = array<i32>} : memref<3x128x128xf32, #tpu.memory_space<vmem>>, vector<1x1x16xf32>,
        %get3A_405 = vector.shape_cast %get3A_404 : vector<1x1x16xf32> to vector<16xf32>
        %mul3A_406 = arith.constant 8 : i32
        %mul3A_407 = arith.muli %scan3A_271, %mul3A_406 : i32
        %add3A_408 = arith.constant 1 : i32
        %add3A_409 = arith.addi %mul3A_407, %add3A_408 : i32
        %swap3A_410 = arith.constant 1 : i32
        %swap3A_411 = arith.index_cast %swap3A_410 : i32 to index
        %swap3A_412 = arith.index_cast %add3A_409 : i32 to index
        %swap3A_413 = arith.constant 32 : index
        %swap3A_414 = tpu.vector_load %arg7[%swap3A_411, %swap3A_412, %swap3A_413] {strides = array<i32>} : memref<3x128x64xf32, #tpu.memory_space<vmem>>, vector<1x1x16xf32>,
        %swap3A_415 = vector.shape_cast %swap3A_414 : vector<1x1x16xf32> to vector<16xf32>
        %swap3A_416 = vector.shape_cast %get3A_405 : vector<16xf32> to vector<1x1x16xf32>
        tpu.vector_store %arg7[%swap3A_411, %swap3A_412, %swap3A_413], %swap3A_416 {strides = array<i32>} : memref<3x128x64xf32, #tpu.memory_space<vmem>>, vector<1x1x16xf32>,
        %mul3A_417 = arith.constant 8 : i32
        %mul3A_418 = arith.muli %scan3A_271, %mul3A_417 : i32
        %add3A_419 = arith.constant 1 : i32
        %add3A_420 = arith.addi %mul3A_418, %add3A_419 : i32
        %get3A_421 = arith.constant 1 : i32
        %get3A_422 = arith.index_cast %get3A_421 : i32 to index
        %get3A_423 = arith.index_cast %add3A_420 : i32 to index
        %get3A_424 = arith.constant 48 : index
        %get3A_425 = tpu.vector_load %arg6[%get3A_422, %get3A_423, %get3A_424] {strides = array<i32>} : memref<3x128x128xf32, #tpu.memory_space<vmem>>, vector<1x1x16xf32>,
        %get3A_426 = vector.shape_cast %get3A_425 : vector<1x1x16xf32> to vector<16xf32>
        %mul3A_427 = arith.constant 8 : i32
        %mul3A_428 = arith.muli %scan3A_271, %mul3A_427 : i32
        %add3A_429 = arith.constant 1 : i32
        %add3A_430 = arith.addi %mul3A_428, %add3A_429 : i32
        %swap3A_431 = arith.constant 1 : i32
        %swap3A_432 = arith.index_cast %swap3A_431 : i32 to index
        %swap3A_433 = arith.index_cast %add3A_430 : i32 to index
        %swap3A_434 = arith.constant 48 : index
        %swap3A_435 = tpu.vector_load %arg7[%swap3A_432, %swap3A_433, %swap3A_434] {strides = array<i32>} : memref<3x128x64xf32, #tpu.memory_space<vmem>>, vector<1x1x16xf32>,
        %swap3A_436 = vector.shape_cast %swap3A_435 : vector<1x1x16xf32> to vector<16xf32>
        %swap3A_437 = vector.shape_cast %get3A_426 : vector<16xf32> to vector<1x1x16xf32>
        tpu.vector_store %arg7[%swap3A_432, %swap3A_433, %swap3A_434], %swap3A_437 {strides = array<i32>} : memref<3x128x64xf32, #tpu.memory_space<vmem>>, vector<1x1x16xf32>,
        %mul3A_438 = arith.constant 8 : i32
        %mul3A_439 = arith.muli %scan3A_271, %mul3A_438 : i32
        %add3A_440 = arith.constant 2 : i32
        %add3A_441 = arith.addi %mul3A_439, %add3A_440 : i32
        %get3A_442 = arith.constant 1 : i32
        %get3A_443 = arith.index_cast %get3A_442 : i32 to index
        %get3A_444 = arith.index_cast %add3A_441 : i32 to index
        %get3A_445 = arith.constant 0 : index
        %get3A_446 = tpu.vector_load %arg6[%get3A_443, %get3A_444, %get3A_445] {strides = array<i32>} : memref<3x128x128xf32, #tpu.memory_space<vmem>>, vector<1x1x16xf32>,
        %get3A_447 = vector.shape_cast %get3A_446 : vector<1x1x16xf32> to vector<16xf32>
        %mul3A_448 = arith.constant 8 : i32
        %mul3A_449 = arith.muli %scan3A_271, %mul3A_448 : i32
        %add3A_450 = arith.constant 2 : i32
        %add3A_451 = arith.addi %mul3A_449, %add3A_450 : i32
        %swap3A_452 = arith.constant 1 : i32
        %swap3A_453 = arith.index_cast %swap3A_452 : i32 to index
        %swap3A_454 = arith.index_cast %add3A_451 : i32 to index
        %swap3A_455 = arith.constant 0 : index
        %swap3A_456 = tpu.vector_load %arg7[%swap3A_453, %swap3A_454, %swap3A_455] {strides = array<i32>} : memref<3x128x64xf32, #tpu.memory_space<vmem>>, vector<1x1x16xf32>,
        %swap3A_457 = vector.shape_cast %swap3A_456 : vector<1x1x16xf32> to vector<16xf32>
        %swap3A_458 = vector.shape_cast %get3A_447 : vector<16xf32> to vector<1x1x16xf32>
        tpu.vector_store %arg7[%swap3A_453, %swap3A_454, %swap3A_455], %swap3A_458 {strides = array<i32>} : memref<3x128x64xf32, #tpu.memory_space<vmem>>, vector<1x1x16xf32>,
        %mul3A_459 = arith.constant 8 : i32
        %mul3A_460 = arith.muli %scan3A_271, %mul3A_459 : i32
        %add3A_461 = arith.constant 2 : i32
        %add3A_462 = arith.addi %mul3A_460, %add3A_461 : i32
        %get3A_463 = arith.constant 1 : i32
        %get3A_464 = arith.index_cast %get3A_463 : i32 to index
        %get3A_465 = arith.index_cast %add3A_462 : i32 to index
        %get3A_466 = arith.constant 16 : index
        %get3A_467 = tpu.vector_load %arg6[%get3A_464, %get3A_465, %get3A_466] {strides = array<i32>} : memref<3x128x128xf32, #tpu.memory_space<vmem>>, vector<1x1x16xf32>,
        %get3A_468 = vector.shape_cast %get3A_467 : vector<1x1x16xf32> to vector<16xf32>
        %mul3A_469 = arith.constant 8 : i32
        %mul3A_470 = arith.muli %scan3A_271, %mul3A_469 : i32
        %add3A_471 = arith.constant 2 : i32
        %add3A_472 = arith.addi %mul3A_470, %add3A_471 : i32
        %swap3A_473 = arith.constant 1 : i32
        %swap3A_474 = arith.index_cast %swap3A_473 : i32 to index
        %swap3A_475 = arith.index_cast %add3A_472 : i32 to index
        %swap3A_476 = arith.constant 16 : index
        %swap3A_477 = tpu.vector_load %arg7[%swap3A_474, %swap3A_475, %swap3A_476] {strides = array<i32>} : memref<3x128x64xf32, #tpu.memory_space<vmem>>, vector<1x1x16xf32>,
        %swap3A_478 = vector.shape_cast %swap3A_477 : vector<1x1x16xf32> to vector<16xf32>
        %swap3A_479 = vector.shape_cast %get3A_468 : vector<16xf32> to vector<1x1x16xf32>
        tpu.vector_store %arg7[%swap3A_474, %swap3A_475, %swap3A_476], %swap3A_479 {strides = array<i32>} : memref<3x128x64xf32, #tpu.memory_space<vmem>>, vector<1x1x16xf32>,
        %mul3A_480 = arith.constant 8 : i32
        %mul3A_481 = arith.muli %scan3A_271, %mul3A_480 : i32
        %add3A_482 = arith.constant 2 : i32
        %add3A_483 = arith.addi %mul3A_481, %add3A_482 : i32
        %get3A_484 = arith.constant 1 : i32
        %get3A_485 = arith.index_cast %get3A_484 : i32 to index
        %get3A_486 = arith.index_cast %add3A_483 : i32 to index
        %get3A_487 = arith.constant 32 : index
        %get3A_488 = tpu.vector_load %arg6[%get3A_485, %get3A_486, %get3A_487] {strides = array<i32>} : memref<3x128x128xf32, #tpu.memory_space<vmem>>, vector<1x1x16xf32>,
        %get3A_489 = vector.shape_cast %get3A_488 : vector<1x1x16xf32> to vector<16xf32>
        %mul3A_490 = arith.constant 8 : i32
        %mul3A_491 = arith.muli %scan3A_271, %mul3A_490 : i32
        %add3A_492 = arith.constant 2 : i32
        %add3A_493 = arith.addi %mul3A_491, %add3A_492 : i32
        %swap3A_494 = arith.constant 1 : i32
        %swap3A_495 = arith.index_cast %swap3A_494 : i32 to index
        %swap3A_496 = arith.index_cast %add3A_493 : i32 to index
        %swap3A_497 = arith.constant 32 : index
        %swap3A_498 = tpu.vector_load %arg7[%swap3A_495, %swap3A_496, %swap3A_497] {strides = array<i32>} : memref<3x128x64xf32, #tpu.memory_space<vmem>>, vector<1x1x16xf32>,
        %swap3A_499 = vector.shape_cast %swap3A_498 : vector<1x1x16xf32> to vector<16xf32>
        %swap3A_500 = vector.shape_cast %get3A_489 : vector<16xf32> to vector<1x1x16xf32>
        tpu.vector_store %arg7[%swap3A_495, %swap3A_496, %swap3A_497], %swap3A_500 {strides = array<i32>} : memref<3x128x64xf32, #tpu.memory_space<vmem>>, vector<1x1x16xf32>,
        %mul3A_501 = arith.constant 8 : i32
        %mul3A_502 = arith.muli %scan3A_271, %mul3A_501 : i32
        %add3A_503 = arith.constant 2 : i32
        %add3A_504 = arith.addi %mul3A_502, %add3A_503 : i32
        %get3A_505 = arith.constant 1 : i32
        %get3A_506 = arith.index_cast %get3A_505 : i32 to index
        %get3A_507 = arith.index_cast %add3A_504 : i32 to index
        %get3A_508 = arith.constant 48 : index
        %get3A_509 = tpu.vector_load %arg6[%get3A_506, %get3A_507, %get3A_508] {strides = array<i32>} : memref<3x128x128xf32, #tpu.memory_space<vmem>>, vector<1x1x16xf32>,
        %get3A_510 = vector.shape_cast %get3A_509 : vector<1x1x16xf32> to vector<16xf32>
        %mul3A_511 = arith.constant 8 : i32
        %mul3A_512 = arith.muli %scan3A_271, %mul3A_511 : i32
        %add3A_513 = arith.constant 2 : i32
        %add3A_514 = arith.addi %mul3A_512, %add3A_513 : i32
        %swap3A_515 = arith.constant 1 : i32
        %swap3A_516 = arith.index_cast %swap3A_515 : i32 to index
        %swap3A_517 = arith.index_cast %add3A_514 : i32 to index
        %swap3A_518 = arith.constant 48 : index
        %swap3A_519 = tpu.vector_load %arg7[%swap3A_516, %swap3A_517, %swap3A_518] {strides = array<i32>} : memref<3x128x64xf32, #tpu.memory_space<vmem>>, vector<1x1x16xf32>,
        %swap3A_520 = vector.shape_cast %swap3A_519 : vector<1x1x16xf32> to vector<16xf32>
        %swap3A_521 = vector.shape_cast %get3A_510 : vector<16xf32> to vector<1x1x16xf32>
        tpu.vector_store %arg7[%swap3A_516, %swap3A_517, %swap3A_518], %swap3A_521 {strides = array<i32>} : memref<3x128x64xf32, #tpu.memory_space<vmem>>, vector<1x1x16xf32>,
        %mul3A_522 = arith.constant 8 : i32
        %mul3A_523 = arith.muli %scan3A_271, %mul3A_522 : i32
        %add3A_524 = arith.constant 3 : i32
        %add3A_525 = arith.addi %mul3A_523, %add3A_524 : i32
        %get3A_526 = arith.constant 1 : i32
        %get3A_527 = arith.index_cast %get3A_526 : i32 to index
        %get3A_528 = arith.index_cast %add3A_525 : i32 to index
        %get3A_529 = arith.constant 0 : index
        %get3A_530 = tpu.vector_load %arg6[%get3A_527, %get3A_528, %get3A_529] {strides = array<i32>} : memref<3x128x128xf32, #tpu.memory_space<vmem>>, vector<1x1x16xf32>,
        %get3A_531 = vector.shape_cast %get3A_530 : vector<1x1x16xf32> to vector<16xf32>
        %mul3A_532 = arith.constant 8 : i32
        %mul3A_533 = arith.muli %scan3A_271, %mul3A_532 : i32
        %add3A_534 = arith.constant 3 : i32
        %add3A_535 = arith.addi %mul3A_533, %add3A_534 : i32
        %swap3A_536 = arith.constant 1 : i32
        %swap3A_537 = arith.index_cast %swap3A_536 : i32 to index
        %swap3A_538 = arith.index_cast %add3A_535 : i32 to index
        %swap3A_539 = arith.constant 0 : index
        %swap3A_540 = tpu.vector_load %arg7[%swap3A_537, %swap3A_538, %swap3A_539] {strides = array<i32>} : memref<3x128x64xf32, #tpu.memory_space<vmem>>, vector<1x1x16xf32>,
        %swap3A_541 = vector.shape_cast %swap3A_540 : vector<1x1x16xf32> to vector<16xf32>
        %swap3A_542 = vector.shape_cast %get3A_531 : vector<16xf32> to vector<1x1x16xf32>
        tpu.vector_store %arg7[%swap3A_537, %swap3A_538, %swap3A_539], %swap3A_542 {strides = array<i32>} : memref<3x128x64xf32, #tpu.memory_space<vmem>>, vector<1x1x16xf32>,
        %mul3A_543 = arith.constant 8 : i32
        %mul3A_544 = arith.muli %scan3A_271, %mul3A_543 : i32
        %add3A_545 = arith.constant 3 : i32
        %add3A_546 = arith.addi %mul3A_544, %add3A_545 : i32
        %get3A_547 = arith.constant 1 : i32
        %get3A_548 = arith.index_cast %get3A_547 : i32 to index
        %get3A_549 = arith.index_cast %add3A_546 : i32 to index
        %get3A_550 = arith.constant 16 : index
        %get3A_551 = tpu.vector_load %arg6[%get3A_548, %get3A_549, %get3A_550] {strides = array<i32>} : memref<3x128x128xf32, #tpu.memory_space<vmem>>, vector<1x1x16xf32>,
        %get3A_552 = vector.shape_cast %get3A_551 : vector<1x1x16xf32> to vector<16xf32>
        %mul3A_553 = arith.constant 8 : i32
        %mul3A_554 = arith.muli %scan3A_271, %mul3A_553 : i32
        %add3A_555 = arith.constant 3 : i32
        %add3A_556 = arith.addi %mul3A_554, %add3A_555 : i32
        %swap3A_557 = arith.constant 1 : i32
        %swap3A_558 = arith.index_cast %swap3A_557 : i32 to index
        %swap3A_559 = arith.index_cast %add3A_556 : i32 to index
        %swap3A_560 = arith.constant 16 : index
        %swap3A_561 = tpu.vector_load %arg7[%swap3A_558, %swap3A_559, %swap3A_560] {strides = array<i32>} : memref<3x128x64xf32, #tpu.memory_space<vmem>>, vector<1x1x16xf32>,
        %swap3A_562 = vector.shape_cast %swap3A_561 : vector<1x1x16xf32> to vector<16xf32>
        %swap3A_563 = vector.shape_cast %get3A_552 : vector<16xf32> to vector<1x1x16xf32>
        tpu.vector_store %arg7[%swap3A_558, %swap3A_559, %swap3A_560], %swap3A_563 {strides = array<i32>} : memref<3x128x64xf32, #tpu.memory_space<vmem>>, vector<1x1x16xf32>,
        %mul3A_564 = arith.constant 8 : i32
        %mul3A_565 = arith.muli %scan3A_271, %mul3A_564 : i32
        %add3A_566 = arith.constant 3 : i32
        %add3A_567 = arith.addi %mul3A_565, %add3A_566 : i32
        %get3A_568 = arith.constant 1 : i32
        %get3A_569 = arith.index_cast %get3A_568 : i32 to index
        %get3A_570 = arith.index_cast %add3A_567 : i32 to index
        %get3A_571 = arith.constant 32 : index
        %get3A_572 = tpu.vector_load %arg6[%get3A_569, %get3A_570, %get3A_571] {strides = array<i32>} : memref<3x128x128xf32, #tpu.memory_space<vmem>>, vector<1x1x16xf32>,
        %get3A_573 = vector.shape_cast %get3A_572 : vector<1x1x16xf32> to vector<16xf32>
        %mul3A_574 = arith.constant 8 : i32
        %mul3A_575 = arith.muli %scan3A_271, %mul3A_574 : i32
        %add3A_576 = arith.constant 3 : i32
        %add3A_577 = arith.addi %mul3A_575, %add3A_576 : i32
        %swap3A_578 = arith.constant 1 : i32
        %swap3A_579 = arith.index_cast %swap3A_578 : i32 to index
        %swap3A_580 = arith.index_cast %add3A_577 : i32 to index
        %swap3A_581 = arith.constant 32 : index
        %swap3A_582 = tpu.vector_load %arg7[%swap3A_579, %swap3A_580, %swap3A_581] {strides = array<i32>} : memref<3x128x64xf32, #tpu.memory_space<vmem>>, vector<1x1x16xf32>,
        %swap3A_583 = vector.shape_cast %swap3A_582 : vector<1x1x16xf32> to vector<16xf32>
        %swap3A_584 = vector.shape_cast %get3A_573 : vector<16xf32> to vector<1x1x16xf32>
        tpu.vector_store %arg7[%swap3A_579, %swap3A_580, %swap3A_581], %swap3A_584 {strides = array<i32>} : memref<3x128x64xf32, #tpu.memory_space<vmem>>, vector<1x1x16xf32>,
        %mul3A_585 = arith.constant 8 : i32
        %mul3A_586 = arith.muli %scan3A_271, %mul3A_585 : i32
        %add3A_587 = arith.constant 3 : i32
        %add3A_588 = arith.addi %mul3A_586, %add3A_587 : i32
        %get3A_589 = arith.constant 1 : i32
        %get3A_590 = arith.index_cast %get3A_589 : i32 to index
        %get3A_591 = arith.index_cast %add3A_588 : i32 to index
        %get3A_592 = arith.constant 48 : index
        %get3A_593 = tpu.vector_load %arg6[%get3A_590, %get3A_591, %get3A_592] {strides = array<i32>} : memref<3x128x128xf32, #tpu.memory_space<vmem>>, vector<1x1x16xf32>,
        %get3A_594 = vector.shape_cast %get3A_593 : vector<1x1x16xf32> to vector<16xf32>
        %mul3A_595 = arith.constant 8 : i32
        %mul3A_596 = arith.muli %scan3A_271, %mul3A_595 : i32
        %add3A_597 = arith.constant 3 : i32
        %add3A_598 = arith.addi %mul3A_596, %add3A_597 : i32
        %swap3A_599 = arith.constant 1 : i32
        %swap3A_600 = arith.index_cast %swap3A_599 : i32 to index
        %swap3A_601 = arith.index_cast %add3A_598 : i32 to index
        %swap3A_602 = arith.constant 48 : index
        %swap3A_603 = tpu.vector_load %arg7[%swap3A_600, %swap3A_601, %swap3A_602] {strides = array<i32>} : memref<3x128x64xf32, #tpu.memory_space<vmem>>, vector<1x1x16xf32>,
        %swap3A_604 = vector.shape_cast %swap3A_603 : vector<1x1x16xf32> to vector<16xf32>
        %swap3A_605 = vector.shape_cast %get3A_594 : vector<16xf32> to vector<1x1x16xf32>
        tpu.vector_store %arg7[%swap3A_600, %swap3A_601, %swap3A_602], %swap3A_605 {strides = array<i32>} : memref<3x128x64xf32, #tpu.memory_space<vmem>>, vector<1x1x16xf32>,
        %mul3A_606 = arith.constant 8 : i32
        %mul3A_607 = arith.muli %scan3A_271, %mul3A_606 : i32
        %add3A_608 = arith.constant 4 : i32
        %add3A_609 = arith.addi %mul3A_607, %add3A_608 : i32
        %get3A_610 = arith.constant 1 : i32
        %get3A_611 = arith.index_cast %get3A_610 : i32 to index
        %get3A_612 = arith.index_cast %add3A_609 : i32 to index
        %get3A_613 = arith.constant 0 : index
        %get3A_614 = tpu.vector_load %arg6[%get3A_611, %get3A_612, %get3A_613] {strides = array<i32>} : memref<3x128x128xf32, #tpu.memory_space<vmem>>, vector<1x1x16xf32>,
        %get3A_615 = vector.shape_cast %get3A_614 : vector<1x1x16xf32> to vector<16xf32>
        %mul3A_616 = arith.constant 8 : i32
        %mul3A_617 = arith.muli %scan3A_271, %mul3A_616 : i32
        %add3A_618 = arith.constant 4 : i32
        %add3A_619 = arith.addi %mul3A_617, %add3A_618 : i32
        %swap3A_620 = arith.constant 1 : i32
        %swap3A_621 = arith.index_cast %swap3A_620 : i32 to index
        %swap3A_622 = arith.index_cast %add3A_619 : i32 to index
        %swap3A_623 = arith.constant 0 : index
        %swap3A_624 = tpu.vector_load %arg7[%swap3A_621, %swap3A_622, %swap3A_623] {strides = array<i32>} : memref<3x128x64xf32, #tpu.memory_space<vmem>>, vector<1x1x16xf32>,
        %swap3A_625 = vector.shape_cast %swap3A_624 : vector<1x1x16xf32> to vector<16xf32>
        %swap3A_626 = vector.shape_cast %get3A_615 : vector<16xf32> to vector<1x1x16xf32>
        tpu.vector_store %arg7[%swap3A_621, %swap3A_622, %swap3A_623], %swap3A_626 {strides = array<i32>} : memref<3x128x64xf32, #tpu.memory_space<vmem>>, vector<1x1x16xf32>,
        %mul3A_627 = arith.constant 8 : i32
        %mul3A_628 = arith.muli %scan3A_271, %mul3A_627 : i32
        %add3A_629 = arith.constant 4 : i32
        %add3A_630 = arith.addi %mul3A_628, %add3A_629 : i32
        %get3A_631 = arith.constant 1 : i32
        %get3A_632 = arith.index_cast %get3A_631 : i32 to index
        %get3A_633 = arith.index_cast %add3A_630 : i32 to index
        %get3A_634 = arith.constant 16 : index
        %get3A_635 = tpu.vector_load %arg6[%get3A_632, %get3A_633, %get3A_634] {strides = array<i32>} : memref<3x128x128xf32, #tpu.memory_space<vmem>>, vector<1x1x16xf32>,
        %get3A_636 = vector.shape_cast %get3A_635 : vector<1x1x16xf32> to vector<16xf32>
        %mul3A_637 = arith.constant 8 : i32
        %mul3A_638 = arith.muli %scan3A_271, %mul3A_637 : i32
        %add3A_639 = arith.constant 4 : i32
        %add3A_640 = arith.addi %mul3A_638, %add3A_639 : i32
        %swap3A_641 = arith.constant 1 : i32
        %swap3A_642 = arith.index_cast %swap3A_641 : i32 to index
        %swap3A_643 = arith.index_cast %add3A_640 : i32 to index
        %swap3A_644 = arith.constant 16 : index
        %swap3A_645 = tpu.vector_load %arg7[%swap3A_642, %swap3A_643, %swap3A_644] {strides = array<i32>} : memref<3x128x64xf32, #tpu.memory_space<vmem>>, vector<1x1x16xf32>,
        %swap3A_646 = vector.shape_cast %swap3A_645 : vector<1x1x16xf32> to vector<16xf32>
        %swap3A_647 = vector.shape_cast %get3A_636 : vector<16xf32> to vector<1x1x16xf32>
        tpu.vector_store %arg7[%swap3A_642, %swap3A_643, %swap3A_644], %swap3A_647 {strides = array<i32>} : memref<3x128x64xf32, #tpu.memory_space<vmem>>, vector<1x1x16xf32>,
        %mul3A_648 = arith.constant 8 : i32
        %mul3A_649 = arith.muli %scan3A_271, %mul3A_648 : i32
        %add3A_650 = arith.constant 4 : i32
        %add3A_651 = arith.addi %mul3A_649, %add3A_650 : i32
        %get3A_652 = arith.constant 1 : i32
        %get3A_653 = arith.index_cast %get3A_652 : i32 to index
        %get3A_654 = arith.index_cast %add3A_651 : i32 to index
        %get3A_655 = arith.constant 32 : index
        %get3A_656 = tpu.vector_load %arg6[%get3A_653, %get3A_654, %get3A_655] {strides = array<i32>} : memref<3x128x128xf32, #tpu.memory_space<vmem>>, vector<1x1x16xf32>,
        %get3A_657 = vector.shape_cast %get3A_656 : vector<1x1x16xf32> to vector<16xf32>
        %mul3A_658 = arith.constant 8 : i32
        %mul3A_659 = arith.muli %scan3A_271, %mul3A_658 : i32
        %add3A_660 = arith.constant 4 : i32
        %add3A_661 = arith.addi %mul3A_659, %add3A_660 : i32
        %swap3A_662 = arith.constant 1 : i32
        %swap3A_663 = arith.index_cast %swap3A_662 : i32 to index
        %swap3A_664 = arith.index_cast %add3A_661 : i32 to index
        %swap3A_665 = arith.constant 32 : index
        %swap3A_666 = tpu.vector_load %arg7[%swap3A_663, %swap3A_664, %swap3A_665] {strides = array<i32>} : memref<3x128x64xf32, #tpu.memory_space<vmem>>, vector<1x1x16xf32>,
        %swap3A_667 = vector.shape_cast %swap3A_666 : vector<1x1x16xf32> to vector<16xf32>
        %swap3A_668 = vector.shape_cast %get3A_657 : vector<16xf32> to vector<1x1x16xf32>
        tpu.vector_store %arg7[%swap3A_663, %swap3A_664, %swap3A_665], %swap3A_668 {strides = array<i32>} : memref<3x128x64xf32, #tpu.memory_space<vmem>>, vector<1x1x16xf32>,
        %mul3A_669 = arith.constant 8 : i32
        %mul3A_670 = arith.muli %scan3A_271, %mul3A_669 : i32
        %add3A_671 = arith.constant 4 : i32
        %add3A_672 = arith.addi %mul3A_670, %add3A_671 : i32
        %get3A_673 = arith.constant 1 : i32
        %get3A_674 = arith.index_cast %get3A_673 : i32 to index
        %get3A_675 = arith.index_cast %add3A_672 : i32 to index
        %get3A_676 = arith.constant 48 : index
        %get3A_677 = tpu.vector_load %arg6[%get3A_674, %get3A_675, %get3A_676] {strides = array<i32>} : memref<3x128x128xf32, #tpu.memory_space<vmem>>, vector<1x1x16xf32>,
        %get3A_678 = vector.shape_cast %get3A_677 : vector<1x1x16xf32> to vector<16xf32>
        %mul3A_679 = arith.constant 8 : i32
        %mul3A_680 = arith.muli %scan3A_271, %mul3A_679 : i32
        %add3A_681 = arith.constant 4 : i32
        %add3A_682 = arith.addi %mul3A_680, %add3A_681 : i32
        %swap3A_683 = arith.constant 1 : i32
        %swap3A_684 = arith.index_cast %swap3A_683 : i32 to index
        %swap3A_685 = arith.index_cast %add3A_682 : i32 to index
        %swap3A_686 = arith.constant 48 : index
        %swap3A_687 = tpu.vector_load %arg7[%swap3A_684, %swap3A_685, %swap3A_686] {strides = array<i32>} : memref<3x128x64xf32, #tpu.memory_space<vmem>>, vector<1x1x16xf32>,
        %swap3A_688 = vector.shape_cast %swap3A_687 : vector<1x1x16xf32> to vector<16xf32>
        %swap3A_689 = vector.shape_cast %get3A_678 : vector<16xf32> to vector<1x1x16xf32>
        tpu.vector_store %arg7[%swap3A_684, %swap3A_685, %swap3A_686], %swap3A_689 {strides = array<i32>} : memref<3x128x64xf32, #tpu.memory_space<vmem>>, vector<1x1x16xf32>,
        %mul3A_690 = arith.constant 8 : i32
        %mul3A_691 = arith.muli %scan3A_271, %mul3A_690 : i32
        %add3A_692 = arith.constant 5 : i32
        %add3A_693 = arith.addi %mul3A_691, %add3A_692 : i32
        %get3A_694 = arith.constant 1 : i32
        %get3A_695 = arith.index_cast %get3A_694 : i32 to index
        %get3A_696 = arith.index_cast %add3A_693 : i32 to index
        %get3A_697 = arith.constant 0 : index
        %get3A_698 = tpu.vector_load %arg6[%get3A_695, %get3A_696, %get3A_697] {strides = array<i32>} : memref<3x128x128xf32, #tpu.memory_space<vmem>>, vector<1x1x16xf32>,
        %get3A_699 = vector.shape_cast %get3A_698 : vector<1x1x16xf32> to vector<16xf32>
        %mul3A_700 = arith.constant 8 : i32
        %mul3A_701 = arith.muli %scan3A_271, %mul3A_700 : i32
        %add3A_702 = arith.constant 5 : i32
        %add3A_703 = arith.addi %mul3A_701, %add3A_702 : i32
        %swap3A_704 = arith.constant 1 : i32
        %swap3A_705 = arith.index_cast %swap3A_704 : i32 to index
        %swap3A_706 = arith.index_cast %add3A_703 : i32 to index
        %swap3A_707 = arith.constant 0 : index
        %swap3A_708 = tpu.vector_load %arg7[%swap3A_705, %swap3A_706, %swap3A_707] {strides = array<i32>} : memref<3x128x64xf32, #tpu.memory_space<vmem>>, vector<1x1x16xf32>,
        %swap3A_709 = vector.shape_cast %swap3A_708 : vector<1x1x16xf32> to vector<16xf32>
        %swap3A_710 = vector.shape_cast %get3A_699 : vector<16xf32> to vector<1x1x16xf32>
        tpu.vector_store %arg7[%swap3A_705, %swap3A_706, %swap3A_707], %swap3A_710 {strides = array<i32>} : memref<3x128x64xf32, #tpu.memory_space<vmem>>, vector<1x1x16xf32>,
        %mul3A_711 = arith.constant 8 : i32
        %mul3A_712 = arith.muli %scan3A_271, %mul3A_711 : i32
        %add3A_713 = arith.constant 5 : i32
        %add3A_714 = arith.addi %mul3A_712, %add3A_713 : i32
        %get3A_715 = arith.constant 1 : i32
        %get3A_716 = arith.index_cast %get3A_715 : i32 to index
        %get3A_717 = arith.index_cast %add3A_714 : i32 to index
        %get3A_718 = arith.constant 16 : index
        %get3A_719 = tpu.vector_load %arg6[%get3A_716, %get3A_717, %get3A_718] {strides = array<i32>} : memref<3x128x128xf32, #tpu.memory_space<vmem>>, vector<1x1x16xf32>,
        %get3A_720 = vector.shape_cast %get3A_719 : vector<1x1x16xf32> to vector<16xf32>
        %mul3A_721 = arith.constant 8 : i32
        %mul3A_722 = arith.muli %scan3A_271, %mul3A_721 : i32
        %add3A_723 = arith.constant 5 : i32
        %add3A_724 = arith.addi %mul3A_722, %add3A_723 : i32
        %swap3A_725 = arith.constant 1 : i32
        %swap3A_726 = arith.index_cast %swap3A_725 : i32 to index
        %swap3A_727 = arith.index_cast %add3A_724 : i32 to index
        %swap3A_728 = arith.constant 16 : index
        %swap3A_729 = tpu.vector_load %arg7[%swap3A_726, %swap3A_727, %swap3A_728] {strides = array<i32>} : memref<3x128x64xf32, #tpu.memory_space<vmem>>, vector<1x1x16xf32>,
        %swap3A_730 = vector.shape_cast %swap3A_729 : vector<1x1x16xf32> to vector<16xf32>
        %swap3A_731 = vector.shape_cast %get3A_720 : vector<16xf32> to vector<1x1x16xf32>
        tpu.vector_store %arg7[%swap3A_726, %swap3A_727, %swap3A_728], %swap3A_731 {strides = array<i32>} : memref<3x128x64xf32, #tpu.memory_space<vmem>>, vector<1x1x16xf32>,
        %mul3A_732 = arith.constant 8 : i32
        %mul3A_733 = arith.muli %scan3A_271, %mul3A_732 : i32
        %add3A_734 = arith.constant 5 : i32
        %add3A_735 = arith.addi %mul3A_733, %add3A_734 : i32
        %get3A_736 = arith.constant 1 : i32
        %get3A_737 = arith.index_cast %get3A_736 : i32 to index
        %get3A_738 = arith.index_cast %add3A_735 : i32 to index
        %get3A_739 = arith.constant 32 : index
        %get3A_740 = tpu.vector_load %arg6[%get3A_737, %get3A_738, %get3A_739] {strides = array<i32>} : memref<3x128x128xf32, #tpu.memory_space<vmem>>, vector<1x1x16xf32>,
        %get3A_741 = vector.shape_cast %get3A_740 : vector<1x1x16xf32> to vector<16xf32>
        %mul3A_742 = arith.constant 8 : i32
        %mul3A_743 = arith.muli %scan3A_271, %mul3A_742 : i32
        %add3A_744 = arith.constant 5 : i32
        %add3A_745 = arith.addi %mul3A_743, %add3A_744 : i32
        %swap3A_746 = arith.constant 1 : i32
        %swap3A_747 = arith.index_cast %swap3A_746 : i32 to index
        %swap3A_748 = arith.index_cast %add3A_745 : i32 to index
        %swap3A_749 = arith.constant 32 : index
        %swap3A_750 = tpu.vector_load %arg7[%swap3A_747, %swap3A_748, %swap3A_749] {strides = array<i32>} : memref<3x128x64xf32, #tpu.memory_space<vmem>>, vector<1x1x16xf32>,
        %swap3A_751 = vector.shape_cast %swap3A_750 : vector<1x1x16xf32> to vector<16xf32>
        %swap3A_752 = vector.shape_cast %get3A_741 : vector<16xf32> to vector<1x1x16xf32>
        tpu.vector_store %arg7[%swap3A_747, %swap3A_748, %swap3A_749], %swap3A_752 {strides = array<i32>} : memref<3x128x64xf32, #tpu.memory_space<vmem>>, vector<1x1x16xf32>,
        %mul3A_753 = arith.constant 8 : i32
        %mul3A_754 = arith.muli %scan3A_271, %mul3A_753 : i32
        %add3A_755 = arith.constant 5 : i32
        %add3A_756 = arith.addi %mul3A_754, %add3A_755 : i32
        %get3A_757 = arith.constant 1 : i32
        %get3A_758 = arith.index_cast %get3A_757 : i32 to index
        %get3A_759 = arith.index_cast %add3A_756 : i32 to index
        %get3A_760 = arith.constant 48 : index
        %get3A_761 = tpu.vector_load %arg6[%get3A_758, %get3A_759, %get3A_760] {strides = array<i32>} : memref<3x128x128xf32, #tpu.memory_space<vmem>>, vector<1x1x16xf32>,
        %get3A_762 = vector.shape_cast %get3A_761 : vector<1x1x16xf32> to vector<16xf32>
        %mul3A_763 = arith.constant 8 : i32
        %mul3A_764 = arith.muli %scan3A_271, %mul3A_763 : i32
        %add3A_765 = arith.constant 5 : i32
        %add3A_766 = arith.addi %mul3A_764, %add3A_765 : i32
        %swap3A_767 = arith.constant 1 : i32
        %swap3A_768 = arith.index_cast %swap3A_767 : i32 to index
        %swap3A_769 = arith.index_cast %add3A_766 : i32 to index
        %swap3A_770 = arith.constant 48 : index
        %swap3A_771 = tpu.vector_load %arg7[%swap3A_768, %swap3A_769, %swap3A_770] {strides = array<i32>} : memref<3x128x64xf32, #tpu.memory_space<vmem>>, vector<1x1x16xf32>,
        %swap3A_772 = vector.shape_cast %swap3A_771 : vector<1x1x16xf32> to vector<16xf32>
        %swap3A_773 = vector.shape_cast %get3A_762 : vector<16xf32> to vector<1x1x16xf32>
        tpu.vector_store %arg7[%swap3A_768, %swap3A_769, %swap3A_770], %swap3A_773 {strides = array<i32>} : memref<3x128x64xf32, #tpu.memory_space<vmem>>, vector<1x1x16xf32>,
        %mul3A_774 = arith.constant 8 : i32
        %mul3A_775 = arith.muli %scan3A_271, %mul3A_774 : i32
        %add3A_776 = arith.constant 6 : i32
        %add3A_777 = arith.addi %mul3A_775, %add3A_776 : i32
        %get3A_778 = arith.constant 1 : i32
        %get3A_779 = arith.index_cast %get3A_778 : i32 to index
        %get3A_780 = arith.index_cast %add3A_777 : i32 to index
        %get3A_781 = arith.constant 0 : index
        %get3A_782 = tpu.vector_load %arg6[%get3A_779, %get3A_780, %get3A_781] {strides = array<i32>} : memref<3x128x128xf32, #tpu.memory_space<vmem>>, vector<1x1x16xf32>,
        %get3A_783 = vector.shape_cast %get3A_782 : vector<1x1x16xf32> to vector<16xf32>
        %mul3A_784 = arith.constant 8 : i32
        %mul3A_785 = arith.muli %scan3A_271, %mul3A_784 : i32
        %add3A_786 = arith.constant 6 : i32
        %add3A_787 = arith.addi %mul3A_785, %add3A_786 : i32
        %swap3A_788 = arith.constant 1 : i32
        %swap3A_789 = arith.index_cast %swap3A_788 : i32 to index
        %swap3A_790 = arith.index_cast %add3A_787 : i32 to index
        %swap3A_791 = arith.constant 0 : index
        %swap3A_792 = tpu.vector_load %arg7[%swap3A_789, %swap3A_790, %swap3A_791] {strides = array<i32>} : memref<3x128x64xf32, #tpu.memory_space<vmem>>, vector<1x1x16xf32>,
        %swap3A_793 = vector.shape_cast %swap3A_792 : vector<1x1x16xf32> to vector<16xf32>
        %swap3A_794 = vector.shape_cast %get3A_783 : vector<16xf32> to vector<1x1x16xf32>
        tpu.vector_store %arg7[%swap3A_789, %swap3A_790, %swap3A_791], %swap3A_794 {strides = array<i32>} : memref<3x128x64xf32, #tpu.memory_space<vmem>>, vector<1x1x16xf32>,
        %mul3A_795 = arith.constant 8 : i32
        %mul3A_796 = arith.muli %scan3A_271, %mul3A_795 : i32
        %add3A_797 = arith.constant 6 : i32
        %add3A_798 = arith.addi %mul3A_796, %add3A_797 : i32
        %get3A_799 = arith.constant 1 : i32
        %get3A_800 = arith.index_cast %get3A_799 : i32 to index
        %get3A_801 = arith.index_cast %add3A_798 : i32 to index
        %get3A_802 = arith.constant 16 : index
        %get3A_803 = tpu.vector_load %arg6[%get3A_800, %get3A_801, %get3A_802] {strides = array<i32>} : memref<3x128x128xf32, #tpu.memory_space<vmem>>, vector<1x1x16xf32>,
        %get3A_804 = vector.shape_cast %get3A_803 : vector<1x1x16xf32> to vector<16xf32>
        %mul3A_805 = arith.constant 8 : i32
        %mul3A_806 = arith.muli %scan3A_271, %mul3A_805 : i32
        %add3A_807 = arith.constant 6 : i32
        %add3A_808 = arith.addi %mul3A_806, %add3A_807 : i32
        %swap3A_809 = arith.constant 1 : i32
        %swap3A_810 = arith.index_cast %swap3A_809 : i32 to index
        %swap3A_811 = arith.index_cast %add3A_808 : i32 to index
        %swap3A_812 = arith.constant 16 : index
        %swap3A_813 = tpu.vector_load %arg7[%swap3A_810, %swap3A_811, %swap3A_812] {strides = array<i32>} : memref<3x128x64xf32, #tpu.memory_space<vmem>>, vector<1x1x16xf32>,
        %swap3A_814 = vector.shape_cast %swap3A_813 : vector<1x1x16xf32> to vector<16xf32>
        %swap3A_815 = vector.shape_cast %get3A_804 : vector<16xf32> to vector<1x1x16xf32>
        tpu.vector_store %arg7[%swap3A_810, %swap3A_811, %swap3A_812], %swap3A_815 {strides = array<i32>} : memref<3x128x64xf32, #tpu.memory_space<vmem>>, vector<1x1x16xf32>,
        %mul3A_816 = arith.constant 8 : i32
        %mul3A_817 = arith.muli %scan3A_271, %mul3A_816 : i32
        %add3A_818 = arith.constant 6 : i32
        %add3A_819 = arith.addi %mul3A_817, %add3A_818 : i32
        %get3A_820 = arith.constant 1 : i32
        %get3A_821 = arith.index_cast %get3A_820 : i32 to index
        %get3A_822 = arith.index_cast %add3A_819 : i32 to index
        %get3A_823 = arith.constant 32 : index
        %get3A_824 = tpu.vector_load %arg6[%get3A_821, %get3A_822, %get3A_823] {strides = array<i32>} : memref<3x128x128xf32, #tpu.memory_space<vmem>>, vector<1x1x16xf32>,
        %get3A_825 = vector.shape_cast %get3A_824 : vector<1x1x16xf32> to vector<16xf32>
        %mul3A_826 = arith.constant 8 : i32
        %mul3A_827 = arith.muli %scan3A_271, %mul3A_826 : i32
        %add3A_828 = arith.constant 6 : i32
        %add3A_829 = arith.addi %mul3A_827, %add3A_828 : i32
        %swap3A_830 = arith.constant 1 : i32
        %swap3A_831 = arith.index_cast %swap3A_830 : i32 to index
        %swap3A_832 = arith.index_cast %add3A_829 : i32 to index
        %swap3A_833 = arith.constant 32 : index
        %swap3A_834 = tpu.vector_load %arg7[%swap3A_831, %swap3A_832, %swap3A_833] {strides = array<i32>} : memref<3x128x64xf32, #tpu.memory_space<vmem>>, vector<1x1x16xf32>,
        %swap3A_835 = vector.shape_cast %swap3A_834 : vector<1x1x16xf32> to vector<16xf32>
        %swap3A_836 = vector.shape_cast %get3A_825 : vector<16xf32> to vector<1x1x16xf32>
        tpu.vector_store %arg7[%swap3A_831, %swap3A_832, %swap3A_833], %swap3A_836 {strides = array<i32>} : memref<3x128x64xf32, #tpu.memory_space<vmem>>, vector<1x1x16xf32>,
        %mul3A_837 = arith.constant 8 : i32
        %mul3A_838 = arith.muli %scan3A_271, %mul3A_837 : i32
        %add3A_839 = arith.constant 6 : i32
        %add3A_840 = arith.addi %mul3A_838, %add3A_839 : i32
        %get3A_841 = arith.constant 1 : i32
        %get3A_842 = arith.index_cast %get3A_841 : i32 to index
        %get3A_843 = arith.index_cast %add3A_840 : i32 to index
        %get3A_844 = arith.constant 48 : index
        %get3A_845 = tpu.vector_load %arg6[%get3A_842, %get3A_843, %get3A_844] {strides = array<i32>} : memref<3x128x128xf32, #tpu.memory_space<vmem>>, vector<1x1x16xf32>,
        %get3A_846 = vector.shape_cast %get3A_845 : vector<1x1x16xf32> to vector<16xf32>
        %mul3A_847 = arith.constant 8 : i32
        %mul3A_848 = arith.muli %scan3A_271, %mul3A_847 : i32
        %add3A_849 = arith.constant 6 : i32
        %add3A_850 = arith.addi %mul3A_848, %add3A_849 : i32
        %swap3A_851 = arith.constant 1 : i32
        %swap3A_852 = arith.index_cast %swap3A_851 : i32 to index
        %swap3A_853 = arith.index_cast %add3A_850 : i32 to index
        %swap3A_854 = arith.constant 48 : index
        %swap3A_855 = tpu.vector_load %arg7[%swap3A_852, %swap3A_853, %swap3A_854] {strides = array<i32>} : memref<3x128x64xf32, #tpu.memory_space<vmem>>, vector<1x1x16xf32>,
        %swap3A_856 = vector.shape_cast %swap3A_855 : vector<1x1x16xf32> to vector<16xf32>
        %swap3A_857 = vector.shape_cast %get3A_846 : vector<16xf32> to vector<1x1x16xf32>
        tpu.vector_store %arg7[%swap3A_852, %swap3A_853, %swap3A_854], %swap3A_857 {strides = array<i32>} : memref<3x128x64xf32, #tpu.memory_space<vmem>>, vector<1x1x16xf32>,
        %mul3A_858 = arith.constant 8 : i32
        %mul3A_859 = arith.muli %scan3A_271, %mul3A_858 : i32
        %add3A_860 = arith.constant 7 : i32
        %add3A_861 = arith.addi %mul3A_859, %add3A_860 : i32
        %get3A_862 = arith.constant 1 : i32
        %get3A_863 = arith.index_cast %get3A_862 : i32 to index
        %get3A_864 = arith.index_cast %add3A_861 : i32 to index
        %get3A_865 = arith.constant 0 : index
        %get3A_866 = tpu.vector_load %arg6[%get3A_863, %get3A_864, %get3A_865] {strides = array<i32>} : memref<3x128x128xf32, #tpu.memory_space<vmem>>, vector<1x1x16xf32>,
        %get3A_867 = vector.shape_cast %get3A_866 : vector<1x1x16xf32> to vector<16xf32>
        %mul3A_868 = arith.constant 8 : i32
        %mul3A_869 = arith.muli %scan3A_271, %mul3A_868 : i32
        %add3A_870 = arith.constant 7 : i32
        %add3A_871 = arith.addi %mul3A_869, %add3A_870 : i32
        %swap3A_872 = arith.constant 1 : i32
        %swap3A_873 = arith.index_cast %swap3A_872 : i32 to index
        %swap3A_874 = arith.index_cast %add3A_871 : i32 to index
        %swap3A_875 = arith.constant 0 : index
        %swap3A_876 = tpu.vector_load %arg7[%swap3A_873, %swap3A_874, %swap3A_875] {strides = array<i32>} : memref<3x128x64xf32, #tpu.memory_space<vmem>>, vector<1x1x16xf32>,
        %swap3A_877 = vector.shape_cast %swap3A_876 : vector<1x1x16xf32> to vector<16xf32>
        %swap3A_878 = vector.shape_cast %get3A_867 : vector<16xf32> to vector<1x1x16xf32>
        tpu.vector_store %arg7[%swap3A_873, %swap3A_874, %swap3A_875], %swap3A_878 {strides = array<i32>} : memref<3x128x64xf32, #tpu.memory_space<vmem>>, vector<1x1x16xf32>,
        %mul3A_879 = arith.constant 8 : i32
        %mul3A_880 = arith.muli %scan3A_271, %mul3A_879 : i32
        %add3A_881 = arith.constant 7 : i32
        %add3A_882 = arith.addi %mul3A_880, %add3A_881 : i32
        %get3A_883 = arith.constant 1 : i32
        %get3A_884 = arith.index_cast %get3A_883 : i32 to index
        %get3A_885 = arith.index_cast %add3A_882 : i32 to index
        %get3A_886 = arith.constant 16 : index
        %get3A_887 = tpu.vector_load %arg6[%get3A_884, %get3A_885, %get3A_886] {strides = array<i32>} : memref<3x128x128xf32, #tpu.memory_space<vmem>>, vector<1x1x16xf32>,
        %get3A_888 = vector.shape_cast %get3A_887 : vector<1x1x16xf32> to vector<16xf32>
        %mul3A_889 = arith.constant 8 : i32
        %mul3A_890 = arith.muli %scan3A_271, %mul3A_889 : i32
        %add3A_891 = arith.constant 7 : i32
        %add3A_892 = arith.addi %mul3A_890, %add3A_891 : i32
        %swap3A_893 = arith.constant 1 : i32
        %swap3A_894 = arith.index_cast %swap3A_893 : i32 to index
        %swap3A_895 = arith.index_cast %add3A_892 : i32 to index
        %swap3A_896 = arith.constant 16 : index
        %swap3A_897 = tpu.vector_load %arg7[%swap3A_894, %swap3A_895, %swap3A_896] {strides = array<i32>} : memref<3x128x64xf32, #tpu.memory_space<vmem>>, vector<1x1x16xf32>,
        %swap3A_898 = vector.shape_cast %swap3A_897 : vector<1x1x16xf32> to vector<16xf32>
        %swap3A_899 = vector.shape_cast %get3A_888 : vector<16xf32> to vector<1x1x16xf32>
        tpu.vector_store %arg7[%swap3A_894, %swap3A_895, %swap3A_896], %swap3A_899 {strides = array<i32>} : memref<3x128x64xf32, #tpu.memory_space<vmem>>, vector<1x1x16xf32>,
        %mul3A_900 = arith.constant 8 : i32
        %mul3A_901 = arith.muli %scan3A_271, %mul3A_900 : i32
        %add3A_902 = arith.constant 7 : i32
        %add3A_903 = arith.addi %mul3A_901, %add3A_902 : i32
        %get3A_904 = arith.constant 1 : i32
        %get3A_905 = arith.index_cast %get3A_904 : i32 to index
        %get3A_906 = arith.index_cast %add3A_903 : i32 to index
        %get3A_907 = arith.constant 32 : index
        %get3A_908 = tpu.vector_load %arg6[%get3A_905, %get3A_906, %get3A_907] {strides = array<i32>} : memref<3x128x128xf32, #tpu.memory_space<vmem>>, vector<1x1x16xf32>,
        %get3A_909 = vector.shape_cast %get3A_908 : vector<1x1x16xf32> to vector<16xf32>
        %mul3A_910 = arith.constant 8 : i32
        %mul3A_911 = arith.muli %scan3A_271, %mul3A_910 : i32
        %add3A_912 = arith.constant 7 : i32
        %add3A_913 = arith.addi %mul3A_911, %add3A_912 : i32
        %swap3A_914 = arith.constant 1 : i32
        %swap3A_915 = arith.index_cast %swap3A_914 : i32 to index
        %swap3A_916 = arith.index_cast %add3A_913 : i32 to index
        %swap3A_917 = arith.constant 32 : index
        %swap3A_918 = tpu.vector_load %arg7[%swap3A_915, %swap3A_916, %swap3A_917] {strides = array<i32>} : memref<3x128x64xf32, #tpu.memory_space<vmem>>, vector<1x1x16xf32>,
        %swap3A_919 = vector.shape_cast %swap3A_918 : vector<1x1x16xf32> to vector<16xf32>
        %swap3A_920 = vector.shape_cast %get3A_909 : vector<16xf32> to vector<1x1x16xf32>
        tpu.vector_store %arg7[%swap3A_915, %swap3A_916, %swap3A_917], %swap3A_920 {strides = array<i32>} : memref<3x128x64xf32, #tpu.memory_space<vmem>>, vector<1x1x16xf32>,
        %mul3A_921 = arith.constant 8 : i32
        %mul3A_922 = arith.muli %scan3A_271, %mul3A_921 : i32
        %add3A_923 = arith.constant 7 : i32
        %add3A_924 = arith.addi %mul3A_922, %add3A_923 : i32
        %get3A_925 = arith.constant 1 : i32
        %get3A_926 = arith.index_cast %get3A_925 : i32 to index
        %get3A_927 = arith.index_cast %add3A_924 : i32 to index
        %get3A_928 = arith.constant 48 : index
        %get3A_929 = tpu.vector_load %arg6[%get3A_926, %get3A_927, %get3A_928] {strides = array<i32>} : memref<3x128x128xf32, #tpu.memory_space<vmem>>, vector<1x1x16xf32>,
        %get3A_930 = vector.shape_cast %get3A_929 : vector<1x1x16xf32> to vector<16xf32>
        %mul3A_931 = arith.constant 8 : i32
        %mul3A_932 = arith.muli %scan3A_271, %mul3A_931 : i32
        %add3A_933 = arith.constant 7 : i32
        %add3A_934 = arith.addi %mul3A_932, %add3A_933 : i32
        %swap3A_935 = arith.constant 1 : i32
        %swap3A_936 = arith.index_cast %swap3A_935 : i32 to index
        %swap3A_937 = arith.index_cast %add3A_934 : i32 to index
        %swap3A_938 = arith.constant 48 : index
        %swap3A_939 = tpu.vector_load %arg7[%swap3A_936, %swap3A_937, %swap3A_938] {strides = array<i32>} : memref<3x128x64xf32, #tpu.memory_space<vmem>>, vector<1x1x16xf32>,
        %swap3A_940 = vector.shape_cast %swap3A_939 : vector<1x1x16xf32> to vector<16xf32>
        %swap3A_941 = vector.shape_cast %get3A_930 : vector<16xf32> to vector<1x1x16xf32>
        tpu.vector_store %arg7[%swap3A_936, %swap3A_937, %swap3A_938], %swap3A_941 {strides = array<i32>} : memref<3x128x64xf32, #tpu.memory_space<vmem>>, vector<1x1x16xf32>,
      }
      %scan3A_198 = arith.constant 16 : i32
      %mul3A_199 = arith.constant 128 : i32
      %mul3A_200 = arith.muli %add3A_176, %mul3A_199 : i32
      %add3A_201 = arith.addi %mul3A_2, %mul3A_200 : i32
      %dma_start3A_202 = arith.constant 1 : i32
      %dma_start3A_203 = arith.constant 0 : i32
      %dma_start3A_204 = arith.constant 0 : i32
      %dma_start3A_205 = tpu.memref_slice %arg7[%dma_start3A_202, %dma_start3A_203, %dma_start3A_204] : memref<3x128x64xf32, #tpu.memory_space<vmem>> -> memref<1x128x64xf32, #tpu.memory_space<vmem>>
      %dma_start3A_206 = tpu.memref_squeeze %dma_start3A_205 : memref<1x128x64xf32, #tpu.memory_space<vmem>> -> memref<128x64xf32, #tpu.memory_space<vmem>>
      %dma_start3A_207 = arith.constant 0 : i32
      %dma_start3A_208 = tpu.memref_slice %arg4[%add3A_201, %dma_start3A_207] : memref<320000x64xf32, #tpu.memory_space<hbm>> -> memref<128x64xf32, #tpu.memory_space<hbm>>
      %dma_start3A_209 = arith.constant 0 : i32
      %dma_start3A_210 = tpu.memref_slice %arg4[%add3A_201, %dma_start3A_209] : memref<320000x64xf32, #tpu.memory_space<hbm>> -> memref<128x64xf32, #tpu.memory_space<hbm>>
      %dma_start3A_211 = arith.constant 0 : i32
      %dma_start3A_212 = arith.constant 0 : i32
      %dma_start3A_213 = tpu.memref_slice %arg7[%dma_start3A_202, %dma_start3A_211, %dma_start3A_212] : memref<3x128x64xf32, #tpu.memory_space<vmem>> -> memref<1x128x64xf32, #tpu.memory_space<vmem>>
      %dma_start3A_214 = tpu.memref_squeeze %dma_start3A_213 : memref<1x128x64xf32, #tpu.memory_space<vmem>> -> memref<128x64xf32, #tpu.memory_space<vmem>>
      tpu.enqueue_dma source(%dma_start3A_214 : memref<128x64xf32, #tpu.memory_space<vmem>>) target(%dma_start3A_210 : memref<128x64xf32, #tpu.memory_space<hbm>>) target_semaphore(%arg12 : memref<!tpu.dma_semaphore, #tpu.memory_space<semaphore_mem>>)
      %add3A_215 = arith.constant 3 : i32
      %add3A_216 = arith.addi %add3A_176, %add3A_215 : i32
      %lt3A_217 = arith.constant 79 : i32
      %lt3A_218 = arith.cmpi slt, %add3A_216, %lt3A_217 : i32
      %convert_element_type3A_219 = arith.extui %lt3A_218 : i1 to i32
      %cond3A_220 = arith.constant 0 : i32
      %cond3A_221 = arith.cmpi ne, %convert_element_type3A_219, %cond3A_220 : i32
      scf.if %cond3A_221 {
        %add3A_271 = arith.constant 3 : i32
        %add3A_272 = arith.addi %add3A_176, %add3A_271 : i32
        %dma_start3A_273 = arith.constant 1 : i32
        %dma_start3A_274 = arith.constant 0 : i32
        %dma_start3A_275 = arith.constant 0 : i32
        %dma_start3A_276 = tpu.memref_slice %arg6[%dma_start3A_273, %dma_start3A_274, %dma_start3A_275] : memref<3x128x128xf32, #tpu.memory_space<vmem>> -> memref<1x128x128xf32, #tpu.memory_space<vmem>>
        %dma_start3A_277 = tpu.memref_squeeze %dma_start3A_276 : memref<1x128x128xf32, #tpu.memory_space<vmem>> -> memref<128x128xf32, #tpu.memory_space<vmem>>
        %dma_start3A_278 = arith.constant 0 : i32
        %dma_start3A_279 = tpu.memref_slice %arg5[%add3A_272, %dma_start3A_278] : memref<79x128xi32, #tpu.memory_space<vmem>> -> memref<1x128xi32, #tpu.memory_space<vmem>>
        %dma_start3A_280 = tpu.memref_squeeze %dma_start3A_279 : memref<1x128xi32, #tpu.memory_space<vmem>> -> memref<128xi32, #tpu.memory_space<vmem>>
        %dma_start3A_281 = arith.constant 0 : i32
        %dma_start3A_282 = arith.constant 0 : i32
        %dma_start3A_283 = tpu.memref_slice %arg2[%dma_start3A_281, %dma_start3A_282] : memref<10240x128xf32, #tpu.memory_space<hbm>> -> memref<10240x128xf32, #tpu.memory_space<hbm>>
        tpu.enqueue_indirect_dma source(%dma_start3A_283 : memref<10240x128xf32, #tpu.memory_space<hbm>>) target(%dma_start3A_277 : memref<128x128xf32, #tpu.memory_space<vmem>>) offsets(%dma_start3A_280 : memref<128xi32, #tpu.memory_space<vmem>>) semaphore(%arg9 : memref<!tpu.dma_semaphore, #tpu.memory_space<semaphore_mem>>)
      } else {
      }
      %mul3A_222 = arith.constant 3 : i32
      %mul3A_223 = arith.muli %mul3A_222, %scan3A_127 : i32
      %add3A_224 = arith.constant 2 : i32
      %add3A_225 = arith.addi %mul3A_223, %add3A_224 : i32
      %dma_wait3A_226 = arith.constant 2 : i32
      %dma_wait3A_227 = arith.constant 0 : i32
      %dma_wait3A_228 = arith.constant 0 : i32
      %dma_wait3A_229 = tpu.memref_slice %arg6[%dma_wait3A_226, %dma_wait3A_227, %dma_wait3A_228] : memref<3x128x128xf32, #tpu.memory_space<vmem>> -> memref<1x128x128xf32, #tpu.memory_space<vmem>>
      %dma_wait3A_230 = tpu.memref_squeeze %dma_wait3A_229 : memref<1x128x128xf32, #tpu.memory_space<vmem>> -> memref<128x128xf32, #tpu.memory_space<vmem>>
      %dma_wait3A_231 = arith.constant 0 : i32
      %dma_wait3A_232 = tpu.memref_slice %arg5[%add3A_225, %dma_wait3A_231] : memref<79x128xi32, #tpu.memory_space<vmem>> -> memref<1x128xi32, #tpu.memory_space<vmem>>
      %dma_wait3A_233 = tpu.memref_squeeze %dma_wait3A_232 : memref<1x128xi32, #tpu.memory_space<vmem>> -> memref<128xi32, #tpu.memory_space<vmem>>
      %dma_wait3A_234 = arith.constant 0 : i32
      %dma_wait3A_235 = arith.constant 0 : i32
      %dma_wait3A_236 = tpu.memref_slice %arg2[%dma_wait3A_234, %dma_wait3A_235] : memref<10240x128xf32, #tpu.memory_space<hbm>> -> memref<10240x128xf32, #tpu.memory_space<hbm>>
      tpu.wait_indirect_dma semaphore(%arg10 : memref<!tpu.dma_semaphore, #tpu.memory_space<semaphore_mem>>) src(%dma_wait3A_236 : memref<10240x128xf32, #tpu.memory_space<hbm>>) dst(%dma_wait3A_230 : memref<128x128xf32, #tpu.memory_space<vmem>>)
      %ge3A_237 = arith.constant 1 : i32
      %ge3A_238 = arith.cmpi sge, %scan3A_127, %ge3A_237 : i32
      %convert_element_type3A_239 = arith.extui %ge3A_238 : i1 to i32
      %cond3A_240 = arith.constant 0 : i32
      %cond3A_241 = arith.cmpi ne, %convert_element_type3A_239, %cond3A_240 : i32
      scf.if %cond3A_241 {
        %dma_wait3A_271 = arith.constant 2 : i32
        %dma_wait3A_272 = arith.constant 0 : i32
        %dma_wait3A_273 = arith.constant 0 : i32
        %dma_wait3A_274 = tpu.memref_slice %arg7[%dma_wait3A_271, %dma_wait3A_272, %dma_wait3A_273] : memref<3x128x64xf32, #tpu.memory_space<vmem>> -> memref<1x128x64xf32, #tpu.memory_space<vmem>>
        %dma_wait3A_275 = tpu.memref_squeeze %dma_wait3A_274 : memref<1x128x64xf32, #tpu.memory_space<vmem>> -> memref<128x64xf32, #tpu.memory_space<vmem>>
        %dma_wait3A_276 = arith.constant 0 : i32
        %dma_wait3A_277 = tpu.memref_slice %arg4[%mul3A_2, %dma_wait3A_276] : memref<320000x64xf32, #tpu.memory_space<hbm>> -> memref<128x64xf32, #tpu.memory_space<hbm>>
        %dma_wait3A_278 = arith.constant 0 : i32
        %dma_wait3A_279 = tpu.memref_slice %arg4[%mul3A_2, %dma_wait3A_278] : memref<320000x64xf32, #tpu.memory_space<hbm>> -> memref<128x64xf32, #tpu.memory_space<hbm>>
        %dma_wait3A_280 = arith.constant 0 : i32
        %dma_wait3A_281 = arith.constant 0 : i32
        %dma_wait3A_282 = tpu.memref_slice %arg7[%dma_wait3A_271, %dma_wait3A_280, %dma_wait3A_281] : memref<3x128x64xf32, #tpu.memory_space<vmem>> -> memref<1x128x64xf32, #tpu.memory_space<vmem>>
        %dma_wait3A_283 = tpu.memref_squeeze %dma_wait3A_282 : memref<1x128x64xf32, #tpu.memory_space<vmem>> -> memref<128x64xf32, #tpu.memory_space<vmem>>
        tpu.wait_dma2 semaphore(%arg13 : memref<!tpu.dma_semaphore, #tpu.memory_space<semaphore_mem>>) src(%dma_wait3A_283 : memref<128x64xf32, #tpu.memory_space<vmem>>) dst(%dma_wait3A_279 : memref<128x64xf32, #tpu.memory_space<hbm>>)
      } else {
      }
      %scan3A_242 = arith.constant 0 : i32
      %scan3A_243 = arith.constant 0 : i32
      %scan3A_244 = arith.constant 16 : i32
      %scan3A_245 = arith.addi %scan3A_243, %scan3A_244 : i32
      %scan3A_246 = arith.constant 1 : i32
      scf.for %scan3A_271 = %scan3A_243 to %scan3A_245 step %scan3A_246  : i32 {
        %mul3A_272 = arith.constant 8 : i32
        %mul3A_273 = arith.muli %scan3A_271, %mul3A_272 : i32
        %add3A_274 = arith.constant 0 : i32
        %add3A_275 = arith.addi %mul3A_273, %add3A_274 : i32
        %get3A = arith.constant 2 : i32
        %get3A_276 = arith.index_cast %get3A : i32 to index
        %get3A_277 = arith.index_cast %add3A_275 : i32 to index
        %get3A_278 = arith.constant 0 : index
        %get3A_279 = tpu.vector_load %arg6[%get3A_276, %get3A_277, %get3A_278] {strides = array<i32>} : memref<3x128x128xf32, #tpu.memory_space<vmem>>, vector<1x1x16xf32>,
        %get3A_280 = vector.shape_cast %get3A_279 : vector<1x1x16xf32> to vector<16xf32>
        %mul3A_281 = arith.constant 8 : i32
        %mul3A_282 = arith.muli %scan3A_271, %mul3A_281 : i32
        %add3A_283 = arith.constant 0 : i32
        %add3A_284 = arith.addi %mul3A_282, %add3A_283 : i32
        %swap3A = arith.constant 2 : i32
        %swap3A_285 = arith.index_cast %swap3A : i32 to index
        %swap3A_286 = arith.index_cast %add3A_284 : i32 to index
        %swap3A_287 = arith.constant 0 : index
        %swap3A_288 = tpu.vector_load %arg7[%swap3A_285, %swap3A_286, %swap3A_287] {strides = array<i32>} : memref<3x128x64xf32, #tpu.memory_space<vmem>>, vector<1x1x16xf32>,
        %swap3A_289 = vector.shape_cast %swap3A_288 : vector<1x1x16xf32> to vector<16xf32>
        %swap3A_290 = vector.shape_cast %get3A_280 : vector<16xf32> to vector<1x1x16xf32>
        tpu.vector_store %arg7[%swap3A_285, %swap3A_286, %swap3A_287], %swap3A_290 {strides = array<i32>} : memref<3x128x64xf32, #tpu.memory_space<vmem>>, vector<1x1x16xf32>,
        %mul3A_291 = arith.constant 8 : i32
        %mul3A_292 = arith.muli %scan3A_271, %mul3A_291 : i32
        %add3A_293 = arith.constant 0 : i32
        %add3A_294 = arith.addi %mul3A_292, %add3A_293 : i32
        %get3A_295 = arith.constant 2 : i32
        %get3A_296 = arith.index_cast %get3A_295 : i32 to index
        %get3A_297 = arith.index_cast %add3A_294 : i32 to index
        %get3A_298 = arith.constant 16 : index
        %get3A_299 = tpu.vector_load %arg6[%get3A_296, %get3A_297, %get3A_298] {strides = array<i32>} : memref<3x128x128xf32, #tpu.memory_space<vmem>>, vector<1x1x16xf32>,
        %get3A_300 = vector.shape_cast %get3A_299 : vector<1x1x16xf32> to vector<16xf32>
        %mul3A_301 = arith.constant 8 : i32
        %mul3A_302 = arith.muli %scan3A_271, %mul3A_301 : i32
        %add3A_303 = arith.constant 0 : i32
        %add3A_304 = arith.addi %mul3A_302, %add3A_303 : i32
        %swap3A_305 = arith.constant 2 : i32
        %swap3A_306 = arith.index_cast %swap3A_305 : i32 to index
        %swap3A_307 = arith.index_cast %add3A_304 : i32 to index
        %swap3A_308 = arith.constant 16 : index
        %swap3A_309 = tpu.vector_load %arg7[%swap3A_306, %swap3A_307, %swap3A_308] {strides = array<i32>} : memref<3x128x64xf32, #tpu.memory_space<vmem>>, vector<1x1x16xf32>,
        %swap3A_310 = vector.shape_cast %swap3A_309 : vector<1x1x16xf32> to vector<16xf32>
        %swap3A_311 = vector.shape_cast %get3A_300 : vector<16xf32> to vector<1x1x16xf32>
        tpu.vector_store %arg7[%swap3A_306, %swap3A_307, %swap3A_308], %swap3A_311 {strides = array<i32>} : memref<3x128x64xf32, #tpu.memory_space<vmem>>, vector<1x1x16xf32>,
        %mul3A_312 = arith.constant 8 : i32
        %mul3A_313 = arith.muli %scan3A_271, %mul3A_312 : i32
        %add3A_314 = arith.constant 0 : i32
        %add3A_315 = arith.addi %mul3A_313, %add3A_314 : i32
        %get3A_316 = arith.constant 2 : i32
        %get3A_317 = arith.index_cast %get3A_316 : i32 to index
        %get3A_318 = arith.index_cast %add3A_315 : i32 to index
        %get3A_319 = arith.constant 32 : index
        %get3A_320 = tpu.vector_load %arg6[%get3A_317, %get3A_318, %get3A_319] {strides = array<i32>} : memref<3x128x128xf32, #tpu.memory_space<vmem>>, vector<1x1x16xf32>,
        %get3A_321 = vector.shape_cast %get3A_320 : vector<1x1x16xf32> to vector<16xf32>
        %mul3A_322 = arith.constant 8 : i32
        %mul3A_323 = arith.muli %scan3A_271, %mul3A_322 : i32
        %add3A_324 = arith.constant 0 : i32
        %add3A_325 = arith.addi %mul3A_323, %add3A_324 : i32
        %swap3A_326 = arith.constant 2 : i32
        %swap3A_327 = arith.index_cast %swap3A_326 : i32 to index
        %swap3A_328 = arith.index_cast %add3A_325 : i32 to index
        %swap3A_329 = arith.constant 32 : index
        %swap3A_330 = tpu.vector_load %arg7[%swap3A_327, %swap3A_328, %swap3A_329] {strides = array<i32>} : memref<3x128x64xf32, #tpu.memory_space<vmem>>, vector<1x1x16xf32>,
        %swap3A_331 = vector.shape_cast %swap3A_330 : vector<1x1x16xf32> to vector<16xf32>
        %swap3A_332 = vector.shape_cast %get3A_321 : vector<16xf32> to vector<1x1x16xf32>
        tpu.vector_store %arg7[%swap3A_327, %swap3A_328, %swap3A_329], %swap3A_332 {strides = array<i32>} : memref<3x128x64xf32, #tpu.memory_space<vmem>>, vector<1x1x16xf32>,
        %mul3A_333 = arith.constant 8 : i32
        %mul3A_334 = arith.muli %scan3A_271, %mul3A_333 : i32
        %add3A_335 = arith.constant 0 : i32
        %add3A_336 = arith.addi %mul3A_334, %add3A_335 : i32
        %get3A_337 = arith.constant 2 : i32
        %get3A_338 = arith.index_cast %get3A_337 : i32 to index
        %get3A_339 = arith.index_cast %add3A_336 : i32 to index
        %get3A_340 = arith.constant 48 : index
        %get3A_341 = tpu.vector_load %arg6[%get3A_338, %get3A_339, %get3A_340] {strides = array<i32>} : memref<3x128x128xf32, #tpu.memory_space<vmem>>, vector<1x1x16xf32>,
        %get3A_342 = vector.shape_cast %get3A_341 : vector<1x1x16xf32> to vector<16xf32>
        %mul3A_343 = arith.constant 8 : i32
        %mul3A_344 = arith.muli %scan3A_271, %mul3A_343 : i32
        %add3A_345 = arith.constant 0 : i32
        %add3A_346 = arith.addi %mul3A_344, %add3A_345 : i32
        %swap3A_347 = arith.constant 2 : i32
        %swap3A_348 = arith.index_cast %swap3A_347 : i32 to index
        %swap3A_349 = arith.index_cast %add3A_346 : i32 to index
        %swap3A_350 = arith.constant 48 : index
        %swap3A_351 = tpu.vector_load %arg7[%swap3A_348, %swap3A_349, %swap3A_350] {strides = array<i32>} : memref<3x128x64xf32, #tpu.memory_space<vmem>>, vector<1x1x16xf32>,
        %swap3A_352 = vector.shape_cast %swap3A_351 : vector<1x1x16xf32> to vector<16xf32>
        %swap3A_353 = vector.shape_cast %get3A_342 : vector<16xf32> to vector<1x1x16xf32>
        tpu.vector_store %arg7[%swap3A_348, %swap3A_349, %swap3A_350], %swap3A_353 {strides = array<i32>} : memref<3x128x64xf32, #tpu.memory_space<vmem>>, vector<1x1x16xf32>,
        %mul3A_354 = arith.constant 8 : i32
        %mul3A_355 = arith.muli %scan3A_271, %mul3A_354 : i32
        %add3A_356 = arith.constant 1 : i32
        %add3A_357 = arith.addi %mul3A_355, %add3A_356 : i32
        %get3A_358 = arith.constant 2 : i32
        %get3A_359 = arith.index_cast %get3A_358 : i32 to index
        %get3A_360 = arith.index_cast %add3A_357 : i32 to index
        %get3A_361 = arith.constant 0 : index
        %get3A_362 = tpu.vector_load %arg6[%get3A_359, %get3A_360, %get3A_361] {strides = array<i32>} : memref<3x128x128xf32, #tpu.memory_space<vmem>>, vector<1x1x16xf32>,
        %get3A_363 = vector.shape_cast %get3A_362 : vector<1x1x16xf32> to vector<16xf32>
        %mul3A_364 = arith.constant 8 : i32
        %mul3A_365 = arith.muli %scan3A_271, %mul3A_364 : i32
        %add3A_366 = arith.constant 1 : i32
        %add3A_367 = arith.addi %mul3A_365, %add3A_366 : i32
        %swap3A_368 = arith.constant 2 : i32
        %swap3A_369 = arith.index_cast %swap3A_368 : i32 to index
        %swap3A_370 = arith.index_cast %add3A_367 : i32 to index
        %swap3A_371 = arith.constant 0 : index
        %swap3A_372 = tpu.vector_load %arg7[%swap3A_369, %swap3A_370, %swap3A_371] {strides = array<i32>} : memref<3x128x64xf32, #tpu.memory_space<vmem>>, vector<1x1x16xf32>,
        %swap3A_373 = vector.shape_cast %swap3A_372 : vector<1x1x16xf32> to vector<16xf32>
        %swap3A_374 = vector.shape_cast %get3A_363 : vector<16xf32> to vector<1x1x16xf32>
        tpu.vector_store %arg7[%swap3A_369, %swap3A_370, %swap3A_371], %swap3A_374 {strides = array<i32>} : memref<3x128x64xf32, #tpu.memory_space<vmem>>, vector<1x1x16xf32>,
        %mul3A_375 = arith.constant 8 : i32
        %mul3A_376 = arith.muli %scan3A_271, %mul3A_375 : i32
        %add3A_377 = arith.constant 1 : i32
        %add3A_378 = arith.addi %mul3A_376, %add3A_377 : i32
        %get3A_379 = arith.constant 2 : i32
        %get3A_380 = arith.index_cast %get3A_379 : i32 to index
        %get3A_381 = arith.index_cast %add3A_378 : i32 to index
        %get3A_382 = arith.constant 16 : index
        %get3A_383 = tpu.vector_load %arg6[%get3A_380, %get3A_381, %get3A_382] {strides = array<i32>} : memref<3x128x128xf32, #tpu.memory_space<vmem>>, vector<1x1x16xf32>,
        %get3A_384 = vector.shape_cast %get3A_383 : vector<1x1x16xf32> to vector<16xf32>
        %mul3A_385 = arith.constant 8 : i32
        %mul3A_386 = arith.muli %scan3A_271, %mul3A_385 : i32
        %add3A_387 = arith.constant 1 : i32
        %add3A_388 = arith.addi %mul3A_386, %add3A_387 : i32
        %swap3A_389 = arith.constant 2 : i32
        %swap3A_390 = arith.index_cast %swap3A_389 : i32 to index
        %swap3A_391 = arith.index_cast %add3A_388 : i32 to index
        %swap3A_392 = arith.constant 16 : index
        %swap3A_393 = tpu.vector_load %arg7[%swap3A_390, %swap3A_391, %swap3A_392] {strides = array<i32>} : memref<3x128x64xf32, #tpu.memory_space<vmem>>, vector<1x1x16xf32>,
        %swap3A_394 = vector.shape_cast %swap3A_393 : vector<1x1x16xf32> to vector<16xf32>
        %swap3A_395 = vector.shape_cast %get3A_384 : vector<16xf32> to vector<1x1x16xf32>
        tpu.vector_store %arg7[%swap3A_390, %swap3A_391, %swap3A_392], %swap3A_395 {strides = array<i32>} : memref<3x128x64xf32, #tpu.memory_space<vmem>>, vector<1x1x16xf32>,
        %mul3A_396 = arith.constant 8 : i32
        %mul3A_397 = arith.muli %scan3A_271, %mul3A_396 : i32
        %add3A_398 = arith.constant 1 : i32
        %add3A_399 = arith.addi %mul3A_397, %add3A_398 : i32
        %get3A_400 = arith.constant 2 : i32
        %get3A_401 = arith.index_cast %get3A_400 : i32 to index
        %get3A_402 = arith.index_cast %add3A_399 : i32 to index
        %get3A_403 = arith.constant 32 : index
        %get3A_404 = tpu.vector_load %arg6[%get3A_401, %get3A_402, %get3A_403] {strides = array<i32>} : memref<3x128x128xf32, #tpu.memory_space<vmem>>, vector<1x1x16xf32>,
        %get3A_405 = vector.shape_cast %get3A_404 : vector<1x1x16xf32> to vector<16xf32>
        %mul3A_406 = arith.constant 8 : i32
        %mul3A_407 = arith.muli %scan3A_271, %mul3A_406 : i32
        %add3A_408 = arith.constant 1 : i32
        %add3A_409 = arith.addi %mul3A_407, %add3A_408 : i32
        %swap3A_410 = arith.constant 2 : i32
        %swap3A_411 = arith.index_cast %swap3A_410 : i32 to index
        %swap3A_412 = arith.index_cast %add3A_409 : i32 to index
        %swap3A_413 = arith.constant 32 : index
        %swap3A_414 = tpu.vector_load %arg7[%swap3A_411, %swap3A_412, %swap3A_413] {strides = array<i32>} : memref<3x128x64xf32, #tpu.memory_space<vmem>>, vector<1x1x16xf32>,
        %swap3A_415 = vector.shape_cast %swap3A_414 : vector<1x1x16xf32> to vector<16xf32>
        %swap3A_416 = vector.shape_cast %get3A_405 : vector<16xf32> to vector<1x1x16xf32>
        tpu.vector_store %arg7[%swap3A_411, %swap3A_412, %swap3A_413], %swap3A_416 {strides = array<i32>} : memref<3x128x64xf32, #tpu.memory_space<vmem>>, vector<1x1x16xf32>,
        %mul3A_417 = arith.constant 8 : i32
        %mul3A_418 = arith.muli %scan3A_271, %mul3A_417 : i32
        %add3A_419 = arith.constant 1 : i32
        %add3A_420 = arith.addi %mul3A_418, %add3A_419 : i32
        %get3A_421 = arith.constant 2 : i32
        %get3A_422 = arith.index_cast %get3A_421 : i32 to index
        %get3A_423 = arith.index_cast %add3A_420 : i32 to index
        %get3A_424 = arith.constant 48 : index
        %get3A_425 = tpu.vector_load %arg6[%get3A_422, %get3A_423, %get3A_424] {strides = array<i32>} : memref<3x128x128xf32, #tpu.memory_space<vmem>>, vector<1x1x16xf32>,
        %get3A_426 = vector.shape_cast %get3A_425 : vector<1x1x16xf32> to vector<16xf32>
        %mul3A_427 = arith.constant 8 : i32
        %mul3A_428 = arith.muli %scan3A_271, %mul3A_427 : i32
        %add3A_429 = arith.constant 1 : i32
        %add3A_430 = arith.addi %mul3A_428, %add3A_429 : i32
        %swap3A_431 = arith.constant 2 : i32
        %swap3A_432 = arith.index_cast %swap3A_431 : i32 to index
        %swap3A_433 = arith.index_cast %add3A_430 : i32 to index
        %swap3A_434 = arith.constant 48 : index
        %swap3A_435 = tpu.vector_load %arg7[%swap3A_432, %swap3A_433, %swap3A_434] {strides = array<i32>} : memref<3x128x64xf32, #tpu.memory_space<vmem>>, vector<1x1x16xf32>,
        %swap3A_436 = vector.shape_cast %swap3A_435 : vector<1x1x16xf32> to vector<16xf32>
        %swap3A_437 = vector.shape_cast %get3A_426 : vector<16xf32> to vector<1x1x16xf32>
        tpu.vector_store %arg7[%swap3A_432, %swap3A_433, %swap3A_434], %swap3A_437 {strides = array<i32>} : memref<3x128x64xf32, #tpu.memory_space<vmem>>, vector<1x1x16xf32>,
        %mul3A_438 = arith.constant 8 : i32
        %mul3A_439 = arith.muli %scan3A_271, %mul3A_438 : i32
        %add3A_440 = arith.constant 2 : i32
        %add3A_441 = arith.addi %mul3A_439, %add3A_440 : i32
        %get3A_442 = arith.constant 2 : i32
        %get3A_443 = arith.index_cast %get3A_442 : i32 to index
        %get3A_444 = arith.index_cast %add3A_441 : i32 to index
        %get3A_445 = arith.constant 0 : index
        %get3A_446 = tpu.vector_load %arg6[%get3A_443, %get3A_444, %get3A_445] {strides = array<i32>} : memref<3x128x128xf32, #tpu.memory_space<vmem>>, vector<1x1x16xf32>,
        %get3A_447 = vector.shape_cast %get3A_446 : vector<1x1x16xf32> to vector<16xf32>
        %mul3A_448 = arith.constant 8 : i32
        %mul3A_449 = arith.muli %scan3A_271, %mul3A_448 : i32
        %add3A_450 = arith.constant 2 : i32
        %add3A_451 = arith.addi %mul3A_449, %add3A_450 : i32
        %swap3A_452 = arith.constant 2 : i32
        %swap3A_453 = arith.index_cast %swap3A_452 : i32 to index
        %swap3A_454 = arith.index_cast %add3A_451 : i32 to index
        %swap3A_455 = arith.constant 0 : index
        %swap3A_456 = tpu.vector_load %arg7[%swap3A_453, %swap3A_454, %swap3A_455] {strides = array<i32>} : memref<3x128x64xf32, #tpu.memory_space<vmem>>, vector<1x1x16xf32>,
        %swap3A_457 = vector.shape_cast %swap3A_456 : vector<1x1x16xf32> to vector<16xf32>
        %swap3A_458 = vector.shape_cast %get3A_447 : vector<16xf32> to vector<1x1x16xf32>
        tpu.vector_store %arg7[%swap3A_453, %swap3A_454, %swap3A_455], %swap3A_458 {strides = array<i32>} : memref<3x128x64xf32, #tpu.memory_space<vmem>>, vector<1x1x16xf32>,
        %mul3A_459 = arith.constant 8 : i32
        %mul3A_460 = arith.muli %scan3A_271, %mul3A_459 : i32
        %add3A_461 = arith.constant 2 : i32
        %add3A_462 = arith.addi %mul3A_460, %add3A_461 : i32
        %get3A_463 = arith.constant 2 : i32
        %get3A_464 = arith.index_cast %get3A_463 : i32 to index
        %get3A_465 = arith.index_cast %add3A_462 : i32 to index
        %get3A_466 = arith.constant 16 : index
        %get3A_467 = tpu.vector_load %arg6[%get3A_464, %get3A_465, %get3A_466] {strides = array<i32>} : memref<3x128x128xf32, #tpu.memory_space<vmem>>, vector<1x1x16xf32>,
        %get3A_468 = vector.shape_cast %get3A_467 : vector<1x1x16xf32> to vector<16xf32>
        %mul3A_469 = arith.constant 8 : i32
        %mul3A_470 = arith.muli %scan3A_271, %mul3A_469 : i32
        %add3A_471 = arith.constant 2 : i32
        %add3A_472 = arith.addi %mul3A_470, %add3A_471 : i32
        %swap3A_473 = arith.constant 2 : i32
        %swap3A_474 = arith.index_cast %swap3A_473 : i32 to index
        %swap3A_475 = arith.index_cast %add3A_472 : i32 to index
        %swap3A_476 = arith.constant 16 : index
        %swap3A_477 = tpu.vector_load %arg7[%swap3A_474, %swap3A_475, %swap3A_476] {strides = array<i32>} : memref<3x128x64xf32, #tpu.memory_space<vmem>>, vector<1x1x16xf32>,
        %swap3A_478 = vector.shape_cast %swap3A_477 : vector<1x1x16xf32> to vector<16xf32>
        %swap3A_479 = vector.shape_cast %get3A_468 : vector<16xf32> to vector<1x1x16xf32>
        tpu.vector_store %arg7[%swap3A_474, %swap3A_475, %swap3A_476], %swap3A_479 {strides = array<i32>} : memref<3x128x64xf32, #tpu.memory_space<vmem>>, vector<1x1x16xf32>,
        %mul3A_480 = arith.constant 8 : i32
        %mul3A_481 = arith.muli %scan3A_271, %mul3A_480 : i32
        %add3A_482 = arith.constant 2 : i32
        %add3A_483 = arith.addi %mul3A_481, %add3A_482 : i32
        %get3A_484 = arith.constant 2 : i32
        %get3A_485 = arith.index_cast %get3A_484 : i32 to index
        %get3A_486 = arith.index_cast %add3A_483 : i32 to index
        %get3A_487 = arith.constant 32 : index
        %get3A_488 = tpu.vector_load %arg6[%get3A_485, %get3A_486, %get3A_487] {strides = array<i32>} : memref<3x128x128xf32, #tpu.memory_space<vmem>>, vector<1x1x16xf32>,
        %get3A_489 = vector.shape_cast %get3A_488 : vector<1x1x16xf32> to vector<16xf32>
        %mul3A_490 = arith.constant 8 : i32
        %mul3A_491 = arith.muli %scan3A_271, %mul3A_490 : i32
        %add3A_492 = arith.constant 2 : i32
        %add3A_493 = arith.addi %mul3A_491, %add3A_492 : i32
        %swap3A_494 = arith.constant 2 : i32
        %swap3A_495 = arith.index_cast %swap3A_494 : i32 to index
        %swap3A_496 = arith.index_cast %add3A_493 : i32 to index
        %swap3A_497 = arith.constant 32 : index
        %swap3A_498 = tpu.vector_load %arg7[%swap3A_495, %swap3A_496, %swap3A_497] {strides = array<i32>} : memref<3x128x64xf32, #tpu.memory_space<vmem>>, vector<1x1x16xf32>,
        %swap3A_499 = vector.shape_cast %swap3A_498 : vector<1x1x16xf32> to vector<16xf32>
        %swap3A_500 = vector.shape_cast %get3A_489 : vector<16xf32> to vector<1x1x16xf32>
        tpu.vector_store %arg7[%swap3A_495, %swap3A_496, %swap3A_497], %swap3A_500 {strides = array<i32>} : memref<3x128x64xf32, #tpu.memory_space<vmem>>, vector<1x1x16xf32>,
        %mul3A_501 = arith.constant 8 : i32
        %mul3A_502 = arith.muli %scan3A_271, %mul3A_501 : i32
        %add3A_503 = arith.constant 2 : i32
        %add3A_504 = arith.addi %mul3A_502, %add3A_503 : i32
        %get3A_505 = arith.constant 2 : i32
        %get3A_506 = arith.index_cast %get3A_505 : i32 to index
        %get3A_507 = arith.index_cast %add3A_504 : i32 to index
        %get3A_508 = arith.constant 48 : index
        %get3A_509 = tpu.vector_load %arg6[%get3A_506, %get3A_507, %get3A_508] {strides = array<i32>} : memref<3x128x128xf32, #tpu.memory_space<vmem>>, vector<1x1x16xf32>,
        %get3A_510 = vector.shape_cast %get3A_509 : vector<1x1x16xf32> to vector<16xf32>
        %mul3A_511 = arith.constant 8 : i32
        %mul3A_512 = arith.muli %scan3A_271, %mul3A_511 : i32
        %add3A_513 = arith.constant 2 : i32
        %add3A_514 = arith.addi %mul3A_512, %add3A_513 : i32
        %swap3A_515 = arith.constant 2 : i32
        %swap3A_516 = arith.index_cast %swap3A_515 : i32 to index
        %swap3A_517 = arith.index_cast %add3A_514 : i32 to index
        %swap3A_518 = arith.constant 48 : index
        %swap3A_519 = tpu.vector_load %arg7[%swap3A_516, %swap3A_517, %swap3A_518] {strides = array<i32>} : memref<3x128x64xf32, #tpu.memory_space<vmem>>, vector<1x1x16xf32>,
        %swap3A_520 = vector.shape_cast %swap3A_519 : vector<1x1x16xf32> to vector<16xf32>
        %swap3A_521 = vector.shape_cast %get3A_510 : vector<16xf32> to vector<1x1x16xf32>
        tpu.vector_store %arg7[%swap3A_516, %swap3A_517, %swap3A_518], %swap3A_521 {strides = array<i32>} : memref<3x128x64xf32, #tpu.memory_space<vmem>>, vector<1x1x16xf32>,
        %mul3A_522 = arith.constant 8 : i32
        %mul3A_523 = arith.muli %scan3A_271, %mul3A_522 : i32
        %add3A_524 = arith.constant 3 : i32
        %add3A_525 = arith.addi %mul3A_523, %add3A_524 : i32
        %get3A_526 = arith.constant 2 : i32
        %get3A_527 = arith.index_cast %get3A_526 : i32 to index
        %get3A_528 = arith.index_cast %add3A_525 : i32 to index
        %get3A_529 = arith.constant 0 : index
        %get3A_530 = tpu.vector_load %arg6[%get3A_527, %get3A_528, %get3A_529] {strides = array<i32>} : memref<3x128x128xf32, #tpu.memory_space<vmem>>, vector<1x1x16xf32>,
        %get3A_531 = vector.shape_cast %get3A_530 : vector<1x1x16xf32> to vector<16xf32>
        %mul3A_532 = arith.constant 8 : i32
        %mul3A_533 = arith.muli %scan3A_271, %mul3A_532 : i32
        %add3A_534 = arith.constant 3 : i32
        %add3A_535 = arith.addi %mul3A_533, %add3A_534 : i32
        %swap3A_536 = arith.constant 2 : i32
        %swap3A_537 = arith.index_cast %swap3A_536 : i32 to index
        %swap3A_538 = arith.index_cast %add3A_535 : i32 to index
        %swap3A_539 = arith.constant 0 : index
        %swap3A_540 = tpu.vector_load %arg7[%swap3A_537, %swap3A_538, %swap3A_539] {strides = array<i32>} : memref<3x128x64xf32, #tpu.memory_space<vmem>>, vector<1x1x16xf32>,
        %swap3A_541 = vector.shape_cast %swap3A_540 : vector<1x1x16xf32> to vector<16xf32>
        %swap3A_542 = vector.shape_cast %get3A_531 : vector<16xf32> to vector<1x1x16xf32>
        tpu.vector_store %arg7[%swap3A_537, %swap3A_538, %swap3A_539], %swap3A_542 {strides = array<i32>} : memref<3x128x64xf32, #tpu.memory_space<vmem>>, vector<1x1x16xf32>,
        %mul3A_543 = arith.constant 8 : i32
        %mul3A_544 = arith.muli %scan3A_271, %mul3A_543 : i32
        %add3A_545 = arith.constant 3 : i32
        %add3A_546 = arith.addi %mul3A_544, %add3A_545 : i32
        %get3A_547 = arith.constant 2 : i32
        %get3A_548 = arith.index_cast %get3A_547 : i32 to index
        %get3A_549 = arith.index_cast %add3A_546 : i32 to index
        %get3A_550 = arith.constant 16 : index
        %get3A_551 = tpu.vector_load %arg6[%get3A_548, %get3A_549, %get3A_550] {strides = array<i32>} : memref<3x128x128xf32, #tpu.memory_space<vmem>>, vector<1x1x16xf32>,
        %get3A_552 = vector.shape_cast %get3A_551 : vector<1x1x16xf32> to vector<16xf32>
        %mul3A_553 = arith.constant 8 : i32
        %mul3A_554 = arith.muli %scan3A_271, %mul3A_553 : i32
        %add3A_555 = arith.constant 3 : i32
        %add3A_556 = arith.addi %mul3A_554, %add3A_555 : i32
        %swap3A_557 = arith.constant 2 : i32
        %swap3A_558 = arith.index_cast %swap3A_557 : i32 to index
        %swap3A_559 = arith.index_cast %add3A_556 : i32 to index
        %swap3A_560 = arith.constant 16 : index
        %swap3A_561 = tpu.vector_load %arg7[%swap3A_558, %swap3A_559, %swap3A_560] {strides = array<i32>} : memref<3x128x64xf32, #tpu.memory_space<vmem>>, vector<1x1x16xf32>,
        %swap3A_562 = vector.shape_cast %swap3A_561 : vector<1x1x16xf32> to vector<16xf32>
        %swap3A_563 = vector.shape_cast %get3A_552 : vector<16xf32> to vector<1x1x16xf32>
        tpu.vector_store %arg7[%swap3A_558, %swap3A_559, %swap3A_560], %swap3A_563 {strides = array<i32>} : memref<3x128x64xf32, #tpu.memory_space<vmem>>, vector<1x1x16xf32>,
        %mul3A_564 = arith.constant 8 : i32
        %mul3A_565 = arith.muli %scan3A_271, %mul3A_564 : i32
        %add3A_566 = arith.constant 3 : i32
        %add3A_567 = arith.addi %mul3A_565, %add3A_566 : i32
        %get3A_568 = arith.constant 2 : i32
        %get3A_569 = arith.index_cast %get3A_568 : i32 to index
        %get3A_570 = arith.index_cast %add3A_567 : i32 to index
        %get3A_571 = arith.constant 32 : index
        %get3A_572 = tpu.vector_load %arg6[%get3A_569, %get3A_570, %get3A_571] {strides = array<i32>} : memref<3x128x128xf32, #tpu.memory_space<vmem>>, vector<1x1x16xf32>,
        %get3A_573 = vector.shape_cast %get3A_572 : vector<1x1x16xf32> to vector<16xf32>
        %mul3A_574 = arith.constant 8 : i32
        %mul3A_575 = arith.muli %scan3A_271, %mul3A_574 : i32
        %add3A_576 = arith.constant 3 : i32
        %add3A_577 = arith.addi %mul3A_575, %add3A_576 : i32
        %swap3A_578 = arith.constant 2 : i32
        %swap3A_579 = arith.index_cast %swap3A_578 : i32 to index
        %swap3A_580 = arith.index_cast %add3A_577 : i32 to index
        %swap3A_581 = arith.constant 32 : index
        %swap3A_582 = tpu.vector_load %arg7[%swap3A_579, %swap3A_580, %swap3A_581] {strides = array<i32>} : memref<3x128x64xf32, #tpu.memory_space<vmem>>, vector<1x1x16xf32>,
        %swap3A_583 = vector.shape_cast %swap3A_582 : vector<1x1x16xf32> to vector<16xf32>
        %swap3A_584 = vector.shape_cast %get3A_573 : vector<16xf32> to vector<1x1x16xf32>
        tpu.vector_store %arg7[%swap3A_579, %swap3A_580, %swap3A_581], %swap3A_584 {strides = array<i32>} : memref<3x128x64xf32, #tpu.memory_space<vmem>>, vector<1x1x16xf32>,
        %mul3A_585 = arith.constant 8 : i32
        %mul3A_586 = arith.muli %scan3A_271, %mul3A_585 : i32
        %add3A_587 = arith.constant 3 : i32
        %add3A_588 = arith.addi %mul3A_586, %add3A_587 : i32
        %get3A_589 = arith.constant 2 : i32
        %get3A_590 = arith.index_cast %get3A_589 : i32 to index
        %get3A_591 = arith.index_cast %add3A_588 : i32 to index
        %get3A_592 = arith.constant 48 : index
        %get3A_593 = tpu.vector_load %arg6[%get3A_590, %get3A_591, %get3A_592] {strides = array<i32>} : memref<3x128x128xf32, #tpu.memory_space<vmem>>, vector<1x1x16xf32>,
        %get3A_594 = vector.shape_cast %get3A_593 : vector<1x1x16xf32> to vector<16xf32>
        %mul3A_595 = arith.constant 8 : i32
        %mul3A_596 = arith.muli %scan3A_271, %mul3A_595 : i32
        %add3A_597 = arith.constant 3 : i32
        %add3A_598 = arith.addi %mul3A_596, %add3A_597 : i32
        %swap3A_599 = arith.constant 2 : i32
        %swap3A_600 = arith.index_cast %swap3A_599 : i32 to index
        %swap3A_601 = arith.index_cast %add3A_598 : i32 to index
        %swap3A_602 = arith.constant 48 : index
        %swap3A_603 = tpu.vector_load %arg7[%swap3A_600, %swap3A_601, %swap3A_602] {strides = array<i32>} : memref<3x128x64xf32, #tpu.memory_space<vmem>>, vector<1x1x16xf32>,
        %swap3A_604 = vector.shape_cast %swap3A_603 : vector<1x1x16xf32> to vector<16xf32>
        %swap3A_605 = vector.shape_cast %get3A_594 : vector<16xf32> to vector<1x1x16xf32>
        tpu.vector_store %arg7[%swap3A_600, %swap3A_601, %swap3A_602], %swap3A_605 {strides = array<i32>} : memref<3x128x64xf32, #tpu.memory_space<vmem>>, vector<1x1x16xf32>,
        %mul3A_606 = arith.constant 8 : i32
        %mul3A_607 = arith.muli %scan3A_271, %mul3A_606 : i32
        %add3A_608 = arith.constant 4 : i32
        %add3A_609 = arith.addi %mul3A_607, %add3A_608 : i32
        %get3A_610 = arith.constant 2 : i32
        %get3A_611 = arith.index_cast %get3A_610 : i32 to index
        %get3A_612 = arith.index_cast %add3A_609 : i32 to index
        %get3A_613 = arith.constant 0 : index
        %get3A_614 = tpu.vector_load %arg6[%get3A_611, %get3A_612, %get3A_613] {strides = array<i32>} : memref<3x128x128xf32, #tpu.memory_space<vmem>>, vector<1x1x16xf32>,
        %get3A_615 = vector.shape_cast %get3A_614 : vector<1x1x16xf32> to vector<16xf32>
        %mul3A_616 = arith.constant 8 : i32
        %mul3A_617 = arith.muli %scan3A_271, %mul3A_616 : i32
        %add3A_618 = arith.constant 4 : i32
        %add3A_619 = arith.addi %mul3A_617, %add3A_618 : i32
        %swap3A_620 = arith.constant 2 : i32
        %swap3A_621 = arith.index_cast %swap3A_620 : i32 to index
        %swap3A_622 = arith.index_cast %add3A_619 : i32 to index
        %swap3A_623 = arith.constant 0 : index
        %swap3A_624 = tpu.vector_load %arg7[%swap3A_621, %swap3A_622, %swap3A_623] {strides = array<i32>} : memref<3x128x64xf32, #tpu.memory_space<vmem>>, vector<1x1x16xf32>,
        %swap3A_625 = vector.shape_cast %swap3A_624 : vector<1x1x16xf32> to vector<16xf32>
        %swap3A_626 = vector.shape_cast %get3A_615 : vector<16xf32> to vector<1x1x16xf32>
        tpu.vector_store %arg7[%swap3A_621, %swap3A_622, %swap3A_623], %swap3A_626 {strides = array<i32>} : memref<3x128x64xf32, #tpu.memory_space<vmem>>, vector<1x1x16xf32>,
        %mul3A_627 = arith.constant 8 : i32
        %mul3A_628 = arith.muli %scan3A_271, %mul3A_627 : i32
        %add3A_629 = arith.constant 4 : i32
        %add3A_630 = arith.addi %mul3A_628, %add3A_629 : i32
        %get3A_631 = arith.constant 2 : i32
        %get3A_632 = arith.index_cast %get3A_631 : i32 to index
        %get3A_633 = arith.index_cast %add3A_630 : i32 to index
        %get3A_634 = arith.constant 16 : index
        %get3A_635 = tpu.vector_load %arg6[%get3A_632, %get3A_633, %get3A_634] {strides = array<i32>} : memref<3x128x128xf32, #tpu.memory_space<vmem>>, vector<1x1x16xf32>,
        %get3A_636 = vector.shape_cast %get3A_635 : vector<1x1x16xf32> to vector<16xf32>
        %mul3A_637 = arith.constant 8 : i32
        %mul3A_638 = arith.muli %scan3A_271, %mul3A_637 : i32
        %add3A_639 = arith.constant 4 : i32
        %add3A_640 = arith.addi %mul3A_638, %add3A_639 : i32
        %swap3A_641 = arith.constant 2 : i32
        %swap3A_642 = arith.index_cast %swap3A_641 : i32 to index
        %swap3A_643 = arith.index_cast %add3A_640 : i32 to index
        %swap3A_644 = arith.constant 16 : index
        %swap3A_645 = tpu.vector_load %arg7[%swap3A_642, %swap3A_643, %swap3A_644] {strides = array<i32>} : memref<3x128x64xf32, #tpu.memory_space<vmem>>, vector<1x1x16xf32>,
        %swap3A_646 = vector.shape_cast %swap3A_645 : vector<1x1x16xf32> to vector<16xf32>
        %swap3A_647 = vector.shape_cast %get3A_636 : vector<16xf32> to vector<1x1x16xf32>
        tpu.vector_store %arg7[%swap3A_642, %swap3A_643, %swap3A_644], %swap3A_647 {strides = array<i32>} : memref<3x128x64xf32, #tpu.memory_space<vmem>>, vector<1x1x16xf32>,
        %mul3A_648 = arith.constant 8 : i32
        %mul3A_649 = arith.muli %scan3A_271, %mul3A_648 : i32
        %add3A_650 = arith.constant 4 : i32
        %add3A_651 = arith.addi %mul3A_649, %add3A_650 : i32
        %get3A_652 = arith.constant 2 : i32
        %get3A_653 = arith.index_cast %get3A_652 : i32 to index
        %get3A_654 = arith.index_cast %add3A_651 : i32 to index
        %get3A_655 = arith.constant 32 : index
        %get3A_656 = tpu.vector_load %arg6[%get3A_653, %get3A_654, %get3A_655] {strides = array<i32>} : memref<3x128x128xf32, #tpu.memory_space<vmem>>, vector<1x1x16xf32>,
        %get3A_657 = vector.shape_cast %get3A_656 : vector<1x1x16xf32> to vector<16xf32>
        %mul3A_658 = arith.constant 8 : i32
        %mul3A_659 = arith.muli %scan3A_271, %mul3A_658 : i32
        %add3A_660 = arith.constant 4 : i32
        %add3A_661 = arith.addi %mul3A_659, %add3A_660 : i32
        %swap3A_662 = arith.constant 2 : i32
        %swap3A_663 = arith.index_cast %swap3A_662 : i32 to index
        %swap3A_664 = arith.index_cast %add3A_661 : i32 to index
        %swap3A_665 = arith.constant 32 : index
        %swap3A_666 = tpu.vector_load %arg7[%swap3A_663, %swap3A_664, %swap3A_665] {strides = array<i32>} : memref<3x128x64xf32, #tpu.memory_space<vmem>>, vector<1x1x16xf32>,
        %swap3A_667 = vector.shape_cast %swap3A_666 : vector<1x1x16xf32> to vector<16xf32>
        %swap3A_668 = vector.shape_cast %get3A_657 : vector<16xf32> to vector<1x1x16xf32>
        tpu.vector_store %arg7[%swap3A_663, %swap3A_664, %swap3A_665], %swap3A_668 {strides = array<i32>} : memref<3x128x64xf32, #tpu.memory_space<vmem>>, vector<1x1x16xf32>,
        %mul3A_669 = arith.constant 8 : i32
        %mul3A_670 = arith.muli %scan3A_271, %mul3A_669 : i32
        %add3A_671 = arith.constant 4 : i32
        %add3A_672 = arith.addi %mul3A_670, %add3A_671 : i32
        %get3A_673 = arith.constant 2 : i32
        %get3A_674 = arith.index_cast %get3A_673 : i32 to index
        %get3A_675 = arith.index_cast %add3A_672 : i32 to index
        %get3A_676 = arith.constant 48 : index
        %get3A_677 = tpu.vector_load %arg6[%get3A_674, %get3A_675, %get3A_676] {strides = array<i32>} : memref<3x128x128xf32, #tpu.memory_space<vmem>>, vector<1x1x16xf32>,
        %get3A_678 = vector.shape_cast %get3A_677 : vector<1x1x16xf32> to vector<16xf32>
        %mul3A_679 = arith.constant 8 : i32
        %mul3A_680 = arith.muli %scan3A_271, %mul3A_679 : i32
        %add3A_681 = arith.constant 4 : i32
        %add3A_682 = arith.addi %mul3A_680, %add3A_681 : i32
        %swap3A_683 = arith.constant 2 : i32
        %swap3A_684 = arith.index_cast %swap3A_683 : i32 to index
        %swap3A_685 = arith.index_cast %add3A_682 : i32 to index
        %swap3A_686 = arith.constant 48 : index
        %swap3A_687 = tpu.vector_load %arg7[%swap3A_684, %swap3A_685, %swap3A_686] {strides = array<i32>} : memref<3x128x64xf32, #tpu.memory_space<vmem>>, vector<1x1x16xf32>,
        %swap3A_688 = vector.shape_cast %swap3A_687 : vector<1x1x16xf32> to vector<16xf32>
        %swap3A_689 = vector.shape_cast %get3A_678 : vector<16xf32> to vector<1x1x16xf32>
        tpu.vector_store %arg7[%swap3A_684, %swap3A_685, %swap3A_686], %swap3A_689 {strides = array<i32>} : memref<3x128x64xf32, #tpu.memory_space<vmem>>, vector<1x1x16xf32>,
        %mul3A_690 = arith.constant 8 : i32
        %mul3A_691 = arith.muli %scan3A_271, %mul3A_690 : i32
        %add3A_692 = arith.constant 5 : i32
        %add3A_693 = arith.addi %mul3A_691, %add3A_692 : i32
        %get3A_694 = arith.constant 2 : i32
        %get3A_695 = arith.index_cast %get3A_694 : i32 to index
        %get3A_696 = arith.index_cast %add3A_693 : i32 to index
        %get3A_697 = arith.constant 0 : index
        %get3A_698 = tpu.vector_load %arg6[%get3A_695, %get3A_696, %get3A_697] {strides = array<i32>} : memref<3x128x128xf32, #tpu.memory_space<vmem>>, vector<1x1x16xf32>,
        %get3A_699 = vector.shape_cast %get3A_698 : vector<1x1x16xf32> to vector<16xf32>
        %mul3A_700 = arith.constant 8 : i32
        %mul3A_701 = arith.muli %scan3A_271, %mul3A_700 : i32
        %add3A_702 = arith.constant 5 : i32
        %add3A_703 = arith.addi %mul3A_701, %add3A_702 : i32
        %swap3A_704 = arith.constant 2 : i32
        %swap3A_705 = arith.index_cast %swap3A_704 : i32 to index
        %swap3A_706 = arith.index_cast %add3A_703 : i32 to index
        %swap3A_707 = arith.constant 0 : index
        %swap3A_708 = tpu.vector_load %arg7[%swap3A_705, %swap3A_706, %swap3A_707] {strides = array<i32>} : memref<3x128x64xf32, #tpu.memory_space<vmem>>, vector<1x1x16xf32>,
        %swap3A_709 = vector.shape_cast %swap3A_708 : vector<1x1x16xf32> to vector<16xf32>
        %swap3A_710 = vector.shape_cast %get3A_699 : vector<16xf32> to vector<1x1x16xf32>
        tpu.vector_store %arg7[%swap3A_705, %swap3A_706, %swap3A_707], %swap3A_710 {strides = array<i32>} : memref<3x128x64xf32, #tpu.memory_space<vmem>>, vector<1x1x16xf32>,
        %mul3A_711 = arith.constant 8 : i32
        %mul3A_712 = arith.muli %scan3A_271, %mul3A_711 : i32
        %add3A_713 = arith.constant 5 : i32
        %add3A_714 = arith.addi %mul3A_712, %add3A_713 : i32
        %get3A_715 = arith.constant 2 : i32
        %get3A_716 = arith.index_cast %get3A_715 : i32 to index
        %get3A_717 = arith.index_cast %add3A_714 : i32 to index
        %get3A_718 = arith.constant 16 : index
        %get3A_719 = tpu.vector_load %arg6[%get3A_716, %get3A_717, %get3A_718] {strides = array<i32>} : memref<3x128x128xf32, #tpu.memory_space<vmem>>, vector<1x1x16xf32>,
        %get3A_720 = vector.shape_cast %get3A_719 : vector<1x1x16xf32> to vector<16xf32>
        %mul3A_721 = arith.constant 8 : i32
        %mul3A_722 = arith.muli %scan3A_271, %mul3A_721 : i32
        %add3A_723 = arith.constant 5 : i32
        %add3A_724 = arith.addi %mul3A_722, %add3A_723 : i32
        %swap3A_725 = arith.constant 2 : i32
        %swap3A_726 = arith.index_cast %swap3A_725 : i32 to index
        %swap3A_727 = arith.index_cast %add3A_724 : i32 to index
        %swap3A_728 = arith.constant 16 : index
        %swap3A_729 = tpu.vector_load %arg7[%swap3A_726, %swap3A_727, %swap3A_728] {strides = array<i32>} : memref<3x128x64xf32, #tpu.memory_space<vmem>>, vector<1x1x16xf32>,
        %swap3A_730 = vector.shape_cast %swap3A_729 : vector<1x1x16xf32> to vector<16xf32>
        %swap3A_731 = vector.shape_cast %get3A_720 : vector<16xf32> to vector<1x1x16xf32>
        tpu.vector_store %arg7[%swap3A_726, %swap3A_727, %swap3A_728], %swap3A_731 {strides = array<i32>} : memref<3x128x64xf32, #tpu.memory_space<vmem>>, vector<1x1x16xf32>,
        %mul3A_732 = arith.constant 8 : i32
        %mul3A_733 = arith.muli %scan3A_271, %mul3A_732 : i32
        %add3A_734 = arith.constant 5 : i32
        %add3A_735 = arith.addi %mul3A_733, %add3A_734 : i32
        %get3A_736 = arith.constant 2 : i32
        %get3A_737 = arith.index_cast %get3A_736 : i32 to index
        %get3A_738 = arith.index_cast %add3A_735 : i32 to index
        %get3A_739 = arith.constant 32 : index
        %get3A_740 = tpu.vector_load %arg6[%get3A_737, %get3A_738, %get3A_739] {strides = array<i32>} : memref<3x128x128xf32, #tpu.memory_space<vmem>>, vector<1x1x16xf32>,
        %get3A_741 = vector.shape_cast %get3A_740 : vector<1x1x16xf32> to vector<16xf32>
        %mul3A_742 = arith.constant 8 : i32
        %mul3A_743 = arith.muli %scan3A_271, %mul3A_742 : i32
        %add3A_744 = arith.constant 5 : i32
        %add3A_745 = arith.addi %mul3A_743, %add3A_744 : i32
        %swap3A_746 = arith.constant 2 : i32
        %swap3A_747 = arith.index_cast %swap3A_746 : i32 to index
        %swap3A_748 = arith.index_cast %add3A_745 : i32 to index
        %swap3A_749 = arith.constant 32 : index
        %swap3A_750 = tpu.vector_load %arg7[%swap3A_747, %swap3A_748, %swap3A_749] {strides = array<i32>} : memref<3x128x64xf32, #tpu.memory_space<vmem>>, vector<1x1x16xf32>,
        %swap3A_751 = vector.shape_cast %swap3A_750 : vector<1x1x16xf32> to vector<16xf32>
        %swap3A_752 = vector.shape_cast %get3A_741 : vector<16xf32> to vector<1x1x16xf32>
        tpu.vector_store %arg7[%swap3A_747, %swap3A_748, %swap3A_749], %swap3A_752 {strides = array<i32>} : memref<3x128x64xf32, #tpu.memory_space<vmem>>, vector<1x1x16xf32>,
        %mul3A_753 = arith.constant 8 : i32
        %mul3A_754 = arith.muli %scan3A_271, %mul3A_753 : i32
        %add3A_755 = arith.constant 5 : i32
        %add3A_756 = arith.addi %mul3A_754, %add3A_755 : i32
        %get3A_757 = arith.constant 2 : i32
        %get3A_758 = arith.index_cast %get3A_757 : i32 to index
        %get3A_759 = arith.index_cast %add3A_756 : i32 to index
        %get3A_760 = arith.constant 48 : index
        %get3A_761 = tpu.vector_load %arg6[%get3A_758, %get3A_759, %get3A_760] {strides = array<i32>} : memref<3x128x128xf32, #tpu.memory_space<vmem>>, vector<1x1x16xf32>,
        %get3A_762 = vector.shape_cast %get3A_761 : vector<1x1x16xf32> to vector<16xf32>
        %mul3A_763 = arith.constant 8 : i32
        %mul3A_764 = arith.muli %scan3A_271, %mul3A_763 : i32
        %add3A_765 = arith.constant 5 : i32
        %add3A_766 = arith.addi %mul3A_764, %add3A_765 : i32
        %swap3A_767 = arith.constant 2 : i32
        %swap3A_768 = arith.index_cast %swap3A_767 : i32 to index
        %swap3A_769 = arith.index_cast %add3A_766 : i32 to index
        %swap3A_770 = arith.constant 48 : index
        %swap3A_771 = tpu.vector_load %arg7[%swap3A_768, %swap3A_769, %swap3A_770] {strides = array<i32>} : memref<3x128x64xf32, #tpu.memory_space<vmem>>, vector<1x1x16xf32>,
        %swap3A_772 = vector.shape_cast %swap3A_771 : vector<1x1x16xf32> to vector<16xf32>
        %swap3A_773 = vector.shape_cast %get3A_762 : vector<16xf32> to vector<1x1x16xf32>
        tpu.vector_store %arg7[%swap3A_768, %swap3A_769, %swap3A_770], %swap3A_773 {strides = array<i32>} : memref<3x128x64xf32, #tpu.memory_space<vmem>>, vector<1x1x16xf32>,
        %mul3A_774 = arith.constant 8 : i32
        %mul3A_775 = arith.muli %scan3A_271, %mul3A_774 : i32
        %add3A_776 = arith.constant 6 : i32
        %add3A_777 = arith.addi %mul3A_775, %add3A_776 : i32
        %get3A_778 = arith.constant 2 : i32
        %get3A_779 = arith.index_cast %get3A_778 : i32 to index
        %get3A_780 = arith.index_cast %add3A_777 : i32 to index
        %get3A_781 = arith.constant 0 : index
        %get3A_782 = tpu.vector_load %arg6[%get3A_779, %get3A_780, %get3A_781] {strides = array<i32>} : memref<3x128x128xf32, #tpu.memory_space<vmem>>, vector<1x1x16xf32>,
        %get3A_783 = vector.shape_cast %get3A_782 : vector<1x1x16xf32> to vector<16xf32>
        %mul3A_784 = arith.constant 8 : i32
        %mul3A_785 = arith.muli %scan3A_271, %mul3A_784 : i32
        %add3A_786 = arith.constant 6 : i32
        %add3A_787 = arith.addi %mul3A_785, %add3A_786 : i32
        %swap3A_788 = arith.constant 2 : i32
        %swap3A_789 = arith.index_cast %swap3A_788 : i32 to index
        %swap3A_790 = arith.index_cast %add3A_787 : i32 to index
        %swap3A_791 = arith.constant 0 : index
        %swap3A_792 = tpu.vector_load %arg7[%swap3A_789, %swap3A_790, %swap3A_791] {strides = array<i32>} : memref<3x128x64xf32, #tpu.memory_space<vmem>>, vector<1x1x16xf32>,
        %swap3A_793 = vector.shape_cast %swap3A_792 : vector<1x1x16xf32> to vector<16xf32>
        %swap3A_794 = vector.shape_cast %get3A_783 : vector<16xf32> to vector<1x1x16xf32>
        tpu.vector_store %arg7[%swap3A_789, %swap3A_790, %swap3A_791], %swap3A_794 {strides = array<i32>} : memref<3x128x64xf32, #tpu.memory_space<vmem>>, vector<1x1x16xf32>,
        %mul3A_795 = arith.constant 8 : i32
        %mul3A_796 = arith.muli %scan3A_271, %mul3A_795 : i32
        %add3A_797 = arith.constant 6 : i32
        %add3A_798 = arith.addi %mul3A_796, %add3A_797 : i32
        %get3A_799 = arith.constant 2 : i32
        %get3A_800 = arith.index_cast %get3A_799 : i32 to index
        %get3A_801 = arith.index_cast %add3A_798 : i32 to index
        %get3A_802 = arith.constant 16 : index
        %get3A_803 = tpu.vector_load %arg6[%get3A_800, %get3A_801, %get3A_802] {strides = array<i32>} : memref<3x128x128xf32, #tpu.memory_space<vmem>>, vector<1x1x16xf32>,
        %get3A_804 = vector.shape_cast %get3A_803 : vector<1x1x16xf32> to vector<16xf32>
        %mul3A_805 = arith.constant 8 : i32
        %mul3A_806 = arith.muli %scan3A_271, %mul3A_805 : i32
        %add3A_807 = arith.constant 6 : i32
        %add3A_808 = arith.addi %mul3A_806, %add3A_807 : i32
        %swap3A_809 = arith.constant 2 : i32
        %swap3A_810 = arith.index_cast %swap3A_809 : i32 to index
        %swap3A_811 = arith.index_cast %add3A_808 : i32 to index
        %swap3A_812 = arith.constant 16 : index
        %swap3A_813 = tpu.vector_load %arg7[%swap3A_810, %swap3A_811, %swap3A_812] {strides = array<i32>} : memref<3x128x64xf32, #tpu.memory_space<vmem>>, vector<1x1x16xf32>,
        %swap3A_814 = vector.shape_cast %swap3A_813 : vector<1x1x16xf32> to vector<16xf32>
        %swap3A_815 = vector.shape_cast %get3A_804 : vector<16xf32> to vector<1x1x16xf32>
        tpu.vector_store %arg7[%swap3A_810, %swap3A_811, %swap3A_812], %swap3A_815 {strides = array<i32>} : memref<3x128x64xf32, #tpu.memory_space<vmem>>, vector<1x1x16xf32>,
        %mul3A_816 = arith.constant 8 : i32
        %mul3A_817 = arith.muli %scan3A_271, %mul3A_816 : i32
        %add3A_818 = arith.constant 6 : i32
        %add3A_819 = arith.addi %mul3A_817, %add3A_818 : i32
        %get3A_820 = arith.constant 2 : i32
        %get3A_821 = arith.index_cast %get3A_820 : i32 to index
        %get3A_822 = arith.index_cast %add3A_819 : i32 to index
        %get3A_823 = arith.constant 32 : index
        %get3A_824 = tpu.vector_load %arg6[%get3A_821, %get3A_822, %get3A_823] {strides = array<i32>} : memref<3x128x128xf32, #tpu.memory_space<vmem>>, vector<1x1x16xf32>,
        %get3A_825 = vector.shape_cast %get3A_824 : vector<1x1x16xf32> to vector<16xf32>
        %mul3A_826 = arith.constant 8 : i32
        %mul3A_827 = arith.muli %scan3A_271, %mul3A_826 : i32
        %add3A_828 = arith.constant 6 : i32
        %add3A_829 = arith.addi %mul3A_827, %add3A_828 : i32
        %swap3A_830 = arith.constant 2 : i32
        %swap3A_831 = arith.index_cast %swap3A_830 : i32 to index
        %swap3A_832 = arith.index_cast %add3A_829 : i32 to index
        %swap3A_833 = arith.constant 32 : index
        %swap3A_834 = tpu.vector_load %arg7[%swap3A_831, %swap3A_832, %swap3A_833] {strides = array<i32>} : memref<3x128x64xf32, #tpu.memory_space<vmem>>, vector<1x1x16xf32>,
        %swap3A_835 = vector.shape_cast %swap3A_834 : vector<1x1x16xf32> to vector<16xf32>
        %swap3A_836 = vector.shape_cast %get3A_825 : vector<16xf32> to vector<1x1x16xf32>
        tpu.vector_store %arg7[%swap3A_831, %swap3A_832, %swap3A_833], %swap3A_836 {strides = array<i32>} : memref<3x128x64xf32, #tpu.memory_space<vmem>>, vector<1x1x16xf32>,
        %mul3A_837 = arith.constant 8 : i32
        %mul3A_838 = arith.muli %scan3A_271, %mul3A_837 : i32
        %add3A_839 = arith.constant 6 : i32
        %add3A_840 = arith.addi %mul3A_838, %add3A_839 : i32
        %get3A_841 = arith.constant 2 : i32
        %get3A_842 = arith.index_cast %get3A_841 : i32 to index
        %get3A_843 = arith.index_cast %add3A_840 : i32 to index
        %get3A_844 = arith.constant 48 : index
        %get3A_845 = tpu.vector_load %arg6[%get3A_842, %get3A_843, %get3A_844] {strides = array<i32>} : memref<3x128x128xf32, #tpu.memory_space<vmem>>, vector<1x1x16xf32>,
        %get3A_846 = vector.shape_cast %get3A_845 : vector<1x1x16xf32> to vector<16xf32>
        %mul3A_847 = arith.constant 8 : i32
        %mul3A_848 = arith.muli %scan3A_271, %mul3A_847 : i32
        %add3A_849 = arith.constant 6 : i32
        %add3A_850 = arith.addi %mul3A_848, %add3A_849 : i32
        %swap3A_851 = arith.constant 2 : i32
        %swap3A_852 = arith.index_cast %swap3A_851 : i32 to index
        %swap3A_853 = arith.index_cast %add3A_850 : i32 to index
        %swap3A_854 = arith.constant 48 : index
        %swap3A_855 = tpu.vector_load %arg7[%swap3A_852, %swap3A_853, %swap3A_854] {strides = array<i32>} : memref<3x128x64xf32, #tpu.memory_space<vmem>>, vector<1x1x16xf32>,
        %swap3A_856 = vector.shape_cast %swap3A_855 : vector<1x1x16xf32> to vector<16xf32>
        %swap3A_857 = vector.shape_cast %get3A_846 : vector<16xf32> to vector<1x1x16xf32>
        tpu.vector_store %arg7[%swap3A_852, %swap3A_853, %swap3A_854], %swap3A_857 {strides = array<i32>} : memref<3x128x64xf32, #tpu.memory_space<vmem>>, vector<1x1x16xf32>,
        %mul3A_858 = arith.constant 8 : i32
        %mul3A_859 = arith.muli %scan3A_271, %mul3A_858 : i32
        %add3A_860 = arith.constant 7 : i32
        %add3A_861 = arith.addi %mul3A_859, %add3A_860 : i32
        %get3A_862 = arith.constant 2 : i32
        %get3A_863 = arith.index_cast %get3A_862 : i32 to index
        %get3A_864 = arith.index_cast %add3A_861 : i32 to index
        %get3A_865 = arith.constant 0 : index
        %get3A_866 = tpu.vector_load %arg6[%get3A_863, %get3A_864, %get3A_865] {strides = array<i32>} : memref<3x128x128xf32, #tpu.memory_space<vmem>>, vector<1x1x16xf32>,
        %get3A_867 = vector.shape_cast %get3A_866 : vector<1x1x16xf32> to vector<16xf32>
        %mul3A_868 = arith.constant 8 : i32
        %mul3A_869 = arith.muli %scan3A_271, %mul3A_868 : i32
        %add3A_870 = arith.constant 7 : i32
        %add3A_871 = arith.addi %mul3A_869, %add3A_870 : i32
        %swap3A_872 = arith.constant 2 : i32
        %swap3A_873 = arith.index_cast %swap3A_872 : i32 to index
        %swap3A_874 = arith.index_cast %add3A_871 : i32 to index
        %swap3A_875 = arith.constant 0 : index
        %swap3A_876 = tpu.vector_load %arg7[%swap3A_873, %swap3A_874, %swap3A_875] {strides = array<i32>} : memref<3x128x64xf32, #tpu.memory_space<vmem>>, vector<1x1x16xf32>,
        %swap3A_877 = vector.shape_cast %swap3A_876 : vector<1x1x16xf32> to vector<16xf32>
        %swap3A_878 = vector.shape_cast %get3A_867 : vector<16xf32> to vector<1x1x16xf32>
        tpu.vector_store %arg7[%swap3A_873, %swap3A_874, %swap3A_875], %swap3A_878 {strides = array<i32>} : memref<3x128x64xf32, #tpu.memory_space<vmem>>, vector<1x1x16xf32>,
        %mul3A_879 = arith.constant 8 : i32
        %mul3A_880 = arith.muli %scan3A_271, %mul3A_879 : i32
        %add3A_881 = arith.constant 7 : i32
        %add3A_882 = arith.addi %mul3A_880, %add3A_881 : i32
        %get3A_883 = arith.constant 2 : i32
        %get3A_884 = arith.index_cast %get3A_883 : i32 to index
        %get3A_885 = arith.index_cast %add3A_882 : i32 to index
        %get3A_886 = arith.constant 16 : index
        %get3A_887 = tpu.vector_load %arg6[%get3A_884, %get3A_885, %get3A_886] {strides = array<i32>} : memref<3x128x128xf32, #tpu.memory_space<vmem>>, vector<1x1x16xf32>,
        %get3A_888 = vector.shape_cast %get3A_887 : vector<1x1x16xf32> to vector<16xf32>
        %mul3A_889 = arith.constant 8 : i32
        %mul3A_890 = arith.muli %scan3A_271, %mul3A_889 : i32
        %add3A_891 = arith.constant 7 : i32
        %add3A_892 = arith.addi %mul3A_890, %add3A_891 : i32
        %swap3A_893 = arith.constant 2 : i32
        %swap3A_894 = arith.index_cast %swap3A_893 : i32 to index
        %swap3A_895 = arith.index_cast %add3A_892 : i32 to index
        %swap3A_896 = arith.constant 16 : index
        %swap3A_897 = tpu.vector_load %arg7[%swap3A_894, %swap3A_895, %swap3A_896] {strides = array<i32>} : memref<3x128x64xf32, #tpu.memory_space<vmem>>, vector<1x1x16xf32>,
        %swap3A_898 = vector.shape_cast %swap3A_897 : vector<1x1x16xf32> to vector<16xf32>
        %swap3A_899 = vector.shape_cast %get3A_888 : vector<16xf32> to vector<1x1x16xf32>
        tpu.vector_store %arg7[%swap3A_894, %swap3A_895, %swap3A_896], %swap3A_899 {strides = array<i32>} : memref<3x128x64xf32, #tpu.memory_space<vmem>>, vector<1x1x16xf32>,
        %mul3A_900 = arith.constant 8 : i32
        %mul3A_901 = arith.muli %scan3A_271, %mul3A_900 : i32
        %add3A_902 = arith.constant 7 : i32
        %add3A_903 = arith.addi %mul3A_901, %add3A_902 : i32
        %get3A_904 = arith.constant 2 : i32
        %get3A_905 = arith.index_cast %get3A_904 : i32 to index
        %get3A_906 = arith.index_cast %add3A_903 : i32 to index
        %get3A_907 = arith.constant 32 : index
        %get3A_908 = tpu.vector_load %arg6[%get3A_905, %get3A_906, %get3A_907] {strides = array<i32>} : memref<3x128x128xf32, #tpu.memory_space<vmem>>, vector<1x1x16xf32>,
        %get3A_909 = vector.shape_cast %get3A_908 : vector<1x1x16xf32> to vector<16xf32>
        %mul3A_910 = arith.constant 8 : i32
        %mul3A_911 = arith.muli %scan3A_271, %mul3A_910 : i32
        %add3A_912 = arith.constant 7 : i32
        %add3A_913 = arith.addi %mul3A_911, %add3A_912 : i32
        %swap3A_914 = arith.constant 2 : i32
        %swap3A_915 = arith.index_cast %swap3A_914 : i32 to index
        %swap3A_916 = arith.index_cast %add3A_913 : i32 to index
        %swap3A_917 = arith.constant 32 : index
        %swap3A_918 = tpu.vector_load %arg7[%swap3A_915, %swap3A_916, %swap3A_917] {strides = array<i32>} : memref<3x128x64xf32, #tpu.memory_space<vmem>>, vector<1x1x16xf32>,
        %swap3A_919 = vector.shape_cast %swap3A_918 : vector<1x1x16xf32> to vector<16xf32>
        %swap3A_920 = vector.shape_cast %get3A_909 : vector<16xf32> to vector<1x1x16xf32>
        tpu.vector_store %arg7[%swap3A_915, %swap3A_916, %swap3A_917], %swap3A_920 {strides = array<i32>} : memref<3x128x64xf32, #tpu.memory_space<vmem>>, vector<1x1x16xf32>,
        %mul3A_921 = arith.constant 8 : i32
        %mul3A_922 = arith.muli %scan3A_271, %mul3A_921 : i32
        %add3A_923 = arith.constant 7 : i32
        %add3A_924 = arith.addi %mul3A_922, %add3A_923 : i32
        %get3A_925 = arith.constant 2 : i32
        %get3A_926 = arith.index_cast %get3A_925 : i32 to index
        %get3A_927 = arith.index_cast %add3A_924 : i32 to index
        %get3A_928 = arith.constant 48 : index
        %get3A_929 = tpu.vector_load %arg6[%get3A_926, %get3A_927, %get3A_928] {strides = array<i32>} : memref<3x128x128xf32, #tpu.memory_space<vmem>>, vector<1x1x16xf32>,
        %get3A_930 = vector.shape_cast %get3A_929 : vector<1x1x16xf32> to vector<16xf32>
        %mul3A_931 = arith.constant 8 : i32
        %mul3A_932 = arith.muli %scan3A_271, %mul3A_931 : i32
        %add3A_933 = arith.constant 7 : i32
        %add3A_934 = arith.addi %mul3A_932, %add3A_933 : i32
        %swap3A_935 = arith.constant 2 : i32
        %swap3A_936 = arith.index_cast %swap3A_935 : i32 to index
        %swap3A_937 = arith.index_cast %add3A_934 : i32 to index
        %swap3A_938 = arith.constant 48 : index
        %swap3A_939 = tpu.vector_load %arg7[%swap3A_936, %swap3A_937, %swap3A_938] {strides = array<i32>} : memref<3x128x64xf32, #tpu.memory_space<vmem>>, vector<1x1x16xf32>,
        %swap3A_940 = vector.shape_cast %swap3A_939 : vector<1x1x16xf32> to vector<16xf32>
        %swap3A_941 = vector.shape_cast %get3A_930 : vector<16xf32> to vector<1x1x16xf32>
        tpu.vector_store %arg7[%swap3A_936, %swap3A_937, %swap3A_938], %swap3A_941 {strides = array<i32>} : memref<3x128x64xf32, #tpu.memory_space<vmem>>, vector<1x1x16xf32>,
      }
      %scan3A_247 = arith.constant 16 : i32
      %mul3A_248 = arith.constant 128 : i32
      %mul3A_249 = arith.muli %add3A_225, %mul3A_248 : i32
      %add3A_250 = arith.addi %mul3A_2, %mul3A_249 : i32
      %dma_start3A_251 = arith.constant 2 : i32
      %dma_start3A_252 = arith.constant 0 : i32
      %dma_start3A_253 = arith.constant 0 : i32
      %dma_start3A_254 = tpu.memref_slice %arg7[%dma_start3A_251, %dma_start3A_252, %dma_start3A_253] : memref<3x128x64xf32, #tpu.memory_space<vmem>> -> memref<1x128x64xf32, #tpu.memory_space<vmem>>
      %dma_start3A_255 = tpu.memref_squeeze %dma_start3A_254 : memref<1x128x64xf32, #tpu.memory_space<vmem>> -> memref<128x64xf32, #tpu.memory_space<vmem>>
      %dma_start3A_256 = arith.constant 0 : i32
      %dma_start3A_257 = tpu.memref_slice %arg4[%add3A_250, %dma_start3A_256] : memref<320000x64xf32, #tpu.memory_space<hbm>> -> memref<128x64xf32, #tpu.memory_space<hbm>>
      %dma_start3A_258 = arith.constant 0 : i32
      %dma_start3A_259 = tpu.memref_slice %arg4[%add3A_250, %dma_start3A_258] : memref<320000x64xf32, #tpu.memory_space<hbm>> -> memref<128x64xf32, #tpu.memory_space<hbm>>
      %dma_start3A_260 = arith.constant 0 : i32
      %dma_start3A_261 = arith.constant 0 : i32
      %dma_start3A_262 = tpu.memref_slice %arg7[%dma_start3A_251, %dma_start3A_260, %dma_start3A_261] : memref<3x128x64xf32, #tpu.memory_space<vmem>> -> memref<1x128x64xf32, #tpu.memory_space<vmem>>
      %dma_start3A_263 = tpu.memref_squeeze %dma_start3A_262 : memref<1x128x64xf32, #tpu.memory_space<vmem>> -> memref<128x64xf32, #tpu.memory_space<vmem>>
      tpu.enqueue_dma source(%dma_start3A_263 : memref<128x64xf32, #tpu.memory_space<vmem>>) target(%dma_start3A_259 : memref<128x64xf32, #tpu.memory_space<hbm>>) target_semaphore(%arg13 : memref<!tpu.dma_semaphore, #tpu.memory_space<semaphore_mem>>)
      %add3A_264 = arith.constant 3 : i32
      %add3A_265 = arith.addi %add3A_225, %add3A_264 : i32
      %lt3A_266 = arith.constant 79 : i32
      %lt3A_267 = arith.cmpi slt, %add3A_265, %lt3A_266 : i32
      %convert_element_type3A_268 = arith.extui %lt3A_267 : i1 to i32
      %cond3A_269 = arith.constant 0 : i32
      %cond3A_270 = arith.cmpi ne, %convert_element_type3A_268, %cond3A_269 : i32
      scf.if %cond3A_270 {
        %add3A_271 = arith.constant 3 : i32
        %add3A_272 = arith.addi %add3A_225, %add3A_271 : i32
        %dma_start3A_273 = arith.constant 2 : i32
        %dma_start3A_274 = arith.constant 0 : i32
        %dma_start3A_275 = arith.constant 0 : i32
        %dma_start3A_276 = tpu.memref_slice %arg6[%dma_start3A_273, %dma_start3A_274, %dma_start3A_275] : memref<3x128x128xf32, #tpu.memory_space<vmem>> -> memref<1x128x128xf32, #tpu.memory_space<vmem>>
        %dma_start3A_277 = tpu.memref_squeeze %dma_start3A_276 : memref<1x128x128xf32, #tpu.memory_space<vmem>> -> memref<128x128xf32, #tpu.memory_space<vmem>>
        %dma_start3A_278 = arith.constant 0 : i32
        %dma_start3A_279 = tpu.memref_slice %arg5[%add3A_272, %dma_start3A_278] : memref<79x128xi32, #tpu.memory_space<vmem>> -> memref<1x128xi32, #tpu.memory_space<vmem>>
        %dma_start3A_280 = tpu.memref_squeeze %dma_start3A_279 : memref<1x128xi32, #tpu.memory_space<vmem>> -> memref<128xi32, #tpu.memory_space<vmem>>
        %dma_start3A_281 = arith.constant 0 : i32
        %dma_start3A_282 = arith.constant 0 : i32
        %dma_start3A_283 = tpu.memref_slice %arg2[%dma_start3A_281, %dma_start3A_282] : memref<10240x128xf32, #tpu.memory_space<hbm>> -> memref<10240x128xf32, #tpu.memory_space<hbm>>
        tpu.enqueue_indirect_dma source(%dma_start3A_283 : memref<10240x128xf32, #tpu.memory_space<hbm>>) target(%dma_start3A_277 : memref<128x128xf32, #tpu.memory_space<vmem>>) offsets(%dma_start3A_280 : memref<128xi32, #tpu.memory_space<vmem>>) semaphore(%arg10 : memref<!tpu.dma_semaphore, #tpu.memory_space<semaphore_mem>>)
      } else {
      }
    }
    %scan3A_42 = arith.constant 26 : i32
    %dma_wait3A = arith.constant 78 : i32
    %dma_wait3A_43 = arith.constant 0 : i32
    %dma_wait3A_44 = arith.constant 0 : i32
    %dma_wait3A_45 = arith.constant 0 : i32
    %dma_wait3A_46 = tpu.memref_slice %arg6[%dma_wait3A_43, %dma_wait3A_44, %dma_wait3A_45] : memref<3x128x128xf32, #tpu.memory_space<vmem>> -> memref<1x128x128xf32, #tpu.memory_space<vmem>>
    %dma_wait3A_47 = tpu.memref_squeeze %dma_wait3A_46 : memref<1x128x128xf32, #tpu.memory_space<vmem>> -> memref<128x128xf32, #tpu.memory_space<vmem>>
    %dma_wait3A_48 = arith.constant 0 : i32
    %dma_wait3A_49 = tpu.memref_slice %arg5[%dma_wait3A, %dma_wait3A_48] : memref<79x128xi32, #tpu.memory_space<vmem>> -> memref<1x128xi32, #tpu.memory_space<vmem>>
    %dma_wait3A_50 = tpu.memref_squeeze %dma_wait3A_49 : memref<1x128xi32, #tpu.memory_space<vmem>> -> memref<128xi32, #tpu.memory_space<vmem>>
    %dma_wait3A_51 = arith.constant 0 : i32
    %dma_wait3A_52 = arith.constant 0 : i32
    %dma_wait3A_53 = tpu.memref_slice %arg2[%dma_wait3A_51, %dma_wait3A_52] : memref<10240x128xf32, #tpu.memory_space<hbm>> -> memref<10240x128xf32, #tpu.memory_space<hbm>>
    tpu.wait_indirect_dma semaphore(%arg8 : memref<!tpu.dma_semaphore, #tpu.memory_space<semaphore_mem>>) src(%dma_wait3A_53 : memref<10240x128xf32, #tpu.memory_space<hbm>>) dst(%dma_wait3A_47 : memref<128x128xf32, #tpu.memory_space<vmem>>)
    %dma_wait3A_54 = arith.constant 0 : i32
    %dma_wait3A_55 = arith.constant 0 : i32
    %dma_wait3A_56 = arith.constant 0 : i32
    %dma_wait3A_57 = tpu.memref_slice %arg7[%dma_wait3A_54, %dma_wait3A_55, %dma_wait3A_56] : memref<3x128x64xf32, #tpu.memory_space<vmem>> -> memref<1x128x64xf32, #tpu.memory_space<vmem>>
    %dma_wait3A_58 = tpu.memref_squeeze %dma_wait3A_57 : memref<1x128x64xf32, #tpu.memory_space<vmem>> -> memref<128x64xf32, #tpu.memory_space<vmem>>
    %dma_wait3A_59 = arith.constant 0 : i32
    %dma_wait3A_60 = tpu.memref_slice %arg4[%mul3A_2, %dma_wait3A_59] : memref<320000x64xf32, #tpu.memory_space<hbm>> -> memref<128x64xf32, #tpu.memory_space<hbm>>
    %dma_wait3A_61 = arith.constant 0 : i32
    %dma_wait3A_62 = tpu.memref_slice %arg4[%mul3A_2, %dma_wait3A_61] : memref<320000x64xf32, #tpu.memory_space<hbm>> -> memref<128x64xf32, #tpu.memory_space<hbm>>
    %dma_wait3A_63 = arith.constant 0 : i32
    %dma_wait3A_64 = arith.constant 0 : i32
    %dma_wait3A_65 = tpu.memref_slice %arg7[%dma_wait3A_54, %dma_wait3A_63, %dma_wait3A_64] : memref<3x128x64xf32, #tpu.memory_space<vmem>> -> memref<1x128x64xf32, #tpu.memory_space<vmem>>
    %dma_wait3A_66 = tpu.memref_squeeze %dma_wait3A_65 : memref<1x128x64xf32, #tpu.memory_space<vmem>> -> memref<128x64xf32, #tpu.memory_space<vmem>>
    tpu.wait_dma2 semaphore(%arg11 : memref<!tpu.dma_semaphore, #tpu.memory_space<semaphore_mem>>) src(%dma_wait3A_66 : memref<128x64xf32, #tpu.memory_space<vmem>>) dst(%dma_wait3A_62 : memref<128x64xf32, #tpu.memory_space<hbm>>)
    %scan3A_67 = arith.constant 0 : i32
    %scan3A_68 = arith.constant 0 : i32
    %scan3A_69 = arith.constant 2 : i32
    %scan3A_70 = arith.addi %scan3A_68, %scan3A_69 : i32
    %scan3A_71 = arith.constant 1 : i32
    scf.for %scan3A_127 = %scan3A_68 to %scan3A_70 step %scan3A_71  : i32 {
      %mul3A_128 = arith.constant 8 : i32
      %mul3A_129 = arith.muli %scan3A_127, %mul3A_128 : i32
      %add3A_130 = arith.constant 0 : i32
      %add3A_131 = arith.addi %mul3A_129, %add3A_130 : i32
      %get3A = arith.constant 0 : i32
      %get3A_132 = arith.index_cast %get3A : i32 to index
      %get3A_133 = arith.index_cast %add3A_131 : i32 to index
      %get3A_134 = arith.constant 0 : index
      %get3A_135 = tpu.vector_load %arg6[%get3A_132, %get3A_133, %get3A_134] {strides = array<i32>} : memref<3x128x128xf32, #tpu.memory_space<vmem>>, vector<1x1x16xf32>,
      %get3A_136 = vector.shape_cast %get3A_135 : vector<1x1x16xf32> to vector<16xf32>
      %mul3A_137 = arith.constant 8 : i32
      %mul3A_138 = arith.muli %scan3A_127, %mul3A_137 : i32
      %add3A_139 = arith.constant 0 : i32
      %add3A_140 = arith.addi %mul3A_138, %add3A_139 : i32
      %swap3A = arith.constant 0 : i32
      %swap3A_141 = arith.index_cast %swap3A : i32 to index
      %swap3A_142 = arith.index_cast %add3A_140 : i32 to index
      %swap3A_143 = arith.constant 0 : index
      %swap3A_144 = tpu.vector_load %arg7[%swap3A_141, %swap3A_142, %swap3A_143] {strides = array<i32>} : memref<3x128x64xf32, #tpu.memory_space<vmem>>, vector<1x1x16xf32>,
      %swap3A_145 = vector.shape_cast %swap3A_144 : vector<1x1x16xf32> to vector<16xf32>
      %swap3A_146 = vector.shape_cast %get3A_136 : vector<16xf32> to vector<1x1x16xf32>
      tpu.vector_store %arg7[%swap3A_141, %swap3A_142, %swap3A_143], %swap3A_146 {strides = array<i32>} : memref<3x128x64xf32, #tpu.memory_space<vmem>>, vector<1x1x16xf32>,
      %mul3A_147 = arith.constant 8 : i32
      %mul3A_148 = arith.muli %scan3A_127, %mul3A_147 : i32
      %add3A_149 = arith.constant 0 : i32
      %add3A_150 = arith.addi %mul3A_148, %add3A_149 : i32
      %get3A_151 = arith.constant 0 : i32
      %get3A_152 = arith.index_cast %get3A_151 : i32 to index
      %get3A_153 = arith.index_cast %add3A_150 : i32 to index
      %get3A_154 = arith.constant 16 : index
      %get3A_155 = tpu.vector_load %arg6[%get3A_152, %get3A_153, %get3A_154] {strides = array<i32>} : memref<3x128x128xf32, #tpu.memory_space<vmem>>, vector<1x1x16xf32>,
      %get3A_156 = vector.shape_cast %get3A_155 : vector<1x1x16xf32> to vector<16xf32>
      %mul3A_157 = arith.constant 8 : i32
      %mul3A_158 = arith.muli %scan3A_127, %mul3A_157 : i32
      %add3A_159 = arith.constant 0 : i32
      %add3A_160 = arith.addi %mul3A_158, %add3A_159 : i32
      %swap3A_161 = arith.constant 0 : i32
      %swap3A_162 = arith.index_cast %swap3A_161 : i32 to index
      %swap3A_163 = arith.index_cast %add3A_160 : i32 to index
      %swap3A_164 = arith.constant 16 : index
      %swap3A_165 = tpu.vector_load %arg7[%swap3A_162, %swap3A_163, %swap3A_164] {strides = array<i32>} : memref<3x128x64xf32, #tpu.memory_space<vmem>>, vector<1x1x16xf32>,
      %swap3A_166 = vector.shape_cast %swap3A_165 : vector<1x1x16xf32> to vector<16xf32>
      %swap3A_167 = vector.shape_cast %get3A_156 : vector<16xf32> to vector<1x1x16xf32>
      tpu.vector_store %arg7[%swap3A_162, %swap3A_163, %swap3A_164], %swap3A_167 {strides = array<i32>} : memref<3x128x64xf32, #tpu.memory_space<vmem>>, vector<1x1x16xf32>,
      %mul3A_168 = arith.constant 8 : i32
      %mul3A_169 = arith.muli %scan3A_127, %mul3A_168 : i32
      %add3A_170 = arith.constant 0 : i32
      %add3A_171 = arith.addi %mul3A_169, %add3A_170 : i32
      %get3A_172 = arith.constant 0 : i32
      %get3A_173 = arith.index_cast %get3A_172 : i32 to index
      %get3A_174 = arith.index_cast %add3A_171 : i32 to index
      %get3A_175 = arith.constant 32 : index
      %get3A_176 = tpu.vector_load %arg6[%get3A_173, %get3A_174, %get3A_175] {strides = array<i32>} : memref<3x128x128xf32, #tpu.memory_space<vmem>>, vector<1x1x16xf32>,
      %get3A_177 = vector.shape_cast %get3A_176 : vector<1x1x16xf32> to vector<16xf32>
      %mul3A_178 = arith.constant 8 : i32
      %mul3A_179 = arith.muli %scan3A_127, %mul3A_178 : i32
      %add3A_180 = arith.constant 0 : i32
      %add3A_181 = arith.addi %mul3A_179, %add3A_180 : i32
      %swap3A_182 = arith.constant 0 : i32
      %swap3A_183 = arith.index_cast %swap3A_182 : i32 to index
      %swap3A_184 = arith.index_cast %add3A_181 : i32 to index
      %swap3A_185 = arith.constant 32 : index
      %swap3A_186 = tpu.vector_load %arg7[%swap3A_183, %swap3A_184, %swap3A_185] {strides = array<i32>} : memref<3x128x64xf32, #tpu.memory_space<vmem>>, vector<1x1x16xf32>,
      %swap3A_187 = vector.shape_cast %swap3A_186 : vector<1x1x16xf32> to vector<16xf32>
      %swap3A_188 = vector.shape_cast %get3A_177 : vector<16xf32> to vector<1x1x16xf32>
      tpu.vector_store %arg7[%swap3A_183, %swap3A_184, %swap3A_185], %swap3A_188 {strides = array<i32>} : memref<3x128x64xf32, #tpu.memory_space<vmem>>, vector<1x1x16xf32>,
      %mul3A_189 = arith.constant 8 : i32
      %mul3A_190 = arith.muli %scan3A_127, %mul3A_189 : i32
      %add3A_191 = arith.constant 0 : i32
      %add3A_192 = arith.addi %mul3A_190, %add3A_191 : i32
      %get3A_193 = arith.constant 0 : i32
      %get3A_194 = arith.index_cast %get3A_193 : i32 to index
      %get3A_195 = arith.index_cast %add3A_192 : i32 to index
      %get3A_196 = arith.constant 48 : index
      %get3A_197 = tpu.vector_load %arg6[%get3A_194, %get3A_195, %get3A_196] {strides = array<i32>} : memref<3x128x128xf32, #tpu.memory_space<vmem>>, vector<1x1x16xf32>,
      %get3A_198 = vector.shape_cast %get3A_197 : vector<1x1x16xf32> to vector<16xf32>
      %mul3A_199 = arith.constant 8 : i32
      %mul3A_200 = arith.muli %scan3A_127, %mul3A_199 : i32
      %add3A_201 = arith.constant 0 : i32
      %add3A_202 = arith.addi %mul3A_200, %add3A_201 : i32
      %swap3A_203 = arith.constant 0 : i32
      %swap3A_204 = arith.index_cast %swap3A_203 : i32 to index
      %swap3A_205 = arith.index_cast %add3A_202 : i32 to index
      %swap3A_206 = arith.constant 48 : index
      %swap3A_207 = tpu.vector_load %arg7[%swap3A_204, %swap3A_205, %swap3A_206] {strides = array<i32>} : memref<3x128x64xf32, #tpu.memory_space<vmem>>, vector<1x1x16xf32>,
      %swap3A_208 = vector.shape_cast %swap3A_207 : vector<1x1x16xf32> to vector<16xf32>
      %swap3A_209 = vector.shape_cast %get3A_198 : vector<16xf32> to vector<1x1x16xf32>
      tpu.vector_store %arg7[%swap3A_204, %swap3A_205, %swap3A_206], %swap3A_209 {strides = array<i32>} : memref<3x128x64xf32, #tpu.memory_space<vmem>>, vector<1x1x16xf32>,
      %mul3A_210 = arith.constant 8 : i32
      %mul3A_211 = arith.muli %scan3A_127, %mul3A_210 : i32
      %add3A_212 = arith.constant 1 : i32
      %add3A_213 = arith.addi %mul3A_211, %add3A_212 : i32
      %get3A_214 = arith.constant 0 : i32
      %get3A_215 = arith.index_cast %get3A_214 : i32 to index
      %get3A_216 = arith.index_cast %add3A_213 : i32 to index
      %get3A_217 = arith.constant 0 : index
      %get3A_218 = tpu.vector_load %arg6[%get3A_215, %get3A_216, %get3A_217] {strides = array<i32>} : memref<3x128x128xf32, #tpu.memory_space<vmem>>, vector<1x1x16xf32>,
      %get3A_219 = vector.shape_cast %get3A_218 : vector<1x1x16xf32> to vector<16xf32>
      %mul3A_220 = arith.constant 8 : i32
      %mul3A_221 = arith.muli %scan3A_127, %mul3A_220 : i32
      %add3A_222 = arith.constant 1 : i32
      %add3A_223 = arith.addi %mul3A_221, %add3A_222 : i32
      %swap3A_224 = arith.constant 0 : i32
      %swap3A_225 = arith.index_cast %swap3A_224 : i32 to index
      %swap3A_226 = arith.index_cast %add3A_223 : i32 to index
      %swap3A_227 = arith.constant 0 : index
      %swap3A_228 = tpu.vector_load %arg7[%swap3A_225, %swap3A_226, %swap3A_227] {strides = array<i32>} : memref<3x128x64xf32, #tpu.memory_space<vmem>>, vector<1x1x16xf32>,
      %swap3A_229 = vector.shape_cast %swap3A_228 : vector<1x1x16xf32> to vector<16xf32>
      %swap3A_230 = vector.shape_cast %get3A_219 : vector<16xf32> to vector<1x1x16xf32>
      tpu.vector_store %arg7[%swap3A_225, %swap3A_226, %swap3A_227], %swap3A_230 {strides = array<i32>} : memref<3x128x64xf32, #tpu.memory_space<vmem>>, vector<1x1x16xf32>,
      %mul3A_231 = arith.constant 8 : i32
      %mul3A_232 = arith.muli %scan3A_127, %mul3A_231 : i32
      %add3A_233 = arith.constant 1 : i32
      %add3A_234 = arith.addi %mul3A_232, %add3A_233 : i32
      %get3A_235 = arith.constant 0 : i32
      %get3A_236 = arith.index_cast %get3A_235 : i32 to index
      %get3A_237 = arith.index_cast %add3A_234 : i32 to index
      %get3A_238 = arith.constant 16 : index
      %get3A_239 = tpu.vector_load %arg6[%get3A_236, %get3A_237, %get3A_238] {strides = array<i32>} : memref<3x128x128xf32, #tpu.memory_space<vmem>>, vector<1x1x16xf32>,
      %get3A_240 = vector.shape_cast %get3A_239 : vector<1x1x16xf32> to vector<16xf32>
      %mul3A_241 = arith.constant 8 : i32
      %mul3A_242 = arith.muli %scan3A_127, %mul3A_241 : i32
      %add3A_243 = arith.constant 1 : i32
      %add3A_244 = arith.addi %mul3A_242, %add3A_243 : i32
      %swap3A_245 = arith.constant 0 : i32
      %swap3A_246 = arith.index_cast %swap3A_245 : i32 to index
      %swap3A_247 = arith.index_cast %add3A_244 : i32 to index
      %swap3A_248 = arith.constant 16 : index
      %swap3A_249 = tpu.vector_load %arg7[%swap3A_246, %swap3A_247, %swap3A_248] {strides = array<i32>} : memref<3x128x64xf32, #tpu.memory_space<vmem>>, vector<1x1x16xf32>,
      %swap3A_250 = vector.shape_cast %swap3A_249 : vector<1x1x16xf32> to vector<16xf32>
      %swap3A_251 = vector.shape_cast %get3A_240 : vector<16xf32> to vector<1x1x16xf32>
      tpu.vector_store %arg7[%swap3A_246, %swap3A_247, %swap3A_248], %swap3A_251 {strides = array<i32>} : memref<3x128x64xf32, #tpu.memory_space<vmem>>, vector<1x1x16xf32>,
      %mul3A_252 = arith.constant 8 : i32
      %mul3A_253 = arith.muli %scan3A_127, %mul3A_252 : i32
      %add3A_254 = arith.constant 1 : i32
      %add3A_255 = arith.addi %mul3A_253, %add3A_254 : i32
      %get3A_256 = arith.constant 0 : i32
      %get3A_257 = arith.index_cast %get3A_256 : i32 to index
      %get3A_258 = arith.index_cast %add3A_255 : i32 to index
      %get3A_259 = arith.constant 32 : index
      %get3A_260 = tpu.vector_load %arg6[%get3A_257, %get3A_258, %get3A_259] {strides = array<i32>} : memref<3x128x128xf32, #tpu.memory_space<vmem>>, vector<1x1x16xf32>,
      %get3A_261 = vector.shape_cast %get3A_260 : vector<1x1x16xf32> to vector<16xf32>
      %mul3A_262 = arith.constant 8 : i32
      %mul3A_263 = arith.muli %scan3A_127, %mul3A_262 : i32
      %add3A_264 = arith.constant 1 : i32
      %add3A_265 = arith.addi %mul3A_263, %add3A_264 : i32
      %swap3A_266 = arith.constant 0 : i32
      %swap3A_267 = arith.index_cast %swap3A_266 : i32 to index
      %swap3A_268 = arith.index_cast %add3A_265 : i32 to index
      %swap3A_269 = arith.constant 32 : index
      %swap3A_270 = tpu.vector_load %arg7[%swap3A_267, %swap3A_268, %swap3A_269] {strides = array<i32>} : memref<3x128x64xf32, #tpu.memory_space<vmem>>, vector<1x1x16xf32>,
      %swap3A_271 = vector.shape_cast %swap3A_270 : vector<1x1x16xf32> to vector<16xf32>
      %swap3A_272 = vector.shape_cast %get3A_261 : vector<16xf32> to vector<1x1x16xf32>
      tpu.vector_store %arg7[%swap3A_267, %swap3A_268, %swap3A_269], %swap3A_272 {strides = array<i32>} : memref<3x128x64xf32, #tpu.memory_space<vmem>>, vector<1x1x16xf32>,
      %mul3A_273 = arith.constant 8 : i32
      %mul3A_274 = arith.muli %scan3A_127, %mul3A_273 : i32
      %add3A_275 = arith.constant 1 : i32
      %add3A_276 = arith.addi %mul3A_274, %add3A_275 : i32
      %get3A_277 = arith.constant 0 : i32
      %get3A_278 = arith.index_cast %get3A_277 : i32 to index
      %get3A_279 = arith.index_cast %add3A_276 : i32 to index
      %get3A_280 = arith.constant 48 : index
      %get3A_281 = tpu.vector_load %arg6[%get3A_278, %get3A_279, %get3A_280] {strides = array<i32>} : memref<3x128x128xf32, #tpu.memory_space<vmem>>, vector<1x1x16xf32>,
      %get3A_282 = vector.shape_cast %get3A_281 : vector<1x1x16xf32> to vector<16xf32>
      %mul3A_283 = arith.constant 8 : i32
      %mul3A_284 = arith.muli %scan3A_127, %mul3A_283 : i32
      %add3A_285 = arith.constant 1 : i32
      %add3A_286 = arith.addi %mul3A_284, %add3A_285 : i32
      %swap3A_287 = arith.constant 0 : i32
      %swap3A_288 = arith.index_cast %swap3A_287 : i32 to index
      %swap3A_289 = arith.index_cast %add3A_286 : i32 to index
      %swap3A_290 = arith.constant 48 : index
      %swap3A_291 = tpu.vector_load %arg7[%swap3A_288, %swap3A_289, %swap3A_290] {strides = array<i32>} : memref<3x128x64xf32, #tpu.memory_space<vmem>>, vector<1x1x16xf32>,
      %swap3A_292 = vector.shape_cast %swap3A_291 : vector<1x1x16xf32> to vector<16xf32>
      %swap3A_293 = vector.shape_cast %get3A_282 : vector<16xf32> to vector<1x1x16xf32>
      tpu.vector_store %arg7[%swap3A_288, %swap3A_289, %swap3A_290], %swap3A_293 {strides = array<i32>} : memref<3x128x64xf32, #tpu.memory_space<vmem>>, vector<1x1x16xf32>,
      %mul3A_294 = arith.constant 8 : i32
      %mul3A_295 = arith.muli %scan3A_127, %mul3A_294 : i32
      %add3A_296 = arith.constant 2 : i32
      %add3A_297 = arith.addi %mul3A_295, %add3A_296 : i32
      %get3A_298 = arith.constant 0 : i32
      %get3A_299 = arith.index_cast %get3A_298 : i32 to index
      %get3A_300 = arith.index_cast %add3A_297 : i32 to index
      %get3A_301 = arith.constant 0 : index
      %get3A_302 = tpu.vector_load %arg6[%get3A_299, %get3A_300, %get3A_301] {strides = array<i32>} : memref<3x128x128xf32, #tpu.memory_space<vmem>>, vector<1x1x16xf32>,
      %get3A_303 = vector.shape_cast %get3A_302 : vector<1x1x16xf32> to vector<16xf32>
      %mul3A_304 = arith.constant 8 : i32
      %mul3A_305 = arith.muli %scan3A_127, %mul3A_304 : i32
      %add3A_306 = arith.constant 2 : i32
      %add3A_307 = arith.addi %mul3A_305, %add3A_306 : i32
      %swap3A_308 = arith.constant 0 : i32
      %swap3A_309 = arith.index_cast %swap3A_308 : i32 to index
      %swap3A_310 = arith.index_cast %add3A_307 : i32 to index
      %swap3A_311 = arith.constant 0 : index
      %swap3A_312 = tpu.vector_load %arg7[%swap3A_309, %swap3A_310, %swap3A_311] {strides = array<i32>} : memref<3x128x64xf32, #tpu.memory_space<vmem>>, vector<1x1x16xf32>,
      %swap3A_313 = vector.shape_cast %swap3A_312 : vector<1x1x16xf32> to vector<16xf32>
      %swap3A_314 = vector.shape_cast %get3A_303 : vector<16xf32> to vector<1x1x16xf32>
      tpu.vector_store %arg7[%swap3A_309, %swap3A_310, %swap3A_311], %swap3A_314 {strides = array<i32>} : memref<3x128x64xf32, #tpu.memory_space<vmem>>, vector<1x1x16xf32>,
      %mul3A_315 = arith.constant 8 : i32
      %mul3A_316 = arith.muli %scan3A_127, %mul3A_315 : i32
      %add3A_317 = arith.constant 2 : i32
      %add3A_318 = arith.addi %mul3A_316, %add3A_317 : i32
      %get3A_319 = arith.constant 0 : i32
      %get3A_320 = arith.index_cast %get3A_319 : i32 to index
      %get3A_321 = arith.index_cast %add3A_318 : i32 to index
      %get3A_322 = arith.constant 16 : index
      %get3A_323 = tpu.vector_load %arg6[%get3A_320, %get3A_321, %get3A_322] {strides = array<i32>} : memref<3x128x128xf32, #tpu.memory_space<vmem>>, vector<1x1x16xf32>,
      %get3A_324 = vector.shape_cast %get3A_323 : vector<1x1x16xf32> to vector<16xf32>
      %mul3A_325 = arith.constant 8 : i32
      %mul3A_326 = arith.muli %scan3A_127, %mul3A_325 : i32
      %add3A_327 = arith.constant 2 : i32
      %add3A_328 = arith.addi %mul3A_326, %add3A_327 : i32
      %swap3A_329 = arith.constant 0 : i32
      %swap3A_330 = arith.index_cast %swap3A_329 : i32 to index
      %swap3A_331 = arith.index_cast %add3A_328 : i32 to index
      %swap3A_332 = arith.constant 16 : index
      %swap3A_333 = tpu.vector_load %arg7[%swap3A_330, %swap3A_331, %swap3A_332] {strides = array<i32>} : memref<3x128x64xf32, #tpu.memory_space<vmem>>, vector<1x1x16xf32>,
      %swap3A_334 = vector.shape_cast %swap3A_333 : vector<1x1x16xf32> to vector<16xf32>
      %swap3A_335 = vector.shape_cast %get3A_324 : vector<16xf32> to vector<1x1x16xf32>
      tpu.vector_store %arg7[%swap3A_330, %swap3A_331, %swap3A_332], %swap3A_335 {strides = array<i32>} : memref<3x128x64xf32, #tpu.memory_space<vmem>>, vector<1x1x16xf32>,
      %mul3A_336 = arith.constant 8 : i32
      %mul3A_337 = arith.muli %scan3A_127, %mul3A_336 : i32
      %add3A_338 = arith.constant 2 : i32
      %add3A_339 = arith.addi %mul3A_337, %add3A_338 : i32
      %get3A_340 = arith.constant 0 : i32
      %get3A_341 = arith.index_cast %get3A_340 : i32 to index
      %get3A_342 = arith.index_cast %add3A_339 : i32 to index
      %get3A_343 = arith.constant 32 : index
      %get3A_344 = tpu.vector_load %arg6[%get3A_341, %get3A_342, %get3A_343] {strides = array<i32>} : memref<3x128x128xf32, #tpu.memory_space<vmem>>, vector<1x1x16xf32>,
      %get3A_345 = vector.shape_cast %get3A_344 : vector<1x1x16xf32> to vector<16xf32>
      %mul3A_346 = arith.constant 8 : i32
      %mul3A_347 = arith.muli %scan3A_127, %mul3A_346 : i32
      %add3A_348 = arith.constant 2 : i32
      %add3A_349 = arith.addi %mul3A_347, %add3A_348 : i32
      %swap3A_350 = arith.constant 0 : i32
      %swap3A_351 = arith.index_cast %swap3A_350 : i32 to index
      %swap3A_352 = arith.index_cast %add3A_349 : i32 to index
      %swap3A_353 = arith.constant 32 : index
      %swap3A_354 = tpu.vector_load %arg7[%swap3A_351, %swap3A_352, %swap3A_353] {strides = array<i32>} : memref<3x128x64xf32, #tpu.memory_space<vmem>>, vector<1x1x16xf32>,
      %swap3A_355 = vector.shape_cast %swap3A_354 : vector<1x1x16xf32> to vector<16xf32>
      %swap3A_356 = vector.shape_cast %get3A_345 : vector<16xf32> to vector<1x1x16xf32>
      tpu.vector_store %arg7[%swap3A_351, %swap3A_352, %swap3A_353], %swap3A_356 {strides = array<i32>} : memref<3x128x64xf32, #tpu.memory_space<vmem>>, vector<1x1x16xf32>,
      %mul3A_357 = arith.constant 8 : i32
      %mul3A_358 = arith.muli %scan3A_127, %mul3A_357 : i32
      %add3A_359 = arith.constant 2 : i32
      %add3A_360 = arith.addi %mul3A_358, %add3A_359 : i32
      %get3A_361 = arith.constant 0 : i32
      %get3A_362 = arith.index_cast %get3A_361 : i32 to index
      %get3A_363 = arith.index_cast %add3A_360 : i32 to index
      %get3A_364 = arith.constant 48 : index
      %get3A_365 = tpu.vector_load %arg6[%get3A_362, %get3A_363, %get3A_364] {strides = array<i32>} : memref<3x128x128xf32, #tpu.memory_space<vmem>>, vector<1x1x16xf32>,
      %get3A_366 = vector.shape_cast %get3A_365 : vector<1x1x16xf32> to vector<16xf32>
      %mul3A_367 = arith.constant 8 : i32
      %mul3A_368 = arith.muli %scan3A_127, %mul3A_367 : i32
      %add3A_369 = arith.constant 2 : i32
      %add3A_370 = arith.addi %mul3A_368, %add3A_369 : i32
      %swap3A_371 = arith.constant 0 : i32
      %swap3A_372 = arith.index_cast %swap3A_371 : i32 to index
      %swap3A_373 = arith.index_cast %add3A_370 : i32 to index
      %swap3A_374 = arith.constant 48 : index
      %swap3A_375 = tpu.vector_load %arg7[%swap3A_372, %swap3A_373, %swap3A_374] {strides = array<i32>} : memref<3x128x64xf32, #tpu.memory_space<vmem>>, vector<1x1x16xf32>,
      %swap3A_376 = vector.shape_cast %swap3A_375 : vector<1x1x16xf32> to vector<16xf32>
      %swap3A_377 = vector.shape_cast %get3A_366 : vector<16xf32> to vector<1x1x16xf32>
      tpu.vector_store %arg7[%swap3A_372, %swap3A_373, %swap3A_374], %swap3A_377 {strides = array<i32>} : memref<3x128x64xf32, #tpu.memory_space<vmem>>, vector<1x1x16xf32>,
      %mul3A_378 = arith.constant 8 : i32
      %mul3A_379 = arith.muli %scan3A_127, %mul3A_378 : i32
      %add3A_380 = arith.constant 3 : i32
      %add3A_381 = arith.addi %mul3A_379, %add3A_380 : i32
      %get3A_382 = arith.constant 0 : i32
      %get3A_383 = arith.index_cast %get3A_382 : i32 to index
      %get3A_384 = arith.index_cast %add3A_381 : i32 to index
      %get3A_385 = arith.constant 0 : index
      %get3A_386 = tpu.vector_load %arg6[%get3A_383, %get3A_384, %get3A_385] {strides = array<i32>} : memref<3x128x128xf32, #tpu.memory_space<vmem>>, vector<1x1x16xf32>,
      %get3A_387 = vector.shape_cast %get3A_386 : vector<1x1x16xf32> to vector<16xf32>
      %mul3A_388 = arith.constant 8 : i32
      %mul3A_389 = arith.muli %scan3A_127, %mul3A_388 : i32
      %add3A_390 = arith.constant 3 : i32
      %add3A_391 = arith.addi %mul3A_389, %add3A_390 : i32
      %swap3A_392 = arith.constant 0 : i32
      %swap3A_393 = arith.index_cast %swap3A_392 : i32 to index
      %swap3A_394 = arith.index_cast %add3A_391 : i32 to index
      %swap3A_395 = arith.constant 0 : index
      %swap3A_396 = tpu.vector_load %arg7[%swap3A_393, %swap3A_394, %swap3A_395] {strides = array<i32>} : memref<3x128x64xf32, #tpu.memory_space<vmem>>, vector<1x1x16xf32>,
      %swap3A_397 = vector.shape_cast %swap3A_396 : vector<1x1x16xf32> to vector<16xf32>
      %swap3A_398 = vector.shape_cast %get3A_387 : vector<16xf32> to vector<1x1x16xf32>
      tpu.vector_store %arg7[%swap3A_393, %swap3A_394, %swap3A_395], %swap3A_398 {strides = array<i32>} : memref<3x128x64xf32, #tpu.memory_space<vmem>>, vector<1x1x16xf32>,
      %mul3A_399 = arith.constant 8 : i32
      %mul3A_400 = arith.muli %scan3A_127, %mul3A_399 : i32
      %add3A_401 = arith.constant 3 : i32
      %add3A_402 = arith.addi %mul3A_400, %add3A_401 : i32
      %get3A_403 = arith.constant 0 : i32
      %get3A_404 = arith.index_cast %get3A_403 : i32 to index
      %get3A_405 = arith.index_cast %add3A_402 : i32 to index
      %get3A_406 = arith.constant 16 : index
      %get3A_407 = tpu.vector_load %arg6[%get3A_404, %get3A_405, %get3A_406] {strides = array<i32>} : memref<3x128x128xf32, #tpu.memory_space<vmem>>, vector<1x1x16xf32>,
      %get3A_408 = vector.shape_cast %get3A_407 : vector<1x1x16xf32> to vector<16xf32>
      %mul3A_409 = arith.constant 8 : i32
      %mul3A_410 = arith.muli %scan3A_127, %mul3A_409 : i32
      %add3A_411 = arith.constant 3 : i32
      %add3A_412 = arith.addi %mul3A_410, %add3A_411 : i32
      %swap3A_413 = arith.constant 0 : i32
      %swap3A_414 = arith.index_cast %swap3A_413 : i32 to index
      %swap3A_415 = arith.index_cast %add3A_412 : i32 to index
      %swap3A_416 = arith.constant 16 : index
      %swap3A_417 = tpu.vector_load %arg7[%swap3A_414, %swap3A_415, %swap3A_416] {strides = array<i32>} : memref<3x128x64xf32, #tpu.memory_space<vmem>>, vector<1x1x16xf32>,
      %swap3A_418 = vector.shape_cast %swap3A_417 : vector<1x1x16xf32> to vector<16xf32>
      %swap3A_419 = vector.shape_cast %get3A_408 : vector<16xf32> to vector<1x1x16xf32>
      tpu.vector_store %arg7[%swap3A_414, %swap3A_415, %swap3A_416], %swap3A_419 {strides = array<i32>} : memref<3x128x64xf32, #tpu.memory_space<vmem>>, vector<1x1x16xf32>,
      %mul3A_420 = arith.constant 8 : i32
      %mul3A_421 = arith.muli %scan3A_127, %mul3A_420 : i32
      %add3A_422 = arith.constant 3 : i32
      %add3A_423 = arith.addi %mul3A_421, %add3A_422 : i32
      %get3A_424 = arith.constant 0 : i32
      %get3A_425 = arith.index_cast %get3A_424 : i32 to index
      %get3A_426 = arith.index_cast %add3A_423 : i32 to index
      %get3A_427 = arith.constant 32 : index
      %get3A_428 = tpu.vector_load %arg6[%get3A_425, %get3A_426, %get3A_427] {strides = array<i32>} : memref<3x128x128xf32, #tpu.memory_space<vmem>>, vector<1x1x16xf32>,
      %get3A_429 = vector.shape_cast %get3A_428 : vector<1x1x16xf32> to vector<16xf32>
      %mul3A_430 = arith.constant 8 : i32
      %mul3A_431 = arith.muli %scan3A_127, %mul3A_430 : i32
      %add3A_432 = arith.constant 3 : i32
      %add3A_433 = arith.addi %mul3A_431, %add3A_432 : i32
      %swap3A_434 = arith.constant 0 : i32
      %swap3A_435 = arith.index_cast %swap3A_434 : i32 to index
      %swap3A_436 = arith.index_cast %add3A_433 : i32 to index
      %swap3A_437 = arith.constant 32 : index
      %swap3A_438 = tpu.vector_load %arg7[%swap3A_435, %swap3A_436, %swap3A_437] {strides = array<i32>} : memref<3x128x64xf32, #tpu.memory_space<vmem>>, vector<1x1x16xf32>,
      %swap3A_439 = vector.shape_cast %swap3A_438 : vector<1x1x16xf32> to vector<16xf32>
      %swap3A_440 = vector.shape_cast %get3A_429 : vector<16xf32> to vector<1x1x16xf32>
      tpu.vector_store %arg7[%swap3A_435, %swap3A_436, %swap3A_437], %swap3A_440 {strides = array<i32>} : memref<3x128x64xf32, #tpu.memory_space<vmem>>, vector<1x1x16xf32>,
      %mul3A_441 = arith.constant 8 : i32
      %mul3A_442 = arith.muli %scan3A_127, %mul3A_441 : i32
      %add3A_443 = arith.constant 3 : i32
      %add3A_444 = arith.addi %mul3A_442, %add3A_443 : i32
      %get3A_445 = arith.constant 0 : i32
      %get3A_446 = arith.index_cast %get3A_445 : i32 to index
      %get3A_447 = arith.index_cast %add3A_444 : i32 to index
      %get3A_448 = arith.constant 48 : index
      %get3A_449 = tpu.vector_load %arg6[%get3A_446, %get3A_447, %get3A_448] {strides = array<i32>} : memref<3x128x128xf32, #tpu.memory_space<vmem>>, vector<1x1x16xf32>,
      %get3A_450 = vector.shape_cast %get3A_449 : vector<1x1x16xf32> to vector<16xf32>
      %mul3A_451 = arith.constant 8 : i32
      %mul3A_452 = arith.muli %scan3A_127, %mul3A_451 : i32
      %add3A_453 = arith.constant 3 : i32
      %add3A_454 = arith.addi %mul3A_452, %add3A_453 : i32
      %swap3A_455 = arith.constant 0 : i32
      %swap3A_456 = arith.index_cast %swap3A_455 : i32 to index
      %swap3A_457 = arith.index_cast %add3A_454 : i32 to index
      %swap3A_458 = arith.constant 48 : index
      %swap3A_459 = tpu.vector_load %arg7[%swap3A_456, %swap3A_457, %swap3A_458] {strides = array<i32>} : memref<3x128x64xf32, #tpu.memory_space<vmem>>, vector<1x1x16xf32>,
      %swap3A_460 = vector.shape_cast %swap3A_459 : vector<1x1x16xf32> to vector<16xf32>
      %swap3A_461 = vector.shape_cast %get3A_450 : vector<16xf32> to vector<1x1x16xf32>
      tpu.vector_store %arg7[%swap3A_456, %swap3A_457, %swap3A_458], %swap3A_461 {strides = array<i32>} : memref<3x128x64xf32, #tpu.memory_space<vmem>>, vector<1x1x16xf32>,
      %mul3A_462 = arith.constant 8 : i32
      %mul3A_463 = arith.muli %scan3A_127, %mul3A_462 : i32
      %add3A_464 = arith.constant 4 : i32
      %add3A_465 = arith.addi %mul3A_463, %add3A_464 : i32
      %get3A_466 = arith.constant 0 : i32
      %get3A_467 = arith.index_cast %get3A_466 : i32 to index
      %get3A_468 = arith.index_cast %add3A_465 : i32 to index
      %get3A_469 = arith.constant 0 : index
      %get3A_470 = tpu.vector_load %arg6[%get3A_467, %get3A_468, %get3A_469] {strides = array<i32>} : memref<3x128x128xf32, #tpu.memory_space<vmem>>, vector<1x1x16xf32>,
      %get3A_471 = vector.shape_cast %get3A_470 : vector<1x1x16xf32> to vector<16xf32>
      %mul3A_472 = arith.constant 8 : i32
      %mul3A_473 = arith.muli %scan3A_127, %mul3A_472 : i32
      %add3A_474 = arith.constant 4 : i32
      %add3A_475 = arith.addi %mul3A_473, %add3A_474 : i32
      %swap3A_476 = arith.constant 0 : i32
      %swap3A_477 = arith.index_cast %swap3A_476 : i32 to index
      %swap3A_478 = arith.index_cast %add3A_475 : i32 to index
      %swap3A_479 = arith.constant 0 : index
      %swap3A_480 = tpu.vector_load %arg7[%swap3A_477, %swap3A_478, %swap3A_479] {strides = array<i32>} : memref<3x128x64xf32, #tpu.memory_space<vmem>>, vector<1x1x16xf32>,
      %swap3A_481 = vector.shape_cast %swap3A_480 : vector<1x1x16xf32> to vector<16xf32>
      %swap3A_482 = vector.shape_cast %get3A_471 : vector<16xf32> to vector<1x1x16xf32>
      tpu.vector_store %arg7[%swap3A_477, %swap3A_478, %swap3A_479], %swap3A_482 {strides = array<i32>} : memref<3x128x64xf32, #tpu.memory_space<vmem>>, vector<1x1x16xf32>,
      %mul3A_483 = arith.constant 8 : i32
      %mul3A_484 = arith.muli %scan3A_127, %mul3A_483 : i32
      %add3A_485 = arith.constant 4 : i32
      %add3A_486 = arith.addi %mul3A_484, %add3A_485 : i32
      %get3A_487 = arith.constant 0 : i32
      %get3A_488 = arith.index_cast %get3A_487 : i32 to index
      %get3A_489 = arith.index_cast %add3A_486 : i32 to index
      %get3A_490 = arith.constant 16 : index
      %get3A_491 = tpu.vector_load %arg6[%get3A_488, %get3A_489, %get3A_490] {strides = array<i32>} : memref<3x128x128xf32, #tpu.memory_space<vmem>>, vector<1x1x16xf32>,
      %get3A_492 = vector.shape_cast %get3A_491 : vector<1x1x16xf32> to vector<16xf32>
      %mul3A_493 = arith.constant 8 : i32
      %mul3A_494 = arith.muli %scan3A_127, %mul3A_493 : i32
      %add3A_495 = arith.constant 4 : i32
      %add3A_496 = arith.addi %mul3A_494, %add3A_495 : i32
      %swap3A_497 = arith.constant 0 : i32
      %swap3A_498 = arith.index_cast %swap3A_497 : i32 to index
      %swap3A_499 = arith.index_cast %add3A_496 : i32 to index
      %swap3A_500 = arith.constant 16 : index
      %swap3A_501 = tpu.vector_load %arg7[%swap3A_498, %swap3A_499, %swap3A_500] {strides = array<i32>} : memref<3x128x64xf32, #tpu.memory_space<vmem>>, vector<1x1x16xf32>,
      %swap3A_502 = vector.shape_cast %swap3A_501 : vector<1x1x16xf32> to vector<16xf32>
      %swap3A_503 = vector.shape_cast %get3A_492 : vector<16xf32> to vector<1x1x16xf32>
      tpu.vector_store %arg7[%swap3A_498, %swap3A_499, %swap3A_500], %swap3A_503 {strides = array<i32>} : memref<3x128x64xf32, #tpu.memory_space<vmem>>, vector<1x1x16xf32>,
      %mul3A_504 = arith.constant 8 : i32
      %mul3A_505 = arith.muli %scan3A_127, %mul3A_504 : i32
      %add3A_506 = arith.constant 4 : i32
      %add3A_507 = arith.addi %mul3A_505, %add3A_506 : i32
      %get3A_508 = arith.constant 0 : i32
      %get3A_509 = arith.index_cast %get3A_508 : i32 to index
      %get3A_510 = arith.index_cast %add3A_507 : i32 to index
      %get3A_511 = arith.constant 32 : index
      %get3A_512 = tpu.vector_load %arg6[%get3A_509, %get3A_510, %get3A_511] {strides = array<i32>} : memref<3x128x128xf32, #tpu.memory_space<vmem>>, vector<1x1x16xf32>,
      %get3A_513 = vector.shape_cast %get3A_512 : vector<1x1x16xf32> to vector<16xf32>
      %mul3A_514 = arith.constant 8 : i32
      %mul3A_515 = arith.muli %scan3A_127, %mul3A_514 : i32
      %add3A_516 = arith.constant 4 : i32
      %add3A_517 = arith.addi %mul3A_515, %add3A_516 : i32
      %swap3A_518 = arith.constant 0 : i32
      %swap3A_519 = arith.index_cast %swap3A_518 : i32 to index
      %swap3A_520 = arith.index_cast %add3A_517 : i32 to index
      %swap3A_521 = arith.constant 32 : index
      %swap3A_522 = tpu.vector_load %arg7[%swap3A_519, %swap3A_520, %swap3A_521] {strides = array<i32>} : memref<3x128x64xf32, #tpu.memory_space<vmem>>, vector<1x1x16xf32>,
      %swap3A_523 = vector.shape_cast %swap3A_522 : vector<1x1x16xf32> to vector<16xf32>
      %swap3A_524 = vector.shape_cast %get3A_513 : vector<16xf32> to vector<1x1x16xf32>
      tpu.vector_store %arg7[%swap3A_519, %swap3A_520, %swap3A_521], %swap3A_524 {strides = array<i32>} : memref<3x128x64xf32, #tpu.memory_space<vmem>>, vector<1x1x16xf32>,
      %mul3A_525 = arith.constant 8 : i32
      %mul3A_526 = arith.muli %scan3A_127, %mul3A_525 : i32
      %add3A_527 = arith.constant 4 : i32
      %add3A_528 = arith.addi %mul3A_526, %add3A_527 : i32
      %get3A_529 = arith.constant 0 : i32
      %get3A_530 = arith.index_cast %get3A_529 : i32 to index
      %get3A_531 = arith.index_cast %add3A_528 : i32 to index
      %get3A_532 = arith.constant 48 : index
      %get3A_533 = tpu.vector_load %arg6[%get3A_530, %get3A_531, %get3A_532] {strides = array<i32>} : memref<3x128x128xf32, #tpu.memory_space<vmem>>, vector<1x1x16xf32>,
      %get3A_534 = vector.shape_cast %get3A_533 : vector<1x1x16xf32> to vector<16xf32>
      %mul3A_535 = arith.constant 8 : i32
      %mul3A_536 = arith.muli %scan3A_127, %mul3A_535 : i32
      %add3A_537 = arith.constant 4 : i32
      %add3A_538 = arith.addi %mul3A_536, %add3A_537 : i32
      %swap3A_539 = arith.constant 0 : i32
      %swap3A_540 = arith.index_cast %swap3A_539 : i32 to index
      %swap3A_541 = arith.index_cast %add3A_538 : i32 to index
      %swap3A_542 = arith.constant 48 : index
      %swap3A_543 = tpu.vector_load %arg7[%swap3A_540, %swap3A_541, %swap3A_542] {strides = array<i32>} : memref<3x128x64xf32, #tpu.memory_space<vmem>>, vector<1x1x16xf32>,
      %swap3A_544 = vector.shape_cast %swap3A_543 : vector<1x1x16xf32> to vector<16xf32>
      %swap3A_545 = vector.shape_cast %get3A_534 : vector<16xf32> to vector<1x1x16xf32>
      tpu.vector_store %arg7[%swap3A_540, %swap3A_541, %swap3A_542], %swap3A_545 {strides = array<i32>} : memref<3x128x64xf32, #tpu.memory_space<vmem>>, vector<1x1x16xf32>,
      %mul3A_546 = arith.constant 8 : i32
      %mul3A_547 = arith.muli %scan3A_127, %mul3A_546 : i32
      %add3A_548 = arith.constant 5 : i32
      %add3A_549 = arith.addi %mul3A_547, %add3A_548 : i32
      %get3A_550 = arith.constant 0 : i32
      %get3A_551 = arith.index_cast %get3A_550 : i32 to index
      %get3A_552 = arith.index_cast %add3A_549 : i32 to index
      %get3A_553 = arith.constant 0 : index
      %get3A_554 = tpu.vector_load %arg6[%get3A_551, %get3A_552, %get3A_553] {strides = array<i32>} : memref<3x128x128xf32, #tpu.memory_space<vmem>>, vector<1x1x16xf32>,
      %get3A_555 = vector.shape_cast %get3A_554 : vector<1x1x16xf32> to vector<16xf32>
      %mul3A_556 = arith.constant 8 : i32
      %mul3A_557 = arith.muli %scan3A_127, %mul3A_556 : i32
      %add3A_558 = arith.constant 5 : i32
      %add3A_559 = arith.addi %mul3A_557, %add3A_558 : i32
      %swap3A_560 = arith.constant 0 : i32
      %swap3A_561 = arith.index_cast %swap3A_560 : i32 to index
      %swap3A_562 = arith.index_cast %add3A_559 : i32 to index
      %swap3A_563 = arith.constant 0 : index
      %swap3A_564 = tpu.vector_load %arg7[%swap3A_561, %swap3A_562, %swap3A_563] {strides = array<i32>} : memref<3x128x64xf32, #tpu.memory_space<vmem>>, vector<1x1x16xf32>,
      %swap3A_565 = vector.shape_cast %swap3A_564 : vector<1x1x16xf32> to vector<16xf32>
      %swap3A_566 = vector.shape_cast %get3A_555 : vector<16xf32> to vector<1x1x16xf32>
      tpu.vector_store %arg7[%swap3A_561, %swap3A_562, %swap3A_563], %swap3A_566 {strides = array<i32>} : memref<3x128x64xf32, #tpu.memory_space<vmem>>, vector<1x1x16xf32>,
      %mul3A_567 = arith.constant 8 : i32
      %mul3A_568 = arith.muli %scan3A_127, %mul3A_567 : i32
      %add3A_569 = arith.constant 5 : i32
      %add3A_570 = arith.addi %mul3A_568, %add3A_569 : i32
      %get3A_571 = arith.constant 0 : i32
      %get3A_572 = arith.index_cast %get3A_571 : i32 to index
      %get3A_573 = arith.index_cast %add3A_570 : i32 to index
      %get3A_574 = arith.constant 16 : index
      %get3A_575 = tpu.vector_load %arg6[%get3A_572, %get3A_573, %get3A_574] {strides = array<i32>} : memref<3x128x128xf32, #tpu.memory_space<vmem>>, vector<1x1x16xf32>,
      %get3A_576 = vector.shape_cast %get3A_575 : vector<1x1x16xf32> to vector<16xf32>
      %mul3A_577 = arith.constant 8 : i32
      %mul3A_578 = arith.muli %scan3A_127, %mul3A_577 : i32
      %add3A_579 = arith.constant 5 : i32
      %add3A_580 = arith.addi %mul3A_578, %add3A_579 : i32
      %swap3A_581 = arith.constant 0 : i32
      %swap3A_582 = arith.index_cast %swap3A_581 : i32 to index
      %swap3A_583 = arith.index_cast %add3A_580 : i32 to index
      %swap3A_584 = arith.constant 16 : index
      %swap3A_585 = tpu.vector_load %arg7[%swap3A_582, %swap3A_583, %swap3A_584] {strides = array<i32>} : memref<3x128x64xf32, #tpu.memory_space<vmem>>, vector<1x1x16xf32>,
      %swap3A_586 = vector.shape_cast %swap3A_585 : vector<1x1x16xf32> to vector<16xf32>
      %swap3A_587 = vector.shape_cast %get3A_576 : vector<16xf32> to vector<1x1x16xf32>
      tpu.vector_store %arg7[%swap3A_582, %swap3A_583, %swap3A_584], %swap3A_587 {strides = array<i32>} : memref<3x128x64xf32, #tpu.memory_space<vmem>>, vector<1x1x16xf32>,
      %mul3A_588 = arith.constant 8 : i32
      %mul3A_589 = arith.muli %scan3A_127, %mul3A_588 : i32
      %add3A_590 = arith.constant 5 : i32
      %add3A_591 = arith.addi %mul3A_589, %add3A_590 : i32
      %get3A_592 = arith.constant 0 : i32
      %get3A_593 = arith.index_cast %get3A_592 : i32 to index
      %get3A_594 = arith.index_cast %add3A_591 : i32 to index
      %get3A_595 = arith.constant 32 : index
      %get3A_596 = tpu.vector_load %arg6[%get3A_593, %get3A_594, %get3A_595] {strides = array<i32>} : memref<3x128x128xf32, #tpu.memory_space<vmem>>, vector<1x1x16xf32>,
      %get3A_597 = vector.shape_cast %get3A_596 : vector<1x1x16xf32> to vector<16xf32>
      %mul3A_598 = arith.constant 8 : i32
      %mul3A_599 = arith.muli %scan3A_127, %mul3A_598 : i32
      %add3A_600 = arith.constant 5 : i32
      %add3A_601 = arith.addi %mul3A_599, %add3A_600 : i32
      %swap3A_602 = arith.constant 0 : i32
      %swap3A_603 = arith.index_cast %swap3A_602 : i32 to index
      %swap3A_604 = arith.index_cast %add3A_601 : i32 to index
      %swap3A_605 = arith.constant 32 : index
      %swap3A_606 = tpu.vector_load %arg7[%swap3A_603, %swap3A_604, %swap3A_605] {strides = array<i32>} : memref<3x128x64xf32, #tpu.memory_space<vmem>>, vector<1x1x16xf32>,
      %swap3A_607 = vector.shape_cast %swap3A_606 : vector<1x1x16xf32> to vector<16xf32>
      %swap3A_608 = vector.shape_cast %get3A_597 : vector<16xf32> to vector<1x1x16xf32>
      tpu.vector_store %arg7[%swap3A_603, %swap3A_604, %swap3A_605], %swap3A_608 {strides = array<i32>} : memref<3x128x64xf32, #tpu.memory_space<vmem>>, vector<1x1x16xf32>,
      %mul3A_609 = arith.constant 8 : i32
      %mul3A_610 = arith.muli %scan3A_127, %mul3A_609 : i32
      %add3A_611 = arith.constant 5 : i32
      %add3A_612 = arith.addi %mul3A_610, %add3A_611 : i32
      %get3A_613 = arith.constant 0 : i32
      %get3A_614 = arith.index_cast %get3A_613 : i32 to index
      %get3A_615 = arith.index_cast %add3A_612 : i32 to index
      %get3A_616 = arith.constant 48 : index
      %get3A_617 = tpu.vector_load %arg6[%get3A_614, %get3A_615, %get3A_616] {strides = array<i32>} : memref<3x128x128xf32, #tpu.memory_space<vmem>>, vector<1x1x16xf32>,
      %get3A_618 = vector.shape_cast %get3A_617 : vector<1x1x16xf32> to vector<16xf32>
      %mul3A_619 = arith.constant 8 : i32
      %mul3A_620 = arith.muli %scan3A_127, %mul3A_619 : i32
      %add3A_621 = arith.constant 5 : i32
      %add3A_622 = arith.addi %mul3A_620, %add3A_621 : i32
      %swap3A_623 = arith.constant 0 : i32
      %swap3A_624 = arith.index_cast %swap3A_623 : i32 to index
      %swap3A_625 = arith.index_cast %add3A_622 : i32 to index
      %swap3A_626 = arith.constant 48 : index
      %swap3A_627 = tpu.vector_load %arg7[%swap3A_624, %swap3A_625, %swap3A_626] {strides = array<i32>} : memref<3x128x64xf32, #tpu.memory_space<vmem>>, vector<1x1x16xf32>,
      %swap3A_628 = vector.shape_cast %swap3A_627 : vector<1x1x16xf32> to vector<16xf32>
      %swap3A_629 = vector.shape_cast %get3A_618 : vector<16xf32> to vector<1x1x16xf32>
      tpu.vector_store %arg7[%swap3A_624, %swap3A_625, %swap3A_626], %swap3A_629 {strides = array<i32>} : memref<3x128x64xf32, #tpu.memory_space<vmem>>, vector<1x1x16xf32>,
      %mul3A_630 = arith.constant 8 : i32
      %mul3A_631 = arith.muli %scan3A_127, %mul3A_630 : i32
      %add3A_632 = arith.constant 6 : i32
      %add3A_633 = arith.addi %mul3A_631, %add3A_632 : i32
      %get3A_634 = arith.constant 0 : i32
      %get3A_635 = arith.index_cast %get3A_634 : i32 to index
      %get3A_636 = arith.index_cast %add3A_633 : i32 to index
      %get3A_637 = arith.constant 0 : index
      %get3A_638 = tpu.vector_load %arg6[%get3A_635, %get3A_636, %get3A_637] {strides = array<i32>} : memref<3x128x128xf32, #tpu.memory_space<vmem>>, vector<1x1x16xf32>,
      %get3A_639 = vector.shape_cast %get3A_638 : vector<1x1x16xf32> to vector<16xf32>
      %mul3A_640 = arith.constant 8 : i32
      %mul3A_641 = arith.muli %scan3A_127, %mul3A_640 : i32
      %add3A_642 = arith.constant 6 : i32
      %add3A_643 = arith.addi %mul3A_641, %add3A_642 : i32
      %swap3A_644 = arith.constant 0 : i32
      %swap3A_645 = arith.index_cast %swap3A_644 : i32 to index
      %swap3A_646 = arith.index_cast %add3A_643 : i32 to index
      %swap3A_647 = arith.constant 0 : index
      %swap3A_648 = tpu.vector_load %arg7[%swap3A_645, %swap3A_646, %swap3A_647] {strides = array<i32>} : memref<3x128x64xf32, #tpu.memory_space<vmem>>, vector<1x1x16xf32>,
      %swap3A_649 = vector.shape_cast %swap3A_648 : vector<1x1x16xf32> to vector<16xf32>
      %swap3A_650 = vector.shape_cast %get3A_639 : vector<16xf32> to vector<1x1x16xf32>
      tpu.vector_store %arg7[%swap3A_645, %swap3A_646, %swap3A_647], %swap3A_650 {strides = array<i32>} : memref<3x128x64xf32, #tpu.memory_space<vmem>>, vector<1x1x16xf32>,
      %mul3A_651 = arith.constant 8 : i32
      %mul3A_652 = arith.muli %scan3A_127, %mul3A_651 : i32
      %add3A_653 = arith.constant 6 : i32
      %add3A_654 = arith.addi %mul3A_652, %add3A_653 : i32
      %get3A_655 = arith.constant 0 : i32
      %get3A_656 = arith.index_cast %get3A_655 : i32 to index
      %get3A_657 = arith.index_cast %add3A_654 : i32 to index
      %get3A_658 = arith.constant 16 : index
      %get3A_659 = tpu.vector_load %arg6[%get3A_656, %get3A_657, %get3A_658] {strides = array<i32>} : memref<3x128x128xf32, #tpu.memory_space<vmem>>, vector<1x1x16xf32>,
      %get3A_660 = vector.shape_cast %get3A_659 : vector<1x1x16xf32> to vector<16xf32>
      %mul3A_661 = arith.constant 8 : i32
      %mul3A_662 = arith.muli %scan3A_127, %mul3A_661 : i32
      %add3A_663 = arith.constant 6 : i32
      %add3A_664 = arith.addi %mul3A_662, %add3A_663 : i32
      %swap3A_665 = arith.constant 0 : i32
      %swap3A_666 = arith.index_cast %swap3A_665 : i32 to index
      %swap3A_667 = arith.index_cast %add3A_664 : i32 to index
      %swap3A_668 = arith.constant 16 : index
      %swap3A_669 = tpu.vector_load %arg7[%swap3A_666, %swap3A_667, %swap3A_668] {strides = array<i32>} : memref<3x128x64xf32, #tpu.memory_space<vmem>>, vector<1x1x16xf32>,
      %swap3A_670 = vector.shape_cast %swap3A_669 : vector<1x1x16xf32> to vector<16xf32>
      %swap3A_671 = vector.shape_cast %get3A_660 : vector<16xf32> to vector<1x1x16xf32>
      tpu.vector_store %arg7[%swap3A_666, %swap3A_667, %swap3A_668], %swap3A_671 {strides = array<i32>} : memref<3x128x64xf32, #tpu.memory_space<vmem>>, vector<1x1x16xf32>,
      %mul3A_672 = arith.constant 8 : i32
      %mul3A_673 = arith.muli %scan3A_127, %mul3A_672 : i32
      %add3A_674 = arith.constant 6 : i32
      %add3A_675 = arith.addi %mul3A_673, %add3A_674 : i32
      %get3A_676 = arith.constant 0 : i32
      %get3A_677 = arith.index_cast %get3A_676 : i32 to index
      %get3A_678 = arith.index_cast %add3A_675 : i32 to index
      %get3A_679 = arith.constant 32 : index
      %get3A_680 = tpu.vector_load %arg6[%get3A_677, %get3A_678, %get3A_679] {strides = array<i32>} : memref<3x128x128xf32, #tpu.memory_space<vmem>>, vector<1x1x16xf32>,
      %get3A_681 = vector.shape_cast %get3A_680 : vector<1x1x16xf32> to vector<16xf32>
      %mul3A_682 = arith.constant 8 : i32
      %mul3A_683 = arith.muli %scan3A_127, %mul3A_682 : i32
      %add3A_684 = arith.constant 6 : i32
      %add3A_685 = arith.addi %mul3A_683, %add3A_684 : i32
      %swap3A_686 = arith.constant 0 : i32
      %swap3A_687 = arith.index_cast %swap3A_686 : i32 to index
      %swap3A_688 = arith.index_cast %add3A_685 : i32 to index
      %swap3A_689 = arith.constant 32 : index
      %swap3A_690 = tpu.vector_load %arg7[%swap3A_687, %swap3A_688, %swap3A_689] {strides = array<i32>} : memref<3x128x64xf32, #tpu.memory_space<vmem>>, vector<1x1x16xf32>,
      %swap3A_691 = vector.shape_cast %swap3A_690 : vector<1x1x16xf32> to vector<16xf32>
      %swap3A_692 = vector.shape_cast %get3A_681 : vector<16xf32> to vector<1x1x16xf32>
      tpu.vector_store %arg7[%swap3A_687, %swap3A_688, %swap3A_689], %swap3A_692 {strides = array<i32>} : memref<3x128x64xf32, #tpu.memory_space<vmem>>, vector<1x1x16xf32>,
      %mul3A_693 = arith.constant 8 : i32
      %mul3A_694 = arith.muli %scan3A_127, %mul3A_693 : i32
      %add3A_695 = arith.constant 6 : i32
      %add3A_696 = arith.addi %mul3A_694, %add3A_695 : i32
      %get3A_697 = arith.constant 0 : i32
      %get3A_698 = arith.index_cast %get3A_697 : i32 to index
      %get3A_699 = arith.index_cast %add3A_696 : i32 to index
      %get3A_700 = arith.constant 48 : index
      %get3A_701 = tpu.vector_load %arg6[%get3A_698, %get3A_699, %get3A_700] {strides = array<i32>} : memref<3x128x128xf32, #tpu.memory_space<vmem>>, vector<1x1x16xf32>,
      %get3A_702 = vector.shape_cast %get3A_701 : vector<1x1x16xf32> to vector<16xf32>
      %mul3A_703 = arith.constant 8 : i32
      %mul3A_704 = arith.muli %scan3A_127, %mul3A_703 : i32
      %add3A_705 = arith.constant 6 : i32
      %add3A_706 = arith.addi %mul3A_704, %add3A_705 : i32
      %swap3A_707 = arith.constant 0 : i32
      %swap3A_708 = arith.index_cast %swap3A_707 : i32 to index
      %swap3A_709 = arith.index_cast %add3A_706 : i32 to index
      %swap3A_710 = arith.constant 48 : index
      %swap3A_711 = tpu.vector_load %arg7[%swap3A_708, %swap3A_709, %swap3A_710] {strides = array<i32>} : memref<3x128x64xf32, #tpu.memory_space<vmem>>, vector<1x1x16xf32>,
      %swap3A_712 = vector.shape_cast %swap3A_711 : vector<1x1x16xf32> to vector<16xf32>
      %swap3A_713 = vector.shape_cast %get3A_702 : vector<16xf32> to vector<1x1x16xf32>
      tpu.vector_store %arg7[%swap3A_708, %swap3A_709, %swap3A_710], %swap3A_713 {strides = array<i32>} : memref<3x128x64xf32, #tpu.memory_space<vmem>>, vector<1x1x16xf32>,
      %mul3A_714 = arith.constant 8 : i32
      %mul3A_715 = arith.muli %scan3A_127, %mul3A_714 : i32
      %add3A_716 = arith.constant 7 : i32
      %add3A_717 = arith.addi %mul3A_715, %add3A_716 : i32
      %get3A_718 = arith.constant 0 : i32
      %get3A_719 = arith.index_cast %get3A_718 : i32 to index
      %get3A_720 = arith.index_cast %add3A_717 : i32 to index
      %get3A_721 = arith.constant 0 : index
      %get3A_722 = tpu.vector_load %arg6[%get3A_719, %get3A_720, %get3A_721] {strides = array<i32>} : memref<3x128x128xf32, #tpu.memory_space<vmem>>, vector<1x1x16xf32>,
      %get3A_723 = vector.shape_cast %get3A_722 : vector<1x1x16xf32> to vector<16xf32>
      %mul3A_724 = arith.constant 8 : i32
      %mul3A_725 = arith.muli %scan3A_127, %mul3A_724 : i32
      %add3A_726 = arith.constant 7 : i32
      %add3A_727 = arith.addi %mul3A_725, %add3A_726 : i32
      %swap3A_728 = arith.constant 0 : i32
      %swap3A_729 = arith.index_cast %swap3A_728 : i32 to index
      %swap3A_730 = arith.index_cast %add3A_727 : i32 to index
      %swap3A_731 = arith.constant 0 : index
      %swap3A_732 = tpu.vector_load %arg7[%swap3A_729, %swap3A_730, %swap3A_731] {strides = array<i32>} : memref<3x128x64xf32, #tpu.memory_space<vmem>>, vector<1x1x16xf32>,
      %swap3A_733 = vector.shape_cast %swap3A_732 : vector<1x1x16xf32> to vector<16xf32>
      %swap3A_734 = vector.shape_cast %get3A_723 : vector<16xf32> to vector<1x1x16xf32>
      tpu.vector_store %arg7[%swap3A_729, %swap3A_730, %swap3A_731], %swap3A_734 {strides = array<i32>} : memref<3x128x64xf32, #tpu.memory_space<vmem>>, vector<1x1x16xf32>,
      %mul3A_735 = arith.constant 8 : i32
      %mul3A_736 = arith.muli %scan3A_127, %mul3A_735 : i32
      %add3A_737 = arith.constant 7 : i32
      %add3A_738 = arith.addi %mul3A_736, %add3A_737 : i32
      %get3A_739 = arith.constant 0 : i32
      %get3A_740 = arith.index_cast %get3A_739 : i32 to index
      %get3A_741 = arith.index_cast %add3A_738 : i32 to index
      %get3A_742 = arith.constant 16 : index
      %get3A_743 = tpu.vector_load %arg6[%get3A_740, %get3A_741, %get3A_742] {strides = array<i32>} : memref<3x128x128xf32, #tpu.memory_space<vmem>>, vector<1x1x16xf32>,
      %get3A_744 = vector.shape_cast %get3A_743 : vector<1x1x16xf32> to vector<16xf32>
      %mul3A_745 = arith.constant 8 : i32
      %mul3A_746 = arith.muli %scan3A_127, %mul3A_745 : i32
      %add3A_747 = arith.constant 7 : i32
      %add3A_748 = arith.addi %mul3A_746, %add3A_747 : i32
      %swap3A_749 = arith.constant 0 : i32
      %swap3A_750 = arith.index_cast %swap3A_749 : i32 to index
      %swap3A_751 = arith.index_cast %add3A_748 : i32 to index
      %swap3A_752 = arith.constant 16 : index
      %swap3A_753 = tpu.vector_load %arg7[%swap3A_750, %swap3A_751, %swap3A_752] {strides = array<i32>} : memref<3x128x64xf32, #tpu.memory_space<vmem>>, vector<1x1x16xf32>,
      %swap3A_754 = vector.shape_cast %swap3A_753 : vector<1x1x16xf32> to vector<16xf32>
      %swap3A_755 = vector.shape_cast %get3A_744 : vector<16xf32> to vector<1x1x16xf32>
      tpu.vector_store %arg7[%swap3A_750, %swap3A_751, %swap3A_752], %swap3A_755 {strides = array<i32>} : memref<3x128x64xf32, #tpu.memory_space<vmem>>, vector<1x1x16xf32>,
      %mul3A_756 = arith.constant 8 : i32
      %mul3A_757 = arith.muli %scan3A_127, %mul3A_756 : i32
      %add3A_758 = arith.constant 7 : i32
      %add3A_759 = arith.addi %mul3A_757, %add3A_758 : i32
      %get3A_760 = arith.constant 0 : i32
      %get3A_761 = arith.index_cast %get3A_760 : i32 to index
      %get3A_762 = arith.index_cast %add3A_759 : i32 to index
      %get3A_763 = arith.constant 32 : index
      %get3A_764 = tpu.vector_load %arg6[%get3A_761, %get3A_762, %get3A_763] {strides = array<i32>} : memref<3x128x128xf32, #tpu.memory_space<vmem>>, vector<1x1x16xf32>,
      %get3A_765 = vector.shape_cast %get3A_764 : vector<1x1x16xf32> to vector<16xf32>
      %mul3A_766 = arith.constant 8 : i32
      %mul3A_767 = arith.muli %scan3A_127, %mul3A_766 : i32
      %add3A_768 = arith.constant 7 : i32
      %add3A_769 = arith.addi %mul3A_767, %add3A_768 : i32
      %swap3A_770 = arith.constant 0 : i32
      %swap3A_771 = arith.index_cast %swap3A_770 : i32 to index
      %swap3A_772 = arith.index_cast %add3A_769 : i32 to index
      %swap3A_773 = arith.constant 32 : index
      %swap3A_774 = tpu.vector_load %arg7[%swap3A_771, %swap3A_772, %swap3A_773] {strides = array<i32>} : memref<3x128x64xf32, #tpu.memory_space<vmem>>, vector<1x1x16xf32>,
      %swap3A_775 = vector.shape_cast %swap3A_774 : vector<1x1x16xf32> to vector<16xf32>
      %swap3A_776 = vector.shape_cast %get3A_765 : vector<16xf32> to vector<1x1x16xf32>
      tpu.vector_store %arg7[%swap3A_771, %swap3A_772, %swap3A_773], %swap3A_776 {strides = array<i32>} : memref<3x128x64xf32, #tpu.memory_space<vmem>>, vector<1x1x16xf32>,
      %mul3A_777 = arith.constant 8 : i32
      %mul3A_778 = arith.muli %scan3A_127, %mul3A_777 : i32
      %add3A_779 = arith.constant 7 : i32
      %add3A_780 = arith.addi %mul3A_778, %add3A_779 : i32
      %get3A_781 = arith.constant 0 : i32
      %get3A_782 = arith.index_cast %get3A_781 : i32 to index
      %get3A_783 = arith.index_cast %add3A_780 : i32 to index
      %get3A_784 = arith.constant 48 : index
      %get3A_785 = tpu.vector_load %arg6[%get3A_782, %get3A_783, %get3A_784] {strides = array<i32>} : memref<3x128x128xf32, #tpu.memory_space<vmem>>, vector<1x1x16xf32>,
      %get3A_786 = vector.shape_cast %get3A_785 : vector<1x1x16xf32> to vector<16xf32>
      %mul3A_787 = arith.constant 8 : i32
      %mul3A_788 = arith.muli %scan3A_127, %mul3A_787 : i32
      %add3A_789 = arith.constant 7 : i32
      %add3A_790 = arith.addi %mul3A_788, %add3A_789 : i32
      %swap3A_791 = arith.constant 0 : i32
      %swap3A_792 = arith.index_cast %swap3A_791 : i32 to index
      %swap3A_793 = arith.index_cast %add3A_790 : i32 to index
      %swap3A_794 = arith.constant 48 : index
      %swap3A_795 = tpu.vector_load %arg7[%swap3A_792, %swap3A_793, %swap3A_794] {strides = array<i32>} : memref<3x128x64xf32, #tpu.memory_space<vmem>>, vector<1x1x16xf32>,
      %swap3A_796 = vector.shape_cast %swap3A_795 : vector<1x1x16xf32> to vector<16xf32>
      %swap3A_797 = vector.shape_cast %get3A_786 : vector<16xf32> to vector<1x1x16xf32>
      tpu.vector_store %arg7[%swap3A_792, %swap3A_793, %swap3A_794], %swap3A_797 {strides = array<i32>} : memref<3x128x64xf32, #tpu.memory_space<vmem>>, vector<1x1x16xf32>,
    }
    %scan3A_72 = arith.constant 2 : i32
    %add3A_73 = arith.constant 9984 : i32
    %add3A_74 = arith.addi %mul3A_2, %add3A_73 : i32
    %dma_start3A_75 = arith.constant 0 : i32
    %dma_start3A_76 = arith.constant 0 : i32
    %dma_start3A_77 = arith.constant 0 : i32
    %dma_start3A_78 = tpu.memref_slice %arg7[%dma_start3A_75, %dma_start3A_76, %dma_start3A_77] : memref<3x128x64xf32, #tpu.memory_space<vmem>> -> memref<1x16x64xf32, #tpu.memory_space<vmem>>
    %dma_start3A_79 = tpu.memref_squeeze %dma_start3A_78 : memref<1x16x64xf32, #tpu.memory_space<vmem>> -> memref<16x64xf32, #tpu.memory_space<vmem>>
    %dma_start3A_80 = arith.constant 0 : i32
    %dma_start3A_81 = tpu.memref_slice %arg4[%add3A_74, %dma_start3A_80] : memref<320000x64xf32, #tpu.memory_space<hbm>> -> memref<16x64xf32, #tpu.memory_space<hbm>>
    %dma_start3A_82 = arith.constant 0 : i32
    %dma_start3A_83 = tpu.memref_slice %arg4[%add3A_74, %dma_start3A_82] : memref<320000x64xf32, #tpu.memory_space<hbm>> -> memref<16x64xf32, #tpu.memory_space<hbm>>
    %dma_start3A_84 = arith.constant 0 : i32
    %dma_start3A_85 = arith.constant 0 : i32
    %dma_start3A_86 = tpu.memref_slice %arg7[%dma_start3A_75, %dma_start3A_84, %dma_start3A_85] : memref<3x128x64xf32, #tpu.memory_space<vmem>> -> memref<1x16x64xf32, #tpu.memory_space<vmem>>
    %dma_start3A_87 = tpu.memref_squeeze %dma_start3A_86 : memref<1x16x64xf32, #tpu.memory_space<vmem>> -> memref<16x64xf32, #tpu.memory_space<vmem>>
    tpu.enqueue_dma source(%dma_start3A_87 : memref<16x64xf32, #tpu.memory_space<vmem>>) target(%dma_start3A_83 : memref<16x64xf32, #tpu.memory_space<hbm>>) target_semaphore(%arg11 : memref<!tpu.dma_semaphore, #tpu.memory_space<semaphore_mem>>)
    %dma_wait3A_88 = arith.constant 1 : i32
    %dma_wait3A_89 = arith.constant 0 : i32
    %dma_wait3A_90 = arith.constant 0 : i32
    %dma_wait3A_91 = tpu.memref_slice %arg7[%dma_wait3A_88, %dma_wait3A_89, %dma_wait3A_90] : memref<3x128x64xf32, #tpu.memory_space<vmem>> -> memref<1x128x64xf32, #tpu.memory_space<vmem>>
    %dma_wait3A_92 = tpu.memref_squeeze %dma_wait3A_91 : memref<1x128x64xf32, #tpu.memory_space<vmem>> -> memref<128x64xf32, #tpu.memory_space<vmem>>
    %dma_wait3A_93 = arith.constant 0 : i32
    %dma_wait3A_94 = tpu.memref_slice %arg4[%mul3A_2, %dma_wait3A_93] : memref<320000x64xf32, #tpu.memory_space<hbm>> -> memref<128x64xf32, #tpu.memory_space<hbm>>
    %dma_wait3A_95 = arith.constant 0 : i32
    %dma_wait3A_96 = tpu.memref_slice %arg4[%mul3A_2, %dma_wait3A_95] : memref<320000x64xf32, #tpu.memory_space<hbm>> -> memref<128x64xf32, #tpu.memory_space<hbm>>
    %dma_wait3A_97 = arith.constant 0 : i32
    %dma_wait3A_98 = arith.constant 0 : i32
    %dma_wait3A_99 = tpu.memref_slice %arg7[%dma_wait3A_88, %dma_wait3A_97, %dma_wait3A_98] : memref<3x128x64xf32, #tpu.memory_space<vmem>> -> memref<1x128x64xf32, #tpu.memory_space<vmem>>
    %dma_wait3A_100 = tpu.memref_squeeze %dma_wait3A_99 : memref<1x128x64xf32, #tpu.memory_space<vmem>> -> memref<128x64xf32, #tpu.memory_space<vmem>>
    tpu.wait_dma2 semaphore(%arg12 : memref<!tpu.dma_semaphore, #tpu.memory_space<semaphore_mem>>) src(%dma_wait3A_100 : memref<128x64xf32, #tpu.memory_space<vmem>>) dst(%dma_wait3A_96 : memref<128x64xf32, #tpu.memory_space<hbm>>)
    %dma_wait3A_101 = arith.constant 2 : i32
    %dma_wait3A_102 = arith.constant 0 : i32
    %dma_wait3A_103 = arith.constant 0 : i32
    %dma_wait3A_104 = tpu.memref_slice %arg7[%dma_wait3A_101, %dma_wait3A_102, %dma_wait3A_103] : memref<3x128x64xf32, #tpu.memory_space<vmem>> -> memref<1x128x64xf32, #tpu.memory_space<vmem>>
    %dma_wait3A_105 = tpu.memref_squeeze %dma_wait3A_104 : memref<1x128x64xf32, #tpu.memory_space<vmem>> -> memref<128x64xf32, #tpu.memory_space<vmem>>
    %dma_wait3A_106 = arith.constant 0 : i32
    %dma_wait3A_107 = tpu.memref_slice %arg4[%mul3A_2, %dma_wait3A_106] : memref<320000x64xf32, #tpu.memory_space<hbm>> -> memref<128x64xf32, #tpu.memory_space<hbm>>
    %dma_wait3A_108 = arith.constant 0 : i32
    %dma_wait3A_109 = tpu.memref_slice %arg4[%mul3A_2, %dma_wait3A_108] : memref<320000x64xf32, #tpu.memory_space<hbm>> -> memref<128x64xf32, #tpu.memory_space<hbm>>
    %dma_wait3A_110 = arith.constant 0 : i32
    %dma_wait3A_111 = arith.constant 0 : i32
    %dma_wait3A_112 = tpu.memref_slice %arg7[%dma_wait3A_101, %dma_wait3A_110, %dma_wait3A_111] : memref<3x128x64xf32, #tpu.memory_space<vmem>> -> memref<1x128x64xf32, #tpu.memory_space<vmem>>
    %dma_wait3A_113 = tpu.memref_squeeze %dma_wait3A_112 : memref<1x128x64xf32, #tpu.memory_space<vmem>> -> memref<128x64xf32, #tpu.memory_space<vmem>>
    tpu.wait_dma2 semaphore(%arg13 : memref<!tpu.dma_semaphore, #tpu.memory_space<semaphore_mem>>) src(%dma_wait3A_113 : memref<128x64xf32, #tpu.memory_space<vmem>>) dst(%dma_wait3A_109 : memref<128x64xf32, #tpu.memory_space<hbm>>)
    %dma_wait3A_114 = arith.constant 0 : i32
    %dma_wait3A_115 = arith.constant 0 : i32
    %dma_wait3A_116 = arith.constant 0 : i32
    %dma_wait3A_117 = tpu.memref_slice %arg7[%dma_wait3A_114, %dma_wait3A_115, %dma_wait3A_116] : memref<3x128x64xf32, #tpu.memory_space<vmem>> -> memref<1x16x64xf32, #tpu.memory_space<vmem>>
    %dma_wait3A_118 = tpu.memref_squeeze %dma_wait3A_117 : memref<1x16x64xf32, #tpu.memory_space<vmem>> -> memref<16x64xf32, #tpu.memory_space<vmem>>
    %dma_wait3A_119 = arith.constant 0 : i32
    %dma_wait3A_120 = tpu.memref_slice %arg4[%mul3A_2, %dma_wait3A_119] : memref<320000x64xf32, #tpu.memory_space<hbm>> -> memref<16x64xf32, #tpu.memory_space<hbm>>
    %dma_wait3A_121 = arith.constant 0 : i32
    %dma_wait3A_122 = tpu.memref_slice %arg4[%mul3A_2, %dma_wait3A_121] : memref<320000x64xf32, #tpu.memory_space<hbm>> -> memref<16x64xf32, #tpu.memory_space<hbm>>
    %dma_wait3A_123 = arith.constant 0 : i32
    %dma_wait3A_124 = arith.constant 0 : i32
    %dma_wait3A_125 = tpu.memref_slice %arg7[%dma_wait3A_114, %dma_wait3A_123, %dma_wait3A_124] : memref<3x128x64xf32, #tpu.memory_space<vmem>> -> memref<1x16x64xf32, #tpu.memory_space<vmem>>
    %dma_wait3A_126 = tpu.memref_squeeze %dma_wait3A_125 : memref<1x16x64xf32, #tpu.memory_space<vmem>> -> memref<16x64xf32, #tpu.memory_space<vmem>>
    tpu.wait_dma2 semaphore(%arg11 : memref<!tpu.dma_semaphore, #tpu.memory_space<semaphore_mem>>) src(%dma_wait3A_126 : memref<16x64xf32, #tpu.memory_space<vmem>>) dst(%dma_wait3A_122 : memref<16x64xf32, #tpu.memory_space<hbm>>)
    return
  }
}

module attributes {stable_mosaic.version = 14 : i64} {
  func.func @_dense1_body(%arg0: memref<10240x128xf32, #tpu.memory_space<vmem>>, %arg1: memref<128x128xf32, #tpu.memory_space<vmem>>, %arg2: memref<2x2x10240xf32, #tpu.memory_space<vmem>>, %arg3: memref<10240x128xf32, #tpu.memory_space<vmem>>, %arg4: memref<10240x128xf32, #tpu.memory_space<vmem>>) attributes {dimension_semantics = [], scalar_prefetch = 0 : i64, scratch_operands = 0 : i64, tpu.core_type = #tpu.core_type<tc>} {
    %get3A = arith.constant 0 : index
    %get3A_0 = arith.constant 0 : index
    %get3A_1 = vector.load %arg0[%get3A, %get3A_0] : memref<10240x128xf32, #tpu.memory_space<vmem>>, vector<10240x128xf32>
    %get3A_2 = arith.constant 0 : index
    %get3A_3 = arith.constant 0 : index
    %get3A_4 = vector.load %arg1[%get3A_2, %get3A_3] : memref<128x128xf32, #tpu.memory_space<vmem>>, vector<128x128xf32>
    %dot_general3A = arith.constant dense<0.000000e+00> : vector<10240x128xf32>
    %dot_general3A_5 = tpu.matmul %get3A_1, %get3A_4, %dot_general3A {dimension_numbers = #tpu.dot_dimension_numbers<[1], [1], [0], [0], [0, 0, 1, 0], [], []>, transpose_lhs_hint = false} : vector<10240x128xf32>, vector<128x128xf32>, vector<10240x128xf32> -> vector<10240x128xf32>
    %get3A_6 = arith.constant 0 : index
    %get3A_7 = arith.constant 0 : index
    %get3A_8 = arith.constant 0 : index
    %get3A_9 = vector.load %arg2[%get3A_6, %get3A_7, %get3A_8] : memref<2x2x10240xf32, #tpu.memory_space<vmem>>, vector<1x1x10240xf32>
    %get3A_10 = vector.shape_cast %get3A_9 : vector<1x1x10240xf32> to vector<10240xf32>
    %get3A_11 = arith.constant 1 : index
    %get3A_12 = arith.constant 0 : index
    %get3A_13 = arith.constant 0 : index
    %get3A_14 = vector.load %arg2[%get3A_11, %get3A_12, %get3A_13] : memref<2x2x10240xf32, #tpu.memory_space<vmem>>, vector<1x1x10240xf32>
    %get3A_15 = vector.shape_cast %get3A_14 : vector<1x1x10240xf32> to vector<10240xf32>
    %add3A = arith.addf %get3A_10, %get3A_15 : vector<10240xf32>
    %add3A_16 = arith.constant 1.000000e+00 : f32
    %add3A_17 = vector.broadcast %add3A_16 : f32 to vector<10240xf32>
    %add3A_18 = arith.addf %add3A, %add3A_17 : vector<10240xf32>
    %rsqrt3A = math.rsqrt %add3A_18 : vector<10240xf32>
    %reshape3A = vector.shape_cast %rsqrt3A : vector<10240xf32> to vector<10240x1xf32>
    %mul3A = vector.broadcast %reshape3A : vector<10240x1xf32> to vector<10240x128xf32>
    %mul3A_19 = arith.mulf %dot_general3A_5, %mul3A : vector<10240x128xf32>
    %swap3A = arith.constant 0 : index
    %swap3A_20 = arith.constant 0 : index
    %swap3A_21 = vector.load %arg3[%swap3A, %swap3A_20] : memref<10240x128xf32, #tpu.memory_space<vmem>>, vector<10240x128xf32>
    tpu.vector_store %arg3[%swap3A, %swap3A_20], %mul3A_19 {strides = array<i32>} : memref<10240x128xf32, #tpu.memory_space<vmem>>, vector<10240x128xf32>,
    %mul3A_22 = arith.mulf %reshape3A, %reshape3A : vector<10240x1xf32>
    %mul3A_23 = vector.broadcast %mul3A_22 : vector<10240x1xf32> to vector<10240x128xf32>
    %mul3A_24 = arith.mulf %dot_general3A_5, %mul3A_23 : vector<10240x128xf32>
    %swap3A_25 = arith.constant 0 : index
    %swap3A_26 = arith.constant 0 : index
    %swap3A_27 = vector.load %arg4[%swap3A_25, %swap3A_26] : memref<10240x128xf32, #tpu.memory_space<vmem>>, vector<10240x128xf32>
    tpu.vector_store %arg4[%swap3A_25, %swap3A_26], %mul3A_24 {strides = array<i32>} : memref<10240x128xf32, #tpu.memory_space<vmem>>, vector<10240x128xf32>,
    return
  }
}

module attributes {stable_mosaic.version = 14 : i64} {
  func.func @_dense2_body(%arg0: memref<2x10240x128xf32, #tpu.memory_space<vmem>>, %arg1: memref<10240x128xf32, #tpu.memory_space<vmem>>, %arg2: memref<2x2x10240xf32, #tpu.memory_space<vmem>>, %arg3: memref<1x128xf32, #tpu.memory_space<vmem>>, %arg4: memref<64x128xf32, #tpu.memory_space<vmem>>, %arg5: memref<64x64xf32, #tpu.memory_space<vmem>>, %arg6: memref<128x64xf32, #tpu.memory_space<vmem>>, %arg7: memref<128x128xf32, #tpu.memory_space<vmem>>, %arg8: memref<10240x128xf32, #tpu.memory_space<vmem>>, %arg9: memref<10240x128xf32, #tpu.memory_space<vmem>>) attributes {dimension_semantics = [], scalar_prefetch = 0 : i64, scratch_operands = 0 : i64, tpu.core_type = #tpu.core_type<tc>} {
    %get3A = arith.constant 0 : index
    %get3A_0 = arith.constant 0 : index
    %get3A_1 = arith.constant 0 : index
    %get3A_2 = vector.load %arg2[%get3A, %get3A_0, %get3A_1] : memref<2x2x10240xf32, #tpu.memory_space<vmem>>, vector<1x1x10240xf32>
    %get3A_3 = vector.shape_cast %get3A_2 : vector<1x1x10240xf32> to vector<10240xf32>
    %get3A_4 = arith.constant 1 : index
    %get3A_5 = arith.constant 0 : index
    %get3A_6 = arith.constant 0 : index
    %get3A_7 = vector.load %arg2[%get3A_4, %get3A_5, %get3A_6] : memref<2x2x10240xf32, #tpu.memory_space<vmem>>, vector<1x1x10240xf32>
    %get3A_8 = vector.shape_cast %get3A_7 : vector<1x1x10240xf32> to vector<10240xf32>
    %add3A = arith.addf %get3A_3, %get3A_8 : vector<10240xf32>
    %add3A_9 = arith.constant 1.000000e+00 : f32
    %add3A_10 = vector.broadcast %add3A_9 : f32 to vector<10240xf32>
    %add3A_11 = arith.addf %add3A, %add3A_10 : vector<10240xf32>
    %rsqrt3A = math.rsqrt %add3A_11 : vector<10240xf32>
    %reshape3A = vector.shape_cast %rsqrt3A : vector<10240xf32> to vector<10240x1xf32>
    %get3A_12 = arith.constant 0 : index
    %get3A_13 = arith.constant 1 : index
    %get3A_14 = arith.constant 0 : index
    %get3A_15 = vector.load %arg2[%get3A_12, %get3A_13, %get3A_14] : memref<2x2x10240xf32, #tpu.memory_space<vmem>>, vector<1x1x10240xf32>
    %get3A_16 = vector.shape_cast %get3A_15 : vector<1x1x10240xf32> to vector<10240xf32>
    %get3A_17 = arith.constant 1 : index
    %get3A_18 = arith.constant 1 : index
    %get3A_19 = arith.constant 0 : index
    %get3A_20 = vector.load %arg2[%get3A_17, %get3A_18, %get3A_19] : memref<2x2x10240xf32, #tpu.memory_space<vmem>>, vector<1x1x10240xf32>
    %get3A_21 = vector.shape_cast %get3A_20 : vector<1x1x10240xf32> to vector<10240xf32>
    %add3A_22 = arith.addf %get3A_16, %get3A_21 : vector<10240xf32>
    %reshape3A_23 = vector.shape_cast %add3A_22 : vector<10240xf32> to vector<10240x1xf32>
    %get3A_24 = arith.constant 0 : index
    %get3A_25 = arith.constant 0 : index
    %get3A_26 = arith.constant 0 : index
    %get3A_27 = vector.load %arg0[%get3A_24, %get3A_25, %get3A_26] : memref<2x10240x128xf32, #tpu.memory_space<vmem>>, vector<1x10240x128xf32>
    %get3A_28 = vector.shape_cast %get3A_27 : vector<1x10240x128xf32> to vector<10240x128xf32>
    %get3A_29 = arith.constant 1 : index
    %get3A_30 = arith.constant 0 : index
    %get3A_31 = arith.constant 0 : index
    %get3A_32 = vector.load %arg0[%get3A_29, %get3A_30, %get3A_31] : memref<2x10240x128xf32, #tpu.memory_space<vmem>>, vector<1x10240x128xf32>
    %get3A_33 = vector.shape_cast %get3A_32 : vector<1x10240x128xf32> to vector<10240x128xf32>
    %add3A_34 = arith.addf %get3A_28, %get3A_33 : vector<10240x128xf32>
    %mul3A = vector.broadcast %reshape3A : vector<10240x1xf32> to vector<10240x128xf32>
    %mul3A_35 = arith.mulf %add3A_34, %mul3A : vector<10240x128xf32>
    %get3A_36 = arith.constant 0 : index
    %get3A_37 = arith.constant 0 : index
    %get3A_38 = vector.load %arg1[%get3A_36, %get3A_37] : memref<10240x128xf32, #tpu.memory_space<vmem>>, vector<10240x128xf32>
    %add3A_39 = arith.addf %mul3A_35, %get3A_38 : vector<10240x128xf32>
    %get3A_40 = arith.constant 0 : index
    %get3A_41 = arith.constant 0 : index
    %get3A_42 = vector.load %arg3[%get3A_40, %get3A_41] : memref<1x128xf32, #tpu.memory_space<vmem>>, vector<1x128xf32>
    %add3A_43 = vector.broadcast %get3A_42 : vector<1x128xf32> to vector<10240x128xf32>
    %add3A_44 = arith.addf %add3A_39, %add3A_43 : vector<10240x128xf32>
    %get3A_45 = arith.constant 0 : index
    %get3A_46 = arith.constant 0 : index
    %get3A_47 = vector.load %arg5[%get3A_45, %get3A_46] : memref<64x64xf32, #tpu.memory_space<vmem>>, vector<64x64xf32>
    %get3A_48 = arith.constant 0 : index
    %get3A_49 = arith.constant 0 : index
    %get3A_50 = vector.load %arg4[%get3A_48, %get3A_49] : memref<64x128xf32, #tpu.memory_space<vmem>>, vector<64x128xf32>
    %dot_general3A = arith.constant dense<0.000000e+00> : vector<64x128xf32>
    %dot_general3A_51 = tpu.matmul %get3A_47, %get3A_50, %dot_general3A {dimension_numbers = #tpu.dot_dimension_numbers<[1], [0], [0], [1], [0, 0, 1, 1], [], []>, transpose_lhs_hint = false} : vector<64x64xf32>, vector<64x128xf32>, vector<64x128xf32> -> vector<64x128xf32>
    %dot_general3A_52 = arith.constant dense<0.000000e+00> : vector<10240x64xf32>
    %dot_general3A_53 = tpu.matmul %add3A_44, %dot_general3A_51, %dot_general3A_52 {dimension_numbers = #tpu.dot_dimension_numbers<[1], [1], [0], [0], [0, 0, 1, 0], [], []>, transpose_lhs_hint = false} : vector<10240x128xf32>, vector<64x128xf32>, vector<10240x64xf32> -> vector<10240x64xf32>
    %broadcast_in_dim3A = arith.constant 0.000000e+00 : f32
    %broadcast_in_dim3A_54 = vector.broadcast %broadcast_in_dim3A : f32 to vector<10240x64xf32>
    %concatenate3A = tpu.concatenate %dot_general3A_53, %broadcast_in_dim3A_54 in 1 : vector<10240x64xf32>, vector<10240x64xf32> -> vector<10240x128xf32>
    %swap3A = arith.constant 0 : index
    %swap3A_55 = arith.constant 0 : index
    %swap3A_56 = vector.load %arg8[%swap3A, %swap3A_55] : memref<10240x128xf32, #tpu.memory_space<vmem>>, vector<10240x128xf32>
    tpu.vector_store %arg8[%swap3A, %swap3A_55], %concatenate3A {strides = array<i32>} : memref<10240x128xf32, #tpu.memory_space<vmem>>, vector<10240x128xf32>,
    %get3A_57 = arith.constant 0 : index
    %get3A_58 = arith.constant 0 : index
    %get3A_59 = vector.load %arg6[%get3A_57, %get3A_58] : memref<128x64xf32, #tpu.memory_space<vmem>>, vector<128x64xf32>
    %dot_general3A_60 = arith.constant dense<0.000000e+00> : vector<128x128xf32>
    %dot_general3A_61 = tpu.matmul %get3A_59, %dot_general3A_51, %dot_general3A_60 {dimension_numbers = #tpu.dot_dimension_numbers<[1], [0], [0], [1], [0, 0, 1, 1], [], []>, transpose_lhs_hint = false} : vector<128x64xf32>, vector<64x128xf32>, vector<128x128xf32> -> vector<128x128xf32>
    %get3A_62 = arith.constant 0 : index
    %get3A_63 = arith.constant 0 : index
    %get3A_64 = vector.load %arg7[%get3A_62, %get3A_63] : memref<128x128xf32, #tpu.memory_space<vmem>>, vector<128x128xf32>
    %dot_general3A_65 = arith.constant dense<0.000000e+00> : vector<128x128xf32>
    %dot_general3A_66 = tpu.matmul %get3A_64, %dot_general3A_61, %dot_general3A_65 {dimension_numbers = #tpu.dot_dimension_numbers<[1], [0], [0], [1], [0, 0, 1, 1], [], []>, transpose_lhs_hint = false} : vector<128x128xf32>, vector<128x128xf32>, vector<128x128xf32> -> vector<128x128xf32>
    %dot_general3A_67 = arith.constant dense<0.000000e+00> : vector<10240x128xf32>
    %dot_general3A_68 = tpu.matmul %add3A_44, %dot_general3A_66, %dot_general3A_67 {dimension_numbers = #tpu.dot_dimension_numbers<[1], [1], [0], [0], [0, 0, 1, 0], [], []>, transpose_lhs_hint = false} : vector<10240x128xf32>, vector<128x128xf32>, vector<10240x128xf32> -> vector<10240x128xf32>
    %mul3A_69 = vector.broadcast %reshape3A_23 : vector<10240x1xf32> to vector<10240x128xf32>
    %mul3A_70 = arith.mulf %dot_general3A_68, %mul3A_69 : vector<10240x128xf32>
    %swap3A_71 = arith.constant 0 : index
    %swap3A_72 = arith.constant 0 : index
    %swap3A_73 = vector.load %arg9[%swap3A_71, %swap3A_72] : memref<10240x128xf32, #tpu.memory_space<vmem>>, vector<10240x128xf32>
    tpu.vector_store %arg9[%swap3A_71, %swap3A_72], %mul3A_70 {strides = array<i32>} : memref<10240x128xf32, #tpu.memory_space<vmem>>, vector<10240x128xf32>,
    return
  }
}

</mosaic_0001>

<sc_bundles>
// kernel: kernel.10.cloned.1.call-start
scs
__scs_entry_jumppad:
0x0: {  	(pc) =	sbr.rel $0x88, $3  }
0x1: {  	(tag) =	ssettag $0x0;
	lr =	simm.s32 $0x1  }
0x2: {  	[smem:$0x3F99] =	sst lr;
	_ =	strace $0xD0000000  }
0x3: {  	_ = 	snop  }
0x4: {  	_ = 	snop  }
0x5: {  	_ = 	snop  }
0x6: {  	_ = 	snop  }
0x7: {  	_ = 	snop  }
__scs_overlays_trampoline_lowered:
0x8: {  	[smem:$0x3FA8] =	sst s0  }
0x9: {  	[smem:$0x3FA9] =	sst s1  }
0xa: {  	[smem:$0x3FAA] =	sst s2  }
0xb: {  	[smem:$0x3FAB] =	sst s3  }
0xc: {  	[smem:$0x3FAC] =	sst s4  }
0xd: {  	[smem:$0x3FAD] =	sst s5  }
0xe: {  	[smem:$0x3FAE] =	sst s6  }
0xf: {  	[smem:$0x3FAF] =	sst s7  }
0x10: {  	[smem:$0x3FB0] =	sst s8  }
0x11: {  	[smem:$0x3FB1] =	sst s9;
	s0 =	simm.s32 @!p0 $0x0  }
0x12: {  	s1 =	sld [smem:$0x3F97];
	s0 =	simm.s32 @p0 $0x1  }
0x13: {  	[smem:$0x3FB2] =	sst s0;
	s0 =	simm.s32 @!p1 $0x0  }
0x14: {  	s2 =	sld [smem:$0x3F96];
	s0 =	simm.s32 @p1 $0x1  }
0x15: {  	[smem:$0x3FB3] =	sst s0;
	s0 =	simm.s32 @!p2 $0x0  }
0x16: {  	s3 =	sld [smem:$0x3FDB];
	s0 =	simm.s32 @p2 $0x1  }
0x17: {  	s4 =	simm.s32 $0x1BF5;
	[smem:$0x3FB5] =	sst s0  }
0x18: {  	s0 =	sld [smem:$0x3F98];
	_ =	swait.ge [sflag:s4], $0x0  }
0x19: {  	s7 =	sld [smem:$0x3F99]  }
0x1a: {  	s8 =	sadd.s32 $0xFFFFE003, lr  }
0x1b: {  	s9 =	sadd.s32 $0xFFFFFEF7, lr;
	s5 =	simm.s32 $0xFFFFFFFF;
	p2 =	slt.u32 s8, $0xFFFFF086  }
0x1c: {  	p1 =	slt.u32 s9, $0xF7A;
	s5 =	simm.s32 @!p2 $0x0  }
0x1d: {  	s5 =	simm.s32 @p1 $0x1;
	p0 =	seq.s32 s7, s2  }
0x1e: {  	s7 =	smul.u32 @!p0 $0xF7A, s2;
	p2 =	seq.s32 @!p0 s5, $0x0  }
0x1f: {  	s9 =	smul.u32 $0xF7A, s1;
	s8 =	simm.s32 @!p0 $0x1BF5;
	p2 =	por !p2, p0  }
0x20: {  	[sflag:s8] =	ssyncset.s32 @!p0 $0xFFFFF086;
	s6 =	sadd.s32 @!p0 s3, s7;
	s7 =	simm.s32 @!p0 $0x108  }
0x21: {  	s3 =	sadd.s32 s3, s9;
	s6 =	sadd.s32 @!p0 $0x88, s6;
	s7 =	simm.s32 @p2 $0x1082  }
0x22: {  	[simem:s7], [sflag:s8] =	dma.local @!p0 [hbm:s6], $0xF7A  }
0x23: {  	s9 =	sor.u32 $0xD0000000, s2;
	s6 =	simm.s32 $0x108;
	_ =	swait.ge @!p0 [sflag:s8], $0x0  }
0x24: {  	s3 =	sadd.s32 $0x88, s3;
	s6 =	simm.s32 @!p1 $0x1082;
	[sflag:s4] =	ssyncset.s32 $0xFFFFF086  }
0x25: {  	[simem:s6], [sflag:s4] =	dma.local [hbm:s3], $0xF7A  }
0x26: {  	[smem:$0x3F99] =	sst s1;
	(tag) =	ssettag s2;
	_ =	strace s9  }
0x27: {  	s1 =	sld [smem:$0x3FA9]  }
0x28: {  	s2 =	sld [smem:$0x3FAA]  }
0x29: {  	s4 =	sld [smem:$0x3FAC]  }
0x2a: {  	p0 =	seq.s32 s5, $0x0;
	s5 =	sld [smem:$0x3FAD]  }
0x2b: {  	s6 =	sld [smem:$0x3FAE]  }
0x2c: {  	s7 =	sld [smem:$0x3FAF]  }
0x2d: {  	s3 =	simm.s32 $0x108;
	s8 =	sld [smem:$0x3FB0]  }
0x2e: {  	s3 =	simm.s32 @!p0 $0x1082;
	s9 =	sld [smem:$0x3FB1]  }
0x2f: {  	lr =	sadd.s32 s0, s3;
	s0 =	sld [smem:$0x3FA8]  }
0x30: {  	s3 =	sld [smem:$0x3FAB]  }
0x31: {  	[smem:$0x3FB4] =	sst s10  }
0x32: {  	s10 =	sld [smem:$0x3FB2];
	_ =	sdelay $0x3  }
0x33: {  	p0 =	seq.s32 s10, $0x1;
	s10 =	sld [smem:$0x3FB4];
	_ =	sdelay $0x3  }
0x34: {  	[smem:$0x3FB4] =	sst s10  }
0x35: {  	s10 =	sld [smem:$0x3FB3];
	_ =	sdelay $0x3  }
0x36: {  	p1 =	seq.s32 s10, $0x1;
	s10 =	sld [smem:$0x3FB4];
	_ =	sdelay $0x3  }
0x37: {  	[smem:$0x3FB4] =	sst s10  }
0x38: {  	s10 =	sld [smem:$0x3FB5]  }
0x39: {  	_ = 	snop;
	(pc) =	sbr.ind lr, $3  }
0x3a: {  	_ = 	snop  }
0x3b: {  	_ = 	snop  }
0x3c: {  	p2 =	seq.s32 s10, $0x1;
	s10 =	sld [smem:$0x3FB4]  }
0x3d: {  	_ =	shalt  }
0x3e: {  	_ =	shalt  }
0x3f: {  	_ =	shalt  }
0x40: {  	_ =	shalt  }
0x41: {  	_ =	shalt  }
0x42: {  	_ =	shalt  }
0x43: {  	_ =	shalt  }
0x44: {  	_ =	shalt  }
0x45: {  	_ =	shalt  }
0x46: {  	_ =	shalt  }
0x47: {  	_ =	shalt  }
0x48: {  	_ =	shalt  }
0x49: {  	_ =	shalt  }
0x4a: {  	_ =	shalt  }
0x4b: {  	_ =	shalt  }
0x4c: {  	_ =	shalt  }
0x4d: {  	_ =	shalt  }
0x4e: {  	_ =	shalt  }
0x4f: {  	_ =	shalt  }
0x50: {  	_ =	shalt  }
0x51: {  	_ =	shalt  }
0x52: {  	_ =	shalt  }
0x53: {  	_ =	shalt  }
0x54: {  	_ =	shalt  }
0x55: {  	_ =	shalt  }
0x56: {  	_ =	shalt  }
0x57: {  	_ =	shalt  }
0x58: {  	_ =	shalt  }
0x59: {  	_ =	shalt  }
0x5a: {  	_ =	shalt  }
0x5b: {  	_ =	shalt  }
0x5c: {  	_ =	shalt  }
0x5d: {  	_ =	shalt  }
0x5e: {  	_ =	shalt  }
0x5f: {  	_ =	shalt  }
0x60: {  	_ =	shalt  }
0x61: {  	_ =	shalt  }
0x62: {  	_ =	shalt  }
0x63: {  	_ =	shalt  }
0x64: {  	_ =	shalt  }
0x65: {  	_ =	shalt  }
0x66: {  	_ =	shalt  }
0x67: {  	_ =	shalt  }
0x68: {  	_ =	shalt  }
0x69: {  	_ =	shalt  }
0x6a: {  	_ =	shalt  }
0x6b: {  	_ =	shalt  }
0x6c: {  	_ =	shalt  }
0x6d: {  	_ =	shalt  }
0x6e: {  	_ =	shalt  }
0x6f: {  	_ =	shalt  }
0x70: {  	_ =	shalt  }
0x71: {  	_ =	shalt  }
0x72: {  	_ =	shalt  }
0x73: {  	_ =	shalt  }
0x74: {  	_ =	shalt  }
0x75: {  	_ =	shalt  }
0x76: {  	_ =	shalt  }
0x77: {  	_ =	shalt  }
0x78: {  	_ =	shalt  }
0x79: {  	_ =	shalt  }
0x7a: {  	_ =	shalt  }
0x7b: {  	_ =	shalt  }
0x7c: {  	_ =	shalt  }
0x7d: {  	_ =	shalt  }
0x7e: {  	_ =	shalt  }
0x7f: {  	_ =	shalt  }
0x80: {  	_ =	shalt  }
0x81: {  	_ =	shalt  }
0x82: {  	_ =	shalt  }
0x83: {  	_ =	shalt  }
0x84: {  	_ =	shalt  }
0x85: {  	_ =	shalt  }
0x86: {  	_ =	shalt  }
0x87: {  	_ =	shalt  }
.Lfunc_end0:
.L_simem_size_0:
called_computation.1_lowered:
.L_overlay_start_0:
0x88: {  	s2 =	sld [smem:$0x3FD9]  }
0x89: {  	s3 =	sld [smem:$0x3FFE];
	_ =	sdelay $0x1  }
0x8a: {  	s1 =	srdreg.scid  }
0x8b: {  	s0 =	sand.u32 $0x1, s1  }
0x8c: {  	s14 =	sshll.u32 s0, $0xA;
	s2 =	sadd.s32 s3, s2  }
0x8d: {  	s2 =	sadd.s32 s2, s14  }
0x8e: {  	[smem:$0x3FC0] =	sst s2  }
0x8f: {  	_ = 	snop  }
0x90: {  	s2 =	sld [smem:$0x3FD0];
	_ =	sdelay $0x2  }
0x91: {  	s15 =	simm.s32 $0xA;
	s4 =	simm.s32 $0x10  }
0x92: {  	[smem:s4], [sflag:s15] =	dma.local [hbm:s2], $0x1  }
0x93: {  	_ =	swait.eq [sflag:s15], $0x1  }
0x94: {  	[sflag:s15] =	ssyncset.done $0x0  }
0x95: {  	s16 =	sld [smem:$0x10];
	[sflag:s15] =	ssyncadd.s32 $0xFFFFFFFF  }
0x96: {  	s17 =	sld [smem:$0x11];
	(tm) =	ssettm $0x1  }
0x97: {  	s18 =	sld [smem:$0x3FFB];
	_ =	sdelay $0x3  }
0x98: {  	_ =	strace s18  }
0x99: {  	s4 =	sld [smem:$0x3FFC];
	_ =	sdelay $0x3  }
0x9a: {  	_ =	strace s4  }
0x9b: {  	s4 =	sld [smem:$0x3FFD];
	_ =	sdelay $0x3  }
0x9c: {  	_ =	strace s4  }
0x9d: {  	_ =	strace $0x8FFFFFFF  }
0x9e: {  	s19 =	sld [smem:$0x3FDB];
	_ =	sdelay $0x1  }
0x9f: {  	s5 =	simm.s32 $_scs_section_size  }
0xa0: {  	s6 =	simm.s32 $_size__tile_overlayer_lowered;
	s7 =	simm.s32 $_tile_overlayer_lowered  }
0xa1: {  	s22 =	simm.s32 $0x1BFF;
	s21 =	sshll.u32 s7, $0x1;
	s4 =	sadd.s32 s5, s19  }
0xa2: {  	s8 =	simm.s32 $0x0;
	s20 =	sshll.u32 s6, $0x1;
	s6 =	sadd.s32 s21, s4  }
0xa3: {  	[timem:s8], [sflag:s22] =	dma.local [hbm:s6], s20  }
0xa4: {  	_ =	swait.ge [sflag:s22], s20  }
0xa5: {  	s5 =	ssub.s32 $0x0, s20;
	[sflag:s22] =	ssyncset.done $0x0  }
0xa6: {  	[sflag:s22] =	ssyncadd.s32 s5;
	_ =	sdelay $0x1  }
0xa7: {  	s23 =	simm.s32 $0x1B8B  }
0xa8: {  	_ =	swait.ge [sflag:s23], $0x1  }
0xa9: {  	[sflag:s23] =	ssyncset.done $0x0  }
0xaa: {  	s25 =	simm.s32 $0x1B8E;
	s24 =	sld [smem:$0x3FFE];
	[sflag:s23] =	ssyncadd.s32 $0xFFFFFFFF  }
0xab: {  	s26 =	simm.s32 $execute0_lowered;
	[smem:$0x3FD2] =	sst s25  }
0xac: {  	s6 =	sshll.u32 s26, $0x1;
	_ =	strace $0x80000049;
	[dreg:$0x1] =	wrdreg $0xFFFFFFFF  }
0xad: {  	s28 =	simm.s32 $_size_execute0_lowered;
	s4 =	sadd.s32 s4, s6;
	[dreg:$0x0] =	wrdreg $0x0  }
0xae: {  	s6 =	sshll.u32 s28, $0x1;
	[dreg:$0x2] =	wrdreg s4  }
0xaf: {  	[dreg:$0x3] =	wrdreg s6  }
0xb0: {  	[dreg:$0x4] =	wrdreg $0xC0  }
0xb1: {  	_ =	task [dreg:s8], $0x5FFFF  }
0xb2: {  	[dreg:$0x1] =	wrdreg $0xFFFFFFFF  }
0xb3: {  	[dreg:$0x0] =	wrdreg $0x60  }
0xb4: {  	[dreg:$0x2] =	wrdreg s24  }
0xb5: {  	[dreg:$0x3] =	wrdreg s16  }
0xb6: {  	[dreg:$0x4] =	wrdreg s17  }
0xb7: {  	[dreg:$0x5] =	wrdreg $0xA8000  }
0xb8: {  	[dreg:$0x6] =	wrdreg $0x9  }
0xb9: {  	_ =	task.clear_ibuf [dreg:s8], $0x7FFFF;
	_ =	strace $0x90000049  }
0xba: {  	s29 =	simm.s32 $0x9;
	_ =	strace $0x8000004B  }
0xbb: {  	_ =	swait.ge [sflag:s29], $0x1  }
0xbc: {  	[sflag:s29] =	ssyncadd.s32 $0xFFFFFFFF  }
0xbd: {  	_ =	strace $0x9000004B  }
0xbe: {  	_ =	sfence  }
0xbf: {  	s30 =	sld [smem:$0x0];
	_ =	sdelay $0x2  }
0xc0: {  	s31 =	sshll.u32 s1, $0xD;
	s1 =	sshrl.u32 s1, $0x2  }
0xc1: {  	s3 =	sand.u32 $0x4000, s31;
	s1 =	sadd.s32 s1, s30  }
0xc2: {  	s0 =	sor.u32 s3, s0;
	s1 =	sshll.u32 s1, $0x11  }
0xc3: {  	s0 =	sor.u32 s1, s0  }
0xc4: {  	s0 =	sadd.s32 $0x8F2B, s0  }
0xc5: {  	[sflag:s0] =	ssyncadd.remote.s32 $0x1  }
0xc6: {  	_ =	sfence.sel $0xFFFF  }
0xc7: {  	[dreg:$0x0] =	wrdreg $0xFFFFFFFF;
	(pc) =	sbr.abs _section_cstart, $3  }
0xc8: {  	[dreg:$0x1] =	wrdreg $0xFFFFFFFF  }
0xc9: {  	_ =	task.clear_ibuf [dreg:s8], $0x2FFFF;
	_ =	strace $0x9FFFFFFF  }
0xca: {  	(tm) =	ssettm $0x7FFFFFFF  }
0xcb: {  	_ =	shalt  }
tec
execute0_lowered:
.L_overlay_start_1:
0x0: {  	(tag) =	ssettag $0x1  }
0x1: {  	s5 =	rddreg [dreg:$0x0]  }
0x2: {  	s10 =	rddreg [dreg:$0x1]  }
0x3: {  	s11 =	rddreg [dreg:$0x2]  }
0x4: {  	s2 =	rddreg [dreg:$0x3]  }
0x5: {  	s0 =	rddreg [dreg:$0x4]  }
0x6: {  	s3 =	simm.s32 $0x0;
	s1 =	stileid.u32;
	s7 =	srdreg.scid  }
0x7: {  	s16 =	simm.s32 $0x80;
	s17 =	simm.s32 $0x2800;
	s18 =	simm.s32 $0x6800  }
0x8: {  	s19 =	simm.s32 $0x1;
	s20 =	simm.s32 $0x2;
	s21 =	simm.s32 $0x2700  }
0x9: {  	s22 =	simm.s32 $0x2780;
	s23 =	simm.s32 $0x2600;
	s24 =	simm.s32 $0x1300  }
0xa: {  	s25 =	simm.s32 $0x2680;
	s26 =	simm.s32 $0x0;
	[smem:$0x7FF] =	sst s3  }
0xb: {  	s8 =	smul.u32 $0x14000, s1;
	s4 =	sadd.s32 $0xCE00, s5;
	s9 =	sadd.s32 $0x2E00, s5  }
0xc: {  	s7 =	sand.u32 $0x1, s7;
	s12 =	smul.u32 $0x50000, s1;
	s13 =	sshll.u32 s1, $0x1  }
0xd: {  	s31 =	sshll.u32 s1, $0x6;
	_ =	strace $0x8000004A;
	s29 =	ssub.s32 $0x2, s7  }
0xe: {  	s13 =	sor.u32 s7, s13;
	s30 =	smul.u32 $0x140000, s7;
	s6 =	sshrl.u32 s8, $0x3  }
0xf: {  	s14 =	sshrl.u32 s29, $0x1;
	s12 =	sshrl.u32 s12, $0x2;
	s13 =	smul.u32 $0x2800, s13  }
0x10: {  	s5 =	sadd.s32 s6, s5;
	s14 =	ssub.s32 s29, s14;
	s15 =	sadd.s32 s12, s2  }
0x11: {  	s6 =	sor.u32 $0x1C03, s31;
	s12 =	sadd.s32 s8, s30;
	s13 =	sshrl.u32 s13, $0x3  }
0x12: {  	s5 =	sadd.s32 $0x34E00, s5;
	s12 =	sshrl.u32 s12, $0x3;
	s7 =	sadd.s32 s9, s13  }
0x13: {  	s8 =	sadd.s32 s10, s13;
	s13 =	sadd.s32 $0x280, s13;
	s11 =	sadd.s32 s11, s12  }
0x14: {  	s12 =	smax.u32 s14, $0x1;
	s14 =	simm.s32 $0x3;
	s9 =	sadd.s32 s9, s13  }
0x15: {  	s10 =	sadd.s32 s10, s13;
	s13 =	sshrl.u32 s15, $0x3;
	s15 =	simm.s32 $0x1400  }
.LBB2_1:
0x16: {  	[spmem:s13], [sflag:s6] =	dma.local [hbm:s5], $0x2800  }
0x17: {  	_ =	swait.ge [sflag:s14], $0x2800  }
0x18: {  	[sflag:s14] =	ssyncset.done $0x0  }
0x19: {  	[sflag:s14] =	ssyncadd.s32 $0xFFFFD800  }
0x1a: {  	[bflag:$0x0] =	sbarrier.arrive $0xFFFF  }
0x1b: {  	[tilespmem:s3], [sflag:$0x3] =	stream.linear.gather [hbm4b:s7+s3], $0x1400, $0x38;
	[tilespmem:$0x1E800] =	vst v63  }
0x1c: {  	_ =	swait.ge [sflag:s14], $0x1400  }
0x1d: {  	[sflag:s14] =	ssyncset.done $0x0  }
0x1e: {  	[sflag:s14] =	ssyncadd.s32 $0xFFFFEC00  }
0x1f: {  	[tilespmem:s15], [sflag:$0x3] =	stream.linear.gather [hbm4b:s8+s3], $0x1400, $0x38;
	[tilespmem:$0x1E800] =	vst v63  }
0x20: {  	_ =	swait.ge [sflag:s14], $0x1400  }
0x21: {  	[sflag:s14] =	ssyncset.done $0x0  }
0x22: {  	[sflag:s14] =	ssyncadd.s32 $0xFFFFEC00  }
0x23: {  	[tilespmem:s17], [sflag:$0x1] =	stream.indirect.gather [hbm4b:s4+s16], $0x80, s3, s16, $0xb8;
	[tilespmem:$0x1E800] =	vst v63  }
0x24: {  	_ = 	snop  }
0x25: {  	[tilespmem:s18], [sflag:$0x2] =	stream.indirect.gather [hbm4b:s4+s16], $0x80, s16, s16, $0xb8;
	[tilespmem:$0x1E800] =	vst v63  }
0x26: {  	_ =	swait.ge [sflag:s19], $0x4000  }
0x27: {  	[sflag:s19] =	ssyncset.done $0x0  }
0x28: {  	s28 =	simm.s32 $0x1400;
	[sflag:s19] =	ssyncadd.s32 $0xFFFFC000  }
0x29: {  	[spmem:s2] =	stream.indirect.scatter.add.f32 [tilespmem:s17], [sflag:$0x3], $0x80, s28, s16, $0xb8;
	[tilespmem:$0x1E800] =	vst v63  }
0x2a: {  	_ =	swait.ge [sflag:s14], $0x4000  }
0x2b: {  	[sflag:s14] =	ssyncset.done $0x0  }
0x2c: {  	s28 =	simm.s32 $0x100;
	[sflag:s14] =	ssyncadd.s32 $0xFFFFC000  }
0x2d: {  	[tilespmem:s17], [sflag:$0x1] =	stream.indirect.gather [hbm4b:s4+s16], $0x80, s28, s16, $0xb8;
	[tilespmem:$0x1E800] =	vst v63  }
0x2e: {  	_ =	swait.ge [sflag:s20], $0x4000  }
0x2f: {  	[sflag:s20] =	ssyncset.done $0x0  }
0x30: {  	s28 =	simm.s32 $0x1480;
	[sflag:s20] =	ssyncadd.s32 $0xFFFFC000  }
0x31: {  	[spmem:s2] =	stream.indirect.scatter.add.f32 [tilespmem:s18], [sflag:$0x3], $0x80, s28, s16, $0xb8;
	[tilespmem:$0x1E800] =	vst v63  }
0x32: {  	_ =	swait.ge [sflag:s14], $0x4000  }
0x33: {  	[sflag:s14] =	ssyncset.done $0x0  }
0x34: {  	s29 =	simm.s32 $0x180;
	s28 =	simm.s32 $0x400;
	[sflag:s14] =	ssyncadd.s32 $0xFFFFC000  }
.LBB2_2:
0x35: {  	[tilespmem:s18], [sflag:$0x2] =	stream.indirect.gather [hbm4b:s4+s16], $0x80, s29, s16, $0xb8;
	[tilespmem:$0x1E800] =	vst v63  }
0x36: {  	s29 =	smov.u32 s28  }
0x37: {  	p0 =	sne.s32 s28, $0x4800;
	s28 =	sadd.s32 $0x400, s28;
	_ =	swait.ge [sflag:s19], $0x4000  }
0x38: {  	s29 =	sshra.s32 s29, $0x2;
	[sflag:s19] =	ssyncset.done $0x0  }
0x39: {  	s30 =	sadd.s32 $0x1400, s29;
	[sflag:s19] =	ssyncadd.s32 $0xFFFFC000  }
0x3a: {  	[spmem:s2] =	stream.indirect.scatter.add.f32 [tilespmem:s17], [sflag:$0x3], $0x80, s30, s16, $0xb8;
	[tilespmem:$0x1E800] =	vst v63  }
0x3b: {  	_ =	swait.ge [sflag:s14], $0x4000  }
0x3c: {  	[sflag:s14] =	ssyncset.done $0x0  }
0x3d: {  	s30 =	sadd.s32 $0x100, s29;
	[sflag:s14] =	ssyncadd.s32 $0xFFFFC000  }
0x3e: {  	[tilespmem:s17], [sflag:$0x1] =	stream.indirect.gather [hbm4b:s4+s16], $0x80, s30, s16, $0xb8;
	[tilespmem:$0x1E800] =	vst v63  }
0x3f: {  	_ =	swait.ge [sflag:s20], $0x4000  }
0x40: {  	[sflag:s20] =	ssyncset.done $0x0  }
.Ltmp0:
0x41: {  	s30 =	sadd.s32 $0x1480, s29;
	[sflag:s20] =	ssyncadd.s32 $0xFFFFC000;
	(pc) =	sbr.rel @p0 .LBB2_2-.Ltmp0, $4  }
0x42: {  	[spmem:s2] =	stream.indirect.scatter.add.f32 [tilespmem:s18], [sflag:$0x3], $0x80, s30, s16, $0xb8;
	[tilespmem:$0x1E800] =	vst v63  }
0x43: {  	_ =	swait.ge [sflag:s14], $0x4000  }
0x44: {  	[sflag:s14] =	ssyncset.done $0x0  }
0x45: {  	s29 =	sadd.s32 $0x180, s29;
	[sflag:s14] =	ssyncadd.s32 $0xFFFFC000  }
0x46: {  	[tilespmem:s18], [sflag:$0x2] =	stream.indirect.gather [hbm4b:s4+s16], $0x80, s29, s16, $0xb8;
	[tilespmem:$0x1E800] =	vst v63  }
0x47: {  	_ =	swait.ge [sflag:s19], $0x4000  }
0x48: {  	[sflag:s19] =	ssyncset.done $0x0  }
0x49: {  	[sflag:s19] =	ssyncadd.s32 $0xFFFFC000  }
0x4a: {  	[spmem:s2] =	stream.indirect.scatter.add.f32 [tilespmem:s17], [sflag:$0x3], $0x80, s21, s16, $0xb8;
	[tilespmem:$0x1E800] =	vst v63  }
0x4b: {  	_ =	swait.ge [sflag:s14], $0x4000  }
0x4c: {  	[sflag:s14] =	ssyncset.done $0x0  }
0x4d: {  	[sflag:s14] =	ssyncadd.s32 $0xFFFFC000  }
0x4e: {  	_ =	swait.ge [sflag:s20], $0x4000  }
0x4f: {  	[sflag:s20] =	ssyncset.done $0x0  }
0x50: {  	[sflag:s20] =	ssyncadd.s32 $0xFFFFC000  }
0x51: {  	[spmem:s2] =	stream.indirect.scatter.add.f32 [tilespmem:s18], [sflag:$0x3], $0x80, s22, s16, $0xb8;
	[tilespmem:$0x1E800] =	vst v63  }
0x52: {  	_ =	swait.ge [sflag:s14], $0x4000  }
0x53: {  	[sflag:s14] =	ssyncset.done $0x0  }
0x54: {  	s28 =	simm.s32 $0x0;
	[sflag:s14] =	ssyncadd.s32 $0xFFFFC000  }
0x55: {  	[tilespmem:s28], [sflag:$0x3] =	stream.linear.gather [hbm4b:s9+s28], $0x1380, $0x38;
	[tilespmem:$0x1E800] =	vst v63  }
0x56: {  	_ =	swait.ge [sflag:s14], $0x1380  }
0x57: {  	[sflag:s14] =	ssyncset.done $0x0  }
0x58: {  	[sflag:s14] =	ssyncadd.s32 $0xFFFFEC80  }
0x59: {  	[tilespmem:s15], [sflag:$0x3] =	stream.linear.gather [hbm4b:s10+s28], $0x1380, $0x38;
	[tilespmem:$0x1E800] =	vst v63  }
0x5a: {  	_ =	swait.ge [sflag:s14], $0x1380  }
0x5b: {  	[sflag:s14] =	ssyncset.done $0x0  }
0x5c: {  	[sflag:s14] =	ssyncadd.s32 $0xFFFFEC80  }
0x5d: {  	[tilespmem:s17], [sflag:$0x1] =	stream.indirect.gather [hbm4b:s4+s16], $0x80, s28, s16, $0xb8;
	[tilespmem:$0x1E800] =	vst v63  }
0x5e: {  	_ = 	snop  }
0x5f: {  	[tilespmem:s18], [sflag:$0x2] =	stream.indirect.gather [hbm4b:s4+s16], $0x80, s16, s16, $0xb8;
	[tilespmem:$0x1E800] =	vst v63  }
0x60: {  	_ =	swait.ge [sflag:s19], $0x4000  }
0x61: {  	[sflag:s19] =	ssyncset.done $0x0  }
0x62: {  	s28 =	simm.s32 $0x1400;
	[sflag:s19] =	ssyncadd.s32 $0xFFFFC000  }
0x63: {  	[spmem:s2] =	stream.indirect.scatter.add.f32 [tilespmem:s17], [sflag:$0x3], $0x80, s28, s16, $0xb8;
	[tilespmem:$0x1E800] =	vst v63  }
0x64: {  	_ =	swait.ge [sflag:s14], $0x4000  }
0x65: {  	[sflag:s14] =	ssyncset.done $0x0  }
0x66: {  	s28 =	simm.s32 $0x100;
	[sflag:s14] =	ssyncadd.s32 $0xFFFFC000  }
0x67: {  	[tilespmem:s17], [sflag:$0x1] =	stream.indirect.gather [hbm4b:s4+s16], $0x80, s28, s16, $0xb8;
	[tilespmem:$0x1E800] =	vst v63  }
0x68: {  	_ =	swait.ge [sflag:s20], $0x4000  }
0x69: {  	[sflag:s20] =	ssyncset.done $0x0  }
0x6a: {  	s28 =	simm.s32 $0x1480;
	[sflag:s20] =	ssyncadd.s32 $0xFFFFC000  }
0x6b: {  	[spmem:s2] =	stream.indirect.scatter.add.f32 [tilespmem:s18], [sflag:$0x3], $0x80, s28, s16, $0xb8;
	[tilespmem:$0x1E800] =	vst v63  }
0x6c: {  	_ =	swait.ge [sflag:s14], $0x4000  }
0x6d: {  	[sflag:s14] =	ssyncset.done $0x0  }
0x6e: {  	s29 =	simm.s32 $0x180;
	s28 =	simm.s32 $0x400;
	[sflag:s14] =	ssyncadd.s32 $0xFFFFC000  }
.LBB2_4:
0x6f: {  	[tilespmem:s18], [sflag:$0x2] =	stream.indirect.gather [hbm4b:s4+s16], $0x80, s29, s16, $0xb8;
	[tilespmem:$0x1E800] =	vst v63  }
0x70: {  	s29 =	smov.u32 s28  }
0x71: {  	p0 =	sne.s32 s28, $0x4400;
	s28 =	sadd.s32 $0x400, s28;
	_ =	swait.ge [sflag:s19], $0x4000  }
0x72: {  	s29 =	sshra.s32 s29, $0x2;
	[sflag:s19] =	ssyncset.done $0x0  }
0x73: {  	s30 =	sadd.s32 $0x1400, s29;
	[sflag:s19] =	ssyncadd.s32 $0xFFFFC000  }
0x74: {  	[spmem:s2] =	stream.indirect.scatter.add.f32 [tilespmem:s17], [sflag:$0x3], $0x80, s30, s16, $0xb8;
	[tilespmem:$0x1E800] =	vst v63  }
0x75: {  	_ =	swait.ge [sflag:s14], $0x4000  }
0x76: {  	[sflag:s14] =	ssyncset.done $0x0  }
0x77: {  	s30 =	sadd.s32 $0x100, s29;
	[sflag:s14] =	ssyncadd.s32 $0xFFFFC000  }
0x78: {  	[tilespmem:s17], [sflag:$0x1] =	stream.indirect.gather [hbm4b:s4+s16], $0x80, s30, s16, $0xb8;
	[tilespmem:$0x1E800] =	vst v63  }
0x79: {  	_ =	swait.ge [sflag:s20], $0x4000  }
0x7a: {  	[sflag:s20] =	ssyncset.done $0x0  }
.Ltmp1:
0x7b: {  	s30 =	sadd.s32 $0x1480, s29;
	[sflag:s20] =	ssyncadd.s32 $0xFFFFC000;
	(pc) =	sbr.rel @p0 .LBB2_4-.Ltmp1, $4  }
0x7c: {  	[spmem:s2] =	stream.indirect.scatter.add.f32 [tilespmem:s18], [sflag:$0x3], $0x80, s30, s16, $0xb8;
	[tilespmem:$0x1E800] =	vst v63  }
0x7d: {  	_ =	swait.ge [sflag:s14], $0x4000  }
0x7e: {  	[sflag:s14] =	ssyncset.done $0x0  }
0x7f: {  	s29 =	sadd.s32 $0x180, s29;
	[sflag:s14] =	ssyncadd.s32 $0xFFFFC000  }
0x80: {  	[tilespmem:s18], [sflag:$0x2] =	stream.indirect.gather [hbm4b:s4+s16], $0x80, s29, s16, $0xb8;
	[tilespmem:$0x1E800] =	vst v63  }
0x81: {  	_ =	swait.ge [sflag:s19], $0x4000  }
0x82: {  	[sflag:s19] =	ssyncset.done $0x0  }
0x83: {  	[sflag:s19] =	ssyncadd.s32 $0xFFFFC000  }
0x84: {  	[spmem:s2] =	stream.indirect.scatter.add.f32 [tilespmem:s17], [sflag:$0x3], $0x80, s23, s16, $0xb8;
	[tilespmem:$0x1E800] =	vst v63  }
0x85: {  	_ =	swait.ge [sflag:s14], $0x4000  }
0x86: {  	[sflag:s14] =	ssyncset.done $0x0  }
0x87: {  	[sflag:s14] =	ssyncadd.s32 $0xFFFFC000  }
0x88: {  	[tilespmem:s17], [sflag:$0x1] =	stream.indirect.gather [hbm4b:s4+s16], $0x80, s24, s16, $0xb8;
	[tilespmem:$0x1E800] =	vst v63  }
0x89: {  	_ =	swait.ge [sflag:s20], $0x4000  }
0x8a: {  	[sflag:s20] =	ssyncset.done $0x0  }
0x8b: {  	[sflag:s20] =	ssyncadd.s32 $0xFFFFC000  }
0x8c: {  	[spmem:s2] =	stream.indirect.scatter.add.f32 [tilespmem:s18], [sflag:$0x3], $0x80, s25, s16, $0xb8;
	[tilespmem:$0x1E800] =	vst v63  }
0x8d: {  	_ =	swait.ge [sflag:s14], $0x4000  }
0x8e: {  	[sflag:s14] =	ssyncset.done $0x0  }
0x8f: {  	[sflag:s14] =	ssyncadd.s32 $0xFFFFC000  }
0x90: {  	_ =	swait.ge [sflag:s19], $0x4000  }
0x91: {  	[sflag:s19] =	ssyncset.done $0x0  }
0x92: {  	[sflag:s19] =	ssyncadd.s32 $0xFFFFC000  }
0x93: {  	[spmem:s2] =	stream.indirect.scatter.add.f32 [tilespmem:s17], [sflag:$0x3], $0x80, s21, s16, $0xb8;
	[tilespmem:$0x1E800] =	vst v63  }
0x94: {  	_ =	swait.ge [sflag:s14], $0x4000  }
0x95: {  	[sflag:s14] =	ssyncset.done $0x0  }
0x96: {  	[sflag:s14] =	ssyncadd.s32 $0xFFFFC000  }
0x97: {  	[bflag:$0x0] =	sbarrier.arrive $0xFFFF  }
0x98: {  	_ =	sdelay $0x7ff  }
0x99: {  	_ =	sdelay $0x7ff  }
0x9a: {  	_ =	sdelay $0x7ff  }
0x9b: {  	_ =	sdelay $0x7ff  }
0x9c: {  	_ =	sdelay $0x7ff  }
0x9d: {  	_ =	sdelay $0x7ff  }
0x9e: {  	_ =	sdelay $0x7ff  }
0x9f: {  	_ =	sdelay $0x7ff  }
0xa0: {  	_ =	sdelay $0x7ff  }
0xa1: {  	_ =	sdelay $0x7ff  }
0xa2: {  	_ =	sdelay $0x7ff  }
0xa3: {  	_ =	sdelay $0x7ff  }
0xa4: {  	_ =	sdelay $0x7ff  }
0xa5: {  	s26 =	sadd.s32 $0x1, s26;
	_ =	sdelay $0x7ff  }
0xa6: {  	p0 =	sne.s32 s26, s12;
	_ =	sdelay $0x7ff  }
.Ltmp2:
0xa7: {  	_ =	sdelay $0xe;
	(pc) =	sbr.rel @p0 .LBB2_1-.Ltmp2, $4  }
0xa8: {  	[hbm:s11], [sflag:s6] =	dma.local [spmem:s13], $0x2800  }
0xa9: {  	_ =	swait.ge [sflag:s14], $0x2800  }
0xaa: {  	[sflag:s14] =	ssyncset.done $0x0  }
0xab: {  	[sflag:s14] =	ssyncadd.s32 $0xFFFFD800  }
0xac: {  	_ =	sfence.sel $0x180000  }
0xad: {  	[bflag:$0x0] =	sbarrier.arrive $0xFFFF  }
0xae: {  	p0 =	sne.s32 s1, $0x0;
	_ =	strace $0x9000004A  }
0xaf: {  	s0 =	sadd.s32 @!p0 $0x100000, s0;
	[bflag:$0x2] =	sbarrier.arrive $0xFFFF  }
0xb0: {  	[sflag:s0] =	ssyncadd.tile.s32 @!p0 $0x1;
	_ =	shalt  }
.Lfunc_end2:
_tile_overlayer_lowered:
.L_overlay_start_2:
0xb1: {  	(tag) =	ssettag $0x2  }
0xb2: {  	s0 =	rddreg [dreg:$0x0];
	s2 =	stileid.u32  }
0xb3: {  	s1 =	rddreg [dreg:$0x1];
	p0 =	sne.s32 s2, $0x0  }
0xb4: {  	s3 =	rddreg [dreg:$0x2];
	[bflag:$0x3] =	sbarrier.arrive $0xFFFF;
	s2 =	simm.s32 @!p0 $0x1C03  }
0xb5: {  	[timem:s3], [sflag:s2] =	dma.local @!p0 [hbm:s0], s1  }
0xb6: {  	s0 =	simm.s32 @!p0 $0x3  }
0xb7: {  	_ =	swait.ge @!p0 [sflag:s0], s1  }
0xb8: {  	s1 =	ssub.s32 @!p0 $0x0, s1;
	[sflag:s0] =	ssyncset.done @!p0 $0x0  }
0xb9: {  	[sflag:s0] =	ssyncadd.s32 @!p0 s1  }
0xba: {  	[bflag:$0x3] =	sbarrier.arrive $0xFFFF  }
0xbb: {  	_ =	shalt  }

// kernel: kernel.13.cloned.1.call-start
scs
__scs_entry_jumppad:
0x0: {  	(pc) =	sbr.rel $0x88, $3  }
0x1: {  	(tag) =	ssettag $0x0;
	lr =	simm.s32 $0x1  }
0x2: {  	[smem:$0x3F99] =	sst lr;
	_ =	strace $0xD0000000  }
0x3: {  	_ = 	snop  }
0x4: {  	_ = 	snop  }
0x5: {  	_ = 	snop  }
0x6: {  	_ = 	snop  }
0x7: {  	_ = 	snop  }
__scs_overlays_trampoline_lowered:
0x8: {  	[smem:$0x3FA8] =	sst s0  }
0x9: {  	[smem:$0x3FA9] =	sst s1  }
0xa: {  	[smem:$0x3FAA] =	sst s2  }
0xb: {  	[smem:$0x3FAB] =	sst s3  }
0xc: {  	[smem:$0x3FAC] =	sst s4  }
0xd: {  	[smem:$0x3FAD] =	sst s5  }
0xe: {  	[smem:$0x3FAE] =	sst s6  }
0xf: {  	[smem:$0x3FAF] =	sst s7  }
0x10: {  	[smem:$0x3FB0] =	sst s8  }
0x11: {  	[smem:$0x3FB1] =	sst s9;
	s0 =	simm.s32 @!p0 $0x0  }
0x12: {  	s1 =	sld [smem:$0x3F97];
	s0 =	simm.s32 @p0 $0x1  }
0x13: {  	[smem:$0x3FB2] =	sst s0;
	s0 =	simm.s32 @!p1 $0x0  }
0x14: {  	s2 =	sld [smem:$0x3F96];
	s0 =	simm.s32 @p1 $0x1  }
0x15: {  	[smem:$0x3FB3] =	sst s0;
	s0 =	simm.s32 @!p2 $0x0  }
0x16: {  	s3 =	sld [smem:$0x3FDB];
	s0 =	simm.s32 @p2 $0x1  }
0x17: {  	s4 =	simm.s32 $0x1BF5;
	[smem:$0x3FB5] =	sst s0  }
0x18: {  	s0 =	sld [smem:$0x3F98];
	_ =	swait.ge [sflag:s4], $0x0  }
0x19: {  	s7 =	sld [smem:$0x3F99]  }
0x1a: {  	s8 =	sadd.s32 $0xFFFFE003, lr  }
0x1b: {  	s9 =	sadd.s32 $0xFFFFFEF7, lr;
	s5 =	simm.s32 $0xFFFFFFFF;
	p2 =	slt.u32 s8, $0xFFFFF086  }
0x1c: {  	p1 =	slt.u32 s9, $0xF7A;
	s5 =	simm.s32 @!p2 $0x0  }
0x1d: {  	s5 =	simm.s32 @p1 $0x1;
	p0 =	seq.s32 s7, s2  }
0x1e: {  	s7 =	smul.u32 @!p0 $0xF7A, s2;
	p2 =	seq.s32 @!p0 s5, $0x0  }
0x1f: {  	s9 =	smul.u32 $0xF7A, s1;
	s8 =	simm.s32 @!p0 $0x1BF5;
	p2 =	por !p2, p0  }
0x20: {  	[sflag:s8] =	ssyncset.s32 @!p0 $0xFFFFF086;
	s6 =	sadd.s32 @!p0 s3, s7;
	s7 =	simm.s32 @!p0 $0x108  }
0x21: {  	s3 =	sadd.s32 s3, s9;
	s6 =	sadd.s32 @!p0 $0x88, s6;
	s7 =	simm.s32 @p2 $0x1082  }
0x22: {  	[simem:s7], [sflag:s8] =	dma.local @!p0 [hbm:s6], $0xF7A  }
0x23: {  	s9 =	sor.u32 $0xD0000000, s2;
	s6 =	simm.s32 $0x108;
	_ =	swait.ge @!p0 [sflag:s8], $0x0  }
0x24: {  	s3 =	sadd.s32 $0x88, s3;
	s6 =	simm.s32 @!p1 $0x1082;
	[sflag:s4] =	ssyncset.s32 $0xFFFFF086  }
0x25: {  	[simem:s6], [sflag:s4] =	dma.local [hbm:s3], $0xF7A  }
0x26: {  	[smem:$0x3F99] =	sst s1;
	(tag) =	ssettag s2;
	_ =	strace s9  }
0x27: {  	s1 =	sld [smem:$0x3FA9]  }
0x28: {  	s2 =	sld [smem:$0x3FAA]  }
0x29: {  	s4 =	sld [smem:$0x3FAC]  }
0x2a: {  	p0 =	seq.s32 s5, $0x0;
	s5 =	sld [smem:$0x3FAD]  }
0x2b: {  	s6 =	sld [smem:$0x3FAE]  }
0x2c: {  	s7 =	sld [smem:$0x3FAF]  }
0x2d: {  	s3 =	simm.s32 $0x108;
	s8 =	sld [smem:$0x3FB0]  }
0x2e: {  	s3 =	simm.s32 @!p0 $0x1082;
	s9 =	sld [smem:$0x3FB1]  }
0x2f: {  	lr =	sadd.s32 s0, s3;
	s0 =	sld [smem:$0x3FA8]  }
0x30: {  	s3 =	sld [smem:$0x3FAB]  }
0x31: {  	[smem:$0x3FB4] =	sst s10  }
0x32: {  	s10 =	sld [smem:$0x3FB2];
	_ =	sdelay $0x3  }
0x33: {  	p0 =	seq.s32 s10, $0x1;
	s10 =	sld [smem:$0x3FB4];
	_ =	sdelay $0x3  }
0x34: {  	[smem:$0x3FB4] =	sst s10  }
0x35: {  	s10 =	sld [smem:$0x3FB3];
	_ =	sdelay $0x3  }
0x36: {  	p1 =	seq.s32 s10, $0x1;
	s10 =	sld [smem:$0x3FB4];
	_ =	sdelay $0x3  }
0x37: {  	[smem:$0x3FB4] =	sst s10  }
0x38: {  	s10 =	sld [smem:$0x3FB5]  }
0x39: {  	_ = 	snop;
	(pc) =	sbr.ind lr, $3  }
0x3a: {  	_ = 	snop  }
0x3b: {  	_ = 	snop  }
0x3c: {  	p2 =	seq.s32 s10, $0x1;
	s10 =	sld [smem:$0x3FB4]  }
0x3d: {  	_ =	shalt  }
0x3e: {  	_ =	shalt  }
0x3f: {  	_ =	shalt  }
0x40: {  	_ =	shalt  }
0x41: {  	_ =	shalt  }
0x42: {  	_ =	shalt  }
0x43: {  	_ =	shalt  }
0x44: {  	_ =	shalt  }
0x45: {  	_ =	shalt  }
0x46: {  	_ =	shalt  }
0x47: {  	_ =	shalt  }
0x48: {  	_ =	shalt  }
0x49: {  	_ =	shalt  }
0x4a: {  	_ =	shalt  }
0x4b: {  	_ =	shalt  }
0x4c: {  	_ =	shalt  }
0x4d: {  	_ =	shalt  }
0x4e: {  	_ =	shalt  }
0x4f: {  	_ =	shalt  }
0x50: {  	_ =	shalt  }
0x51: {  	_ =	shalt  }
0x52: {  	_ =	shalt  }
0x53: {  	_ =	shalt  }
0x54: {  	_ =	shalt  }
0x55: {  	_ =	shalt  }
0x56: {  	_ =	shalt  }
0x57: {  	_ =	shalt  }
0x58: {  	_ =	shalt  }
0x59: {  	_ =	shalt  }
0x5a: {  	_ =	shalt  }
0x5b: {  	_ =	shalt  }
0x5c: {  	_ =	shalt  }
0x5d: {  	_ =	shalt  }
0x5e: {  	_ =	shalt  }
0x5f: {  	_ =	shalt  }
0x60: {  	_ =	shalt  }
0x61: {  	_ =	shalt  }
0x62: {  	_ =	shalt  }
0x63: {  	_ =	shalt  }
0x64: {  	_ =	shalt  }
0x65: {  	_ =	shalt  }
0x66: {  	_ =	shalt  }
0x67: {  	_ =	shalt  }
0x68: {  	_ =	shalt  }
0x69: {  	_ =	shalt  }
0x6a: {  	_ =	shalt  }
0x6b: {  	_ =	shalt  }
0x6c: {  	_ =	shalt  }
0x6d: {  	_ =	shalt  }
0x6e: {  	_ =	shalt  }
0x6f: {  	_ =	shalt  }
0x70: {  	_ =	shalt  }
0x71: {  	_ =	shalt  }
0x72: {  	_ =	shalt  }
0x73: {  	_ =	shalt  }
0x74: {  	_ =	shalt  }
0x75: {  	_ =	shalt  }
0x76: {  	_ =	shalt  }
0x77: {  	_ =	shalt  }
0x78: {  	_ =	shalt  }
0x79: {  	_ =	shalt  }
0x7a: {  	_ =	shalt  }
0x7b: {  	_ =	shalt  }
0x7c: {  	_ =	shalt  }
0x7d: {  	_ =	shalt  }
0x7e: {  	_ =	shalt  }
0x7f: {  	_ =	shalt  }
0x80: {  	_ =	shalt  }
0x81: {  	_ =	shalt  }
0x82: {  	_ =	shalt  }
0x83: {  	_ =	shalt  }
0x84: {  	_ =	shalt  }
0x85: {  	_ =	shalt  }
0x86: {  	_ =	shalt  }
0x87: {  	_ =	shalt  }
.Lfunc_end0:
.L_simem_size_0:
called_computation.2_lowered:
.L_overlay_start_0:
0x88: {  	s2 =	sld [smem:$0x3FD9]  }
0x89: {  	s3 =	sld [smem:$0x3FFE];
	_ =	sdelay $0x1  }
0x8a: {  	s1 =	srdreg.scid  }
0x8b: {  	s0 =	sand.u32 $0x1, s1  }
0x8c: {  	s16 =	sshll.u32 s0, $0xA;
	s2 =	sadd.s32 s3, s2  }
0x8d: {  	s2 =	sadd.s32 s2, s16  }
0x8e: {  	[smem:$0x3FC0] =	sst s2  }
0x8f: {  	_ = 	snop  }
0x90: {  	(tm) =	ssettm $0x1  }
0x91: {  	s17 =	sld [smem:$0x3FFB];
	_ =	sdelay $0x3  }
0x92: {  	_ =	strace s17  }
0x93: {  	s2 =	sld [smem:$0x3FFC];
	_ =	sdelay $0x3  }
0x94: {  	_ =	strace s2  }
0x95: {  	s2 =	sld [smem:$0x3FFD];
	_ =	sdelay $0x3  }
0x96: {  	_ =	strace s2  }
0x97: {  	_ =	strace $0x8FFFFFFF  }
0x98: {  	s18 =	sld [smem:$0x3FDB];
	_ =	sdelay $0x1  }
0x99: {  	s19 =	simm.s32 $_scs_section_size  }
0x9a: {  	s4 =	simm.s32 $_size__tile_overlayer_lowered;
	s5 =	simm.s32 $_tile_overlayer_lowered  }
0x9b: {  	s22 =	simm.s32 $0x1BFF;
	s21 =	sshll.u32 s5, $0x1;
	s2 =	sadd.s32 s19, s18  }
0x9c: {  	s6 =	simm.s32 $0x0;
	s20 =	sshll.u32 s4, $0x1;
	s4 =	sadd.s32 s21, s2  }
0x9d: {  	[timem:s6], [sflag:s22] =	dma.local [hbm:s4], s20  }
0x9e: {  	_ =	swait.ge [sflag:s22], s20  }
0x9f: {  	s3 =	ssub.s32 $0x0, s20;
	[sflag:s22] =	ssyncset.done $0x0  }
0xa0: {  	[sflag:s22] =	ssyncadd.s32 s3;
	_ =	sdelay $0x1  }
0xa1: {  	s23 =	simm.s32 $0x1B8B  }
0xa2: {  	_ =	swait.ge [sflag:s23], $0x1  }
0xa3: {  	[sflag:s23] =	ssyncset.done $0x0  }
0xa4: {  	s25 =	simm.s32 $0x1B8E;
	s24 =	sld [smem:$0x3FFE];
	[sflag:s23] =	ssyncadd.s32 $0xFFFFFFFF  }
0xa5: {  	s26 =	simm.s32 $execute0_lowered;
	[smem:$0x3FD2] =	sst s25  }
0xa6: {  	s4 =	sshll.u32 s26, $0x1;
	_ =	strace $0x8000004C;
	[dreg:$0x1] =	wrdreg $0xFFFFFFFF  }
0xa7: {  	s28 =	simm.s32 $_size_execute0_lowered;
	s2 =	sadd.s32 s2, s4;
	[dreg:$0x0] =	wrdreg $0x0  }
0xa8: {  	s4 =	sshll.u32 s28, $0x1;
	[dreg:$0x2] =	wrdreg s2  }
0xa9: {  	[dreg:$0x3] =	wrdreg s4  }
0xaa: {  	[dreg:$0x4] =	wrdreg $0xC0  }
0xab: {  	_ =	task [dreg:s6], $0x5FFFF  }
0xac: {  	[dreg:$0x1] =	wrdreg $0xFFFFFFFF  }
0xad: {  	[dreg:$0x0] =	wrdreg $0x60  }
0xae: {  	[dreg:$0x2] =	wrdreg s24  }
0xaf: {  	[dreg:$0x3] =	wrdreg $0x9  }
0xb0: {  	_ =	task.clear_ibuf [dreg:s6], $0x4FFFF;
	_ =	strace $0x9000004C  }
0xb1: {  	s29 =	simm.s32 $0x9;
	_ =	strace $0x8000004E  }
0xb2: {  	_ =	swait.ge [sflag:s29], $0x1  }
0xb3: {  	[sflag:s29] =	ssyncadd.s32 $0xFFFFFFFF  }
0xb4: {  	_ =	strace $0x9000004E  }
0xb5: {  	_ =	sfence  }
0xb6: {  	s30 =	sld [smem:$0x0];
	_ =	sdelay $0x2  }
0xb7: {  	s31 =	sshll.u32 s1, $0xD;
	s1 =	sshrl.u32 s1, $0x2  }
0xb8: {  	s3 =	sand.u32 $0x4000, s31;
	s1 =	sadd.s32 s1, s30  }
0xb9: {  	s0 =	sor.u32 s3, s0;
	s1 =	sshll.u32 s1, $0x11  }
0xba: {  	s0 =	sor.u32 s1, s0  }
0xbb: {  	s0 =	sadd.s32 $0x8F2B, s0  }
0xbc: {  	[sflag:s0] =	ssyncadd.remote.s32 $0x1  }
0xbd: {  	_ =	sfence.sel $0xFFFF  }
0xbe: {  	[dreg:$0x0] =	wrdreg $0xFFFFFFFF;
	(pc) =	sbr.abs _section_cstart, $3  }
0xbf: {  	[dreg:$0x1] =	wrdreg $0xFFFFFFFF  }
0xc0: {  	_ =	task.clear_ibuf [dreg:s6], $0x2FFFF;
	_ =	strace $0x9FFFFFFF  }
0xc1: {  	(tm) =	ssettm $0x7FFFFFFF  }
tec
execute0_lowered:
.L_overlay_start_1:
0x0: {  	(tag) =	ssettag $0x1  }
0x1: {  	s0 =	srdreg.scid  }
0x2: {  	s2 =	stileid.u32;
	s1 =	rddreg [dreg:$0x0]  }
0x3: {  	s11 =	simm.s32 $0x7;
	s12 =	simm.s32 $0x80;
	s13 =	simm.s32 $0x2800  }
0x4: {  	s14 =	simm.s32 $0x6800;
	s15 =	simm.s32 $0x100;
	s16 =	simm.s32 $0xA800  }
0x5: {  	s17 =	simm.s32 $0x1;
	s18 =	simm.s32 $0xE800;
	s19 =	simm.s32 $0x2  }
0x6: {  	s20 =	simm.s32 $0x12800;
	s21 =	simm.s32 $0x3;
	s22 =	simm.s32 $0x6  }
0x7: {  	s23 =	simm.s32 $0x16800;
	s0 =	sand.u32 $0x1, s0;
	s3 =	sshll.u32 s2, $0x1  }
0x8: {  	s24 =	simm.s32 $0x4;
	s25 =	simm.s32 $0x5;
	s5 =	sor.u32 s0, s3  }
0x9: {  	s26 =	simm.s32 $0x0;
	s2 =	simm.s32 $0x0;
	s4 =	smul.u32 $0x500, s5  }
0xa: {  	[smem:$0x7FF] =	sst s2;
	s0 =	ssub.s32 $0x2, s0;
	s7 =	smul.u32 $0x138800, s5  }
.Ltmp0:
0xb: {  	s3 =	sadd.s32 $0xCE00, s1;
	s30 =	sshrl.u32 s0, $0x1;
	(pc) =	sbr.rel .LBB2_1-.Ltmp0, $4  }
0xc: {  	_ =	strace $0x8000004D;
	s5 =	smul.u32 $0x2710, s5;
	s0 =	ssub.s32 s0, s30  }
0xd: {  	s6 =	sadd.s32 s4, s1;
	s4 =	sadd.s32 $0x34E00, s1;
	s31 =	sshrl.u32 s7, $0x3  }
0xe: {  	s7 =	sadd.s32 $0x80, s5;
	s8 =	sadd.s32 $0x100, s5;
	s1 =	sadd.s32 s4, s31  }
0xf: {  	s10 =	smax.u32 s0, $0x1;
	s6 =	sadd.s32 $0x2E00, s6;
	s9 =	sadd.s32 $0x27000, s1  }
.LBB2_14:
0x10: {  	_ =	swait.ge [sflag:s17], $0x4000  }
0x11: {  	[sflag:s17] =	ssyncset.done $0x0  }
0x12: {  	[sflag:s17] =	ssyncadd.s32 $0xFFFFC000  }
0x13: {  	_ =	swait.ge [sflag:s24], $0x4000  }
0x14: {  	[sflag:s24] =	ssyncset.done $0x0  }
0x15: {  	[sflag:s24] =	ssyncadd.s32 $0xFFFFC000  }
0x16: {  	v0 =	vld [tilespmem:$0x2800]  }
0x17: {  	v1 =	vld [tilespmem:$0x2810]  }
0x18: {  	v2 =	vld [tilespmem:$0x2820]  }
0x19: {  	v3 =	vld [tilespmem:$0x2830]  }
0x1a: {  	v4 =	vld [tilespmem:$0x2880]  }
0x1b: {  	v61 =	vld [tilespmem:$0x2890];
	[tilespmem:$0xE800] =	vst v0  }
0x1c: {  	v62 =	vld [tilespmem:$0x28A0];
	[tilespmem:$0xE810] =	vst v1  }
0x1d: {  	v63 =	vld [tilespmem:$0x28B0];
	[tilespmem:$0xE820] =	vst v2  }
0x1e: {  	v8 =	vld [tilespmem:$0x2900];
	[tilespmem:$0xE830] =	vst v3  }
0x1f: {  	v9 =	vld [tilespmem:$0x2910];
	[tilespmem:$0xE880] =	vst v4  }
0x20: {  	v10 =	vld [tilespmem:$0x2920];
	[tilespmem:$0xE890] =	vst v61  }
0x21: {  	v11 =	vld [tilespmem:$0x2930];
	[tilespmem:$0xE8A0] =	vst v62  }
0x22: {  	v12 =	vld [tilespmem:$0x2980];
	[tilespmem:$0xE8B0] =	vst v63  }
0x23: {  	v13 =	vld [tilespmem:$0x2990];
	[tilespmem:$0xE900] =	vst v8  }
0x24: {  	v14 =	vld [tilespmem:$0x29A0];
	[tilespmem:$0xE910] =	vst v9  }
0x25: {  	v15 =	vld [tilespmem:$0x29B0];
	[tilespmem:$0xE920] =	vst v10  }
0x26: {  	v16 =	vld [tilespmem:$0x2A00];
	[tilespmem:$0xE930] =	vst v11  }
0x27: {  	v17 =	vld [tilespmem:$0x2A10];
	[tilespmem:$0xE980] =	vst v12  }
0x28: {  	v18 =	vld [tilespmem:$0x2A20];
	[tilespmem:$0xE990] =	vst v13  }
0x29: {  	v19 =	vld [tilespmem:$0x2A30];
	[tilespmem:$0xE9A0] =	vst v14  }
0x2a: {  	v20 =	vld [tilespmem:$0x2A80];
	[tilespmem:$0xE9B0] =	vst v15  }
0x2b: {  	v21 =	vld [tilespmem:$0x2A90];
	[tilespmem:$0xEA00] =	vst v16  }
0x2c: {  	v22 =	vld [tilespmem:$0x2AA0];
	[tilespmem:$0xEA10] =	vst v17  }
0x2d: {  	v23 =	vld [tilespmem:$0x2AB0];
	[tilespmem:$0xEA20] =	vst v18  }
0x2e: {  	v24 =	vld [tilespmem:$0x2B00];
	[tilespmem:$0xEA30] =	vst v19  }
0x2f: {  	v25 =	vld [tilespmem:$0x2B10];
	[tilespmem:$0xEA80] =	vst v20  }
0x30: {  	v26 =	vld [tilespmem:$0x2B20];
	[tilespmem:$0xEA90] =	vst v21  }
0x31: {  	v27 =	vld [tilespmem:$0x2B30];
	[tilespmem:$0xEAA0] =	vst v22  }
0x32: {  	v28 =	vld [tilespmem:$0x2B80];
	[tilespmem:$0xEAB0] =	vst v23  }
0x33: {  	v29 =	vld [tilespmem:$0x2B90];
	[tilespmem:$0xEB00] =	vst v24  }
0x34: {  	v30 =	vld [tilespmem:$0x2BA0];
	[tilespmem:$0xEB10] =	vst v25  }
0x35: {  	v31 =	vld [tilespmem:$0x2BB0];
	[tilespmem:$0xEB20] =	vst v26  }
0x36: {  	v32 =	vld [tilespmem:$0x2C00];
	[tilespmem:$0xEB30] =	vst v27  }
0x37: {  	v33 =	vld [tilespmem:$0x2C10];
	[tilespmem:$0xEB80] =	vst v28  }
0x38: {  	v34 =	vld [tilespmem:$0x2C20];
	[tilespmem:$0xEB90] =	vst v29  }
0x39: {  	v35 =	vld [tilespmem:$0x2C30];
	[tilespmem:$0xEBA0] =	vst v30  }
0x3a: {  	v36 =	vld [tilespmem:$0x2C80];
	[tilespmem:$0xEBB0] =	vst v31  }
0x3b: {  	v37 =	vld [tilespmem:$0x2C90];
	[tilespmem:$0xEC00] =	vst v32  }
0x3c: {  	v38 =	vld [tilespmem:$0x2CA0];
	[tilespmem:$0xEC10] =	vst v33  }
0x3d: {  	v39 =	vld [tilespmem:$0x2CB0];
	[tilespmem:$0xEC20] =	vst v34  }
0x3e: {  	v40 =	vld [tilespmem:$0x2D00];
	[tilespmem:$0xEC30] =	vst v35  }
0x3f: {  	v41 =	vld [tilespmem:$0x2D10];
	[tilespmem:$0xEC80] =	vst v36  }
0x40: {  	v42 =	vld [tilespmem:$0x2D20];
	[tilespmem:$0xEC90] =	vst v37  }
0x41: {  	v43 =	vld [tilespmem:$0x2D30];
	[tilespmem:$0xECA0] =	vst v38  }
0x42: {  	v44 =	vld [tilespmem:$0x2D80];
	[tilespmem:$0xECB0] =	vst v39  }
0x43: {  	v45 =	vld [tilespmem:$0x2D90];
	[tilespmem:$0xED00] =	vst v40  }
0x44: {  	v46 =	vld [tilespmem:$0x2DA0];
	[tilespmem:$0xED10] =	vst v41  }
0x45: {  	v47 =	vld [tilespmem:$0x2DB0];
	[tilespmem:$0xED20] =	vst v42  }
0x46: {  	v48 =	vld [tilespmem:$0x2E00];
	[tilespmem:$0xED30] =	vst v43  }
0x47: {  	v49 =	vld [tilespmem:$0x2E10];
	[tilespmem:$0xED80] =	vst v44  }
0x48: {  	v50 =	vld [tilespmem:$0x2E20];
	[tilespmem:$0xED90] =	vst v45  }
0x49: {  	v51 =	vld [tilespmem:$0x2E30];
	[tilespmem:$0xEDA0] =	vst v46  }
0x4a: {  	v52 =	vld [tilespmem:$0x2E80];
	[tilespmem:$0xEDB0] =	vst v47  }
0x4b: {  	v53 =	vld [tilespmem:$0x2E90];
	[tilespmem:$0xEE00] =	vst v48  }
0x4c: {  	v54 =	vld [tilespmem:$0x2EA0];
	[tilespmem:$0xEE10] =	vst v49  }
0x4d: {  	v55 =	vld [tilespmem:$0x2EB0];
	[tilespmem:$0xEE20] =	vst v50  }
0x4e: {  	v56 =	vld [tilespmem:$0x2F00];
	[tilespmem:$0xEE30] =	vst v51  }
0x4f: {  	v57 =	vld [tilespmem:$0x2F10];
	[tilespmem:$0xEE80] =	vst v52  }
0x50: {  	v58 =	vld [tilespmem:$0x2F20];
	[tilespmem:$0xEE90] =	vst v53  }
0x51: {  	v59 =	vld [tilespmem:$0x2F30];
	[tilespmem:$0xEEA0] =	vst v54  }
0x52: {  	v60 =	vld [tilespmem:$0x2F80];
	[tilespmem:$0xEEB0] =	vst v55  }
0x53: {  	[tilespmem:$0xEF00] =	vst v56;
	v61 =	vld [tilespmem:$0x2F90]  }
0x54: {  	[tilespmem:$0xEF10] =	vst v57;
	v62 =	vld [tilespmem:$0x2FA0]  }
0x55: {  	[tilespmem:$0xEF20] =	vst v58;
	v63 =	vld [tilespmem:$0x2FB0]  }
0x56: {  	[tilespmem:$0xEF30] =	vst v59  }
0x57: {  	[tilespmem:$0xEF80] =	vst v60  }
0x58: {  	[tilespmem:$0xEF90] =	vst v61  }
0x59: {  	[tilespmem:$0xEFA0] =	vst v62  }
0x5a: {  	[tilespmem:$0xEFB0] =	vst v63  }
0x5b: {  	[hbm4b:s9+s2] =	stream.linear.scatter [tilespmem:s18], [sflag:$0x4], $0x800, $0x38;
	[tilespmem:$0x1A800] =	vst v63  }
0x5c: {  	_ =	swait.ge [sflag:s25], $0x4000  }
0x5d: {  	[sflag:s25] =	ssyncset.done $0x0  }
0x5e: {  	s26 =	sadd.s32 $0x1, s26;
	[sflag:s25] =	ssyncadd.s32 $0xFFFFC000  }
0x5f: {  	p0 =	sne.s32 s26, s10;
	_ =	swait.ge [sflag:s22], $0x4000  }
.Ltmp1:
0x60: {  	[sflag:s22] =	ssyncset.done $0x0;
	(pc) =	sbr.rel @!p0 .LBB2_15-.Ltmp1, $4  }
0x61: {  	[sflag:s22] =	ssyncadd.s32 $0xFFFFC000  }
0x62: {  	_ =	swait.ge [sflag:s24], $0x800  }
0x63: {  	[sflag:s24] =	ssyncset.done $0x0  }
0x64: {  	[sflag:s24] =	ssyncadd.s32 $0xFFFFF800  }
.LBB2_1:
0x65: {  	[tilespmem:s2], [sflag:$0x7] =	stream.linear.gather [hbm4b:s6+s2], $0x2780, $0x38;
	[tilespmem:$0x1A800] =	vst v63  }
0x66: {  	_ =	swait.ge [sflag:s11], $0x2780  }
0x67: {  	[sflag:s11] =	ssyncset.done $0x0  }
0x68: {  	[sflag:s11] =	ssyncadd.s32 $0xFFFFD880  }
0x69: {  	[tilespmem:s13], [sflag:$0x1] =	stream.indirect.gather [hbm4b:s3+s12], $0x80, s2, s12, $0xb8;
	[tilespmem:$0x1A800] =	vst v63  }
0x6a: {  	_ = 	snop  }
0x6b: {  	[tilespmem:s14], [sflag:$0x2] =	stream.indirect.gather [hbm4b:s3+s12], $0x80, s12, s12, $0xb8;
	[tilespmem:$0x1A800] =	vst v63  }
0x6c: {  	s28 =	simm.s32 $0x0  }
0x6d: {  	[tilespmem:s16], [sflag:$0x3] =	stream.indirect.gather [hbm4b:s3+s12], $0x80, s15, s12, $0xb8;
	[tilespmem:$0x1A800] =	vst v63  }
.LBB2_2:
0x6e: {  	_ =	swait.ge [sflag:s17], $0x4000  }
0x6f: {  	p0 =	seq.s32 s28, $0x0;
	[sflag:s17] =	ssyncset.done $0x0  }
0x70: {  	s0 =	simm.s32 @!p0 $0x4;
	[sflag:s17] =	ssyncadd.s32 $0xFFFFC000  }
0x71: {  	_ =	swait.ge @!p0 [sflag:s0], $0x4000  }
0x72: {  	[sflag:s0] =	ssyncset.done @!p0 $0x0  }
0x73: {  	s29 =	simm.s32 $0x0;
	[sflag:s0] =	ssyncadd.s32 @!p0 $0xFFFFC000  }
0x74: {  	v0 =	vld [tilespmem:s29+$0x2BB0]  }
0x75: {  	v1 =	vld [tilespmem:s29+$0x2800]  }
0x76: {  	v2 =	vld [tilespmem:s29+$0x2810]  }
0x77: {  	v3 =	vld [tilespmem:s29+$0x2820]  }
0x78: {  	v4 =	vld [tilespmem:s29+$0x2830]  }
0x79: {  	v5 =	vld [tilespmem:s29+$0x2880];
	[tilespmem:s29+$0xEBB0] =	vst v0  }
0x7a: {  	[tilespmem:s29+$0xE800] =	vst v1;
	v0 =	vld [tilespmem:s29+$0x2890]  }
0x7b: {  	[tilespmem:s29+$0xE810] =	vst v2;
	v1 =	vld [tilespmem:s29+$0x28A0]  }
0x7c: {  	[tilespmem:s29+$0xE820] =	vst v3;
	v2 =	vld [tilespmem:s29+$0x28B0]  }
0x7d: {  	[tilespmem:s29+$0xE830] =	vst v4;
	v3 =	vld [tilespmem:s29+$0x2900]  }
0x7e: {  	[tilespmem:s29+$0xE880] =	vst v5;
	v4 =	vld [tilespmem:s29+$0x2910]  }
0x7f: {  	v5 =	vld [tilespmem:s29+$0x2B10];
	[tilespmem:s29+$0xE890] =	vst v0  }
0x80: {  	v0 =	vld [tilespmem:s29+$0x2920];
	[tilespmem:s29+$0xE8A0] =	vst v1  }
0x81: {  	v1 =	vld [tilespmem:s29+$0x2930];
	[tilespmem:s29+$0xE8B0] =	vst v2  }
0x82: {  	v2 =	vld [tilespmem:s29+$0x2980];
	[tilespmem:s29+$0xE900] =	vst v3  }
0x83: {  	v3 =	vld [tilespmem:s29+$0x2990];
	[tilespmem:s29+$0xE910] =	vst v4  }
0x84: {  	v4 =	vld [tilespmem:s29+$0x29A0];
	[tilespmem:s29+$0xEB10] =	vst v5  }
0x85: {  	[tilespmem:s29+$0xE920] =	vst v0;
	v0 =	vld [tilespmem:s29+$0x29B0]  }
0x86: {  	[tilespmem:s29+$0xE930] =	vst v1;
	v1 =	vld [tilespmem:s29+$0x2A00]  }
0x87: {  	[tilespmem:s29+$0xE980] =	vst v2;
	v2 =	vld [tilespmem:s29+$0x2A10]  }
0x88: {  	[tilespmem:s29+$0xE990] =	vst v3;
	v3 =	vld [tilespmem:s29+$0x2A20]  }
0x89: {  	[tilespmem:s29+$0xE9A0] =	vst v4;
	v4 =	vld [tilespmem:s29+$0x2A30]  }
0x8a: {  	[tilespmem:s29+$0xE9B0] =	vst v0;
	v0 =	vld [tilespmem:s29+$0x2A80]  }
0x8b: {  	[tilespmem:s29+$0xEA00] =	vst v1;
	v1 =	vld [tilespmem:s29+$0x2A90]  }
0x8c: {  	[tilespmem:s29+$0xEA10] =	vst v2;
	v2 =	vld [tilespmem:s29+$0x2AA0]  }
0x8d: {  	[tilespmem:s29+$0xEA20] =	vst v3;
	v3 =	vld [tilespmem:s29+$0x2AB0]  }
0x8e: {  	[tilespmem:s29+$0xEA30] =	vst v4;
	v4 =	vld [tilespmem:s29+$0x2B00]  }
0x8f: {  	[tilespmem:s29+$0xEA80] =	vst v0;
	v0 =	vld [tilespmem:s29+$0x2B20]  }
0x90: {  	[tilespmem:s29+$0xEA90] =	vst v1;
	v1 =	vld [tilespmem:s29+$0x2B30]  }
0x91: {  	[tilespmem:s29+$0xEAA0] =	vst v2;
	v2 =	vld [tilespmem:s29+$0x2B80]  }
0x92: {  	[tilespmem:s29+$0xEAB0] =	vst v3;
	v3 =	vld [tilespmem:s29+$0x2B90]  }
0x93: {  	s1 =	simm.s32 $0x400;
	s30 =	simm.s32 $0x2000;
	[tilespmem:s29+$0xEB00] =	vst v4;
	v4 =	vld [tilespmem:s29+$0x2BA0]  }
.LBB2_3:
0x94: {  	p1 =	sne.s32 s30, $0xF000;
	v5 =	vld [tilespmem:s1+$0x2BB0];
	[tilespmem:s29+$0xEB20] =	vst v0  }
0x95: {  	v0 =	vld [tilespmem:s1+$0x2800];
	[tilespmem:s29+$0xEB30] =	vst v1  }
0x96: {  	v1 =	vld [tilespmem:s1+$0x2810];
	[tilespmem:s29+$0xEB80] =	vst v2  }
0x97: {  	v2 =	vld [tilespmem:s1+$0x2820];
	[tilespmem:s29+$0xEB90] =	vst v3  }
0x98: {  	v3 =	vld [tilespmem:s1+$0x2830];
	[tilespmem:s29+$0xEBA0] =	vst v4;
	s29 =	smov.u32 s1  }
0x99: {  	v4 =	vld [tilespmem:s29+$0x2880];
	[tilespmem:s29+$0xEBB0] =	vst v5  }
0x9a: {  	[tilespmem:s29+$0xE800] =	vst v0;
	v0 =	vld [tilespmem:s29+$0x2890]  }
0x9b: {  	[tilespmem:s29+$0xE810] =	vst v1;
	v1 =	vld [tilespmem:s29+$0x28A0]  }
0x9c: {  	[tilespmem:s29+$0xE820] =	vst v2;
	v2 =	vld [tilespmem:s29+$0x28B0]  }
0x9d: {  	[tilespmem:s29+$0xE830] =	vst v3;
	v3 =	vld [tilespmem:s29+$0x2900]  }
0x9e: {  	[tilespmem:s29+$0xE880] =	vst v4;
	v4 =	vld [tilespmem:s29+$0x2910]  }
0x9f: {  	[tilespmem:s29+$0xE890] =	vst v0;
	v0 =	vld [tilespmem:s29+$0x2920]  }
0xa0: {  	[tilespmem:s29+$0xE8A0] =	vst v1;
	v1 =	vld [tilespmem:s29+$0x2930]  }
0xa1: {  	[tilespmem:s29+$0xE8B0] =	vst v2;
	v2 =	vld [tilespmem:s29+$0x2980]  }
0xa2: {  	[tilespmem:s29+$0xE900] =	vst v3;
	v3 =	vld [tilespmem:s29+$0x2990]  }
0xa3: {  	[tilespmem:s29+$0xE910] =	vst v4;
	v4 =	vld [tilespmem:s29+$0x29A0]  }
0xa4: {  	[tilespmem:s29+$0xE920] =	vst v0;
	v0 =	vld [tilespmem:s29+$0x29B0]  }
0xa5: {  	[tilespmem:s29+$0xE930] =	vst v1;
	v1 =	vld [tilespmem:s29+$0x2A00]  }
0xa6: {  	[tilespmem:s29+$0xE980] =	vst v2;
	v2 =	vld [tilespmem:s29+$0x2A10]  }
0xa7: {  	[tilespmem:s29+$0xE990] =	vst v3;
	v3 =	vld [tilespmem:s29+$0x2A20]  }
0xa8: {  	[tilespmem:s29+$0xE9A0] =	vst v4;
	v4 =	vld [tilespmem:s29+$0x2A30]  }
0xa9: {  	[tilespmem:s29+$0xE9B0] =	vst v0;
	v0 =	vld [tilespmem:s29+$0x2A80]  }
0xaa: {  	[tilespmem:s29+$0xEA00] =	vst v1;
	v1 =	vld [tilespmem:s29+$0x2A90]  }
0xab: {  	[tilespmem:s29+$0xEA10] =	vst v2;
	v2 =	vld [tilespmem:s29+$0x2AA0]  }
0xac: {  	[tilespmem:s29+$0xEA20] =	vst v3;
	v3 =	vld [tilespmem:s29+$0x2AB0]  }
0xad: {  	[tilespmem:s29+$0xEA30] =	vst v4;
	v4 =	vld [tilespmem:s29+$0x2B00]  }
0xae: {  	[tilespmem:s29+$0xEA80] =	vst v0;
	v5 =	vld [tilespmem:s29+$0x2B10]  }
.Ltmp2:
0xaf: {  	[tilespmem:s29+$0xEA90] =	vst v1;
	v0 =	vld [tilespmem:s29+$0x2B20];
	(pc) =	sbr.rel @p1 .LBB2_3-.Ltmp2, $4  }
0xb0: {  	[tilespmem:s29+$0xEAA0] =	vst v2;
	v1 =	vld [tilespmem:s29+$0x2B30]  }
0xb1: {  	[tilespmem:s29+$0xEAB0] =	vst v3;
	v2 =	vld [tilespmem:s29+$0x2B80]  }
0xb2: {  	[tilespmem:s29+$0xEB00] =	vst v4;
	v3 =	vld [tilespmem:s29+$0x2B90]  }
0xb3: {  	s1 =	sshra.s32 s30, $0x2;
	s30 =	sadd.s32 $0x1000, s30;
	[tilespmem:s29+$0xEB10] =	vst v5;
	v4 =	vld [tilespmem:s29+$0x2BA0]  }
0xb4: {  	v5 =	vld [tilespmem:s1+$0x2BB0];
	[tilespmem:s29+$0xEB20] =	vst v0  }
0xb5: {  	v0 =	vld [tilespmem:s1+$0x2800];
	[tilespmem:s29+$0xEB30] =	vst v1  }
0xb6: {  	v1 =	vld [tilespmem:s1+$0x2810];
	[tilespmem:s29+$0xEB80] =	vst v2  }
0xb7: {  	v2 =	vld [tilespmem:s1+$0x2820];
	[tilespmem:s29+$0xEB90] =	vst v3  }
0xb8: {  	v3 =	vld [tilespmem:s1+$0x2830];
	[tilespmem:s29+$0xEBA0] =	vst v4  }
0xb9: {  	v4 =	vld [tilespmem:s1+$0x2880];
	[tilespmem:s1+$0xEBB0] =	vst v5  }
0xba: {  	[tilespmem:s1+$0xE800] =	vst v0;
	v0 =	vld [tilespmem:s1+$0x2890]  }
0xbb: {  	[tilespmem:s1+$0xE810] =	vst v1;
	v1 =	vld [tilespmem:s1+$0x28A0]  }
0xbc: {  	[tilespmem:s1+$0xE820] =	vst v2;
	v2 =	vld [tilespmem:s1+$0x28B0]  }
0xbd: {  	[tilespmem:s1+$0xE830] =	vst v3;
	v3 =	vld [tilespmem:s1+$0x2900]  }
0xbe: {  	[tilespmem:s1+$0xE880] =	vst v4;
	v4 =	vld [tilespmem:s1+$0x2910]  }
0xbf: {  	[tilespmem:s1+$0xE890] =	vst v0;
	v0 =	vld [tilespmem:s1+$0x2920]  }
0xc0: {  	[tilespmem:s1+$0xE8A0] =	vst v1;
	v1 =	vld [tilespmem:s1+$0x2930]  }
0xc1: {  	[tilespmem:s1+$0xE8B0] =	vst v2;
	v2 =	vld [tilespmem:s1+$0x2980]  }
0xc2: {  	[tilespmem:s1+$0xE900] =	vst v3;
	v3 =	vld [tilespmem:s1+$0x2990]  }
0xc3: {  	[tilespmem:s1+$0xE910] =	vst v4;
	v4 =	vld [tilespmem:s1+$0x29A0]  }
0xc4: {  	[tilespmem:s1+$0xE920] =	vst v0;
	v0 =	vld [tilespmem:s1+$0x29B0]  }
0xc5: {  	[tilespmem:s1+$0xE930] =	vst v1;
	v1 =	vld [tilespmem:s1+$0x2A00]  }
0xc6: {  	[tilespmem:s1+$0xE980] =	vst v2;
	v2 =	vld [tilespmem:s1+$0x2A10]  }
0xc7: {  	[tilespmem:s1+$0xE990] =	vst v3;
	v3 =	vld [tilespmem:s1+$0x2A20]  }
0xc8: {  	[tilespmem:s1+$0xE9A0] =	vst v4;
	v4 =	vld [tilespmem:s1+$0x2A30]  }
0xc9: {  	[tilespmem:s1+$0xE9B0] =	vst v0;
	v0 =	vld [tilespmem:s1+$0x2A80]  }
0xca: {  	[tilespmem:s1+$0xEA00] =	vst v1;
	v1 =	vld [tilespmem:s1+$0x2A90]  }
0xcb: {  	[tilespmem:s1+$0xEA10] =	vst v2;
	v2 =	vld [tilespmem:s1+$0x2AA0]  }
0xcc: {  	[tilespmem:s1+$0xEA20] =	vst v3;
	v3 =	vld [tilespmem:s1+$0x2AB0]  }
0xcd: {  	[tilespmem:s1+$0xEA30] =	vst v4;
	v4 =	vld [tilespmem:s1+$0x2B00]  }
0xce: {  	[tilespmem:s1+$0xEA80] =	vst v0;
	v0 =	vld [tilespmem:s1+$0x2B10]  }
0xcf: {  	[tilespmem:s1+$0xEA90] =	vst v1;
	v1 =	vld [tilespmem:s1+$0x2B20]  }
0xd0: {  	[tilespmem:s1+$0xEAA0] =	vst v2;
	v2 =	vld [tilespmem:s1+$0x2B30]  }
0xd1: {  	[tilespmem:s1+$0xEAB0] =	vst v3;
	v3 =	vld [tilespmem:s1+$0x2B80]  }
0xd2: {  	[tilespmem:s1+$0xEB00] =	vst v4;
	v4 =	vld [tilespmem:s1+$0x2B90]  }
0xd3: {  	[tilespmem:s1+$0xEB10] =	vst v0;
	v0 =	vld [tilespmem:s1+$0x2BA0]  }
0xd4: {  	s29 =	smul.u32 $0x180, s28;
	[tilespmem:s1+$0xEB20] =	vst v1  }
0xd5: {  	[tilespmem:s1+$0xEB30] =	vst v2  }
0xd6: {  	s0 =	sadd.s32 s5, s29;
	[tilespmem:s1+$0xEB80] =	vst v3  }
0xd7: {  	s0 =	sshll.u32 s0, $0x4;
	[tilespmem:s1+$0xEB90] =	vst v4  }
0xd8: {  	s0 =	sadd.s32 s4, s0;
	[tilespmem:s1+$0xEBA0] =	vst v0;
	s1 =	smul.u32 $0x600, s28  }
0xd9: {  	[hbm4b:s0+s2] =	stream.linear.scatter [tilespmem:s18], [sflag:$0x4], $0x4000, $0x38;
	[tilespmem:$0x1A800] =	vst v63  }
0xda: {  	s30 =	sshra.s32 s1, $0x2  }
0xdb: {  	s1 =	sadd.s32 $0x180, s30  }
0xdc: {  	[tilespmem:s13], [sflag:$0x1] =	stream.indirect.gather [hbm4b:s3+s12], $0x80, s1, s12, $0xb8;
	[tilespmem:$0x1A800] =	vst v63  }
0xdd: {  	_ =	swait.ge [sflag:s19], $0x4000  }
0xde: {  	[sflag:s19] =	ssyncset.done $0x0  }
0xdf: {  	s0 =	simm.s32 @!p0 $0x5;
	[sflag:s19] =	ssyncadd.s32 $0xFFFFC000  }
0xe0: {  	_ =	swait.ge @!p0 [sflag:s0], $0x4000  }
0xe1: {  	[sflag:s0] =	ssyncset.done @!p0 $0x0  }
0xe2: {  	s31 =	simm.s32 $0x0;
	[sflag:s0] =	ssyncadd.s32 @!p0 $0xFFFFC000  }
0xe3: {  	v0 =	vld [tilespmem:s31+$0x6BB0]  }
0xe4: {  	v1 =	vld [tilespmem:s31+$0x6800]  }
0xe5: {  	v2 =	vld [tilespmem:s31+$0x6810]  }
0xe6: {  	v3 =	vld [tilespmem:s31+$0x6820]  }
0xe7: {  	v4 =	vld [tilespmem:s31+$0x6830]  }
0xe8: {  	v5 =	vld [tilespmem:s31+$0x6880];
	[tilespmem:s31+$0x12BB0] =	vst v0  }
0xe9: {  	[tilespmem:s31+$0x12800] =	vst v1;
	v0 =	vld [tilespmem:s31+$0x6890]  }
0xea: {  	[tilespmem:s31+$0x12810] =	vst v2;
	v1 =	vld [tilespmem:s31+$0x68A0]  }
0xeb: {  	[tilespmem:s31+$0x12820] =	vst v3;
	v2 =	vld [tilespmem:s31+$0x68B0]  }
0xec: {  	[tilespmem:s31+$0x12830] =	vst v4;
	v3 =	vld [tilespmem:s31+$0x6900]  }
0xed: {  	[tilespmem:s31+$0x12880] =	vst v5;
	v4 =	vld [tilespmem:s31+$0x6910]  }
0xee: {  	v5 =	vld [tilespmem:s31+$0x6B10];
	[tilespmem:s31+$0x12890] =	vst v0  }
0xef: {  	v0 =	vld [tilespmem:s31+$0x6920];
	[tilespmem:s31+$0x128A0] =	vst v1  }
0xf0: {  	v1 =	vld [tilespmem:s31+$0x6930];
	[tilespmem:s31+$0x128B0] =	vst v2  }
0xf1: {  	v2 =	vld [tilespmem:s31+$0x6980];
	[tilespmem:s31+$0x12900] =	vst v3  }
0xf2: {  	v3 =	vld [tilespmem:s31+$0x6990];
	[tilespmem:s31+$0x12910] =	vst v4  }
0xf3: {  	v4 =	vld [tilespmem:s31+$0x69A0];
	[tilespmem:s31+$0x12B10] =	vst v5  }
0xf4: {  	[tilespmem:s31+$0x12920] =	vst v0;
	v0 =	vld [tilespmem:s31+$0x69B0]  }
0xf5: {  	[tilespmem:s31+$0x12930] =	vst v1;
	v1 =	vld [tilespmem:s31+$0x6A00]  }
0xf6: {  	[tilespmem:s31+$0x12980] =	vst v2;
	v2 =	vld [tilespmem:s31+$0x6A10]  }
0xf7: {  	[tilespmem:s31+$0x12990] =	vst v3;
	v3 =	vld [tilespmem:s31+$0x6A20]  }
0xf8: {  	[tilespmem:s31+$0x129A0] =	vst v4;
	v4 =	vld [tilespmem:s31+$0x6A30]  }
0xf9: {  	[tilespmem:s31+$0x129B0] =	vst v0;
	v0 =	vld [tilespmem:s31+$0x6A80]  }
0xfa: {  	[tilespmem:s31+$0x12A00] =	vst v1;
	v1 =	vld [tilespmem:s31+$0x6A90]  }
0xfb: {  	[tilespmem:s31+$0x12A10] =	vst v2;
	v2 =	vld [tilespmem:s31+$0x6AA0]  }
0xfc: {  	[tilespmem:s31+$0x12A20] =	vst v3;
	v3 =	vld [tilespmem:s31+$0x6AB0]  }
0xfd: {  	[tilespmem:s31+$0x12A30] =	vst v4;
	v4 =	vld [tilespmem:s31+$0x6B00]  }
0xfe: {  	[tilespmem:s31+$0x12A80] =	vst v0;
	v0 =	vld [tilespmem:s31+$0x6B20]  }
0xff: {  	[tilespmem:s31+$0x12A90] =	vst v1;
	v1 =	vld [tilespmem:s31+$0x6B30]  }
0x100: {  	[tilespmem:s31+$0x12AA0] =	vst v2;
	v2 =	vld [tilespmem:s31+$0x6B80]  }
0x101: {  	[tilespmem:s31+$0x12AB0] =	vst v3;
	v3 =	vld [tilespmem:s31+$0x6B90]  }
0x102: {  	s1 =	simm.s32 $0x2000;
	s0 =	simm.s32 $0x400;
	[tilespmem:s31+$0x12B00] =	vst v4;
	v4 =	vld [tilespmem:s31+$0x6BA0]  }
.LBB2_5:
0x103: {  	p1 =	sne.s32 s1, $0xF000;
	v5 =	vld [tilespmem:s0+$0x6BB0];
	[tilespmem:s31+$0x12B20] =	vst v0  }
0x104: {  	v0 =	vld [tilespmem:s0+$0x6800];
	[tilespmem:s31+$0x12B30] =	vst v1  }
0x105: {  	v1 =	vld [tilespmem:s0+$0x6810];
	[tilespmem:s31+$0x12B80] =	vst v2  }
0x106: {  	v2 =	vld [tilespmem:s0+$0x6820];
	[tilespmem:s31+$0x12B90] =	vst v3  }
0x107: {  	v3 =	vld [tilespmem:s0+$0x6830];
	[tilespmem:s31+$0x12BA0] =	vst v4;
	s31 =	smov.u32 s0  }
0x108: {  	v4 =	vld [tilespmem:s31+$0x6880];
	[tilespmem:s31+$0x12BB0] =	vst v5  }
0x109: {  	[tilespmem:s31+$0x12800] =	vst v0;
	v0 =	vld [tilespmem:s31+$0x6890]  }
0x10a: {  	[tilespmem:s31+$0x12810] =	vst v1;
	v1 =	vld [tilespmem:s31+$0x68A0]  }
0x10b: {  	[tilespmem:s31+$0x12820] =	vst v2;
	v2 =	vld [tilespmem:s31+$0x68B0]  }
0x10c: {  	[tilespmem:s31+$0x12830] =	vst v3;
	v3 =	vld [tilespmem:s31+$0x6900]  }
0x10d: {  	[tilespmem:s31+$0x12880] =	vst v4;
	v4 =	vld [tilespmem:s31+$0x6910]  }
0x10e: {  	[tilespmem:s31+$0x12890] =	vst v0;
	v0 =	vld [tilespmem:s31+$0x6920]  }
0x10f: {  	[tilespmem:s31+$0x128A0] =	vst v1;
	v1 =	vld [tilespmem:s31+$0x6930]  }
0x110: {  	[tilespmem:s31+$0x128B0] =	vst v2;
	v2 =	vld [tilespmem:s31+$0x6980]  }
0x111: {  	[tilespmem:s31+$0x12900] =	vst v3;
	v3 =	vld [tilespmem:s31+$0x6990]  }
0x112: {  	[tilespmem:s31+$0x12910] =	vst v4;
	v4 =	vld [tilespmem:s31+$0x69A0]  }
0x113: {  	[tilespmem:s31+$0x12920] =	vst v0;
	v0 =	vld [tilespmem:s31+$0x69B0]  }
0x114: {  	[tilespmem:s31+$0x12930] =	vst v1;
	v1 =	vld [tilespmem:s31+$0x6A00]  }
0x115: {  	[tilespmem:s31+$0x12980] =	vst v2;
	v2 =	vld [tilespmem:s31+$0x6A10]  }
0x116: {  	[tilespmem:s31+$0x12990] =	vst v3;
	v3 =	vld [tilespmem:s31+$0x6A20]  }
0x117: {  	[tilespmem:s31+$0x129A0] =	vst v4;
	v4 =	vld [tilespmem:s31+$0x6A30]  }
0x118: {  	[tilespmem:s31+$0x129B0] =	vst v0;
	v0 =	vld [tilespmem:s31+$0x6A80]  }
0x119: {  	[tilespmem:s31+$0x12A00] =	vst v1;
	v1 =	vld [tilespmem:s31+$0x6A90]  }
0x11a: {  	[tilespmem:s31+$0x12A10] =	vst v2;
	v2 =	vld [tilespmem:s31+$0x6AA0]  }
0x11b: {  	[tilespmem:s31+$0x12A20] =	vst v3;
	v3 =	vld [tilespmem:s31+$0x6AB0]  }
0x11c: {  	[tilespmem:s31+$0x12A30] =	vst v4;
	v4 =	vld [tilespmem:s31+$0x6B00]  }
0x11d: {  	[tilespmem:s31+$0x12A80] =	vst v0;
	v5 =	vld [tilespmem:s31+$0x6B10]  }
.Ltmp3:
0x11e: {  	[tilespmem:s31+$0x12A90] =	vst v1;
	v0 =	vld [tilespmem:s31+$0x6B20];
	(pc) =	sbr.rel @p1 .LBB2_5-.Ltmp3, $4  }
0x11f: {  	[tilespmem:s31+$0x12AA0] =	vst v2;
	v1 =	vld [tilespmem:s31+$0x6B30]  }
0x120: {  	[tilespmem:s31+$0x12AB0] =	vst v3;
	v2 =	vld [tilespmem:s31+$0x6B80]  }
0x121: {  	[tilespmem:s31+$0x12B00] =	vst v4;
	v3 =	vld [tilespmem:s31+$0x6B90]  }
0x122: {  	s0 =	sshra.s32 s1, $0x2;
	s1 =	sadd.s32 $0x1000, s1;
	[tilespmem:s31+$0x12B10] =	vst v5;
	v4 =	vld [tilespmem:s31+$0x6BA0]  }
0x123: {  	v5 =	vld [tilespmem:s0+$0x6BB0];
	[tilespmem:s31+$0x12B20] =	vst v0  }
0x124: {  	v0 =	vld [tilespmem:s0+$0x6800];
	[tilespmem:s31+$0x12B30] =	vst v1  }
0x125: {  	v1 =	vld [tilespmem:s0+$0x6810];
	[tilespmem:s31+$0x12B80] =	vst v2  }
0x126: {  	v2 =	vld [tilespmem:s0+$0x6820];
	[tilespmem:s31+$0x12B90] =	vst v3  }
0x127: {  	v3 =	vld [tilespmem:s0+$0x6830];
	[tilespmem:s31+$0x12BA0] =	vst v4  }
0x128: {  	v4 =	vld [tilespmem:s0+$0x6880];
	[tilespmem:s0+$0x12BB0] =	vst v5  }
0x129: {  	v38 =	vld [tilespmem:s0+$0x6890];
	[tilespmem:s0+$0x12800] =	vst v0  }
0x12a: {  	v39 =	vld [tilespmem:s0+$0x68A0];
	[tilespmem:s0+$0x12810] =	vst v1  }
0x12b: {  	v40 =	vld [tilespmem:s0+$0x68B0];
	[tilespmem:s0+$0x12820] =	vst v2  }
0x12c: {  	v41 =	vld [tilespmem:s0+$0x6900];
	[tilespmem:s0+$0x12830] =	vst v3  }
0x12d: {  	v42 =	vld [tilespmem:s0+$0x6910];
	[tilespmem:s0+$0x12880] =	vst v4  }
0x12e: {  	v43 =	vld [tilespmem:s0+$0x6920];
	[tilespmem:s0+$0x12890] =	vst v38  }
0x12f: {  	v44 =	vld [tilespmem:s0+$0x6930];
	[tilespmem:s0+$0x128A0] =	vst v39  }
0x130: {  	v45 =	vld [tilespmem:s0+$0x6980];
	[tilespmem:s0+$0x128B0] =	vst v40  }
0x131: {  	v46 =	vld [tilespmem:s0+$0x6990];
	[tilespmem:s0+$0x12900] =	vst v41  }
0x132: {  	v47 =	vld [tilespmem:s0+$0x69A0];
	[tilespmem:s0+$0x12910] =	vst v42  }
0x133: {  	v48 =	vld [tilespmem:s0+$0x69B0];
	[tilespmem:s0+$0x12920] =	vst v43  }
0x134: {  	v49 =	vld [tilespmem:s0+$0x6A00];
	[tilespmem:s0+$0x12930] =	vst v44  }
0x135: {  	v50 =	vld [tilespmem:s0+$0x6A10];
	[tilespmem:s0+$0x12980] =	vst v45  }
0x136: {  	v51 =	vld [tilespmem:s0+$0x6A20];
	[tilespmem:s0+$0x12990] =	vst v46  }
0x137: {  	v52 =	vld [tilespmem:s0+$0x6A30];
	[tilespmem:s0+$0x129A0] =	vst v47  }
0x138: {  	v53 =	vld [tilespmem:s0+$0x6A80];
	[tilespmem:s0+$0x129B0] =	vst v48  }
0x139: {  	v54 =	vld [tilespmem:s0+$0x6A90];
	[tilespmem:s0+$0x12A00] =	vst v49  }
0x13a: {  	v55 =	vld [tilespmem:s0+$0x6AA0];
	[tilespmem:s0+$0x12A10] =	vst v50  }
0x13b: {  	v56 =	vld [tilespmem:s0+$0x6AB0];
	[tilespmem:s0+$0x12A20] =	vst v51  }
0x13c: {  	v57 =	vld [tilespmem:s0+$0x6B00];
	[tilespmem:s0+$0x12A30] =	vst v52  }
0x13d: {  	v58 =	vld [tilespmem:s0+$0x6B10];
	[tilespmem:s0+$0x12A80] =	vst v53  }
0x13e: {  	v59 =	vld [tilespmem:s0+$0x6B20];
	[tilespmem:s0+$0x12A90] =	vst v54  }
0x13f: {  	v60 =	vld [tilespmem:s0+$0x6B30];
	[tilespmem:s0+$0x12AA0] =	vst v55  }
0x140: {  	v61 =	vld [tilespmem:s0+$0x6B80];
	[tilespmem:s0+$0x12AB0] =	vst v56  }
0x141: {  	v62 =	vld [tilespmem:s0+$0x6B90];
	[tilespmem:s0+$0x12B00] =	vst v57  }
0x142: {  	v63 =	vld [tilespmem:s0+$0x6BA0];
	[tilespmem:s0+$0x12B10] =	vst v58  }
0x143: {  	p1 =	sne.s32 s28, $0x19;
	[tilespmem:s0+$0x12B20] =	vst v59  }
.Ltmp4:
0x144: {  	[tilespmem:s0+$0x12B30] =	vst v60;
	(pc) =	sbr.rel @p1 .LBB2_8-.Ltmp4, $4  }
0x145: {  	s1 =	sadd.s32 s29, s7;
	[tilespmem:s0+$0x12B80] =	vst v61  }
0x146: {  	s1 =	sshll.u32 s1, $0x4;
	[tilespmem:s0+$0x12B90] =	vst v62  }
0x147: {  	s31 =	sadd.s32 s4, s1;
	[tilespmem:s0+$0x12BA0] =	vst v63  }
0x148: {  	[hbm4b:s31+s2] =	stream.linear.scatter [tilespmem:s20], [sflag:$0x5], $0x4000, $0x38;
	[tilespmem:$0x1A800] =	vst v63  }
.Ltmp5:
0x149: {  	(pc) =	sbr.rel .LBB2_9-.Ltmp5, $4  }
0x14a: {  	_ = 	snop  }
0x14b: {  	_ =	swait.ge [sflag:s21], $0x4000  }
0x14c: {  	[sflag:s21] =	ssyncset.done $0x0  }
0x14d: {  	[sflag:s21] =	ssyncadd.s32 $0xFFFFC000  }
.LBB2_8:
.Ltmp6:
0x14e: {  	s0 =	sadd.s32 $0x200, s30;
	(pc) =	sbr.rel @p0 .LBB2_10-.Ltmp6, $4  }
0x14f: {  	[tilespmem:s14], [sflag:$0x2] =	stream.indirect.gather [hbm4b:s3+s12], $0x80, s0, s12, $0xb8;
	[tilespmem:$0x1A800] =	vst v63  }
0x150: {  	_ =	swait.ge [sflag:s21], $0x4000  }
0x151: {  	[sflag:s21] =	ssyncset.done $0x0  }
0x152: {  	[sflag:s21] =	ssyncadd.s32 $0xFFFFC000  }
.LBB2_9:
0x153: {  	_ =	swait.ge [sflag:s22], $0x4000  }
0x154: {  	[sflag:s22] =	ssyncset.done $0x0  }
0x155: {  	[sflag:s22] =	ssyncadd.s32 $0xFFFFC000  }
.LBB2_10:
0x156: {  	s31 =	simm.s32 $0x0  }
0x157: {  	v0 =	vld [tilespmem:s31+$0xABB0]  }
0x158: {  	v1 =	vld [tilespmem:s31+$0xA800]  }
0x159: {  	v2 =	vld [tilespmem:s31+$0xA810]  }
0x15a: {  	v3 =	vld [tilespmem:s31+$0xA820]  }
0x15b: {  	v4 =	vld [tilespmem:s31+$0xA830]  }
0x15c: {  	v5 =	vld [tilespmem:s31+$0xA880];
	[tilespmem:s31+$0x16BB0] =	vst v0  }
0x15d: {  	[tilespmem:s31+$0x16800] =	vst v1;
	v0 =	vld [tilespmem:s31+$0xA890]  }
0x15e: {  	[tilespmem:s31+$0x16810] =	vst v2;
	v1 =	vld [tilespmem:s31+$0xA8A0]  }
0x15f: {  	[tilespmem:s31+$0x16820] =	vst v3;
	v2 =	vld [tilespmem:s31+$0xA8B0]  }
0x160: {  	[tilespmem:s31+$0x16830] =	vst v4;
	v3 =	vld [tilespmem:s31+$0xA900]  }
0x161: {  	[tilespmem:s31+$0x16880] =	vst v5;
	v4 =	vld [tilespmem:s31+$0xA910]  }
0x162: {  	v5 =	vld [tilespmem:s31+$0xAB10];
	[tilespmem:s31+$0x16890] =	vst v0  }
0x163: {  	v0 =	vld [tilespmem:s31+$0xA920];
	[tilespmem:s31+$0x168A0] =	vst v1  }
0x164: {  	v1 =	vld [tilespmem:s31+$0xA930];
	[tilespmem:s31+$0x168B0] =	vst v2  }
0x165: {  	v2 =	vld [tilespmem:s31+$0xA980];
	[tilespmem:s31+$0x16900] =	vst v3  }
0x166: {  	v3 =	vld [tilespmem:s31+$0xA990];
	[tilespmem:s31+$0x16910] =	vst v4  }
0x167: {  	v4 =	vld [tilespmem:s31+$0xA9A0];
	[tilespmem:s31+$0x16B10] =	vst v5  }
0x168: {  	[tilespmem:s31+$0x16920] =	vst v0;
	v0 =	vld [tilespmem:s31+$0xA9B0]  }
0x169: {  	[tilespmem:s31+$0x16930] =	vst v1;
	v1 =	vld [tilespmem:s31+$0xAA00]  }
0x16a: {  	[tilespmem:s31+$0x16980] =	vst v2;
	v2 =	vld [tilespmem:s31+$0xAA10]  }
0x16b: {  	[tilespmem:s31+$0x16990] =	vst v3;
	v3 =	vld [tilespmem:s31+$0xAA20]  }
0x16c: {  	[tilespmem:s31+$0x169A0] =	vst v4;
	v4 =	vld [tilespmem:s31+$0xAA30]  }
0x16d: {  	[tilespmem:s31+$0x169B0] =	vst v0;
	v0 =	vld [tilespmem:s31+$0xAA80]  }
0x16e: {  	[tilespmem:s31+$0x16A00] =	vst v1;
	v1 =	vld [tilespmem:s31+$0xAA90]  }
0x16f: {  	[tilespmem:s31+$0x16A10] =	vst v2;
	v2 =	vld [tilespmem:s31+$0xAAA0]  }
0x170: {  	[tilespmem:s31+$0x16A20] =	vst v3;
	v3 =	vld [tilespmem:s31+$0xAAB0]  }
0x171: {  	[tilespmem:s31+$0x16A30] =	vst v4;
	v4 =	vld [tilespmem:s31+$0xAB00]  }
0x172: {  	[tilespmem:s31+$0x16A80] =	vst v0;
	v0 =	vld [tilespmem:s31+$0xAB20]  }
0x173: {  	[tilespmem:s31+$0x16A90] =	vst v1;
	v1 =	vld [tilespmem:s31+$0xAB30]  }
0x174: {  	[tilespmem:s31+$0x16AA0] =	vst v2;
	v2 =	vld [tilespmem:s31+$0xAB80]  }
0x175: {  	[tilespmem:s31+$0x16AB0] =	vst v3;
	v3 =	vld [tilespmem:s31+$0xAB90]  }
0x176: {  	s0 =	simm.s32 $0x400;
	s1 =	simm.s32 $0x2000;
	[tilespmem:s31+$0x16B00] =	vst v4;
	v4 =	vld [tilespmem:s31+$0xABA0]  }
.LBB2_11:
0x177: {  	p0 =	sne.s32 s1, $0xF000;
	v5 =	vld [tilespmem:s0+$0xABB0];
	[tilespmem:s31+$0x16B20] =	vst v0  }
0x178: {  	v0 =	vld [tilespmem:s0+$0xA800];
	[tilespmem:s31+$0x16B30] =	vst v1  }
0x179: {  	v1 =	vld [tilespmem:s0+$0xA810];
	[tilespmem:s31+$0x16B80] =	vst v2  }
0x17a: {  	v2 =	vld [tilespmem:s0+$0xA820];
	[tilespmem:s31+$0x16B90] =	vst v3  }
0x17b: {  	v3 =	vld [tilespmem:s0+$0xA830];
	[tilespmem:s31+$0x16BA0] =	vst v4;
	s31 =	smov.u32 s0  }
0x17c: {  	v4 =	vld [tilespmem:s31+$0xA880];
	[tilespmem:s31+$0x16BB0] =	vst v5  }
0x17d: {  	[tilespmem:s31+$0x16800] =	vst v0;
	v0 =	vld [tilespmem:s31+$0xA890]  }
0x17e: {  	[tilespmem:s31+$0x16810] =	vst v1;
	v1 =	vld [tilespmem:s31+$0xA8A0]  }
0x17f: {  	[tilespmem:s31+$0x16820] =	vst v2;
	v2 =	vld [tilespmem:s31+$0xA8B0]  }
0x180: {  	[tilespmem:s31+$0x16830] =	vst v3;
	v3 =	vld [tilespmem:s31+$0xA900]  }
0x181: {  	[tilespmem:s31+$0x16880] =	vst v4;
	v4 =	vld [tilespmem:s31+$0xA910]  }
0x182: {  	[tilespmem:s31+$0x16890] =	vst v0;
	v0 =	vld [tilespmem:s31+$0xA920]  }
0x183: {  	[tilespmem:s31+$0x168A0] =	vst v1;
	v1 =	vld [tilespmem:s31+$0xA930]  }
0x184: {  	[tilespmem:s31+$0x168B0] =	vst v2;
	v2 =	vld [tilespmem:s31+$0xA980]  }
0x185: {  	[tilespmem:s31+$0x16900] =	vst v3;
	v3 =	vld [tilespmem:s31+$0xA990]  }
0x186: {  	[tilespmem:s31+$0x16910] =	vst v4;
	v4 =	vld [tilespmem:s31+$0xA9A0]  }
0x187: {  	[tilespmem:s31+$0x16920] =	vst v0;
	v0 =	vld [tilespmem:s31+$0xA9B0]  }
0x188: {  	[tilespmem:s31+$0x16930] =	vst v1;
	v1 =	vld [tilespmem:s31+$0xAA00]  }
0x189: {  	[tilespmem:s31+$0x16980] =	vst v2;
	v2 =	vld [tilespmem:s31+$0xAA10]  }
0x18a: {  	[tilespmem:s31+$0x16990] =	vst v3;
	v3 =	vld [tilespmem:s31+$0xAA20]  }
0x18b: {  	[tilespmem:s31+$0x169A0] =	vst v4;
	v4 =	vld [tilespmem:s31+$0xAA30]  }
0x18c: {  	[tilespmem:s31+$0x169B0] =	vst v0;
	v0 =	vld [tilespmem:s31+$0xAA80]  }
0x18d: {  	[tilespmem:s31+$0x16A00] =	vst v1;
	v1 =	vld [tilespmem:s31+$0xAA90]  }
0x18e: {  	[tilespmem:s31+$0x16A10] =	vst v2;
	v2 =	vld [tilespmem:s31+$0xAAA0]  }
0x18f: {  	[tilespmem:s31+$0x16A20] =	vst v3;
	v3 =	vld [tilespmem:s31+$0xAAB0]  }
0x190: {  	[tilespmem:s31+$0x16A30] =	vst v4;
	v4 =	vld [tilespmem:s31+$0xAB00]  }
0x191: {  	[tilespmem:s31+$0x16A80] =	vst v0;
	v5 =	vld [tilespmem:s31+$0xAB10]  }
.Ltmp7:
0x192: {  	[tilespmem:s31+$0x16A90] =	vst v1;
	v0 =	vld [tilespmem:s31+$0xAB20];
	(pc) =	sbr.rel @p0 .LBB2_11-.Ltmp7, $4  }
0x193: {  	[tilespmem:s31+$0x16AA0] =	vst v2;
	v1 =	vld [tilespmem:s31+$0xAB30]  }
0x194: {  	[tilespmem:s31+$0x16AB0] =	vst v3;
	v2 =	vld [tilespmem:s31+$0xAB80]  }
0x195: {  	[tilespmem:s31+$0x16B00] =	vst v4;
	v3 =	vld [tilespmem:s31+$0xAB90]  }
0x196: {  	s0 =	sshra.s32 s1, $0x2;
	s1 =	sadd.s32 $0x1000, s1;
	[tilespmem:s31+$0x16B10] =	vst v5;
	v4 =	vld [tilespmem:s31+$0xABA0]  }
0x197: {  	v5 =	vld [tilespmem:s0+$0xABB0];
	[tilespmem:s31+$0x16B20] =	vst v0  }
0x198: {  	v0 =	vld [tilespmem:s0+$0xA800];
	[tilespmem:s31+$0x16B30] =	vst v1  }
0x199: {  	v1 =	vld [tilespmem:s0+$0xA810];
	[tilespmem:s31+$0x16B80] =	vst v2  }
0x19a: {  	v2 =	vld [tilespmem:s0+$0xA820];
	[tilespmem:s31+$0x16B90] =	vst v3  }
0x19b: {  	v3 =	vld [tilespmem:s0+$0xA830];
	[tilespmem:s31+$0x16BA0] =	vst v4  }
0x19c: {  	v4 =	vld [tilespmem:s0+$0xA880];
	[tilespmem:s0+$0x16BB0] =	vst v5  }
0x19d: {  	v38 =	vld [tilespmem:s0+$0xA890];
	[tilespmem:s0+$0x16800] =	vst v0  }
0x19e: {  	v39 =	vld [tilespmem:s0+$0xA8A0];
	[tilespmem:s0+$0x16810] =	vst v1  }
0x19f: {  	v40 =	vld [tilespmem:s0+$0xA8B0];
	[tilespmem:s0+$0x16820] =	vst v2  }
0x1a0: {  	v41 =	vld [tilespmem:s0+$0xA900];
	[tilespmem:s0+$0x16830] =	vst v3  }
0x1a1: {  	v42 =	vld [tilespmem:s0+$0xA910];
	[tilespmem:s0+$0x16880] =	vst v4  }
0x1a2: {  	v43 =	vld [tilespmem:s0+$0xA920];
	[tilespmem:s0+$0x16890] =	vst v38  }
0x1a3: {  	v44 =	vld [tilespmem:s0+$0xA930];
	[tilespmem:s0+$0x168A0] =	vst v39  }
0x1a4: {  	v45 =	vld [tilespmem:s0+$0xA980];
	[tilespmem:s0+$0x168B0] =	vst v40  }
0x1a5: {  	v46 =	vld [tilespmem:s0+$0xA990];
	[tilespmem:s0+$0x16900] =	vst v41  }
0x1a6: {  	v47 =	vld [tilespmem:s0+$0xA9A0];
	[tilespmem:s0+$0x16910] =	vst v42  }
0x1a7: {  	v48 =	vld [tilespmem:s0+$0xA9B0];
	[tilespmem:s0+$0x16920] =	vst v43  }
0x1a8: {  	v49 =	vld [tilespmem:s0+$0xAA00];
	[tilespmem:s0+$0x16930] =	vst v44  }
0x1a9: {  	v50 =	vld [tilespmem:s0+$0xAA10];
	[tilespmem:s0+$0x16980] =	vst v45  }
0x1aa: {  	v51 =	vld [tilespmem:s0+$0xAA20];
	[tilespmem:s0+$0x16990] =	vst v46  }
0x1ab: {  	v52 =	vld [tilespmem:s0+$0xAA30];
	[tilespmem:s0+$0x169A0] =	vst v47  }
0x1ac: {  	v53 =	vld [tilespmem:s0+$0xAA80];
	[tilespmem:s0+$0x169B0] =	vst v48  }
0x1ad: {  	v54 =	vld [tilespmem:s0+$0xAA90];
	[tilespmem:s0+$0x16A00] =	vst v49  }
0x1ae: {  	v55 =	vld [tilespmem:s0+$0xAAA0];
	[tilespmem:s0+$0x16A10] =	vst v50  }
0x1af: {  	v56 =	vld [tilespmem:s0+$0xAAB0];
	[tilespmem:s0+$0x16A20] =	vst v51  }
0x1b0: {  	v57 =	vld [tilespmem:s0+$0xAB00];
	[tilespmem:s0+$0x16A30] =	vst v52  }
0x1b1: {  	v58 =	vld [tilespmem:s0+$0xAB10];
	[tilespmem:s0+$0x16A80] =	vst v53  }
0x1b2: {  	v59 =	vld [tilespmem:s0+$0xAB20];
	[tilespmem:s0+$0x16A90] =	vst v54  }
0x1b3: {  	v60 =	vld [tilespmem:s0+$0xAB30];
	[tilespmem:s0+$0x16AA0] =	vst v55  }
0x1b4: {  	v61 =	vld [tilespmem:s0+$0xAB80];
	[tilespmem:s0+$0x16AB0] =	vst v56  }
0x1b5: {  	v62 =	vld [tilespmem:s0+$0xAB90];
	[tilespmem:s0+$0x16B00] =	vst v57  }
0x1b6: {  	v63 =	vld [tilespmem:s0+$0xABA0];
	[tilespmem:s0+$0x16B10] =	vst v58  }
0x1b7: {  	p0 =	seq.s32 s28, $0x19;
	[tilespmem:s0+$0x16B20] =	vst v59  }
.Ltmp8:
0x1b8: {  	[tilespmem:s0+$0x16B30] =	vst v60;
	(pc) =	sbr.rel @p0 .LBB2_14-.Ltmp8, $4  }
0x1b9: {  	s1 =	sadd.s32 s29, s8;
	[tilespmem:s0+$0x16B80] =	vst v61  }
0x1ba: {  	s1 =	sshll.u32 s1, $0x4;
	[tilespmem:s0+$0x16B90] =	vst v62  }
0x1bb: {  	s31 =	sadd.s32 s4, s1;
	[tilespmem:s0+$0x16BA0] =	vst v63  }
0x1bc: {  	[hbm4b:s31+s2] =	stream.linear.scatter [tilespmem:s23], [sflag:$0x6], $0x4000, $0x38;
	[tilespmem:$0x1A800] =	vst v63  }
.Ltmp9:
0x1bd: {  	(pc) =	sbr.rel .LBB2_2-.Ltmp9, $3  }
0x1be: {  	_ =	sdelay $0x1  }
0x1bf: {  	s0 =	sadd.s32 $0x280, s30;
	s28 =	sadd.s32 $0x1, s28  }
0x1c0: {  	[tilespmem:s16], [sflag:$0x3] =	stream.indirect.gather [hbm4b:s3+s12], $0x80, s0, s12, $0xb8;
	[tilespmem:$0x1A800] =	vst v63  }
.LBB2_15:
0x1c1: {  	_ =	sfence.sel $0x180000  }
0x1c2: {  	[bflag:$0x0] =	sbarrier.arrive $0xFFFF  }
0x1c3: {  	_ =	strace $0x9000004D  }
0x1c4: {  	s0 =	stileid.u32;
	[bflag:$0x2] =	sbarrier.arrive $0xFFFF  }
0x1c5: {  	p0 =	sne.s32 s0, $0x0;
	s0 =	rddreg [dreg:$0x1]  }
0x1c6: {  	s0 =	sadd.s32 @!p0 $0x100000, s0  }
0x1c7: {  	[sflag:s0] =	ssyncadd.tile.s32 @!p0 $0x1;
	_ =	shalt  }
.Lfunc_end2:
_tile_overlayer_lowered:
.L_overlay_start_2:
0x1c8: {  	(tag) =	ssettag $0x2  }
0x1c9: {  	s0 =	rddreg [dreg:$0x0];
	s2 =	stileid.u32  }
0x1ca: {  	s1 =	rddreg [dreg:$0x1];
	p0 =	sne.s32 s2, $0x0  }
0x1cb: {  	s3 =	rddreg [dreg:$0x2];
	[bflag:$0x3] =	sbarrier.arrive $0xFFFF;
	s2 =	simm.s32 @!p0 $0x1C07  }
0x1cc: {  	[timem:s3], [sflag:s2] =	dma.local @!p0 [hbm:s0], s1  }
0x1cd: {  	s0 =	simm.s32 @!p0 $0x7  }
0x1ce: {  	_ =	swait.ge @!p0 [sflag:s0], s1  }
0x1cf: {  	s1 =	ssub.s32 @!p0 $0x0, s1;
	[sflag:s0] =	ssyncset.done @!p0 $0x0  }
0x1d0: {  	[sflag:s0] =	ssyncadd.s32 @!p0 s1  }
0x1d1: {  	[bflag:$0x3] =	sbarrier.arrive $0xFFFF  }
0x1d2: {  	_ =	shalt  }

// kernel: kernel.7.cloned.1.call-start
scs
__scs_entry_jumppad:
0x0: {  	(pc) =	sbr.rel $0x88, $3  }
0x1: {  	(tag) =	ssettag $0x0;
	lr =	simm.s32 $0x1  }
0x2: {  	[smem:$0x3F99] =	sst lr;
	_ =	strace $0xD0000000  }
0x3: {  	_ = 	snop  }
0x4: {  	_ = 	snop  }
0x5: {  	_ = 	snop  }
0x6: {  	_ = 	snop  }
0x7: {  	_ = 	snop  }
__scs_overlays_trampoline_lowered:
0x8: {  	[smem:$0x3FA8] =	sst s0  }
0x9: {  	[smem:$0x3FA9] =	sst s1  }
0xa: {  	[smem:$0x3FAA] =	sst s2  }
0xb: {  	[smem:$0x3FAB] =	sst s3  }
0xc: {  	[smem:$0x3FAC] =	sst s4  }
0xd: {  	[smem:$0x3FAD] =	sst s5  }
0xe: {  	[smem:$0x3FAE] =	sst s6  }
0xf: {  	[smem:$0x3FAF] =	sst s7  }
0x10: {  	[smem:$0x3FB0] =	sst s8  }
0x11: {  	[smem:$0x3FB1] =	sst s9;
	s0 =	simm.s32 @!p0 $0x0  }
0x12: {  	s1 =	sld [smem:$0x3F97];
	s0 =	simm.s32 @p0 $0x1  }
0x13: {  	[smem:$0x3FB2] =	sst s0;
	s0 =	simm.s32 @!p1 $0x0  }
0x14: {  	s2 =	sld [smem:$0x3F96];
	s0 =	simm.s32 @p1 $0x1  }
0x15: {  	[smem:$0x3FB3] =	sst s0;
	s0 =	simm.s32 @!p2 $0x0  }
0x16: {  	s3 =	sld [smem:$0x3FDB];
	s0 =	simm.s32 @p2 $0x1  }
0x17: {  	s4 =	simm.s32 $0x1BF5;
	[smem:$0x3FB5] =	sst s0  }
0x18: {  	s0 =	sld [smem:$0x3F98];
	_ =	swait.ge [sflag:s4], $0x0  }
0x19: {  	s7 =	sld [smem:$0x3F99]  }
0x1a: {  	s8 =	sadd.s32 $0xFFFFE003, lr  }
0x1b: {  	s9 =	sadd.s32 $0xFFFFFEF7, lr;
	s5 =	simm.s32 $0xFFFFFFFF;
	p2 =	slt.u32 s8, $0xFFFFF086  }
0x1c: {  	p1 =	slt.u32 s9, $0xF7A;
	s5 =	simm.s32 @!p2 $0x0  }
0x1d: {  	s5 =	simm.s32 @p1 $0x1;
	p0 =	seq.s32 s7, s2  }
0x1e: {  	s7 =	smul.u32 @!p0 $0xF7A, s2;
	p2 =	seq.s32 @!p0 s5, $0x0  }
0x1f: {  	s9 =	smul.u32 $0xF7A, s1;
	s8 =	simm.s32 @!p0 $0x1BF5;
	p2 =	por !p2, p0  }
0x20: {  	[sflag:s8] =	ssyncset.s32 @!p0 $0xFFFFF086;
	s6 =	sadd.s32 @!p0 s3, s7;
	s7 =	simm.s32 @!p0 $0x108  }
0x21: {  	s3 =	sadd.s32 s3, s9;
	s6 =	sadd.s32 @!p0 $0x88, s6;
	s7 =	simm.s32 @p2 $0x1082  }
0x22: {  	[simem:s7], [sflag:s8] =	dma.local @!p0 [hbm:s6], $0xF7A  }
0x23: {  	s9 =	sor.u32 $0xD0000000, s2;
	s6 =	simm.s32 $0x108;
	_ =	swait.ge @!p0 [sflag:s8], $0x0  }
0x24: {  	s3 =	sadd.s32 $0x88, s3;
	s6 =	simm.s32 @!p1 $0x1082;
	[sflag:s4] =	ssyncset.s32 $0xFFFFF086  }
0x25: {  	[simem:s6], [sflag:s4] =	dma.local [hbm:s3], $0xF7A  }
0x26: {  	[smem:$0x3F99] =	sst s1;
	(tag) =	ssettag s2;
	_ =	strace s9  }
0x27: {  	s1 =	sld [smem:$0x3FA9]  }
0x28: {  	s2 =	sld [smem:$0x3FAA]  }
0x29: {  	s4 =	sld [smem:$0x3FAC]  }
0x2a: {  	p0 =	seq.s32 s5, $0x0;
	s5 =	sld [smem:$0x3FAD]  }
0x2b: {  	s6 =	sld [smem:$0x3FAE]  }
0x2c: {  	s7 =	sld [smem:$0x3FAF]  }
0x2d: {  	s3 =	simm.s32 $0x108;
	s8 =	sld [smem:$0x3FB0]  }
0x2e: {  	s3 =	simm.s32 @!p0 $0x1082;
	s9 =	sld [smem:$0x3FB1]  }
0x2f: {  	lr =	sadd.s32 s0, s3;
	s0 =	sld [smem:$0x3FA8]  }
0x30: {  	s3 =	sld [smem:$0x3FAB]  }
0x31: {  	[smem:$0x3FB4] =	sst s10  }
0x32: {  	s10 =	sld [smem:$0x3FB2];
	_ =	sdelay $0x3  }
0x33: {  	p0 =	seq.s32 s10, $0x1;
	s10 =	sld [smem:$0x3FB4];
	_ =	sdelay $0x3  }
0x34: {  	[smem:$0x3FB4] =	sst s10  }
0x35: {  	s10 =	sld [smem:$0x3FB3];
	_ =	sdelay $0x3  }
0x36: {  	p1 =	seq.s32 s10, $0x1;
	s10 =	sld [smem:$0x3FB4];
	_ =	sdelay $0x3  }
0x37: {  	[smem:$0x3FB4] =	sst s10  }
0x38: {  	s10 =	sld [smem:$0x3FB5]  }
0x39: {  	_ = 	snop;
	(pc) =	sbr.ind lr, $3  }
0x3a: {  	_ = 	snop  }
0x3b: {  	_ = 	snop  }
0x3c: {  	p2 =	seq.s32 s10, $0x1;
	s10 =	sld [smem:$0x3FB4]  }
0x3d: {  	_ =	shalt  }
0x3e: {  	_ =	shalt  }
0x3f: {  	_ =	shalt  }
0x40: {  	_ =	shalt  }
0x41: {  	_ =	shalt  }
0x42: {  	_ =	shalt  }
0x43: {  	_ =	shalt  }
0x44: {  	_ =	shalt  }
0x45: {  	_ =	shalt  }
0x46: {  	_ =	shalt  }
0x47: {  	_ =	shalt  }
0x48: {  	_ =	shalt  }
0x49: {  	_ =	shalt  }
0x4a: {  	_ =	shalt  }
0x4b: {  	_ =	shalt  }
0x4c: {  	_ =	shalt  }
0x4d: {  	_ =	shalt  }
0x4e: {  	_ =	shalt  }
0x4f: {  	_ =	shalt  }
0x50: {  	_ =	shalt  }
0x51: {  	_ =	shalt  }
0x52: {  	_ =	shalt  }
0x53: {  	_ =	shalt  }
0x54: {  	_ =	shalt  }
0x55: {  	_ =	shalt  }
0x56: {  	_ =	shalt  }
0x57: {  	_ =	shalt  }
0x58: {  	_ =	shalt  }
0x59: {  	_ =	shalt  }
0x5a: {  	_ =	shalt  }
0x5b: {  	_ =	shalt  }
0x5c: {  	_ =	shalt  }
0x5d: {  	_ =	shalt  }
0x5e: {  	_ =	shalt  }
0x5f: {  	_ =	shalt  }
0x60: {  	_ =	shalt  }
0x61: {  	_ =	shalt  }
0x62: {  	_ =	shalt  }
0x63: {  	_ =	shalt  }
0x64: {  	_ =	shalt  }
0x65: {  	_ =	shalt  }
0x66: {  	_ =	shalt  }
0x67: {  	_ =	shalt  }
0x68: {  	_ =	shalt  }
0x69: {  	_ =	shalt  }
0x6a: {  	_ =	shalt  }
0x6b: {  	_ =	shalt  }
0x6c: {  	_ =	shalt  }
0x6d: {  	_ =	shalt  }
0x6e: {  	_ =	shalt  }
0x6f: {  	_ =	shalt  }
0x70: {  	_ =	shalt  }
0x71: {  	_ =	shalt  }
0x72: {  	_ =	shalt  }
0x73: {  	_ =	shalt  }
0x74: {  	_ =	shalt  }
0x75: {  	_ =	shalt  }
0x76: {  	_ =	shalt  }
0x77: {  	_ =	shalt  }
0x78: {  	_ =	shalt  }
0x79: {  	_ =	shalt  }
0x7a: {  	_ =	shalt  }
0x7b: {  	_ =	shalt  }
0x7c: {  	_ =	shalt  }
0x7d: {  	_ =	shalt  }
0x7e: {  	_ =	shalt  }
0x7f: {  	_ =	shalt  }
0x80: {  	_ =	shalt  }
0x81: {  	_ =	shalt  }
0x82: {  	_ =	shalt  }
0x83: {  	_ =	shalt  }
0x84: {  	_ =	shalt  }
0x85: {  	_ =	shalt  }
0x86: {  	_ =	shalt  }
0x87: {  	_ =	shalt  }
.Lfunc_end0:
.L_simem_size_0:
called_computation_lowered:
.L_overlay_start_0:
0x88: {  	s2 =	sld [smem:$0x3FD9]  }
0x89: {  	s3 =	sld [smem:$0x3FFE];
	_ =	sdelay $0x1  }
0x8a: {  	s1 =	srdreg.scid  }
0x8b: {  	s0 =	sand.u32 $0x1, s1  }
0x8c: {  	s14 =	sshll.u32 s0, $0xA;
	s2 =	sadd.s32 s3, s2  }
0x8d: {  	s2 =	sadd.s32 s2, s14  }
0x8e: {  	[smem:$0x3FC0] =	sst s2  }
0x8f: {  	_ = 	snop  }
0x90: {  	s2 =	sld [smem:$0x3FD0];
	_ =	sdelay $0x2  }
0x91: {  	s15 =	simm.s32 $0xA;
	s4 =	simm.s32 $0x10  }
0x92: {  	[smem:s4], [sflag:s15] =	dma.local [hbm:s2], $0x1  }
0x93: {  	_ =	swait.eq [sflag:s15], $0x1  }
0x94: {  	[sflag:s15] =	ssyncset.done $0x0  }
0x95: {  	s16 =	sld [smem:$0x10];
	[sflag:s15] =	ssyncadd.s32 $0xFFFFFFFF  }
0x96: {  	s17 =	sld [smem:$0x11];
	(tm) =	ssettm $0x1  }
0x97: {  	s18 =	sld [smem:$0x3FFB];
	_ =	sdelay $0x3  }
0x98: {  	_ =	strace s18  }
0x99: {  	s4 =	sld [smem:$0x3FFC];
	_ =	sdelay $0x3  }
0x9a: {  	_ =	strace s4  }
0x9b: {  	s4 =	sld [smem:$0x3FFD];
	_ =	sdelay $0x3  }
0x9c: {  	_ =	strace s4  }
0x9d: {  	_ =	strace $0x8FFFFFFF  }
0x9e: {  	s19 =	sld [smem:$0x3FDB];
	_ =	sdelay $0x1  }
0x9f: {  	s5 =	simm.s32 $_scs_section_size  }
0xa0: {  	s6 =	simm.s32 $_size__tile_overlayer_lowered;
	s7 =	simm.s32 $_tile_overlayer_lowered  }
0xa1: {  	s22 =	simm.s32 $0x1BFF;
	s21 =	sshll.u32 s7, $0x1;
	s4 =	sadd.s32 s5, s19  }
0xa2: {  	s8 =	simm.s32 $0x0;
	s20 =	sshll.u32 s6, $0x1;
	s6 =	sadd.s32 s21, s4  }
0xa3: {  	[timem:s8], [sflag:s22] =	dma.local [hbm:s6], s20  }
0xa4: {  	_ =	swait.ge [sflag:s22], s20  }
0xa5: {  	s5 =	ssub.s32 $0x0, s20;
	[sflag:s22] =	ssyncset.done $0x0  }
0xa6: {  	[sflag:s22] =	ssyncadd.s32 s5;
	_ =	sdelay $0x1  }
0xa7: {  	s23 =	simm.s32 $0x1B8B  }
0xa8: {  	_ =	swait.ge [sflag:s23], $0x1  }
0xa9: {  	[sflag:s23] =	ssyncset.done $0x0  }
0xaa: {  	s25 =	simm.s32 $0x1B8E;
	s24 =	sld [smem:$0x3FFE];
	[sflag:s23] =	ssyncadd.s32 $0xFFFFFFFF  }
0xab: {  	s26 =	simm.s32 $execute0_lowered;
	[smem:$0x3FD2] =	sst s25  }
0xac: {  	s6 =	sshll.u32 s26, $0x1;
	_ =	strace $0x80000046;
	[dreg:$0x1] =	wrdreg $0xFFFFFFFF  }
0xad: {  	s28 =	simm.s32 $_size_execute0_lowered;
	s4 =	sadd.s32 s4, s6;
	[dreg:$0x0] =	wrdreg $0x0  }
0xae: {  	s6 =	sshll.u32 s28, $0x1;
	[dreg:$0x2] =	wrdreg s4  }
0xaf: {  	[dreg:$0x3] =	wrdreg s6  }
0xb0: {  	[dreg:$0x4] =	wrdreg $0xC0  }
0xb1: {  	_ =	task [dreg:s8], $0x5FFFF  }
0xb2: {  	[dreg:$0x1] =	wrdreg $0xFFFFFFFF  }
0xb3: {  	[dreg:$0x0] =	wrdreg $0x60  }
0xb4: {  	[dreg:$0x2] =	wrdreg s24  }
0xb5: {  	[dreg:$0x3] =	wrdreg s16  }
0xb6: {  	[dreg:$0x4] =	wrdreg s17  }
0xb7: {  	[dreg:$0x5] =	wrdreg $0x50800  }
0xb8: {  	[dreg:$0x6] =	wrdreg $0x53000  }
0xb9: {  	[dreg:$0x7] =	wrdreg $0x9  }
0xba: {  	_ =	task.clear_ibuf [dreg:s8], $0x8FFFF;
	_ =	strace $0x90000046  }
0xbb: {  	s29 =	simm.s32 $0x9;
	_ =	strace $0x80000048  }
0xbc: {  	_ =	swait.ge [sflag:s29], $0x1  }
0xbd: {  	[sflag:s29] =	ssyncadd.s32 $0xFFFFFFFF  }
0xbe: {  	_ =	strace $0x90000048  }
0xbf: {  	_ =	sfence  }
0xc0: {  	s30 =	sld [smem:$0x0];
	_ =	sdelay $0x2  }
0xc1: {  	s31 =	sshll.u32 s1, $0xD;
	s1 =	sshrl.u32 s1, $0x2  }
0xc2: {  	s3 =	sand.u32 $0x4000, s31;
	s1 =	sadd.s32 s1, s30  }
0xc3: {  	s0 =	sor.u32 s3, s0;
	s1 =	sshll.u32 s1, $0x11  }
0xc4: {  	s0 =	sor.u32 s1, s0  }
0xc5: {  	s0 =	sadd.s32 $0x8F2B, s0  }
0xc6: {  	[sflag:s0] =	ssyncadd.remote.s32 $0x1  }
0xc7: {  	_ =	sfence.sel $0xFFFF  }
0xc8: {  	[dreg:$0x0] =	wrdreg $0xFFFFFFFF;
	(pc) =	sbr.abs _section_cstart, $3  }
0xc9: {  	[dreg:$0x1] =	wrdreg $0xFFFFFFFF  }
0xca: {  	_ =	task.clear_ibuf [dreg:s8], $0x2FFFF;
	_ =	strace $0x9FFFFFFF  }
0xcb: {  	(tm) =	ssettm $0x7FFFFFFF  }
tec
execute0_lowered:
.L_overlay_start_1:
0x0: {  	(tag) =	ssettag $0x1  }
0x1: {  	s5 =	rddreg [dreg:$0x0]  }
0x2: {  	s9 =	rddreg [dreg:$0x1]  }
0x3: {  	s8 =	rddreg [dreg:$0x2];
	s1 =	srdreg.scid  }
0x4: {  	s0 =	stileid.u32;
	s2 =	rddreg [dreg:$0x3]  }
0x5: {  	s3 =	rddreg [dreg:$0x4];
	s4 =	simm.s32 $0x0;
	s16 =	simm.s32 $0x80  }
0x6: {  	s17 =	simm.s32 $0x5000;
	s18 =	simm.s32 $0x20;
	s19 =	simm.s32 $0x10  }
0x7: {  	s20 =	simm.s32 $0x0;
	s6 =	sand.u32 $0x1, s1;
	s1 =	rddreg [dreg:$0x5]  }
0x8: {  	s25 =	sshll.u32 s0, $0x1;
	[smem:$0x7FF] =	sst s4;
	s26 =	smul.u32 $0x280, s0  }
0x9: {  	s14 =	smul.u32 $0x500, s0;
	s29 =	sshll.u32 s0, $0x6;
	s7 =	sor.u32 s6, s25  }
0xa: {  	_ =	strace $0x80000047;
	s11 =	ssub.s32 $0x2, s6;
	s6 =	smul.u32 $0x5000, s6  }
0xb: {  	s10 =	smul.u32 $0x500, s7;
	s12 =	sshrl.u32 s26, $0x3;
	s13 =	sshrl.u32 s11, $0x1  }
0xc: {  	s28 =	sadd.s32 s26, s2;
	s31 =	sadd.s32 s26, s3;
	s11 =	ssub.s32 s11, s13  }
0xd: {  	s14 =	sadd.s32 s14, s6;
	s6 =	sor.u32 $0x1C01, s29;
	s13 =	simm.s32 $0x1  }
0xe: {  	s15 =	sadd.s32 s10, s5;
	s5 =	sadd.s32 s12, s5;
	s30 =	sshrl.u32 s14, $0x3  }
0xf: {  	s9 =	sadd.s32 s9, s10;
	s11 =	smax.u32 s11, $0x1;
	s12 =	sshrl.u32 s28, $0x3  }
0x10: {  	s14 =	sshrl.u32 s31, $0x3;
	s5 =	sadd.s32 $0xCE00, s5;
	s8 =	sadd.s32 s8, s30  }
0x11: {  	v0 =	vimm.f32 $1.000000000e+00;
	s7 =	sadd.s32 $0x2E00, s15;
	s15 =	simm.s32 $0x2800;
	s10 =	sadd.s32 $0x10, s8  }
.LBB2_1:
0x12: {  	[spmem:s12], [sflag:s6] =	dma.local [hbm:s5], $0x50  }
0x13: {  	_ =	swait.ge [sflag:s13], $0x50  }
0x14: {  	[sflag:s13] =	ssyncset.done $0x0  }
0x15: {  	[sflag:s13] =	ssyncadd.s32 $0xFFFFFFB0  }
0x16: {  	[spmem:s14], [sflag:s6] =	dma.local [hbm:s5], $0x50  }
0x17: {  	_ =	swait.ge [sflag:s13], $0x50  }
0x18: {  	[sflag:s13] =	ssyncset.done $0x0  }
0x19: {  	[sflag:s13] =	ssyncadd.s32 $0xFFFFFFB0  }
0x1a: {  	[tilespmem:$0x5000] =	vst v0  }
0x1b: {  	[tilespmem:$0x5010] =	vst v0  }
0x1c: {  	[tilespmem:$0x5020] =	vst v0  }
0x1d: {  	[tilespmem:$0x5030] =	vst v0  }
0x1e: {  	[tilespmem:$0x5040] =	vst v0  }
0x1f: {  	[tilespmem:$0x5050] =	vst v0  }
0x20: {  	[tilespmem:$0x5060] =	vst v0  }
0x21: {  	[tilespmem:$0x5070] =	vst v0  }
0x22: {  	[tilespmem:s4], [sflag:$0x1] =	stream.linear.gather [hbm4b:s7+s4], $0x2780, $0x38;
	[tilespmem:$0x5580] =	vst v63  }
0x23: {  	_ =	swait.ge [sflag:s13], $0x2780  }
0x24: {  	[sflag:s13] =	ssyncset.done $0x0  }
0x25: {  	[sflag:s13] =	ssyncadd.s32 $0xFFFFD880  }
0x26: {  	[tilespmem:s15], [sflag:$0x1] =	stream.linear.gather [hbm4b:s9+s4], $0x2780, $0x38;
	[tilespmem:$0x5580] =	vst v63  }
0x27: {  	_ =	swait.ge [sflag:s13], $0x2780  }
0x28: {  	[sflag:s13] =	ssyncset.done $0x0  }
0x29: {  	[sflag:s13] =	ssyncadd.s32 $0xFFFFD880  }
0x2a: {  	s21 =	simm.s32 $0x2800;
	[bflag:$0x0] =	sbarrier.arrive $0xFFFF  }
0x2b: {  	[spmem:s2] =	stream.indirect.scatter.add.f32 [tilespmem:s17], [sflag:$0x1], $0x1, s21, s16, $0xb8;
	[tilespmem:$0x5580] =	vst v63  }
0x2c: {  	_ =	swait.ge [sflag:s13], $0x80  }
0x2d: {  	[sflag:s13] =	ssyncset.done $0x0  }
0x2e: {  	s31 =	simm.s32 $0x0;
	[sflag:s13] =	ssyncadd.s32 $0xFFFFFF80  }
0x2f: {  	[spmem:s3] =	stream.indirect.scatter.add.f32 [tilespmem:s17], [sflag:$0x1], $0x1, s31, s16, $0xb8;
	[tilespmem:$0x5580] =	vst v63  }
0x30: {  	_ =	swait.ge [sflag:s13], $0x80  }
0x31: {  	s22 =	simm.s32 $0x400;
	s21 =	simm.s32 $0x80;
	[sflag:s13] =	ssyncset.done $0x0  }
.LBB2_2:
0x32: {  	s23 =	sadd.s32 $0x2800, s21  }
0x33: {  	[sflag:s13] =	ssyncadd.s32 $0xFFFFFF80;
	s24 =	smov.u32 s22;
	s25 =	sadd.s32 $0x200, s22  }
0x34: {  	[spmem:s2] =	stream.indirect.scatter.add.f32 [tilespmem:s17], [sflag:$0x1], $0x1, s23, s16, $0xb8;
	[tilespmem:$0x5580] =	vst v63  }
0x35: {  	p0 =	sne.s32 s22, $0x9C00;
	_ =	swait.ge [sflag:s13], $0x80  }
.Ltmp0:
0x36: {  	[sflag:s13] =	ssyncset.done $0x0;
	(pc) =	sbr.rel @p0 .LBB2_2-.Ltmp0, $4  }
0x37: {  	[sflag:s13] =	ssyncadd.s32 $0xFFFFFF80  }
0x38: {  	[spmem:s3] =	stream.indirect.scatter.add.f32 [tilespmem:s17], [sflag:$0x1], $0x1, s21, s16, $0xb8;
	[tilespmem:$0x5580] =	vst v63  }
0x39: {  	_ =	swait.ge [sflag:s13], $0x80  }
0x3a: {  	s22 =	smov.u32 s25;
	s21 =	sshra.s32 s24, $0x2;
	[sflag:s13] =	ssyncset.done $0x0  }
0x3b: {  	s22 =	sadd.s32 $0x2800, s21;
	[sflag:s13] =	ssyncadd.s32 $0xFFFFFF80  }
0x3c: {  	[spmem:s2] =	stream.indirect.scatter.add.f32 [tilespmem:s17], [sflag:$0x1], $0x1, s22, s16, $0xb8;
	[tilespmem:$0x5580] =	vst v63  }
0x3d: {  	_ =	swait.ge [sflag:s13], $0x80  }
0x3e: {  	[sflag:s13] =	ssyncset.done $0x0  }
0x3f: {  	[sflag:s13] =	ssyncadd.s32 $0xFFFFFF80  }
0x40: {  	[spmem:s3] =	stream.indirect.scatter.add.f32 [tilespmem:s17], [sflag:$0x1], $0x1, s21, s16, $0xb8;
	[tilespmem:$0x5580] =	vst v63  }
0x41: {  	_ =	swait.ge [sflag:s13], $0x80  }
0x42: {  	[sflag:s13] =	ssyncset.done $0x0  }
0x43: {  	[sflag:s13] =	ssyncadd.s32 $0xFFFFFF80  }
0x44: {  	[bflag:$0x0] =	sbarrier.arrive $0xFFFF  }
0x45: {  	_ =	sdelay $0x7ff  }
0x46: {  	_ =	sdelay $0x7ff  }
0x47: {  	_ =	sdelay $0x7ff  }
0x48: {  	_ =	sdelay $0x7ff  }
0x49: {  	_ =	sdelay $0x7ff  }
0x4a: {  	_ =	sdelay $0x7ff  }
0x4b: {  	_ =	sdelay $0x7ff  }
0x4c: {  	_ =	sdelay $0x7ff  }
0x4d: {  	_ =	sdelay $0x7ff  }
0x4e: {  	_ =	sdelay $0x7ff  }
0x4f: {  	_ =	sdelay $0x7ff  }
0x50: {  	_ =	sdelay $0x7ff  }
0x51: {  	_ =	sdelay $0x7ff  }
0x52: {  	_ =	sdelay $0x7ff  }
0x53: {  	_ =	sdelay $0x7ff  }
0x54: {  	_ =	sdelay $0xe  }
0x55: {  	[hbm:s8@s18], [sflag:s6] =	dma.strided [spmem:s12@s19], $0x50, s13, $0x10   }
0x56: {  	s20 =	sadd.s32 $0x1, s20;
	_ =	swait.ge [sflag:s13], $0x50  }
0x57: {  	p0 =	sne.s32 s20, s11;
	[sflag:s13] =	ssyncset.done $0x0  }
.Ltmp1:
0x58: {  	[sflag:s13] =	ssyncadd.s32 $0xFFFFFFB0;
	(pc) =	sbr.rel @p0 .LBB2_1-.Ltmp1, $4  }
0x59: {  	[hbm:s10@s18], [sflag:s6] =	dma.strided [spmem:s14@s19], $0x50, s13, $0x10   }
0x5a: {  	_ =	swait.ge [sflag:s13], $0x50  }
0x5b: {  	[sflag:s13] =	ssyncset.done $0x0  }
0x5c: {  	[sflag:s13] =	ssyncadd.s32 $0xFFFFFFB0  }
0x5d: {  	_ =	sfence.sel $0x180000  }
0x5e: {  	[bflag:$0x0] =	sbarrier.arrive $0xFFFF  }
0x5f: {  	p0 =	sne.s32 s0, $0x0;
	_ =	strace $0x90000047  }
0x60: {  	s0 =	sadd.s32 @!p0 $0x100000, s1;
	[bflag:$0x2] =	sbarrier.arrive $0xFFFF  }
0x61: {  	[sflag:s0] =	ssyncadd.tile.s32 @!p0 $0x1;
	_ =	shalt  }
.Lfunc_end2:
_tile_overlayer_lowered:
.L_overlay_start_2:
0x62: {  	(tag) =	ssettag $0x2  }
0x63: {  	s0 =	rddreg [dreg:$0x0];
	s2 =	stileid.u32  }
0x64: {  	s1 =	rddreg [dreg:$0x1];
	p0 =	sne.s32 s2, $0x0  }
0x65: {  	s3 =	rddreg [dreg:$0x2];
	[bflag:$0x3] =	sbarrier.arrive $0xFFFF;
	s2 =	simm.s32 @!p0 $0x1C01  }
0x66: {  	[timem:s3], [sflag:s2] =	dma.local @!p0 [hbm:s0], s1  }
0x67: {  	s0 =	simm.s32 @!p0 $0x1  }
0x68: {  	_ =	swait.ge @!p0 [sflag:s0], s1  }
0x69: {  	s1 =	ssub.s32 @!p0 $0x0, s1;
	[sflag:s0] =	ssyncset.done @!p0 $0x0  }
0x6a: {  	[sflag:s0] =	ssyncadd.s32 @!p0 s1  }
0x6b: {  	[bflag:$0x3] =	sbarrier.arrive $0xFFFF  }
0x6c: {  	_ =	shalt  }

</sc_bundles>
